<compile_context>
chip_gen: v7x
topology: tpu7x:2x2x1
jax: 0.10.2.dev20260603
libtpu: 0.0.44.dev20260713+nightly
codegen_flags: <defaults>
</compile_context>

<pallas_src>
import functools

import jax
import jax.numpy as jnp
from jax import lax
from jax.experimental import pallas as pl
from jax.experimental.pallas import tpu as pltpu
from jax.experimental.pallas import tpu_sc as plsc

_NC = 2
_NS = 16
_NW = _NC * _NS
_LANES = 16
_K = 128
_NB = 2
_NBI = 2 * _NB
_C = 1.0


def _ceil_to(a, b):
    return (a + b - 1) // b * b


def _make_deg_kernel(n_pad, e):
    per_tile = e // _NW
    nchunks = per_tile // _K
    tail = per_tile % _K
    rpt = n_pad // _NS
    assert nchunks >= 2 * _NBI
    assert tail % 8 == 0 and rpt % _LANES == 0

    mesh = plsc.VectorSubcoreMesh(core_axis_name="c", subcore_axis_name="s")

    @functools.partial(
        pl.kernel,
        out_type=(
            jax.ShapeDtypeStruct((n_pad,), jnp.float32),
            jax.ShapeDtypeStruct((n_pad,), jnp.float32),
        ),
        mesh=mesh,
        scratch_types=[
            pltpu.VMEM((_NBI, _K), jnp.int32),
            pltpu.VMEM((tail if tail else 8,), jnp.int32),
            pltpu.VMEM((_K,), jnp.float32),
            pltpu.VMEM((rpt,), jnp.float32),
            pltpu.VMEM_SHARED((n_pad,), jnp.float32),
            pltpu.SemaphoreType.DMA((_NBI,)),
            pltpu.SemaphoreType.DMA((_NBI,)),
        ],
    )
    def deg_kernel(
        edge_hbm, out0_hbm, out1_hbm, idx_v, idx_t, ones_v, z_v, deg_sh, sem_i, sem_s
    ):
        cid = lax.axis_index("c")
        sid = lax.axis_index("s")
        wid = cid * _NS + sid
        ebase = wid * per_tile

        zero16 = jnp.zeros((_LANES,), jnp.float32)
        one16 = jnp.ones((_LANES,), jnp.float32)

        def zfill(i, carry):
            z_v[pl.ds(i * _LANES, _LANES)] = zero16
            return carry

        lax.fori_loop(0, rpt // _LANES, zfill, 0)
        for j in range(_K // _LANES):
            ones_v[pl.ds(j * _LANES, _LANES)] = one16

        pltpu.sync_copy(z_v, deg_sh.at[pl.ds(sid * rpt, rpt)])
        plsc.subcore_barrier()

        def issue_idx(i, b):
            pltpu.async_copy(
                edge_hbm.at[pl.ds(ebase + i * _K, _K)], idx_v.at[b], sem_i.at[b]
            )

        def wait_idx(i, b):
            pltpu.make_async_copy(
                edge_hbm.at[pl.ds(ebase + i * _K, _K)], idx_v.at[b], sem_i.at[b]
            ).wait()

        def issue_scat(k):
            pltpu.async_copy(ones_v, deg_sh.at[idx_v.at[k]], sem_s.at[k], add=True)

        def wait_scat(k):
            pltpu.make_async_copy(ones_v, deg_sh.at[idx_v.at[k]], sem_s.at[k]).wait()

        def do_chunk(i, k, wait_prev_scat, idx_ahead):
            wait_idx(i, k)
            if wait_prev_scat:
                wait_scat((k + 2) % _NBI)
            if idx_ahead:
                issue_idx(i + 2, (k + 2) % _NBI)
            issue_scat(k)

        nsg = nchunks // _NBI
        rem = nchunks % _NBI

        issue_idx(0, 0)
        issue_idx(1, 1)
        for k in range(_NBI):
            do_chunk(k, k, k >= 2, True)

        def sgroup(u, carry):
            i0 = u * _NBI
            for k in range(_NBI):
                do_chunk(i0 + k, k, True, True)
            return carry

        if rem == 0:
            lax.fori_loop(1, nsg - 1, sgroup, 0)
            i0 = (nsg - 1) * _NBI
            for k in range(_NBI):
                i = i0 + k
                do_chunk(i, k, True, i + 2 < nchunks)
        else:
            lax.fori_loop(1, nsg, sgroup, 0)
            i0 = nsg * _NBI
            for k in range(rem):
                i = i0 + k
                do_chunk(i, k, True, i + 2 < nchunks)

        for i in range(nchunks - 2, nchunks):
            wait_scat(i % _NBI)
        if tail:
            pltpu.sync_copy(edge_hbm.at[pl.ds(ebase + nchunks * _K, tail)], idx_t)
            pltpu.sync_copy(ones_v.at[pl.ds(0, tail)], deg_sh.at[idx_t], add=True)

        plsc.subcore_barrier()

        @pl.when(cid == 0)
        def _():
            pltpu.sync_copy(
                deg_sh.at[pl.ds(sid * rpt, rpt)],
                out0_hbm.at[pl.ds(sid * rpt, rpt)],
            )

        @pl.when(cid == 1)
        def _():
            pltpu.sync_copy(
                deg_sh.at[pl.ds(sid * rpt, rpt)],
                out1_hbm.at[pl.ds(sid * rpt, rpt)],
            )

    return deg_kernel


def _make_agg_kernel(n_pad, e, d):
    per_tile = e // _NW
    nchunks = per_tile // _K
    tail = per_tile % _K
    rpt = n_pad // _NS
    nsg = nchunks // _NBI
    rem = nchunks % _NBI
    assert nsg >= 2 and tail % 8 == 0

    mesh = plsc.VectorSubcoreMesh(core_axis_name="c", subcore_axis_name="s")

    @functools.partial(
        pl.kernel,
        out_type=jax.ShapeDtypeStruct((_NC, n_pad, d), jnp.float32),
        mesh=mesh,
        scratch_types=[
            pltpu.VMEM((_NBI, _K), jnp.int32),
            pltpu.VMEM((_NBI, _K), jnp.int32),
            pltpu.VMEM((tail if tail else 8,), jnp.int32),
            pltpu.VMEM((tail if tail else 8,), jnp.int32),
            pltpu.VMEM((_NB, _K, d), jnp.float32),
            pltpu.VMEM_SHARED((n_pad, d), jnp.float32),
            pltpu.SemaphoreType.DMA((_NBI,)),
            pltpu.SemaphoreType.DMA((_NB,)),
            pltpu.SemaphoreType.DMA((_NB,)),
        ],
    )
    def agg_kernel(
        y_hbm, edge_hbm, out_hbm,
        srcv, dstv, srcv_t, dstv_t, rows, acc_sh, sem_i, sem_g, sem_s,
    ):
        cid = lax.axis_index("c")
        sid = lax.axis_index("s")
        wid = cid * _NS + sid
        ebase = wid * per_tile

        zero16 = jnp.zeros((_LANES,), jnp.float32)

        def zfill(r, carry):
            for j in range(d // _LANES):
                rows[0, r, pl.ds(j * _LANES, _LANES)] = zero16
            return carry

        lax.fori_loop(0, _K, zfill, 0)
        for t in range(rpt // _K):
            pltpu.sync_copy(rows.at[0], acc_sh.at[pl.ds(sid * rpt + t * _K, _K)])
        plsc.subcore_barrier()

        def issue_idx(i, bI):
            pltpu.async_copy(
                edge_hbm.at[pl.ds(ebase + i * _K, _K)], srcv.at[bI], sem_i.at[bI]
            )
            pltpu.async_copy(
                edge_hbm.at[pl.ds(e + ebase + i * _K, _K)], dstv.at[bI], sem_i.at[bI]
            )

        def wait_idx(i, bI):
            pltpu.make_async_copy(
                edge_hbm.at[pl.ds(ebase + i * _K, _K)], srcv.at[bI], sem_i.at[bI]
            ).wait()
            pltpu.make_async_copy(
                edge_hbm.at[pl.ds(e + ebase + i * _K, _K)], dstv.at[bI], sem_i.at[bI]
            ).wait()

        def issue_gather(bI, bR):
            pltpu.async_copy(y_hbm.at[dstv.at[bI]], rows.at[bR], sem_g.at[bR])

        def wait_gather(bI, bR):
            pltpu.make_async_copy(
                y_hbm.at[dstv.at[bI]], rows.at[bR], sem_g.at[bR]
            ).wait()

        def issue_scat(bI, bR):
            pltpu.async_copy(
                rows.at[bR], acc_sh.at[srcv.at[bI]], sem_s.at[bR], add=True
            )

        def wait_scat(bI, bR):
            pltpu.make_async_copy(
                rows.at[bR], acc_sh.at[srcv.at[bI]], sem_s.at[bR]
            ).wait()

        def do_chunk(i, k, wait_prev_scat, idx_ahead, gather_next):
            wait_gather(k, k % _NB)
            issue_scat(k, k % _NB)
            if wait_prev_scat:
                wait_scat((k - 1) % _NBI, (k - 1) % _NB)
            if idx_ahead:
                issue_idx(i + 2, (k + 2) % _NBI)
            if gather_next:
                wait_idx(i + 1, (k + 1) % _NBI)
                issue_gather((k + 1) % _NBI, (k + 1) % _NB)

        issue_idx(0, 0)
        issue_idx(1, 1)
        wait_idx(0, 0)
        issue_gather(0, 0)

        do_chunk(0, 0, False, True, True)
        for k in range(1, _NBI):
            do_chunk(k, k, True, True, True)

        def sgroup(u, carry):
            i0 = u * _NBI
            for k in range(_NBI):
                do_chunk(i0 + k, k, True, True, True)
            return carry

        if rem == 0:
            lax.fori_loop(1, nsg - 1, sgroup, 0)
            i0 = (nsg - 1) * _NBI
            for k in range(_NBI):
                i = i0 + k
                do_chunk(i, k, True, i + 2 < nchunks, i + 1 < nchunks)
        else:
            lax.fori_loop(1, nsg, sgroup, 0)
            i0 = nsg * _NBI
            for k in range(rem):
                i = i0 + k
                do_chunk(i, k, True, i + 2 < nchunks, i + 1 < nchunks)

        kl = (nchunks - 1) % _NBI
        wait_scat(kl, kl % _NB)

        if tail:
            tb = ebase + nchunks * _K
            pltpu.sync_copy(edge_hbm.at[pl.ds(tb, tail)], srcv_t)
            pltpu.sync_copy(edge_hbm.at[pl.ds(e + tb, tail)], dstv_t)
            pltpu.async_copy(
                y_hbm.at[dstv_t], rows.at[0, pl.ds(0, tail)], sem_g.at[0]
            ).wait()
            pltpu.sync_copy(
                rows.at[0, pl.ds(0, tail)], acc_sh.at[srcv_t], add=True
            )

        plsc.subcore_barrier()
        pltpu.sync_copy(
            acc_sh.at[pl.ds(sid * rpt, rpt)],
            out_hbm.at[cid, pl.ds(sid * rpt, rpt)],
        )

    return agg_kernel


def _prep_body(dpt_ref, x_ref, y_ref):
    deg = dpt_ref[:, 0:1] + dpt_ref[:, 1:2]
    dis = jnp.where(deg > 0.0, lax.rsqrt(deg), 0.0)
    y_ref[...] = x_ref[...] * dis


def _make_fin_body(n):
    def fin_body(acc_ref, dpt_ref, out_ref):
        deg = dpt_ref[:, 0:1] + dpt_ref[:, 1:2]
        dis = jnp.where(deg > 0.0, lax.rsqrt(deg), 0.0)
        s = (acc_ref[0, :n, :] + acc_ref[1, :n, :]) * dis
        sq = jnp.sum(s * s, axis=1, keepdims=True)
        t0 = s[:, 0:1]
        li = sq - 2.0 * t0 * t0
        denom = jnp.sqrt(jnp.clip(jnp.abs(li), 1e-8, None))
        out_ref[...] = s * ((1.0 / jnp.sqrt(_C)) / denom)

    return fin_body


def kernel(x, edge_index):
    n, d = x.shape
    e = edge_index.shape[1]
    n_pad = _ceil_to(n, _NS * _K)

    edge_flat = edge_index.reshape(-1)

    dp0, dp1 = _make_deg_kernel(n_pad, e)(edge_flat)
    dpt = jnp.stack([dp0[:n], dp1[:n]], axis=1)

    y = pl.pallas_call(
        _prep_body,
        out_shape=jax.ShapeDtypeStruct((n, d), jnp.float32),
    )(dpt, x)

    acc = _make_agg_kernel(n_pad, e, d)(y, edge_flat)

    out = pl.pallas_call(
        _make_fin_body(n),
        out_shape=jax.ShapeDtypeStruct((n, d), jnp.float32),
    )(acc, dpt)
    return out

# --- scband reference (transcript-rebuilt; emitter-appended) ---
"""Pipeline reference for scband-hyperbolic-agg-57638461112977 (READ-ONLY COPY).

The authoritative reference and input builder live on the scoring server;
editing this copy changes nothing except your own understanding.
"""

import jax, jax.numpy as jnp
import numpy as np

N = 10000
E = 320000
D = 128
C = 1.0


def setup_inputs(seed: int = 0) -> dict:
    key = jax.random.key(seed)
    k1, k2 = jax.random.split(key)
    x = jax.random.normal(k1, (N, D), dtype=jnp.float32) * 0.1
    # project onto Lorentz manifold: x0 = sqrt(1/c + ||x_space||^2)
    space = x[:, 1:]
    time = jnp.sqrt(1.0 / C + jnp.sum(space ** 2, axis=-1, keepdims=True))
    x = jnp.concatenate([time, space], axis=-1)
    edge_index = jax.random.randint(k2, (2, E), 0, N, dtype=jnp.int32)
    return {"x": x, "edge_index": edge_index}


def reference(x, edge_index):
    # HyperbolicAgg.forward with use_att=False:
    #   weights = D^{-1/2} A D^{-1/2}  (sparse normalized adjacency)
    #   out = manifold.centroid(weights, x, c)  (Lorentz weighted centroid)
    src = edge_index[0]
    dst = edge_index[1]
    ones = jnp.ones((src.shape[0],), dtype=x.dtype)
    # row degree: torch.sparse.sum(adj, dim=1)
    deg = jax.ops.segment_sum(ones, src, num_segments=N)
    # deg^{-1/2} with inf -> 0 (torch: deg_inv_sqrt[inf] = 0)
    deg_inv_sqrt = jnp.where(deg > 0, jnp.power(jnp.maximum(deg, 1e-12), -0.5), 0.0)
    # normalized edge weights: w_ij = d_i^{-1/2} * d_j^{-1/2}
    w = deg_inv_sqrt[src] * deg_inv_sqrt[dst]
    # sparse mm: support[i] = sum_j w_ij x_j   (gather + scatter-add)
    msg = w[:, None] * jnp.take(x, dst, axis=0)
    support = jax.ops.segment_sum(msg, src, num_segments=N)
    # Lorentz centroid normalization: mu = support / sqrt(|<support,support>_L| * c)
    l_inner = -support[:, 0] ** 2 + jnp.sum(support[:, 1:] ** 2, axis=-1)
    denom = jnp.sqrt(jnp.clip(jnp.abs(l_inner), 1e-8, None))
    out = (1.0 / jnp.sqrt(C)) * support / denom[:, None]
    return out

if __name__ == "__main__":
    import jax
    _d = setup_inputs()
    print(jax.jit(kernel)(*tuple(_d.values())))

</pallas_src>

<mosaic_0001>
#map = affine_map<(d0, d1) -> (0)>
module attributes {stable_mosaic.version = 14 : i64} {
  func.func @deg_kernel(%arg0: i32, %arg1: i32, %arg2: memref<640000xi32, #tpu.memory_space<hbm>>, %arg3: memref<10240xf32, #tpu.memory_space<hbm>>, %arg4: memref<10240xf32, #tpu.memory_space<hbm>>, %arg5: memref<4x128xi32, #tpu.memory_space<vmem>>, %arg6: memref<16xi32, #tpu.memory_space<vmem>>, %arg7: memref<128xf32, #tpu.memory_space<vmem>>, %arg8: memref<640xf32, #tpu.memory_space<vmem>>, %arg9: memref<10240xf32, #tpu.memory_space<vmem_shared>>, %arg10: memref<4x!tpu.dma_semaphore, #tpu.memory_space<semaphore_mem>>, %arg11: memref<4x!tpu.dma_semaphore, #tpu.memory_space<semaphore_mem>>) attributes {dimension_semantics = [#tpu.dimension_semantics<core_parallel>, #tpu.dimension_semantics<subcore_parallel>], iteration_bounds = array<i64: 2, 16>, scalar_prefetch = 0 : i64, scratch_operands = 7 : i64, tpu.core_type = #tpu.core_type<sc_vector_subcore>, window_params = [{transform_indices = #map}, {transform_indices = #map}, {transform_indices = #map}]} {
    %mul3A = arith.constant 16 : i32
    %mul3A_0 = arith.muli %arg0, %mul3A : i32
    %add3A = arith.addi %mul3A_0, %arg1 : i32
    %mul3A_1 = arith.constant 10000 : i32
    %mul3A_2 = arith.muli %add3A, %mul3A_1 : i32
    %broadcast_in_dim3A = arith.constant 0.000000e+00 : f32
    %broadcast_in_dim3A_3 = vector.broadcast %broadcast_in_dim3A : f32 to vector<16xf32>
    %broadcast_in_dim3A_4 = arith.constant 1.000000e+00 : f32
    %broadcast_in_dim3A_5 = vector.broadcast %broadcast_in_dim3A_4 : f32 to vector<16xf32>
    %scan3A = arith.constant 0 : i32
    %scan3A_6 = arith.constant 0 : i32
    %scan3A_7 = arith.constant 40 : i32
    %scan3A_8 = arith.addi %scan3A_6, %scan3A_7 : i32
    %scan3A_9 = arith.constant 1 : i32
    scf.for %scan3A_334 = %scan3A_6 to %scan3A_8 step %scan3A_9  : i32 {
      %mul3A_335 = arith.constant 16 : i32
      %mul3A_336 = arith.muli %scan3A_334, %mul3A_335 : i32
      %swap3A_337 = arith.index_cast %mul3A_336 : i32 to index
      %swap3A_338 = tpu.vector_load %arg8[%swap3A_337] {strides = array<i32>} : memref<640xf32, #tpu.memory_space<vmem>>, vector<16xf32>,
      %swap3A_339 = vector.shape_cast %swap3A_338 : vector<16xf32> to vector<16xf32>
      %swap3A_340 = vector.shape_cast %broadcast_in_dim3A_3 : vector<16xf32> to vector<16xf32>
      tpu.vector_store %arg8[%swap3A_337], %swap3A_340 {strides = array<i32>} : memref<640xf32, #tpu.memory_space<vmem>>, vector<16xf32>,
    }
    %scan3A_10 = arith.constant 40 : i32
    %swap3A = arith.constant 0 : index
    %swap3A_11 = tpu.vector_load %arg7[%swap3A] {strides = array<i32>} : memref<128xf32, #tpu.memory_space<vmem>>, vector<16xf32>,
    %swap3A_12 = vector.shape_cast %swap3A_11 : vector<16xf32> to vector<16xf32>
    %swap3A_13 = vector.shape_cast %broadcast_in_dim3A_5 : vector<16xf32> to vector<16xf32>
    tpu.vector_store %arg7[%swap3A], %swap3A_13 {strides = array<i32>} : memref<128xf32, #tpu.memory_space<vmem>>, vector<16xf32>,
    %swap3A_14 = arith.constant 16 : index
    %swap3A_15 = tpu.vector_load %arg7[%swap3A_14] {strides = array<i32>} : memref<128xf32, #tpu.memory_space<vmem>>, vector<16xf32>,
    %swap3A_16 = vector.shape_cast %swap3A_15 : vector<16xf32> to vector<16xf32>
    %swap3A_17 = vector.shape_cast %broadcast_in_dim3A_5 : vector<16xf32> to vector<16xf32>
    tpu.vector_store %arg7[%swap3A_14], %swap3A_17 {strides = array<i32>} : memref<128xf32, #tpu.memory_space<vmem>>, vector<16xf32>,
    %swap3A_18 = arith.constant 32 : index
    %swap3A_19 = tpu.vector_load %arg7[%swap3A_18] {strides = array<i32>} : memref<128xf32, #tpu.memory_space<vmem>>, vector<16xf32>,
    %swap3A_20 = vector.shape_cast %swap3A_19 : vector<16xf32> to vector<16xf32>
    %swap3A_21 = vector.shape_cast %broadcast_in_dim3A_5 : vector<16xf32> to vector<16xf32>
    tpu.vector_store %arg7[%swap3A_18], %swap3A_21 {strides = array<i32>} : memref<128xf32, #tpu.memory_space<vmem>>, vector<16xf32>,
    %swap3A_22 = arith.constant 48 : index
    %swap3A_23 = tpu.vector_load %arg7[%swap3A_22] {strides = array<i32>} : memref<128xf32, #tpu.memory_space<vmem>>, vector<16xf32>,
    %swap3A_24 = vector.shape_cast %swap3A_23 : vector<16xf32> to vector<16xf32>
    %swap3A_25 = vector.shape_cast %broadcast_in_dim3A_5 : vector<16xf32> to vector<16xf32>
    tpu.vector_store %arg7[%swap3A_22], %swap3A_25 {strides = array<i32>} : memref<128xf32, #tpu.memory_space<vmem>>, vector<16xf32>,
    %swap3A_26 = arith.constant 64 : index
    %swap3A_27 = tpu.vector_load %arg7[%swap3A_26] {strides = array<i32>} : memref<128xf32, #tpu.memory_space<vmem>>, vector<16xf32>,
    %swap3A_28 = vector.shape_cast %swap3A_27 : vector<16xf32> to vector<16xf32>
    %swap3A_29 = vector.shape_cast %broadcast_in_dim3A_5 : vector<16xf32> to vector<16xf32>
    tpu.vector_store %arg7[%swap3A_26], %swap3A_29 {strides = array<i32>} : memref<128xf32, #tpu.memory_space<vmem>>, vector<16xf32>,
    %swap3A_30 = arith.constant 80 : index
    %swap3A_31 = tpu.vector_load %arg7[%swap3A_30] {strides = array<i32>} : memref<128xf32, #tpu.memory_space<vmem>>, vector<16xf32>,
    %swap3A_32 = vector.shape_cast %swap3A_31 : vector<16xf32> to vector<16xf32>
    %swap3A_33 = vector.shape_cast %broadcast_in_dim3A_5 : vector<16xf32> to vector<16xf32>
    tpu.vector_store %arg7[%swap3A_30], %swap3A_33 {strides = array<i32>} : memref<128xf32, #tpu.memory_space<vmem>>, vector<16xf32>,
    %swap3A_34 = arith.constant 96 : index
    %swap3A_35 = tpu.vector_load %arg7[%swap3A_34] {strides = array<i32>} : memref<128xf32, #tpu.memory_space<vmem>>, vector<16xf32>,
    %swap3A_36 = vector.shape_cast %swap3A_35 : vector<16xf32> to vector<16xf32>
    %swap3A_37 = vector.shape_cast %broadcast_in_dim3A_5 : vector<16xf32> to vector<16xf32>
    tpu.vector_store %arg7[%swap3A_34], %swap3A_37 {strides = array<i32>} : memref<128xf32, #tpu.memory_space<vmem>>, vector<16xf32>,
    %swap3A_38 = arith.constant 112 : index
    %swap3A_39 = tpu.vector_load %arg7[%swap3A_38] {strides = array<i32>} : memref<128xf32, #tpu.memory_space<vmem>>, vector<16xf32>,
    %swap3A_40 = vector.shape_cast %swap3A_39 : vector<16xf32> to vector<16xf32>
    %swap3A_41 = vector.shape_cast %broadcast_in_dim3A_5 : vector<16xf32> to vector<16xf32>
    tpu.vector_store %arg7[%swap3A_38], %swap3A_41 {strides = array<i32>} : memref<128xf32, #tpu.memory_space<vmem>>, vector<16xf32>,
    %mul3A_42 = arith.constant 640 : i32
    %mul3A_43 = arith.muli %arg1, %mul3A_42 : i32
    "tpu.region"() ({
      %run_scoped3A = tpu.sem_alloc : memref<!tpu.dma_semaphore, #tpu.memory_space<semaphore_mem>>
      %dma_start3A_334 = tpu.memref_slice %arg9[%mul3A_43] : memref<10240xf32, #tpu.memory_space<vmem_shared>> -> memref<640xf32, #tpu.memory_space<vmem_shared>>
      %dma_start3A_335 = tpu.memref_slice %arg9[%mul3A_43] : memref<10240xf32, #tpu.memory_space<vmem_shared>> -> memref<640xf32, #tpu.memory_space<vmem_shared>>
      tpu.enqueue_dma source(%arg8 : memref<640xf32, #tpu.memory_space<vmem>>) target(%dma_start3A_335 : memref<640xf32, #tpu.memory_space<vmem_shared>>) target_semaphore(%run_scoped3A : memref<!tpu.dma_semaphore, #tpu.memory_space<semaphore_mem>>)
      %dma_wait3A_336 = tpu.memref_slice %arg9[%mul3A_43] : memref<10240xf32, #tpu.memory_space<vmem_shared>> -> memref<640xf32, #tpu.memory_space<vmem_shared>>
      %dma_wait3A_337 = tpu.memref_slice %arg9[%mul3A_43] : memref<10240xf32, #tpu.memory_space<vmem_shared>> -> memref<640xf32, #tpu.memory_space<vmem_shared>>
      tpu.wait_dma2 semaphore(%run_scoped3A : memref<!tpu.dma_semaphore, #tpu.memory_space<semaphore_mem>>) src(%arg8 : memref<640xf32, #tpu.memory_space<vmem>>) dst(%dma_wait3A_337 : memref<640xf32, #tpu.memory_space<vmem_shared>>)
      tpu.yield
    }) : () -> ()
    %barrier3A = arith.constant 0 : index
    tpu.barrier barrier_id(%barrier3A)
    %add3A_44 = arith.constant 0 : i32
    %add3A_45 = arith.addi %mul3A_2, %add3A_44 : i32
    %dma_start3A = arith.constant 0 : i32
    %dma_start3A_46 = arith.constant 0 : i32
    %dma_start3A_47 = arith.constant 0 : i32
    %dma_start3A_48 = tpu.memref_slice %arg5[%dma_start3A, %dma_start3A_47] : memref<4x128xi32, #tpu.memory_space<vmem>> -> memref<1x128xi32, #tpu.memory_space<vmem>>
    %dma_start3A_49 = tpu.memref_squeeze %dma_start3A_48 : memref<1x128xi32, #tpu.memory_space<vmem>> -> memref<128xi32, #tpu.memory_space<vmem>>
    %dma_start3A_50 = tpu.memref_slice %arg2[%add3A_45] : memref<640000xi32, #tpu.memory_space<hbm>> -> memref<128xi32, #tpu.memory_space<hbm>>
    %dma_start3A_51 = tpu.memref_slice %arg10[%dma_start3A_46] : memref<4x!tpu.dma_semaphore, #tpu.memory_space<semaphore_mem>> -> memref<1x!tpu.dma_semaphore, #tpu.memory_space<semaphore_mem>>
    %dma_start3A_52 = tpu.memref_squeeze %dma_start3A_51 : memref<1x!tpu.dma_semaphore, #tpu.memory_space<semaphore_mem>> -> memref<!tpu.dma_semaphore, #tpu.memory_space<semaphore_mem>>
    %dma_start3A_53 = arith.constant 0 : i32
    %dma_start3A_54 = tpu.memref_slice %arg5[%dma_start3A, %dma_start3A_53] : memref<4x128xi32, #tpu.memory_space<vmem>> -> memref<1x128xi32, #tpu.memory_space<vmem>>
    %dma_start3A_55 = tpu.memref_squeeze %dma_start3A_54 : memref<1x128xi32, #tpu.memory_space<vmem>> -> memref<128xi32, #tpu.memory_space<vmem>>
    %dma_start3A_56 = tpu.memref_slice %arg2[%add3A_45] : memref<640000xi32, #tpu.memory_space<hbm>> -> memref<128xi32, #tpu.memory_space<hbm>>
    tpu.enqueue_dma source(%dma_start3A_56 : memref<128xi32, #tpu.memory_space<hbm>>) target(%dma_start3A_55 : memref<128xi32, #tpu.memory_space<vmem>>) target_semaphore(%dma_start3A_52 : memref<!tpu.dma_semaphore, #tpu.memory_space<semaphore_mem>>)
    %add3A_57 = arith.constant 128 : i32
    %add3A_58 = arith.addi %mul3A_2, %add3A_57 : i32
    %dma_start3A_59 = arith.constant 1 : i32
    %dma_start3A_60 = arith.constant 1 : i32
    %dma_start3A_61 = arith.constant 0 : i32
    %dma_start3A_62 = tpu.memref_slice %arg5[%dma_start3A_59, %dma_start3A_61] : memref<4x128xi32, #tpu.memory_space<vmem>> -> memref<1x128xi32, #tpu.memory_space<vmem>>
    %dma_start3A_63 = tpu.memref_squeeze %dma_start3A_62 : memref<1x128xi32, #tpu.memory_space<vmem>> -> memref<128xi32, #tpu.memory_space<vmem>>
    %dma_start3A_64 = tpu.memref_slice %arg2[%add3A_58] : memref<640000xi32, #tpu.memory_space<hbm>> -> memref<128xi32, #tpu.memory_space<hbm>>
    %dma_start3A_65 = tpu.memref_slice %arg10[%dma_start3A_60] : memref<4x!tpu.dma_semaphore, #tpu.memory_space<semaphore_mem>> -> memref<1x!tpu.dma_semaphore, #tpu.memory_space<semaphore_mem>>
    %dma_start3A_66 = tpu.memref_squeeze %dma_start3A_65 : memref<1x!tpu.dma_semaphore, #tpu.memory_space<semaphore_mem>> -> memref<!tpu.dma_semaphore, #tpu.memory_space<semaphore_mem>>
    %dma_start3A_67 = arith.constant 0 : i32
    %dma_start3A_68 = tpu.memref_slice %arg5[%dma_start3A_59, %dma_start3A_67] : memref<4x128xi32, #tpu.memory_space<vmem>> -> memref<1x128xi32, #tpu.memory_space<vmem>>
    %dma_start3A_69 = tpu.memref_squeeze %dma_start3A_68 : memref<1x128xi32, #tpu.memory_space<vmem>> -> memref<128xi32, #tpu.memory_space<vmem>>
    %dma_start3A_70 = tpu.memref_slice %arg2[%add3A_58] : memref<640000xi32, #tpu.memory_space<hbm>> -> memref<128xi32, #tpu.memory_space<hbm>>
    tpu.enqueue_dma source(%dma_start3A_70 : memref<128xi32, #tpu.memory_space<hbm>>) target(%dma_start3A_69 : memref<128xi32, #tpu.memory_space<vmem>>) target_semaphore(%dma_start3A_66 : memref<!tpu.dma_semaphore, #tpu.memory_space<semaphore_mem>>)
    %add3A_71 = arith.constant 0 : i32
    %add3A_72 = arith.addi %mul3A_2, %add3A_71 : i32
    %dma_wait3A = arith.constant 0 : i32
    %dma_wait3A_73 = arith.constant 0 : i32
    %dma_wait3A_74 = arith.constant 0 : i32
    %dma_wait3A_75 = tpu.memref_slice %arg5[%dma_wait3A, %dma_wait3A_74] : memref<4x128xi32, #tpu.memory_space<vmem>> -> memref<1x128xi32, #tpu.memory_space<vmem>>
    %dma_wait3A_76 = tpu.memref_squeeze %dma_wait3A_75 : memref<1x128xi32, #tpu.memory_space<vmem>> -> memref<128xi32, #tpu.memory_space<vmem>>
    %dma_wait3A_77 = tpu.memref_slice %arg2[%add3A_72] : memref<640000xi32, #tpu.memory_space<hbm>> -> memref<128xi32, #tpu.memory_space<hbm>>
    %dma_wait3A_78 = tpu.memref_slice %arg10[%dma_wait3A_73] : memref<4x!tpu.dma_semaphore, #tpu.memory_space<semaphore_mem>> -> memref<1x!tpu.dma_semaphore, #tpu.memory_space<semaphore_mem>>
    %dma_wait3A_79 = tpu.memref_squeeze %dma_wait3A_78 : memref<1x!tpu.dma_semaphore, #tpu.memory_space<semaphore_mem>> -> memref<!tpu.dma_semaphore, #tpu.memory_space<semaphore_mem>>
    %dma_wait3A_80 = arith.constant 0 : i32
    %dma_wait3A_81 = tpu.memref_slice %arg5[%dma_wait3A, %dma_wait3A_80] : memref<4x128xi32, #tpu.memory_space<vmem>> -> memref<1x128xi32, #tpu.memory_space<vmem>>
    %dma_wait3A_82 = tpu.memref_squeeze %dma_wait3A_81 : memref<1x128xi32, #tpu.memory_space<vmem>> -> memref<128xi32, #tpu.memory_space<vmem>>
    %dma_wait3A_83 = tpu.memref_slice %arg2[%add3A_72] : memref<640000xi32, #tpu.memory_space<hbm>> -> memref<128xi32, #tpu.memory_space<hbm>>
    tpu.wait_dma2 semaphore(%dma_wait3A_79 : memref<!tpu.dma_semaphore, #tpu.memory_space<semaphore_mem>>) src(%dma_wait3A_83 : memref<128xi32, #tpu.memory_space<hbm>>) dst(%dma_wait3A_82 : memref<128xi32, #tpu.memory_space<vmem>>)
    %add3A_84 = arith.constant 256 : i32
    %add3A_85 = arith.addi %mul3A_2, %add3A_84 : i32
    %dma_start3A_86 = arith.constant 2 : i32
    %dma_start3A_87 = arith.constant 2 : i32
    %dma_start3A_88 = arith.constant 0 : i32
    %dma_start3A_89 = tpu.memref_slice %arg5[%dma_start3A_86, %dma_start3A_88] : memref<4x128xi32, #tpu.memory_space<vmem>> -> memref<1x128xi32, #tpu.memory_space<vmem>>
    %dma_start3A_90 = tpu.memref_squeeze %dma_start3A_89 : memref<1x128xi32, #tpu.memory_space<vmem>> -> memref<128xi32, #tpu.memory_space<vmem>>
    %dma_start3A_91 = tpu.memref_slice %arg2[%add3A_85] : memref<640000xi32, #tpu.memory_space<hbm>> -> memref<128xi32, #tpu.memory_space<hbm>>
    %dma_start3A_92 = tpu.memref_slice %arg10[%dma_start3A_87] : memref<4x!tpu.dma_semaphore, #tpu.memory_space<semaphore_mem>> -> memref<1x!tpu.dma_semaphore, #tpu.memory_space<semaphore_mem>>
    %dma_start3A_93 = tpu.memref_squeeze %dma_start3A_92 : memref<1x!tpu.dma_semaphore, #tpu.memory_space<semaphore_mem>> -> memref<!tpu.dma_semaphore, #tpu.memory_space<semaphore_mem>>
    %dma_start3A_94 = arith.constant 0 : i32
    %dma_start3A_95 = tpu.memref_slice %arg5[%dma_start3A_86, %dma_start3A_94] : memref<4x128xi32, #tpu.memory_space<vmem>> -> memref<1x128xi32, #tpu.memory_space<vmem>>
    %dma_start3A_96 = tpu.memref_squeeze %dma_start3A_95 : memref<1x128xi32, #tpu.memory_space<vmem>> -> memref<128xi32, #tpu.memory_space<vmem>>
    %dma_start3A_97 = tpu.memref_slice %arg2[%add3A_85] : memref<640000xi32, #tpu.memory_space<hbm>> -> memref<128xi32, #tpu.memory_space<hbm>>
    tpu.enqueue_dma source(%dma_start3A_97 : memref<128xi32, #tpu.memory_space<hbm>>) target(%dma_start3A_96 : memref<128xi32, #tpu.memory_space<vmem>>) target_semaphore(%dma_start3A_93 : memref<!tpu.dma_semaphore, #tpu.memory_space<semaphore_mem>>)
    %dma_start3A_98 = arith.constant 0 : i32
    %dma_start3A_99 = arith.constant 0 : i32
    %dma_start3A_100 = arith.constant 0 : i32
    %dma_start3A_101 = tpu.memref_slice %arg5[%dma_start3A_98, %dma_start3A_100] : memref<4x128xi32, #tpu.memory_space<vmem>> -> memref<1x128xi32, #tpu.memory_space<vmem>>
    %dma_start3A_102 = tpu.memref_squeeze %dma_start3A_101 : memref<1x128xi32, #tpu.memory_space<vmem>> -> memref<128xi32, #tpu.memory_space<vmem>>
    %dma_start3A_103 = arith.constant 0 : i32
    %dma_start3A_104 = tpu.memref_slice %arg9[%dma_start3A_103] : memref<10240xf32, #tpu.memory_space<vmem_shared>> -> memref<10240xf32, #tpu.memory_space<vmem_shared>>
    %dma_start3A_105 = tpu.memref_slice %arg11[%dma_start3A_99] : memref<4x!tpu.dma_semaphore, #tpu.memory_space<semaphore_mem>> -> memref<1x!tpu.dma_semaphore, #tpu.memory_space<semaphore_mem>>
    %dma_start3A_106 = tpu.memref_squeeze %dma_start3A_105 : memref<1x!tpu.dma_semaphore, #tpu.memory_space<semaphore_mem>> -> memref<!tpu.dma_semaphore, #tpu.memory_space<semaphore_mem>>
    tpu.enqueue_indirect_dma source(%arg7 : memref<128xf32, #tpu.memory_space<vmem>>) target(%dma_start3A_104 : memref<10240xf32, #tpu.memory_space<vmem_shared>>) offsets(%dma_start3A_102 : memref<128xi32, #tpu.memory_space<vmem>>) semaphore(%dma_start3A_106 : memref<!tpu.dma_semaphore, #tpu.memory_space<semaphore_mem>>) {add = true}
    %add3A_107 = arith.constant 128 : i32
    %add3A_108 = arith.addi %mul3A_2, %add3A_107 : i32
    %dma_wait3A_109 = arith.constant 1 : i32
    %dma_wait3A_110 = arith.constant 1 : i32
    %dma_wait3A_111 = arith.constant 0 : i32
    %dma_wait3A_112 = tpu.memref_slice %arg5[%dma_wait3A_109, %dma_wait3A_111] : memref<4x128xi32, #tpu.memory_space<vmem>> -> memref<1x128xi32, #tpu.memory_space<vmem>>
    %dma_wait3A_113 = tpu.memref_squeeze %dma_wait3A_112 : memref<1x128xi32, #tpu.memory_space<vmem>> -> memref<128xi32, #tpu.memory_space<vmem>>
    %dma_wait3A_114 = tpu.memref_slice %arg2[%add3A_108] : memref<640000xi32, #tpu.memory_space<hbm>> -> memref<128xi32, #tpu.memory_space<hbm>>
    %dma_wait3A_115 = tpu.memref_slice %arg10[%dma_wait3A_110] : memref<4x!tpu.dma_semaphore, #tpu.memory_space<semaphore_mem>> -> memref<1x!tpu.dma_semaphore, #tpu.memory_space<semaphore_mem>>
    %dma_wait3A_116 = tpu.memref_squeeze %dma_wait3A_115 : memref<1x!tpu.dma_semaphore, #tpu.memory_space<semaphore_mem>> -> memref<!tpu.dma_semaphore, #tpu.memory_space<semaphore_mem>>
    %dma_wait3A_117 = arith.constant 0 : i32
    %dma_wait3A_118 = tpu.memref_slice %arg5[%dma_wait3A_109, %dma_wait3A_117] : memref<4x128xi32, #tpu.memory_space<vmem>> -> memref<1x128xi32, #tpu.memory_space<vmem>>
    %dma_wait3A_119 = tpu.memref_squeeze %dma_wait3A_118 : memref<1x128xi32, #tpu.memory_space<vmem>> -> memref<128xi32, #tpu.memory_space<vmem>>
    %dma_wait3A_120 = tpu.memref_slice %arg2[%add3A_108] : memref<640000xi32, #tpu.memory_space<hbm>> -> memref<128xi32, #tpu.memory_space<hbm>>
    tpu.wait_dma2 semaphore(%dma_wait3A_116 : memref<!tpu.dma_semaphore, #tpu.memory_space<semaphore_mem>>) src(%dma_wait3A_120 : memref<128xi32, #tpu.memory_space<hbm>>) dst(%dma_wait3A_119 : memref<128xi32, #tpu.memory_space<vmem>>)
    %add3A_121 = arith.constant 384 : i32
    %add3A_122 = arith.addi %mul3A_2, %add3A_121 : i32
    %dma_start3A_123 = arith.constant 3 : i32
    %dma_start3A_124 = arith.constant 3 : i32
    %dma_start3A_125 = arith.constant 0 : i32
    %dma_start3A_126 = tpu.memref_slice %arg5[%dma_start3A_123, %dma_start3A_125] : memref<4x128xi32, #tpu.memory_space<vmem>> -> memref<1x128xi32, #tpu.memory_space<vmem>>
    %dma_start3A_127 = tpu.memref_squeeze %dma_start3A_126 : memref<1x128xi32, #tpu.memory_space<vmem>> -> memref<128xi32, #tpu.memory_space<vmem>>
    %dma_start3A_128 = tpu.memref_slice %arg2[%add3A_122] : memref<640000xi32, #tpu.memory_space<hbm>> -> memref<128xi32, #tpu.memory_space<hbm>>
    %dma_start3A_129 = tpu.memref_slice %arg10[%dma_start3A_124] : memref<4x!tpu.dma_semaphore, #tpu.memory_space<semaphore_mem>> -> memref<1x!tpu.dma_semaphore, #tpu.memory_space<semaphore_mem>>
    %dma_start3A_130 = tpu.memref_squeeze %dma_start3A_129 : memref<1x!tpu.dma_semaphore, #tpu.memory_space<semaphore_mem>> -> memref<!tpu.dma_semaphore, #tpu.memory_space<semaphore_mem>>
    %dma_start3A_131 = arith.constant 0 : i32
    %dma_start3A_132 = tpu.memref_slice %arg5[%dma_start3A_123, %dma_start3A_131] : memref<4x128xi32, #tpu.memory_space<vmem>> -> memref<1x128xi32, #tpu.memory_space<vmem>>
    %dma_start3A_133 = tpu.memref_squeeze %dma_start3A_132 : memref<1x128xi32, #tpu.memory_space<vmem>> -> memref<128xi32, #tpu.memory_space<vmem>>
    %dma_start3A_134 = tpu.memref_slice %arg2[%add3A_122] : memref<640000xi32, #tpu.memory_space<hbm>> -> memref<128xi32, #tpu.memory_space<hbm>>
    tpu.enqueue_dma source(%dma_start3A_134 : memref<128xi32, #tpu.memory_space<hbm>>) target(%dma_start3A_133 : memref<128xi32, #tpu.memory_space<vmem>>) target_semaphore(%dma_start3A_130 : memref<!tpu.dma_semaphore, #tpu.memory_space<semaphore_mem>>)
    %dma_start3A_135 = arith.constant 1 : i32
    %dma_start3A_136 = arith.constant 1 : i32
    %dma_start3A_137 = arith.constant 0 : i32
    %dma_start3A_138 = tpu.memref_slice %arg5[%dma_start3A_135, %dma_start3A_137] : memref<4x128xi32, #tpu.memory_space<vmem>> -> memref<1x128xi32, #tpu.memory_space<vmem>>
    %dma_start3A_139 = tpu.memref_squeeze %dma_start3A_138 : memref<1x128xi32, #tpu.memory_space<vmem>> -> memref<128xi32, #tpu.memory_space<vmem>>
    %dma_start3A_140 = arith.constant 0 : i32
    %dma_start3A_141 = tpu.memref_slice %arg9[%dma_start3A_140] : memref<10240xf32, #tpu.memory_space<vmem_shared>> -> memref<10240xf32, #tpu.memory_space<vmem_shared>>
    %dma_start3A_142 = tpu.memref_slice %arg11[%dma_start3A_136] : memref<4x!tpu.dma_semaphore, #tpu.memory_space<semaphore_mem>> -> memref<1x!tpu.dma_semaphore, #tpu.memory_space<semaphore_mem>>
    %dma_start3A_143 = tpu.memref_squeeze %dma_start3A_142 : memref<1x!tpu.dma_semaphore, #tpu.memory_space<semaphore_mem>> -> memref<!tpu.dma_semaphore, #tpu.memory_space<semaphore_mem>>
    tpu.enqueue_indirect_dma source(%arg7 : memref<128xf32, #tpu.memory_space<vmem>>) target(%dma_start3A_141 : memref<10240xf32, #tpu.memory_space<vmem_shared>>) offsets(%dma_start3A_139 : memref<128xi32, #tpu.memory_space<vmem>>) semaphore(%dma_start3A_143 : memref<!tpu.dma_semaphore, #tpu.memory_space<semaphore_mem>>) {add = true}
    %add3A_144 = arith.constant 256 : i32
    %add3A_145 = arith.addi %mul3A_2, %add3A_144 : i32
    %dma_wait3A_146 = arith.constant 2 : i32
    %dma_wait3A_147 = arith.constant 2 : i32
    %dma_wait3A_148 = arith.constant 0 : i32
    %dma_wait3A_149 = tpu.memref_slice %arg5[%dma_wait3A_146, %dma_wait3A_148] : memref<4x128xi32, #tpu.memory_space<vmem>> -> memref<1x128xi32, #tpu.memory_space<vmem>>
    %dma_wait3A_150 = tpu.memref_squeeze %dma_wait3A_149 : memref<1x128xi32, #tpu.memory_space<vmem>> -> memref<128xi32, #tpu.memory_space<vmem>>
    %dma_wait3A_151 = tpu.memref_slice %arg2[%add3A_145] : memref<640000xi32, #tpu.memory_space<hbm>> -> memref<128xi32, #tpu.memory_space<hbm>>
    %dma_wait3A_152 = tpu.memref_slice %arg10[%dma_wait3A_147] : memref<4x!tpu.dma_semaphore, #tpu.memory_space<semaphore_mem>> -> memref<1x!tpu.dma_semaphore, #tpu.memory_space<semaphore_mem>>
    %dma_wait3A_153 = tpu.memref_squeeze %dma_wait3A_152 : memref<1x!tpu.dma_semaphore, #tpu.memory_space<semaphore_mem>> -> memref<!tpu.dma_semaphore, #tpu.memory_space<semaphore_mem>>
    %dma_wait3A_154 = arith.constant 0 : i32
    %dma_wait3A_155 = tpu.memref_slice %arg5[%dma_wait3A_146, %dma_wait3A_154] : memref<4x128xi32, #tpu.memory_space<vmem>> -> memref<1x128xi32, #tpu.memory_space<vmem>>
    %dma_wait3A_156 = tpu.memref_squeeze %dma_wait3A_155 : memref<1x128xi32, #tpu.memory_space<vmem>> -> memref<128xi32, #tpu.memory_space<vmem>>
    %dma_wait3A_157 = tpu.memref_slice %arg2[%add3A_145] : memref<640000xi32, #tpu.memory_space<hbm>> -> memref<128xi32, #tpu.memory_space<hbm>>
    tpu.wait_dma2 semaphore(%dma_wait3A_153 : memref<!tpu.dma_semaphore, #tpu.memory_space<semaphore_mem>>) src(%dma_wait3A_157 : memref<128xi32, #tpu.memory_space<hbm>>) dst(%dma_wait3A_156 : memref<128xi32, #tpu.memory_space<vmem>>)
    %dma_wait3A_158 = arith.constant 0 : i32
    %dma_wait3A_159 = arith.constant 0 : i32
    %dma_wait3A_160 = arith.constant 0 : i32
    %dma_wait3A_161 = tpu.memref_slice %arg5[%dma_wait3A_158, %dma_wait3A_160] : memref<4x128xi32, #tpu.memory_space<vmem>> -> memref<1x128xi32, #tpu.memory_space<vmem>>
    %dma_wait3A_162 = tpu.memref_squeeze %dma_wait3A_161 : memref<1x128xi32, #tpu.memory_space<vmem>> -> memref<128xi32, #tpu.memory_space<vmem>>
    %dma_wait3A_163 = arith.constant 0 : i32
    %dma_wait3A_164 = tpu.memref_slice %arg9[%dma_wait3A_163] : memref<10240xf32, #tpu.memory_space<vmem_shared>> -> memref<10240xf32, #tpu.memory_space<vmem_shared>>
    %dma_wait3A_165 = tpu.memref_slice %arg11[%dma_wait3A_159] : memref<4x!tpu.dma_semaphore, #tpu.memory_space<semaphore_mem>> -> memref<1x!tpu.dma_semaphore, #tpu.memory_space<semaphore_mem>>
    %dma_wait3A_166 = tpu.memref_squeeze %dma_wait3A_165 : memref<1x!tpu.dma_semaphore, #tpu.memory_space<semaphore_mem>> -> memref<!tpu.dma_semaphore, #tpu.memory_space<semaphore_mem>>
    tpu.wait_indirect_dma semaphore(%dma_wait3A_166 : memref<!tpu.dma_semaphore, #tpu.memory_space<semaphore_mem>>) src(%arg7 : memref<128xf32, #tpu.memory_space<vmem>>) dst(%dma_wait3A_164 : memref<10240xf32, #tpu.memory_space<vmem_shared>>)
    %add3A_167 = arith.constant 512 : i32
    %add3A_168 = arith.addi %mul3A_2, %add3A_167 : i32
    %dma_start3A_169 = arith.constant 0 : i32
    %dma_start3A_170 = arith.constant 0 : i32
    %dma_start3A_171 = arith.constant 0 : i32
    %dma_start3A_172 = tpu.memref_slice %arg5[%dma_start3A_169, %dma_start3A_171] : memref<4x128xi32, #tpu.memory_space<vmem>> -> memref<1x128xi32, #tpu.memory_space<vmem>>
    %dma_start3A_173 = tpu.memref_squeeze %dma_start3A_172 : memref<1x128xi32, #tpu.memory_space<vmem>> -> memref<128xi32, #tpu.memory_space<vmem>>
    %dma_start3A_174 = tpu.memref_slice %arg2[%add3A_168] : memref<640000xi32, #tpu.memory_space<hbm>> -> memref<128xi32, #tpu.memory_space<hbm>>
    %dma_start3A_175 = tpu.memref_slice %arg10[%dma_start3A_170] : memref<4x!tpu.dma_semaphore, #tpu.memory_space<semaphore_mem>> -> memref<1x!tpu.dma_semaphore, #tpu.memory_space<semaphore_mem>>
    %dma_start3A_176 = tpu.memref_squeeze %dma_start3A_175 : memref<1x!tpu.dma_semaphore, #tpu.memory_space<semaphore_mem>> -> memref<!tpu.dma_semaphore, #tpu.memory_space<semaphore_mem>>
    %dma_start3A_177 = arith.constant 0 : i32
    %dma_start3A_178 = tpu.memref_slice %arg5[%dma_start3A_169, %dma_start3A_177] : memref<4x128xi32, #tpu.memory_space<vmem>> -> memref<1x128xi32, #tpu.memory_space<vmem>>
    %dma_start3A_179 = tpu.memref_squeeze %dma_start3A_178 : memref<1x128xi32, #tpu.memory_space<vmem>> -> memref<128xi32, #tpu.memory_space<vmem>>
    %dma_start3A_180 = tpu.memref_slice %arg2[%add3A_168] : memref<640000xi32, #tpu.memory_space<hbm>> -> memref<128xi32, #tpu.memory_space<hbm>>
    tpu.enqueue_dma source(%dma_start3A_180 : memref<128xi32, #tpu.memory_space<hbm>>) target(%dma_start3A_179 : memref<128xi32, #tpu.memory_space<vmem>>) target_semaphore(%dma_start3A_176 : memref<!tpu.dma_semaphore, #tpu.memory_space<semaphore_mem>>)
    %dma_start3A_181 = arith.constant 2 : i32
    %dma_start3A_182 = arith.constant 2 : i32
    %dma_start3A_183 = arith.constant 0 : i32
    %dma_start3A_184 = tpu.memref_slice %arg5[%dma_start3A_181, %dma_start3A_183] : memref<4x128xi32, #tpu.memory_space<vmem>> -> memref<1x128xi32, #tpu.memory_space<vmem>>
    %dma_start3A_185 = tpu.memref_squeeze %dma_start3A_184 : memref<1x128xi32, #tpu.memory_space<vmem>> -> memref<128xi32, #tpu.memory_space<vmem>>
    %dma_start3A_186 = arith.constant 0 : i32
    %dma_start3A_187 = tpu.memref_slice %arg9[%dma_start3A_186] : memref<10240xf32, #tpu.memory_space<vmem_shared>> -> memref<10240xf32, #tpu.memory_space<vmem_shared>>
    %dma_start3A_188 = tpu.memref_slice %arg11[%dma_start3A_182] : memref<4x!tpu.dma_semaphore, #tpu.memory_space<semaphore_mem>> -> memref<1x!tpu.dma_semaphore, #tpu.memory_space<semaphore_mem>>
    %dma_start3A_189 = tpu.memref_squeeze %dma_start3A_188 : memref<1x!tpu.dma_semaphore, #tpu.memory_space<semaphore_mem>> -> memref<!tpu.dma_semaphore, #tpu.memory_space<semaphore_mem>>
    tpu.enqueue_indirect_dma source(%arg7 : memref<128xf32, #tpu.memory_space<vmem>>) target(%dma_start3A_187 : memref<10240xf32, #tpu.memory_space<vmem_shared>>) offsets(%dma_start3A_185 : memref<128xi32, #tpu.memory_space<vmem>>) semaphore(%dma_start3A_189 : memref<!tpu.dma_semaphore, #tpu.memory_space<semaphore_mem>>) {add = true}
    %add3A_190 = arith.constant 384 : i32
    %add3A_191 = arith.addi %mul3A_2, %add3A_190 : i32
    %dma_wait3A_192 = arith.constant 3 : i32
    %dma_wait3A_193 = arith.constant 3 : i32
    %dma_wait3A_194 = arith.constant 0 : i32
    %dma_wait3A_195 = tpu.memref_slice %arg5[%dma_wait3A_192, %dma_wait3A_194] : memref<4x128xi32, #tpu.memory_space<vmem>> -> memref<1x128xi32, #tpu.memory_space<vmem>>
    %dma_wait3A_196 = tpu.memref_squeeze %dma_wait3A_195 : memref<1x128xi32, #tpu.memory_space<vmem>> -> memref<128xi32, #tpu.memory_space<vmem>>
    %dma_wait3A_197 = tpu.memref_slice %arg2[%add3A_191] : memref<640000xi32, #tpu.memory_space<hbm>> -> memref<128xi32, #tpu.memory_space<hbm>>
    %dma_wait3A_198 = tpu.memref_slice %arg10[%dma_wait3A_193] : memref<4x!tpu.dma_semaphore, #tpu.memory_space<semaphore_mem>> -> memref<1x!tpu.dma_semaphore, #tpu.memory_space<semaphore_mem>>
    %dma_wait3A_199 = tpu.memref_squeeze %dma_wait3A_198 : memref<1x!tpu.dma_semaphore, #tpu.memory_space<semaphore_mem>> -> memref<!tpu.dma_semaphore, #tpu.memory_space<semaphore_mem>>
    %dma_wait3A_200 = arith.constant 0 : i32
    %dma_wait3A_201 = tpu.memref_slice %arg5[%dma_wait3A_192, %dma_wait3A_200] : memref<4x128xi32, #tpu.memory_space<vmem>> -> memref<1x128xi32, #tpu.memory_space<vmem>>
    %dma_wait3A_202 = tpu.memref_squeeze %dma_wait3A_201 : memref<1x128xi32, #tpu.memory_space<vmem>> -> memref<128xi32, #tpu.memory_space<vmem>>
    %dma_wait3A_203 = tpu.memref_slice %arg2[%add3A_191] : memref<640000xi32, #tpu.memory_space<hbm>> -> memref<128xi32, #tpu.memory_space<hbm>>
    tpu.wait_dma2 semaphore(%dma_wait3A_199 : memref<!tpu.dma_semaphore, #tpu.memory_space<semaphore_mem>>) src(%dma_wait3A_203 : memref<128xi32, #tpu.memory_space<hbm>>) dst(%dma_wait3A_202 : memref<128xi32, #tpu.memory_space<vmem>>)
    %dma_wait3A_204 = arith.constant 1 : i32
    %dma_wait3A_205 = arith.constant 1 : i32
    %dma_wait3A_206 = arith.constant 0 : i32
    %dma_wait3A_207 = tpu.memref_slice %arg5[%dma_wait3A_204, %dma_wait3A_206] : memref<4x128xi32, #tpu.memory_space<vmem>> -> memref<1x128xi32, #tpu.memory_space<vmem>>
    %dma_wait3A_208 = tpu.memref_squeeze %dma_wait3A_207 : memref<1x128xi32, #tpu.memory_space<vmem>> -> memref<128xi32, #tpu.memory_space<vmem>>
    %dma_wait3A_209 = arith.constant 0 : i32
    %dma_wait3A_210 = tpu.memref_slice %arg9[%dma_wait3A_209] : memref<10240xf32, #tpu.memory_space<vmem_shared>> -> memref<10240xf32, #tpu.memory_space<vmem_shared>>
    %dma_wait3A_211 = tpu.memref_slice %arg11[%dma_wait3A_205] : memref<4x!tpu.dma_semaphore, #tpu.memory_space<semaphore_mem>> -> memref<1x!tpu.dma_semaphore, #tpu.memory_space<semaphore_mem>>
    %dma_wait3A_212 = tpu.memref_squeeze %dma_wait3A_211 : memref<1x!tpu.dma_semaphore, #tpu.memory_space<semaphore_mem>> -> memref<!tpu.dma_semaphore, #tpu.memory_space<semaphore_mem>>
    tpu.wait_indirect_dma semaphore(%dma_wait3A_212 : memref<!tpu.dma_semaphore, #tpu.memory_space<semaphore_mem>>) src(%arg7 : memref<128xf32, #tpu.memory_space<vmem>>) dst(%dma_wait3A_210 : memref<10240xf32, #tpu.memory_space<vmem_shared>>)
    %add3A_213 = arith.constant 640 : i32
    %add3A_214 = arith.addi %mul3A_2, %add3A_213 : i32
    %dma_start3A_215 = arith.constant 1 : i32
    %dma_start3A_216 = arith.constant 1 : i32
    %dma_start3A_217 = arith.constant 0 : i32
    %dma_start3A_218 = tpu.memref_slice %arg5[%dma_start3A_215, %dma_start3A_217] : memref<4x128xi32, #tpu.memory_space<vmem>> -> memref<1x128xi32, #tpu.memory_space<vmem>>
    %dma_start3A_219 = tpu.memref_squeeze %dma_start3A_218 : memref<1x128xi32, #tpu.memory_space<vmem>> -> memref<128xi32, #tpu.memory_space<vmem>>
    %dma_start3A_220 = tpu.memref_slice %arg2[%add3A_214] : memref<640000xi32, #tpu.memory_space<hbm>> -> memref<128xi32, #tpu.memory_space<hbm>>
    %dma_start3A_221 = tpu.memref_slice %arg10[%dma_start3A_216] : memref<4x!tpu.dma_semaphore, #tpu.memory_space<semaphore_mem>> -> memref<1x!tpu.dma_semaphore, #tpu.memory_space<semaphore_mem>>
    %dma_start3A_222 = tpu.memref_squeeze %dma_start3A_221 : memref<1x!tpu.dma_semaphore, #tpu.memory_space<semaphore_mem>> -> memref<!tpu.dma_semaphore, #tpu.memory_space<semaphore_mem>>
    %dma_start3A_223 = arith.constant 0 : i32
    %dma_start3A_224 = tpu.memref_slice %arg5[%dma_start3A_215, %dma_start3A_223] : memref<4x128xi32, #tpu.memory_space<vmem>> -> memref<1x128xi32, #tpu.memory_space<vmem>>
    %dma_start3A_225 = tpu.memref_squeeze %dma_start3A_224 : memref<1x128xi32, #tpu.memory_space<vmem>> -> memref<128xi32, #tpu.memory_space<vmem>>
    %dma_start3A_226 = tpu.memref_slice %arg2[%add3A_214] : memref<640000xi32, #tpu.memory_space<hbm>> -> memref<128xi32, #tpu.memory_space<hbm>>
    tpu.enqueue_dma source(%dma_start3A_226 : memref<128xi32, #tpu.memory_space<hbm>>) target(%dma_start3A_225 : memref<128xi32, #tpu.memory_space<vmem>>) target_semaphore(%dma_start3A_222 : memref<!tpu.dma_semaphore, #tpu.memory_space<semaphore_mem>>)
    %dma_start3A_227 = arith.constant 3 : i32
    %dma_start3A_228 = arith.constant 3 : i32
    %dma_start3A_229 = arith.constant 0 : i32
    %dma_start3A_230 = tpu.memref_slice %arg5[%dma_start3A_227, %dma_start3A_229] : memref<4x128xi32, #tpu.memory_space<vmem>> -> memref<1x128xi32, #tpu.memory_space<vmem>>
    %dma_start3A_231 = tpu.memref_squeeze %dma_start3A_230 : memref<1x128xi32, #tpu.memory_space<vmem>> -> memref<128xi32, #tpu.memory_space<vmem>>
    %dma_start3A_232 = arith.constant 0 : i32
    %dma_start3A_233 = tpu.memref_slice %arg9[%dma_start3A_232] : memref<10240xf32, #tpu.memory_space<vmem_shared>> -> memref<10240xf32, #tpu.memory_space<vmem_shared>>
    %dma_start3A_234 = tpu.memref_slice %arg11[%dma_start3A_228] : memref<4x!tpu.dma_semaphore, #tpu.memory_space<semaphore_mem>> -> memref<1x!tpu.dma_semaphore, #tpu.memory_space<semaphore_mem>>
    %dma_start3A_235 = tpu.memref_squeeze %dma_start3A_234 : memref<1x!tpu.dma_semaphore, #tpu.memory_space<semaphore_mem>> -> memref<!tpu.dma_semaphore, #tpu.memory_space<semaphore_mem>>
    tpu.enqueue_indirect_dma source(%arg7 : memref<128xf32, #tpu.memory_space<vmem>>) target(%dma_start3A_233 : memref<10240xf32, #tpu.memory_space<vmem_shared>>) offsets(%dma_start3A_231 : memref<128xi32, #tpu.memory_space<vmem>>) semaphore(%dma_start3A_235 : memref<!tpu.dma_semaphore, #tpu.memory_space<semaphore_mem>>) {add = true}
    %scan3A_236 = arith.constant 0 : i32
    %scan3A_237 = arith.constant 1 : i32
    %scan3A_238 = arith.constant 18 : i32
    %scan3A_239 = arith.addi %scan3A_237, %scan3A_238 : i32
    %scan3A_240 = arith.constant 1 : i32
    scf.for %scan3A_334 = %scan3A_237 to %scan3A_239 step %scan3A_240  : i32 {
      %mul3A_335 = arith.constant 4 : i32
      %mul3A_336 = arith.muli %scan3A_334, %mul3A_335 : i32
      %add3A_337 = arith.constant 0 : i32
      %add3A_338 = arith.addi %mul3A_336, %add3A_337 : i32
      %mul3A_339 = arith.constant 128 : i32
      %mul3A_340 = arith.muli %add3A_338, %mul3A_339 : i32
      %add3A_341 = arith.addi %mul3A_2, %mul3A_340 : i32
      %dma_wait3A_342 = arith.constant 0 : i32
      %dma_wait3A_343 = arith.constant 0 : i32
      %dma_wait3A_344 = arith.constant 0 : i32
      %dma_wait3A_345 = tpu.memref_slice %arg5[%dma_wait3A_342, %dma_wait3A_344] : memref<4x128xi32, #tpu.memory_space<vmem>> -> memref<1x128xi32, #tpu.memory_space<vmem>>
      %dma_wait3A_346 = tpu.memref_squeeze %dma_wait3A_345 : memref<1x128xi32, #tpu.memory_space<vmem>> -> memref<128xi32, #tpu.memory_space<vmem>>
      %dma_wait3A_347 = tpu.memref_slice %arg2[%add3A_341] : memref<640000xi32, #tpu.memory_space<hbm>> -> memref<128xi32, #tpu.memory_space<hbm>>
      %dma_wait3A_348 = tpu.memref_slice %arg10[%dma_wait3A_343] : memref<4x!tpu.dma_semaphore, #tpu.memory_space<semaphore_mem>> -> memref<1x!tpu.dma_semaphore, #tpu.memory_space<semaphore_mem>>
      %dma_wait3A_349 = tpu.memref_squeeze %dma_wait3A_348 : memref<1x!tpu.dma_semaphore, #tpu.memory_space<semaphore_mem>> -> memref<!tpu.dma_semaphore, #tpu.memory_space<semaphore_mem>>
      %dma_wait3A_350 = arith.constant 0 : i32
      %dma_wait3A_351 = tpu.memref_slice %arg5[%dma_wait3A_342, %dma_wait3A_350] : memref<4x128xi32, #tpu.memory_space<vmem>> -> memref<1x128xi32, #tpu.memory_space<vmem>>
      %dma_wait3A_352 = tpu.memref_squeeze %dma_wait3A_351 : memref<1x128xi32, #tpu.memory_space<vmem>> -> memref<128xi32, #tpu.memory_space<vmem>>
      %dma_wait3A_353 = tpu.memref_slice %arg2[%add3A_341] : memref<640000xi32, #tpu.memory_space<hbm>> -> memref<128xi32, #tpu.memory_space<hbm>>
      tpu.wait_dma2 semaphore(%dma_wait3A_349 : memref<!tpu.dma_semaphore, #tpu.memory_space<semaphore_mem>>) src(%dma_wait3A_353 : memref<128xi32, #tpu.memory_space<hbm>>) dst(%dma_wait3A_352 : memref<128xi32, #tpu.memory_space<vmem>>)
      %dma_wait3A_354 = arith.constant 2 : i32
      %dma_wait3A_355 = arith.constant 2 : i32
      %dma_wait3A_356 = arith.constant 0 : i32
      %dma_wait3A_357 = tpu.memref_slice %arg5[%dma_wait3A_354, %dma_wait3A_356] : memref<4x128xi32, #tpu.memory_space<vmem>> -> memref<1x128xi32, #tpu.memory_space<vmem>>
      %dma_wait3A_358 = tpu.memref_squeeze %dma_wait3A_357 : memref<1x128xi32, #tpu.memory_space<vmem>> -> memref<128xi32, #tpu.memory_space<vmem>>
      %dma_wait3A_359 = arith.constant 0 : i32
      %dma_wait3A_360 = tpu.memref_slice %arg9[%dma_wait3A_359] : memref<10240xf32, #tpu.memory_space<vmem_shared>> -> memref<10240xf32, #tpu.memory_space<vmem_shared>>
      %dma_wait3A_361 = tpu.memref_slice %arg11[%dma_wait3A_355] : memref<4x!tpu.dma_semaphore, #tpu.memory_space<semaphore_mem>> -> memref<1x!tpu.dma_semaphore, #tpu.memory_space<semaphore_mem>>
      %dma_wait3A_362 = tpu.memref_squeeze %dma_wait3A_361 : memref<1x!tpu.dma_semaphore, #tpu.memory_space<semaphore_mem>> -> memref<!tpu.dma_semaphore, #tpu.memory_space<semaphore_mem>>
      tpu.wait_indirect_dma semaphore(%dma_wait3A_362 : memref<!tpu.dma_semaphore, #tpu.memory_space<semaphore_mem>>) src(%arg7 : memref<128xf32, #tpu.memory_space<vmem>>) dst(%dma_wait3A_360 : memref<10240xf32, #tpu.memory_space<vmem_shared>>)
      %add3A_363 = arith.constant 2 : i32
      %add3A_364 = arith.addi %add3A_338, %add3A_363 : i32
      %mul3A_365 = arith.constant 128 : i32
      %mul3A_366 = arith.muli %add3A_364, %mul3A_365 : i32
      %add3A_367 = arith.addi %mul3A_2, %mul3A_366 : i32
      %dma_start3A_368 = arith.constant 2 : i32
      %dma_start3A_369 = arith.constant 2 : i32
      %dma_start3A_370 = arith.constant 0 : i32
      %dma_start3A_371 = tpu.memref_slice %arg5[%dma_start3A_368, %dma_start3A_370] : memref<4x128xi32, #tpu.memory_space<vmem>> -> memref<1x128xi32, #tpu.memory_space<vmem>>
      %dma_start3A_372 = tpu.memref_squeeze %dma_start3A_371 : memref<1x128xi32, #tpu.memory_space<vmem>> -> memref<128xi32, #tpu.memory_space<vmem>>
      %dma_start3A_373 = tpu.memref_slice %arg2[%add3A_367] : memref<640000xi32, #tpu.memory_space<hbm>> -> memref<128xi32, #tpu.memory_space<hbm>>
      %dma_start3A_374 = tpu.memref_slice %arg10[%dma_start3A_369] : memref<4x!tpu.dma_semaphore, #tpu.memory_space<semaphore_mem>> -> memref<1x!tpu.dma_semaphore, #tpu.memory_space<semaphore_mem>>
      %dma_start3A_375 = tpu.memref_squeeze %dma_start3A_374 : memref<1x!tpu.dma_semaphore, #tpu.memory_space<semaphore_mem>> -> memref<!tpu.dma_semaphore, #tpu.memory_space<semaphore_mem>>
      %dma_start3A_376 = arith.constant 0 : i32
      %dma_start3A_377 = tpu.memref_slice %arg5[%dma_start3A_368, %dma_start3A_376] : memref<4x128xi32, #tpu.memory_space<vmem>> -> memref<1x128xi32, #tpu.memory_space<vmem>>
      %dma_start3A_378 = tpu.memref_squeeze %dma_start3A_377 : memref<1x128xi32, #tpu.memory_space<vmem>> -> memref<128xi32, #tpu.memory_space<vmem>>
      %dma_start3A_379 = tpu.memref_slice %arg2[%add3A_367] : memref<640000xi32, #tpu.memory_space<hbm>> -> memref<128xi32, #tpu.memory_space<hbm>>
      tpu.enqueue_dma source(%dma_start3A_379 : memref<128xi32, #tpu.memory_space<hbm>>) target(%dma_start3A_378 : memref<128xi32, #tpu.memory_space<vmem>>) target_semaphore(%dma_start3A_375 : memref<!tpu.dma_semaphore, #tpu.memory_space<semaphore_mem>>)
      %dma_start3A_380 = arith.constant 0 : i32
      %dma_start3A_381 = arith.constant 0 : i32
      %dma_start3A_382 = arith.constant 0 : i32
      %dma_start3A_383 = tpu.memref_slice %arg5[%dma_start3A_380, %dma_start3A_382] : memref<4x128xi32, #tpu.memory_space<vmem>> -> memref<1x128xi32, #tpu.memory_space<vmem>>
      %dma_start3A_384 = tpu.memref_squeeze %dma_start3A_383 : memref<1x128xi32, #tpu.memory_space<vmem>> -> memref<128xi32, #tpu.memory_space<vmem>>
      %dma_start3A_385 = arith.constant 0 : i32
      %dma_start3A_386 = tpu.memref_slice %arg9[%dma_start3A_385] : memref<10240xf32, #tpu.memory_space<vmem_shared>> -> memref<10240xf32, #tpu.memory_space<vmem_shared>>
      %dma_start3A_387 = tpu.memref_slice %arg11[%dma_start3A_381] : memref<4x!tpu.dma_semaphore, #tpu.memory_space<semaphore_mem>> -> memref<1x!tpu.dma_semaphore, #tpu.memory_space<semaphore_mem>>
      %dma_start3A_388 = tpu.memref_squeeze %dma_start3A_387 : memref<1x!tpu.dma_semaphore, #tpu.memory_space<semaphore_mem>> -> memref<!tpu.dma_semaphore, #tpu.memory_space<semaphore_mem>>
      tpu.enqueue_indirect_dma source(%arg7 : memref<128xf32, #tpu.memory_space<vmem>>) target(%dma_start3A_386 : memref<10240xf32, #tpu.memory_space<vmem_shared>>) offsets(%dma_start3A_384 : memref<128xi32, #tpu.memory_space<vmem>>) semaphore(%dma_start3A_388 : memref<!tpu.dma_semaphore, #tpu.memory_space<semaphore_mem>>) {add = true}
      %add3A_389 = arith.constant 1 : i32
      %add3A_390 = arith.addi %mul3A_336, %add3A_389 : i32
      %mul3A_391 = arith.constant 128 : i32
      %mul3A_392 = arith.muli %add3A_390, %mul3A_391 : i32
      %add3A_393 = arith.addi %mul3A_2, %mul3A_392 : i32
      %dma_wait3A_394 = arith.constant 1 : i32
      %dma_wait3A_395 = arith.constant 1 : i32
      %dma_wait3A_396 = arith.constant 0 : i32
      %dma_wait3A_397 = tpu.memref_slice %arg5[%dma_wait3A_394, %dma_wait3A_396] : memref<4x128xi32, #tpu.memory_space<vmem>> -> memref<1x128xi32, #tpu.memory_space<vmem>>
      %dma_wait3A_398 = tpu.memref_squeeze %dma_wait3A_397 : memref<1x128xi32, #tpu.memory_space<vmem>> -> memref<128xi32, #tpu.memory_space<vmem>>
      %dma_wait3A_399 = tpu.memref_slice %arg2[%add3A_393] : memref<640000xi32, #tpu.memory_space<hbm>> -> memref<128xi32, #tpu.memory_space<hbm>>
      %dma_wait3A_400 = tpu.memref_slice %arg10[%dma_wait3A_395] : memref<4x!tpu.dma_semaphore, #tpu.memory_space<semaphore_mem>> -> memref<1x!tpu.dma_semaphore, #tpu.memory_space<semaphore_mem>>
      %dma_wait3A_401 = tpu.memref_squeeze %dma_wait3A_400 : memref<1x!tpu.dma_semaphore, #tpu.memory_space<semaphore_mem>> -> memref<!tpu.dma_semaphore, #tpu.memory_space<semaphore_mem>>
      %dma_wait3A_402 = arith.constant 0 : i32
      %dma_wait3A_403 = tpu.memref_slice %arg5[%dma_wait3A_394, %dma_wait3A_402] : memref<4x128xi32, #tpu.memory_space<vmem>> -> memref<1x128xi32, #tpu.memory_space<vmem>>
      %dma_wait3A_404 = tpu.memref_squeeze %dma_wait3A_403 : memref<1x128xi32, #tpu.memory_space<vmem>> -> memref<128xi32, #tpu.memory_space<vmem>>
      %dma_wait3A_405 = tpu.memref_slice %arg2[%add3A_393] : memref<640000xi32, #tpu.memory_space<hbm>> -> memref<128xi32, #tpu.memory_space<hbm>>
      tpu.wait_dma2 semaphore(%dma_wait3A_401 : memref<!tpu.dma_semaphore, #tpu.memory_space<semaphore_mem>>) src(%dma_wait3A_405 : memref<128xi32, #tpu.memory_space<hbm>>) dst(%dma_wait3A_404 : memref<128xi32, #tpu.memory_space<vmem>>)
      %dma_wait3A_406 = arith.constant 3 : i32
      %dma_wait3A_407 = arith.constant 3 : i32
      %dma_wait3A_408 = arith.constant 0 : i32
      %dma_wait3A_409 = tpu.memref_slice %arg5[%dma_wait3A_406, %dma_wait3A_408] : memref<4x128xi32, #tpu.memory_space<vmem>> -> memref<1x128xi32, #tpu.memory_space<vmem>>
      %dma_wait3A_410 = tpu.memref_squeeze %dma_wait3A_409 : memref<1x128xi32, #tpu.memory_space<vmem>> -> memref<128xi32, #tpu.memory_space<vmem>>
      %dma_wait3A_411 = arith.constant 0 : i32
      %dma_wait3A_412 = tpu.memref_slice %arg9[%dma_wait3A_411] : memref<10240xf32, #tpu.memory_space<vmem_shared>> -> memref<10240xf32, #tpu.memory_space<vmem_shared>>
      %dma_wait3A_413 = tpu.memref_slice %arg11[%dma_wait3A_407] : memref<4x!tpu.dma_semaphore, #tpu.memory_space<semaphore_mem>> -> memref<1x!tpu.dma_semaphore, #tpu.memory_space<semaphore_mem>>
      %dma_wait3A_414 = tpu.memref_squeeze %dma_wait3A_413 : memref<1x!tpu.dma_semaphore, #tpu.memory_space<semaphore_mem>> -> memref<!tpu.dma_semaphore, #tpu.memory_space<semaphore_mem>>
      tpu.wait_indirect_dma semaphore(%dma_wait3A_414 : memref<!tpu.dma_semaphore, #tpu.memory_space<semaphore_mem>>) src(%arg7 : memref<128xf32, #tpu.memory_space<vmem>>) dst(%dma_wait3A_412 : memref<10240xf32, #tpu.memory_space<vmem_shared>>)
      %add3A_415 = arith.constant 2 : i32
      %add3A_416 = arith.addi %add3A_390, %add3A_415 : i32
      %mul3A_417 = arith.constant 128 : i32
      %mul3A_418 = arith.muli %add3A_416, %mul3A_417 : i32
      %add3A_419 = arith.addi %mul3A_2, %mul3A_418 : i32
      %dma_start3A_420 = arith.constant 3 : i32
      %dma_start3A_421 = arith.constant 3 : i32
      %dma_start3A_422 = arith.constant 0 : i32
      %dma_start3A_423 = tpu.memref_slice %arg5[%dma_start3A_420, %dma_start3A_422] : memref<4x128xi32, #tpu.memory_space<vmem>> -> memref<1x128xi32, #tpu.memory_space<vmem>>
      %dma_start3A_424 = tpu.memref_squeeze %dma_start3A_423 : memref<1x128xi32, #tpu.memory_space<vmem>> -> memref<128xi32, #tpu.memory_space<vmem>>
      %dma_start3A_425 = tpu.memref_slice %arg2[%add3A_419] : memref<640000xi32, #tpu.memory_space<hbm>> -> memref<128xi32, #tpu.memory_space<hbm>>
      %dma_start3A_426 = tpu.memref_slice %arg10[%dma_start3A_421] : memref<4x!tpu.dma_semaphore, #tpu.memory_space<semaphore_mem>> -> memref<1x!tpu.dma_semaphore, #tpu.memory_space<semaphore_mem>>
      %dma_start3A_427 = tpu.memref_squeeze %dma_start3A_426 : memref<1x!tpu.dma_semaphore, #tpu.memory_space<semaphore_mem>> -> memref<!tpu.dma_semaphore, #tpu.memory_space<semaphore_mem>>
      %dma_start3A_428 = arith.constant 0 : i32
      %dma_start3A_429 = tpu.memref_slice %arg5[%dma_start3A_420, %dma_start3A_428] : memref<4x128xi32, #tpu.memory_space<vmem>> -> memref<1x128xi32, #tpu.memory_space<vmem>>
      %dma_start3A_430 = tpu.memref_squeeze %dma_start3A_429 : memref<1x128xi32, #tpu.memory_space<vmem>> -> memref<128xi32, #tpu.memory_space<vmem>>
      %dma_start3A_431 = tpu.memref_slice %arg2[%add3A_419] : memref<640000xi32, #tpu.memory_space<hbm>> -> memref<128xi32, #tpu.memory_space<hbm>>
      tpu.enqueue_dma source(%dma_start3A_431 : memref<128xi32, #tpu.memory_space<hbm>>) target(%dma_start3A_430 : memref<128xi32, #tpu.memory_space<vmem>>) target_semaphore(%dma_start3A_427 : memref<!tpu.dma_semaphore, #tpu.memory_space<semaphore_mem>>)
      %dma_start3A_432 = arith.constant 1 : i32
      %dma_start3A_433 = arith.constant 1 : i32
      %dma_start3A_434 = arith.constant 0 : i32
      %dma_start3A_435 = tpu.memref_slice %arg5[%dma_start3A_432, %dma_start3A_434] : memref<4x128xi32, #tpu.memory_space<vmem>> -> memref<1x128xi32, #tpu.memory_space<vmem>>
      %dma_start3A_436 = tpu.memref_squeeze %dma_start3A_435 : memref<1x128xi32, #tpu.memory_space<vmem>> -> memref<128xi32, #tpu.memory_space<vmem>>
      %dma_start3A_437 = arith.constant 0 : i32
      %dma_start3A_438 = tpu.memref_slice %arg9[%dma_start3A_437] : memref<10240xf32, #tpu.memory_space<vmem_shared>> -> memref<10240xf32, #tpu.memory_space<vmem_shared>>
      %dma_start3A_439 = tpu.memref_slice %arg11[%dma_start3A_433] : memref<4x!tpu.dma_semaphore, #tpu.memory_space<semaphore_mem>> -> memref<1x!tpu.dma_semaphore, #tpu.memory_space<semaphore_mem>>
      %dma_start3A_440 = tpu.memref_squeeze %dma_start3A_439 : memref<1x!tpu.dma_semaphore, #tpu.memory_space<semaphore_mem>> -> memref<!tpu.dma_semaphore, #tpu.memory_space<semaphore_mem>>
      tpu.enqueue_indirect_dma source(%arg7 : memref<128xf32, #tpu.memory_space<vmem>>) target(%dma_start3A_438 : memref<10240xf32, #tpu.memory_space<vmem_shared>>) offsets(%dma_start3A_436 : memref<128xi32, #tpu.memory_space<vmem>>) semaphore(%dma_start3A_440 : memref<!tpu.dma_semaphore, #tpu.memory_space<semaphore_mem>>) {add = true}
      %add3A_441 = arith.constant 2 : i32
      %add3A_442 = arith.addi %mul3A_336, %add3A_441 : i32
      %mul3A_443 = arith.constant 128 : i32
      %mul3A_444 = arith.muli %add3A_442, %mul3A_443 : i32
      %add3A_445 = arith.addi %mul3A_2, %mul3A_444 : i32
      %dma_wait3A_446 = arith.constant 2 : i32
      %dma_wait3A_447 = arith.constant 2 : i32
      %dma_wait3A_448 = arith.constant 0 : i32
      %dma_wait3A_449 = tpu.memref_slice %arg5[%dma_wait3A_446, %dma_wait3A_448] : memref<4x128xi32, #tpu.memory_space<vmem>> -> memref<1x128xi32, #tpu.memory_space<vmem>>
      %dma_wait3A_450 = tpu.memref_squeeze %dma_wait3A_449 : memref<1x128xi32, #tpu.memory_space<vmem>> -> memref<128xi32, #tpu.memory_space<vmem>>
      %dma_wait3A_451 = tpu.memref_slice %arg2[%add3A_445] : memref<640000xi32, #tpu.memory_space<hbm>> -> memref<128xi32, #tpu.memory_space<hbm>>
      %dma_wait3A_452 = tpu.memref_slice %arg10[%dma_wait3A_447] : memref<4x!tpu.dma_semaphore, #tpu.memory_space<semaphore_mem>> -> memref<1x!tpu.dma_semaphore, #tpu.memory_space<semaphore_mem>>
      %dma_wait3A_453 = tpu.memref_squeeze %dma_wait3A_452 : memref<1x!tpu.dma_semaphore, #tpu.memory_space<semaphore_mem>> -> memref<!tpu.dma_semaphore, #tpu.memory_space<semaphore_mem>>
      %dma_wait3A_454 = arith.constant 0 : i32
      %dma_wait3A_455 = tpu.memref_slice %arg5[%dma_wait3A_446, %dma_wait3A_454] : memref<4x128xi32, #tpu.memory_space<vmem>> -> memref<1x128xi32, #tpu.memory_space<vmem>>
      %dma_wait3A_456 = tpu.memref_squeeze %dma_wait3A_455 : memref<1x128xi32, #tpu.memory_space<vmem>> -> memref<128xi32, #tpu.memory_space<vmem>>
      %dma_wait3A_457 = tpu.memref_slice %arg2[%add3A_445] : memref<640000xi32, #tpu.memory_space<hbm>> -> memref<128xi32, #tpu.memory_space<hbm>>
      tpu.wait_dma2 semaphore(%dma_wait3A_453 : memref<!tpu.dma_semaphore, #tpu.memory_space<semaphore_mem>>) src(%dma_wait3A_457 : memref<128xi32, #tpu.memory_space<hbm>>) dst(%dma_wait3A_456 : memref<128xi32, #tpu.memory_space<vmem>>)
      %dma_wait3A_458 = arith.constant 0 : i32
      %dma_wait3A_459 = arith.constant 0 : i32
      %dma_wait3A_460 = arith.constant 0 : i32
      %dma_wait3A_461 = tpu.memref_slice %arg5[%dma_wait3A_458, %dma_wait3A_460] : memref<4x128xi32, #tpu.memory_space<vmem>> -> memref<1x128xi32, #tpu.memory_space<vmem>>
      %dma_wait3A_462 = tpu.memref_squeeze %dma_wait3A_461 : memref<1x128xi32, #tpu.memory_space<vmem>> -> memref<128xi32, #tpu.memory_space<vmem>>
      %dma_wait3A_463 = arith.constant 0 : i32
      %dma_wait3A_464 = tpu.memref_slice %arg9[%dma_wait3A_463] : memref<10240xf32, #tpu.memory_space<vmem_shared>> -> memref<10240xf32, #tpu.memory_space<vmem_shared>>
      %dma_wait3A_465 = tpu.memref_slice %arg11[%dma_wait3A_459] : memref<4x!tpu.dma_semaphore, #tpu.memory_space<semaphore_mem>> -> memref<1x!tpu.dma_semaphore, #tpu.memory_space<semaphore_mem>>
      %dma_wait3A_466 = tpu.memref_squeeze %dma_wait3A_465 : memref<1x!tpu.dma_semaphore, #tpu.memory_space<semaphore_mem>> -> memref<!tpu.dma_semaphore, #tpu.memory_space<semaphore_mem>>
      tpu.wait_indirect_dma semaphore(%dma_wait3A_466 : memref<!tpu.dma_semaphore, #tpu.memory_space<semaphore_mem>>) src(%arg7 : memref<128xf32, #tpu.memory_space<vmem>>) dst(%dma_wait3A_464 : memref<10240xf32, #tpu.memory_space<vmem_shared>>)
      %add3A_467 = arith.constant 2 : i32
      %add3A_468 = arith.addi %add3A_442, %add3A_467 : i32
      %mul3A_469 = arith.constant 128 : i32
      %mul3A_470 = arith.muli %add3A_468, %mul3A_469 : i32
      %add3A_471 = arith.addi %mul3A_2, %mul3A_470 : i32
      %dma_start3A_472 = arith.constant 0 : i32
      %dma_start3A_473 = arith.constant 0 : i32
      %dma_start3A_474 = arith.constant 0 : i32
      %dma_start3A_475 = tpu.memref_slice %arg5[%dma_start3A_472, %dma_start3A_474] : memref<4x128xi32, #tpu.memory_space<vmem>> -> memref<1x128xi32, #tpu.memory_space<vmem>>
      %dma_start3A_476 = tpu.memref_squeeze %dma_start3A_475 : memref<1x128xi32, #tpu.memory_space<vmem>> -> memref<128xi32, #tpu.memory_space<vmem>>
      %dma_start3A_477 = tpu.memref_slice %arg2[%add3A_471] : memref<640000xi32, #tpu.memory_space<hbm>> -> memref<128xi32, #tpu.memory_space<hbm>>
      %dma_start3A_478 = tpu.memref_slice %arg10[%dma_start3A_473] : memref<4x!tpu.dma_semaphore, #tpu.memory_space<semaphore_mem>> -> memref<1x!tpu.dma_semaphore, #tpu.memory_space<semaphore_mem>>
      %dma_start3A_479 = tpu.memref_squeeze %dma_start3A_478 : memref<1x!tpu.dma_semaphore, #tpu.memory_space<semaphore_mem>> -> memref<!tpu.dma_semaphore, #tpu.memory_space<semaphore_mem>>
      %dma_start3A_480 = arith.constant 0 : i32
      %dma_start3A_481 = tpu.memref_slice %arg5[%dma_start3A_472, %dma_start3A_480] : memref<4x128xi32, #tpu.memory_space<vmem>> -> memref<1x128xi32, #tpu.memory_space<vmem>>
      %dma_start3A_482 = tpu.memref_squeeze %dma_start3A_481 : memref<1x128xi32, #tpu.memory_space<vmem>> -> memref<128xi32, #tpu.memory_space<vmem>>
      %dma_start3A_483 = tpu.memref_slice %arg2[%add3A_471] : memref<640000xi32, #tpu.memory_space<hbm>> -> memref<128xi32, #tpu.memory_space<hbm>>
      tpu.enqueue_dma source(%dma_start3A_483 : memref<128xi32, #tpu.memory_space<hbm>>) target(%dma_start3A_482 : memref<128xi32, #tpu.memory_space<vmem>>) target_semaphore(%dma_start3A_479 : memref<!tpu.dma_semaphore, #tpu.memory_space<semaphore_mem>>)
      %dma_start3A_484 = arith.constant 2 : i32
      %dma_start3A_485 = arith.constant 2 : i32
      %dma_start3A_486 = arith.constant 0 : i32
      %dma_start3A_487 = tpu.memref_slice %arg5[%dma_start3A_484, %dma_start3A_486] : memref<4x128xi32, #tpu.memory_space<vmem>> -> memref<1x128xi32, #tpu.memory_space<vmem>>
      %dma_start3A_488 = tpu.memref_squeeze %dma_start3A_487 : memref<1x128xi32, #tpu.memory_space<vmem>> -> memref<128xi32, #tpu.memory_space<vmem>>
      %dma_start3A_489 = arith.constant 0 : i32
      %dma_start3A_490 = tpu.memref_slice %arg9[%dma_start3A_489] : memref<10240xf32, #tpu.memory_space<vmem_shared>> -> memref<10240xf32, #tpu.memory_space<vmem_shared>>
      %dma_start3A_491 = tpu.memref_slice %arg11[%dma_start3A_485] : memref<4x!tpu.dma_semaphore, #tpu.memory_space<semaphore_mem>> -> memref<1x!tpu.dma_semaphore, #tpu.memory_space<semaphore_mem>>
      %dma_start3A_492 = tpu.memref_squeeze %dma_start3A_491 : memref<1x!tpu.dma_semaphore, #tpu.memory_space<semaphore_mem>> -> memref<!tpu.dma_semaphore, #tpu.memory_space<semaphore_mem>>
      tpu.enqueue_indirect_dma source(%arg7 : memref<128xf32, #tpu.memory_space<vmem>>) target(%dma_start3A_490 : memref<10240xf32, #tpu.memory_space<vmem_shared>>) offsets(%dma_start3A_488 : memref<128xi32, #tpu.memory_space<vmem>>) semaphore(%dma_start3A_492 : memref<!tpu.dma_semaphore, #tpu.memory_space<semaphore_mem>>) {add = true}
      %add3A_493 = arith.constant 3 : i32
      %add3A_494 = arith.addi %mul3A_336, %add3A_493 : i32
      %mul3A_495 = arith.constant 128 : i32
      %mul3A_496 = arith.muli %add3A_494, %mul3A_495 : i32
      %add3A_497 = arith.addi %mul3A_2, %mul3A_496 : i32
      %dma_wait3A_498 = arith.constant 3 : i32
      %dma_wait3A_499 = arith.constant 3 : i32
      %dma_wait3A_500 = arith.constant 0 : i32
      %dma_wait3A_501 = tpu.memref_slice %arg5[%dma_wait3A_498, %dma_wait3A_500] : memref<4x128xi32, #tpu.memory_space<vmem>> -> memref<1x128xi32, #tpu.memory_space<vmem>>
      %dma_wait3A_502 = tpu.memref_squeeze %dma_wait3A_501 : memref<1x128xi32, #tpu.memory_space<vmem>> -> memref<128xi32, #tpu.memory_space<vmem>>
      %dma_wait3A_503 = tpu.memref_slice %arg2[%add3A_497] : memref<640000xi32, #tpu.memory_space<hbm>> -> memref<128xi32, #tpu.memory_space<hbm>>
      %dma_wait3A_504 = tpu.memref_slice %arg10[%dma_wait3A_499] : memref<4x!tpu.dma_semaphore, #tpu.memory_space<semaphore_mem>> -> memref<1x!tpu.dma_semaphore, #tpu.memory_space<semaphore_mem>>
      %dma_wait3A_505 = tpu.memref_squeeze %dma_wait3A_504 : memref<1x!tpu.dma_semaphore, #tpu.memory_space<semaphore_mem>> -> memref<!tpu.dma_semaphore, #tpu.memory_space<semaphore_mem>>
      %dma_wait3A_506 = arith.constant 0 : i32
      %dma_wait3A_507 = tpu.memref_slice %arg5[%dma_wait3A_498, %dma_wait3A_506] : memref<4x128xi32, #tpu.memory_space<vmem>> -> memref<1x128xi32, #tpu.memory_space<vmem>>
      %dma_wait3A_508 = tpu.memref_squeeze %dma_wait3A_507 : memref<1x128xi32, #tpu.memory_space<vmem>> -> memref<128xi32, #tpu.memory_space<vmem>>
      %dma_wait3A_509 = tpu.memref_slice %arg2[%add3A_497] : memref<640000xi32, #tpu.memory_space<hbm>> -> memref<128xi32, #tpu.memory_space<hbm>>
      tpu.wait_dma2 semaphore(%dma_wait3A_505 : memref<!tpu.dma_semaphore, #tpu.memory_space<semaphore_mem>>) src(%dma_wait3A_509 : memref<128xi32, #tpu.memory_space<hbm>>) dst(%dma_wait3A_508 : memref<128xi32, #tpu.memory_space<vmem>>)
      %dma_wait3A_510 = arith.constant 1 : i32
      %dma_wait3A_511 = arith.constant 1 : i32
      %dma_wait3A_512 = arith.constant 0 : i32
      %dma_wait3A_513 = tpu.memref_slice %arg5[%dma_wait3A_510, %dma_wait3A_512] : memref<4x128xi32, #tpu.memory_space<vmem>> -> memref<1x128xi32, #tpu.memory_space<vmem>>
      %dma_wait3A_514 = tpu.memref_squeeze %dma_wait3A_513 : memref<1x128xi32, #tpu.memory_space<vmem>> -> memref<128xi32, #tpu.memory_space<vmem>>
      %dma_wait3A_515 = arith.constant 0 : i32
      %dma_wait3A_516 = tpu.memref_slice %arg9[%dma_wait3A_515] : memref<10240xf32, #tpu.memory_space<vmem_shared>> -> memref<10240xf32, #tpu.memory_space<vmem_shared>>
      %dma_wait3A_517 = tpu.memref_slice %arg11[%dma_wait3A_511] : memref<4x!tpu.dma_semaphore, #tpu.memory_space<semaphore_mem>> -> memref<1x!tpu.dma_semaphore, #tpu.memory_space<semaphore_mem>>
      %dma_wait3A_518 = tpu.memref_squeeze %dma_wait3A_517 : memref<1x!tpu.dma_semaphore, #tpu.memory_space<semaphore_mem>> -> memref<!tpu.dma_semaphore, #tpu.memory_space<semaphore_mem>>
      tpu.wait_indirect_dma semaphore(%dma_wait3A_518 : memref<!tpu.dma_semaphore, #tpu.memory_space<semaphore_mem>>) src(%arg7 : memref<128xf32, #tpu.memory_space<vmem>>) dst(%dma_wait3A_516 : memref<10240xf32, #tpu.memory_space<vmem_shared>>)
      %add3A_519 = arith.constant 2 : i32
      %add3A_520 = arith.addi %add3A_494, %add3A_519 : i32
      %mul3A_521 = arith.constant 128 : i32
      %mul3A_522 = arith.muli %add3A_520, %mul3A_521 : i32
      %add3A_523 = arith.addi %mul3A_2, %mul3A_522 : i32
      %dma_start3A_524 = arith.constant 1 : i32
      %dma_start3A_525 = arith.constant 1 : i32
      %dma_start3A_526 = arith.constant 0 : i32
      %dma_start3A_527 = tpu.memref_slice %arg5[%dma_start3A_524, %dma_start3A_526] : memref<4x128xi32, #tpu.memory_space<vmem>> -> memref<1x128xi32, #tpu.memory_space<vmem>>
      %dma_start3A_528 = tpu.memref_squeeze %dma_start3A_527 : memref<1x128xi32, #tpu.memory_space<vmem>> -> memref<128xi32, #tpu.memory_space<vmem>>
      %dma_start3A_529 = tpu.memref_slice %arg2[%add3A_523] : memref<640000xi32, #tpu.memory_space<hbm>> -> memref<128xi32, #tpu.memory_space<hbm>>
      %dma_start3A_530 = tpu.memref_slice %arg10[%dma_start3A_525] : memref<4x!tpu.dma_semaphore, #tpu.memory_space<semaphore_mem>> -> memref<1x!tpu.dma_semaphore, #tpu.memory_space<semaphore_mem>>
      %dma_start3A_531 = tpu.memref_squeeze %dma_start3A_530 : memref<1x!tpu.dma_semaphore, #tpu.memory_space<semaphore_mem>> -> memref<!tpu.dma_semaphore, #tpu.memory_space<semaphore_mem>>
      %dma_start3A_532 = arith.constant 0 : i32
      %dma_start3A_533 = tpu.memref_slice %arg5[%dma_start3A_524, %dma_start3A_532] : memref<4x128xi32, #tpu.memory_space<vmem>> -> memref<1x128xi32, #tpu.memory_space<vmem>>
      %dma_start3A_534 = tpu.memref_squeeze %dma_start3A_533 : memref<1x128xi32, #tpu.memory_space<vmem>> -> memref<128xi32, #tpu.memory_space<vmem>>
      %dma_start3A_535 = tpu.memref_slice %arg2[%add3A_523] : memref<640000xi32, #tpu.memory_space<hbm>> -> memref<128xi32, #tpu.memory_space<hbm>>
      tpu.enqueue_dma source(%dma_start3A_535 : memref<128xi32, #tpu.memory_space<hbm>>) target(%dma_start3A_534 : memref<128xi32, #tpu.memory_space<vmem>>) target_semaphore(%dma_start3A_531 : memref<!tpu.dma_semaphore, #tpu.memory_space<semaphore_mem>>)
      %dma_start3A_536 = arith.constant 3 : i32
      %dma_start3A_537 = arith.constant 3 : i32
      %dma_start3A_538 = arith.constant 0 : i32
      %dma_start3A_539 = tpu.memref_slice %arg5[%dma_start3A_536, %dma_start3A_538] : memref<4x128xi32, #tpu.memory_space<vmem>> -> memref<1x128xi32, #tpu.memory_space<vmem>>
      %dma_start3A_540 = tpu.memref_squeeze %dma_start3A_539 : memref<1x128xi32, #tpu.memory_space<vmem>> -> memref<128xi32, #tpu.memory_space<vmem>>
      %dma_start3A_541 = arith.constant 0 : i32
      %dma_start3A_542 = tpu.memref_slice %arg9[%dma_start3A_541] : memref<10240xf32, #tpu.memory_space<vmem_shared>> -> memref<10240xf32, #tpu.memory_space<vmem_shared>>
      %dma_start3A_543 = tpu.memref_slice %arg11[%dma_start3A_537] : memref<4x!tpu.dma_semaphore, #tpu.memory_space<semaphore_mem>> -> memref<1x!tpu.dma_semaphore, #tpu.memory_space<semaphore_mem>>
      %dma_start3A_544 = tpu.memref_squeeze %dma_start3A_543 : memref<1x!tpu.dma_semaphore, #tpu.memory_space<semaphore_mem>> -> memref<!tpu.dma_semaphore, #tpu.memory_space<semaphore_mem>>
      tpu.enqueue_indirect_dma source(%arg7 : memref<128xf32, #tpu.memory_space<vmem>>) target(%dma_start3A_542 : memref<10240xf32, #tpu.memory_space<vmem_shared>>) offsets(%dma_start3A_540 : memref<128xi32, #tpu.memory_space<vmem>>) semaphore(%dma_start3A_544 : memref<!tpu.dma_semaphore, #tpu.memory_space<semaphore_mem>>) {add = true}
    }
    %scan3A_241 = arith.constant 18 : i32
    %add3A_242 = arith.constant 9728 : i32
    %add3A_243 = arith.addi %mul3A_2, %add3A_242 : i32
    %dma_wait3A_244 = arith.constant 0 : i32
    %dma_wait3A_245 = arith.constant 0 : i32
    %dma_wait3A_246 = arith.constant 0 : i32
    %dma_wait3A_247 = tpu.memref_slice %arg5[%dma_wait3A_244, %dma_wait3A_246] : memref<4x128xi32, #tpu.memory_space<vmem>> -> memref<1x128xi32, #tpu.memory_space<vmem>>
    %dma_wait3A_248 = tpu.memref_squeeze %dma_wait3A_247 : memref<1x128xi32, #tpu.memory_space<vmem>> -> memref<128xi32, #tpu.memory_space<vmem>>
    %dma_wait3A_249 = tpu.memref_slice %arg2[%add3A_243] : memref<640000xi32, #tpu.memory_space<hbm>> -> memref<128xi32, #tpu.memory_space<hbm>>
    %dma_wait3A_250 = tpu.memref_slice %arg10[%dma_wait3A_245] : memref<4x!tpu.dma_semaphore, #tpu.memory_space<semaphore_mem>> -> memref<1x!tpu.dma_semaphore, #tpu.memory_space<semaphore_mem>>
    %dma_wait3A_251 = tpu.memref_squeeze %dma_wait3A_250 : memref<1x!tpu.dma_semaphore, #tpu.memory_space<semaphore_mem>> -> memref<!tpu.dma_semaphore, #tpu.memory_space<semaphore_mem>>
    %dma_wait3A_252 = arith.constant 0 : i32
    %dma_wait3A_253 = tpu.memref_slice %arg5[%dma_wait3A_244, %dma_wait3A_252] : memref<4x128xi32, #tpu.memory_space<vmem>> -> memref<1x128xi32, #tpu.memory_space<vmem>>
    %dma_wait3A_254 = tpu.memref_squeeze %dma_wait3A_253 : memref<1x128xi32, #tpu.memory_space<vmem>> -> memref<128xi32, #tpu.memory_space<vmem>>
    %dma_wait3A_255 = tpu.memref_slice %arg2[%add3A_243] : memref<640000xi32, #tpu.memory_space<hbm>> -> memref<128xi32, #tpu.memory_space<hbm>>
    tpu.wait_dma2 semaphore(%dma_wait3A_251 : memref<!tpu.dma_semaphore, #tpu.memory_space<semaphore_mem>>) src(%dma_wait3A_255 : memref<128xi32, #tpu.memory_space<hbm>>) dst(%dma_wait3A_254 : memref<128xi32, #tpu.memory_space<vmem>>)
    %dma_wait3A_256 = arith.constant 2 : i32
    %dma_wait3A_257 = arith.constant 2 : i32
    %dma_wait3A_258 = arith.constant 0 : i32
    %dma_wait3A_259 = tpu.memref_slice %arg5[%dma_wait3A_256, %dma_wait3A_258] : memref<4x128xi32, #tpu.memory_space<vmem>> -> memref<1x128xi32, #tpu.memory_space<vmem>>
    %dma_wait3A_260 = tpu.memref_squeeze %dma_wait3A_259 : memref<1x128xi32, #tpu.memory_space<vmem>> -> memref<128xi32, #tpu.memory_space<vmem>>
    %dma_wait3A_261 = arith.constant 0 : i32
    %dma_wait3A_262 = tpu.memref_slice %arg9[%dma_wait3A_261] : memref<10240xf32, #tpu.memory_space<vmem_shared>> -> memref<10240xf32, #tpu.memory_space<vmem_shared>>
    %dma_wait3A_263 = tpu.memref_slice %arg11[%dma_wait3A_257] : memref<4x!tpu.dma_semaphore, #tpu.memory_space<semaphore_mem>> -> memref<1x!tpu.dma_semaphore, #tpu.memory_space<semaphore_mem>>
    %dma_wait3A_264 = tpu.memref_squeeze %dma_wait3A_263 : memref<1x!tpu.dma_semaphore, #tpu.memory_space<semaphore_mem>> -> memref<!tpu.dma_semaphore, #tpu.memory_space<semaphore_mem>>
    tpu.wait_indirect_dma semaphore(%dma_wait3A_264 : memref<!tpu.dma_semaphore, #tpu.memory_space<semaphore_mem>>) src(%arg7 : memref<128xf32, #tpu.memory_space<vmem>>) dst(%dma_wait3A_262 : memref<10240xf32, #tpu.memory_space<vmem_shared>>)
    %dma_start3A_265 = arith.constant 0 : i32
    %dma_start3A_266 = arith.constant 0 : i32
    %dma_start3A_267 = arith.constant 0 : i32
    %dma_start3A_268 = tpu.memref_slice %arg5[%dma_start3A_265, %dma_start3A_267] : memref<4x128xi32, #tpu.memory_space<vmem>> -> memref<1x128xi32, #tpu.memory_space<vmem>>
    %dma_start3A_269 = tpu.memref_squeeze %dma_start3A_268 : memref<1x128xi32, #tpu.memory_space<vmem>> -> memref<128xi32, #tpu.memory_space<vmem>>
    %dma_start3A_270 = arith.constant 0 : i32
    %dma_start3A_271 = tpu.memref_slice %arg9[%dma_start3A_270] : memref<10240xf32, #tpu.memory_space<vmem_shared>> -> memref<10240xf32, #tpu.memory_space<vmem_shared>>
    %dma_start3A_272 = tpu.memref_slice %arg11[%dma_start3A_266] : memref<4x!tpu.dma_semaphore, #tpu.memory_space<semaphore_mem>> -> memref<1x!tpu.dma_semaphore, #tpu.memory_space<semaphore_mem>>
    %dma_start3A_273 = tpu.memref_squeeze %dma_start3A_272 : memref<1x!tpu.dma_semaphore, #tpu.memory_space<semaphore_mem>> -> memref<!tpu.dma_semaphore, #tpu.memory_space<semaphore_mem>>
    tpu.enqueue_indirect_dma source(%arg7 : memref<128xf32, #tpu.memory_space<vmem>>) target(%dma_start3A_271 : memref<10240xf32, #tpu.memory_space<vmem_shared>>) offsets(%dma_start3A_269 : memref<128xi32, #tpu.memory_space<vmem>>) semaphore(%dma_start3A_273 : memref<!tpu.dma_semaphore, #tpu.memory_space<semaphore_mem>>) {add = true}
    %add3A_274 = arith.constant 9856 : i32
    %add3A_275 = arith.addi %mul3A_2, %add3A_274 : i32
    %dma_wait3A_276 = arith.constant 1 : i32
    %dma_wait3A_277 = arith.constant 1 : i32
    %dma_wait3A_278 = arith.constant 0 : i32
    %dma_wait3A_279 = tpu.memref_slice %arg5[%dma_wait3A_276, %dma_wait3A_278] : memref<4x128xi32, #tpu.memory_space<vmem>> -> memref<1x128xi32, #tpu.memory_space<vmem>>
    %dma_wait3A_280 = tpu.memref_squeeze %dma_wait3A_279 : memref<1x128xi32, #tpu.memory_space<vmem>> -> memref<128xi32, #tpu.memory_space<vmem>>
    %dma_wait3A_281 = tpu.memref_slice %arg2[%add3A_275] : memref<640000xi32, #tpu.memory_space<hbm>> -> memref<128xi32, #tpu.memory_space<hbm>>
    %dma_wait3A_282 = tpu.memref_slice %arg10[%dma_wait3A_277] : memref<4x!tpu.dma_semaphore, #tpu.memory_space<semaphore_mem>> -> memref<1x!tpu.dma_semaphore, #tpu.memory_space<semaphore_mem>>
    %dma_wait3A_283 = tpu.memref_squeeze %dma_wait3A_282 : memref<1x!tpu.dma_semaphore, #tpu.memory_space<semaphore_mem>> -> memref<!tpu.dma_semaphore, #tpu.memory_space<semaphore_mem>>
    %dma_wait3A_284 = arith.constant 0 : i32
    %dma_wait3A_285 = tpu.memref_slice %arg5[%dma_wait3A_276, %dma_wait3A_284] : memref<4x128xi32, #tpu.memory_space<vmem>> -> memref<1x128xi32, #tpu.memory_space<vmem>>
    %dma_wait3A_286 = tpu.memref_squeeze %dma_wait3A_285 : memref<1x128xi32, #tpu.memory_space<vmem>> -> memref<128xi32, #tpu.memory_space<vmem>>
    %dma_wait3A_287 = tpu.memref_slice %arg2[%add3A_275] : memref<640000xi32, #tpu.memory_space<hbm>> -> memref<128xi32, #tpu.memory_space<hbm>>
    tpu.wait_dma2 semaphore(%dma_wait3A_283 : memref<!tpu.dma_semaphore, #tpu.memory_space<semaphore_mem>>) src(%dma_wait3A_287 : memref<128xi32, #tpu.memory_space<hbm>>) dst(%dma_wait3A_286 : memref<128xi32, #tpu.memory_space<vmem>>)
    %dma_wait3A_288 = arith.constant 3 : i32
    %dma_wait3A_289 = arith.constant 3 : i32
    %dma_wait3A_290 = arith.constant 0 : i32
    %dma_wait3A_291 = tpu.memref_slice %arg5[%dma_wait3A_288, %dma_wait3A_290] : memref<4x128xi32, #tpu.memory_space<vmem>> -> memref<1x128xi32, #tpu.memory_space<vmem>>
    %dma_wait3A_292 = tpu.memref_squeeze %dma_wait3A_291 : memref<1x128xi32, #tpu.memory_space<vmem>> -> memref<128xi32, #tpu.memory_space<vmem>>
    %dma_wait3A_293 = arith.constant 0 : i32
    %dma_wait3A_294 = tpu.memref_slice %arg9[%dma_wait3A_293] : memref<10240xf32, #tpu.memory_space<vmem_shared>> -> memref<10240xf32, #tpu.memory_space<vmem_shared>>
    %dma_wait3A_295 = tpu.memref_slice %arg11[%dma_wait3A_289] : memref<4x!tpu.dma_semaphore, #tpu.memory_space<semaphore_mem>> -> memref<1x!tpu.dma_semaphore, #tpu.memory_space<semaphore_mem>>
    %dma_wait3A_296 = tpu.memref_squeeze %dma_wait3A_295 : memref<1x!tpu.dma_semaphore, #tpu.memory_space<semaphore_mem>> -> memref<!tpu.dma_semaphore, #tpu.memory_space<semaphore_mem>>
    tpu.wait_indirect_dma semaphore(%dma_wait3A_296 : memref<!tpu.dma_semaphore, #tpu.memory_space<semaphore_mem>>) src(%arg7 : memref<128xf32, #tpu.memory_space<vmem>>) dst(%dma_wait3A_294 : memref<10240xf32, #tpu.memory_space<vmem_shared>>)
    %dma_start3A_297 = arith.constant 1 : i32
    %dma_start3A_298 = arith.constant 1 : i32
    %dma_start3A_299 = arith.constant 0 : i32
    %dma_start3A_300 = tpu.memref_slice %arg5[%dma_start3A_297, %dma_start3A_299] : memref<4x128xi32, #tpu.memory_space<vmem>> -> memref<1x128xi32, #tpu.memory_space<vmem>>
    %dma_start3A_301 = tpu.memref_squeeze %dma_start3A_300 : memref<1x128xi32, #tpu.memory_space<vmem>> -> memref<128xi32, #tpu.memory_space<vmem>>
    %dma_start3A_302 = arith.constant 0 : i32
    %dma_start3A_303 = tpu.memref_slice %arg9[%dma_start3A_302] : memref<10240xf32, #tpu.memory_space<vmem_shared>> -> memref<10240xf32, #tpu.memory_space<vmem_shared>>
    %dma_start3A_304 = tpu.memref_slice %arg11[%dma_start3A_298] : memref<4x!tpu.dma_semaphore, #tpu.memory_space<semaphore_mem>> -> memref<1x!tpu.dma_semaphore, #tpu.memory_space<semaphore_mem>>
    %dma_start3A_305 = tpu.memref_squeeze %dma_start3A_304 : memref<1x!tpu.dma_semaphore, #tpu.memory_space<semaphore_mem>> -> memref<!tpu.dma_semaphore, #tpu.memory_space<semaphore_mem>>
    tpu.enqueue_indirect_dma source(%arg7 : memref<128xf32, #tpu.memory_space<vmem>>) target(%dma_start3A_303 : memref<10240xf32, #tpu.memory_space<vmem_shared>>) offsets(%dma_start3A_301 : memref<128xi32, #tpu.memory_space<vmem>>) semaphore(%dma_start3A_305 : memref<!tpu.dma_semaphore, #tpu.memory_space<semaphore_mem>>) {add = true}
    %dma_wait3A_306 = arith.constant 0 : i32
    %dma_wait3A_307 = arith.constant 0 : i32
    %dma_wait3A_308 = arith.constant 0 : i32
    %dma_wait3A_309 = tpu.memref_slice %arg5[%dma_wait3A_306, %dma_wait3A_308] : memref<4x128xi32, #tpu.memory_space<vmem>> -> memref<1x128xi32, #tpu.memory_space<vmem>>
    %dma_wait3A_310 = tpu.memref_squeeze %dma_wait3A_309 : memref<1x128xi32, #tpu.memory_space<vmem>> -> memref<128xi32, #tpu.memory_space<vmem>>
    %dma_wait3A_311 = arith.constant 0 : i32
    %dma_wait3A_312 = tpu.memref_slice %arg9[%dma_wait3A_311] : memref<10240xf32, #tpu.memory_space<vmem_shared>> -> memref<10240xf32, #tpu.memory_space<vmem_shared>>
    %dma_wait3A_313 = tpu.memref_slice %arg11[%dma_wait3A_307] : memref<4x!tpu.dma_semaphore, #tpu.memory_space<semaphore_mem>> -> memref<1x!tpu.dma_semaphore, #tpu.memory_space<semaphore_mem>>
    %dma_wait3A_314 = tpu.memref_squeeze %dma_wait3A_313 : memref<1x!tpu.dma_semaphore, #tpu.memory_space<semaphore_mem>> -> memref<!tpu.dma_semaphore, #tpu.memory_space<semaphore_mem>>
    tpu.wait_indirect_dma semaphore(%dma_wait3A_314 : memref<!tpu.dma_semaphore, #tpu.memory_space<semaphore_mem>>) src(%arg7 : memref<128xf32, #tpu.memory_space<vmem>>) dst(%dma_wait3A_312 : memref<10240xf32, #tpu.memory_space<vmem_shared>>)
    %dma_wait3A_315 = arith.constant 1 : i32
    %dma_wait3A_316 = arith.constant 1 : i32
    %dma_wait3A_317 = arith.constant 0 : i32
    %dma_wait3A_318 = tpu.memref_slice %arg5[%dma_wait3A_315, %dma_wait3A_317] : memref<4x128xi32, #tpu.memory_space<vmem>> -> memref<1x128xi32, #tpu.memory_space<vmem>>
    %dma_wait3A_319 = tpu.memref_squeeze %dma_wait3A_318 : memref<1x128xi32, #tpu.memory_space<vmem>> -> memref<128xi32, #tpu.memory_space<vmem>>
    %dma_wait3A_320 = arith.constant 0 : i32
    %dma_wait3A_321 = tpu.memref_slice %arg9[%dma_wait3A_320] : memref<10240xf32, #tpu.memory_space<vmem_shared>> -> memref<10240xf32, #tpu.memory_space<vmem_shared>>
    %dma_wait3A_322 = tpu.memref_slice %arg11[%dma_wait3A_316] : memref<4x!tpu.dma_semaphore, #tpu.memory_space<semaphore_mem>> -> memref<1x!tpu.dma_semaphore, #tpu.memory_space<semaphore_mem>>
    %dma_wait3A_323 = tpu.memref_squeeze %dma_wait3A_322 : memref<1x!tpu.dma_semaphore, #tpu.memory_space<semaphore_mem>> -> memref<!tpu.dma_semaphore, #tpu.memory_space<semaphore_mem>>
    tpu.wait_indirect_dma semaphore(%dma_wait3A_323 : memref<!tpu.dma_semaphore, #tpu.memory_space<semaphore_mem>>) src(%arg7 : memref<128xf32, #tpu.memory_space<vmem>>) dst(%dma_wait3A_321 : memref<10240xf32, #tpu.memory_space<vmem_shared>>)
    %add3A_324 = arith.constant 9984 : i32
    %add3A_325 = arith.addi %mul3A_2, %add3A_324 : i32
    "tpu.region"() ({
      %run_scoped3A = tpu.sem_alloc : memref<!tpu.dma_semaphore, #tpu.memory_space<semaphore_mem>>
      %dma_start3A_334 = tpu.memref_slice %arg2[%add3A_325] : memref<640000xi32, #tpu.memory_space<hbm>> -> memref<16xi32, #tpu.memory_space<hbm>>
      %dma_start3A_335 = tpu.memref_slice %arg2[%add3A_325] : memref<640000xi32, #tpu.memory_space<hbm>> -> memref<16xi32, #tpu.memory_space<hbm>>
      tpu.enqueue_dma source(%dma_start3A_335 : memref<16xi32, #tpu.memory_space<hbm>>) target(%arg6 : memref<16xi32, #tpu.memory_space<vmem>>) target_semaphore(%run_scoped3A : memref<!tpu.dma_semaphore, #tpu.memory_space<semaphore_mem>>)
      %dma_wait3A_336 = tpu.memref_slice %arg2[%add3A_325] : memref<640000xi32, #tpu.memory_space<hbm>> -> memref<16xi32, #tpu.memory_space<hbm>>
      %dma_wait3A_337 = tpu.memref_slice %arg2[%add3A_325] : memref<640000xi32, #tpu.memory_space<hbm>> -> memref<16xi32, #tpu.memory_space<hbm>>
      tpu.wait_dma2 semaphore(%run_scoped3A : memref<!tpu.dma_semaphore, #tpu.memory_space<semaphore_mem>>) src(%dma_wait3A_337 : memref<16xi32, #tpu.memory_space<hbm>>) dst(%arg6 : memref<16xi32, #tpu.memory_space<vmem>>)
      tpu.yield
    }) : () -> ()
    "tpu.region"() ({
      %run_scoped3A = tpu.sem_alloc : memref<!tpu.dma_semaphore, #tpu.memory_space<semaphore_mem>>
      %dma_start3A_334 = arith.constant 0 : i32
      %dma_start3A_335 = tpu.memref_slice %arg7[%dma_start3A_334] : memref<128xf32, #tpu.memory_space<vmem>> -> memref<16xf32, #tpu.memory_space<vmem>>
      %dma_start3A_336 = arith.constant 0 : i32
      %dma_start3A_337 = tpu.memref_slice %arg9[%dma_start3A_336] : memref<10240xf32, #tpu.memory_space<vmem_shared>> -> memref<10240xf32, #tpu.memory_space<vmem_shared>>
      tpu.enqueue_indirect_dma source(%dma_start3A_335 : memref<16xf32, #tpu.memory_space<vmem>>) target(%dma_start3A_337 : memref<10240xf32, #tpu.memory_space<vmem_shared>>) offsets(%arg6 : memref<16xi32, #tpu.memory_space<vmem>>) semaphore(%run_scoped3A : memref<!tpu.dma_semaphore, #tpu.memory_space<semaphore_mem>>) {add = true}
      %dma_wait3A_338 = arith.constant 0 : i32
      %dma_wait3A_339 = tpu.memref_slice %arg7[%dma_wait3A_338] : memref<128xf32, #tpu.memory_space<vmem>> -> memref<16xf32, #tpu.memory_space<vmem>>
      %dma_wait3A_340 = arith.constant 0 : i32
      %dma_wait3A_341 = tpu.memref_slice %arg9[%dma_wait3A_340] : memref<10240xf32, #tpu.memory_space<vmem_shared>> -> memref<10240xf32, #tpu.memory_space<vmem_shared>>
      tpu.wait_indirect_dma semaphore(%run_scoped3A : memref<!tpu.dma_semaphore, #tpu.memory_space<semaphore_mem>>) src(%dma_wait3A_339 : memref<16xf32, #tpu.memory_space<vmem>>) dst(%dma_wait3A_341 : memref<10240xf32, #tpu.memory_space<vmem_shared>>)
      tpu.yield
    }) : () -> ()
    %barrier3A_326 = arith.constant 0 : index
    tpu.barrier barrier_id(%barrier3A_326)
    %eq3A = arith.constant 0 : i32
    %eq3A_327 = arith.cmpi eq, %arg0, %eq3A : i32
    %convert_element_type3A = arith.extui %eq3A_327 : i1 to i32
    %cond3A = arith.constant 0 : i32
    %cond3A_328 = arith.cmpi ne, %convert_element_type3A, %cond3A : i32
    scf.if %cond3A_328 {
      %mul3A_334 = arith.constant 640 : i32
      %mul3A_335 = arith.muli %arg1, %mul3A_334 : i32
      %mul3A_336 = arith.constant 640 : i32
      %mul3A_337 = arith.muli %arg1, %mul3A_336 : i32
      "tpu.region"() ({
        %run_scoped3A = tpu.sem_alloc : memref<!tpu.dma_semaphore, #tpu.memory_space<semaphore_mem>>
        %dma_start3A_338 = tpu.memref_slice %arg3[%mul3A_337] : memref<10240xf32, #tpu.memory_space<hbm>> -> memref<640xf32, #tpu.memory_space<hbm>>
        %dma_start3A_339 = tpu.memref_slice %arg9[%mul3A_335] : memref<10240xf32, #tpu.memory_space<vmem_shared>> -> memref<640xf32, #tpu.memory_space<vmem_shared>>
        tpu.enqueue_dma source(%dma_start3A_339 : memref<640xf32, #tpu.memory_space<vmem_shared>>) target(%dma_start3A_338 : memref<640xf32, #tpu.memory_space<hbm>>) target_semaphore(%run_scoped3A : memref<!tpu.dma_semaphore, #tpu.memory_space<semaphore_mem>>)
        %dma_wait3A_340 = tpu.memref_slice %arg3[%mul3A_337] : memref<10240xf32, #tpu.memory_space<hbm>> -> memref<640xf32, #tpu.memory_space<hbm>>
        %dma_wait3A_341 = tpu.memref_slice %arg9[%mul3A_335] : memref<10240xf32, #tpu.memory_space<vmem_shared>> -> memref<640xf32, #tpu.memory_space<vmem_shared>>
        tpu.wait_dma2 semaphore(%run_scoped3A : memref<!tpu.dma_semaphore, #tpu.memory_space<semaphore_mem>>) src(%dma_wait3A_341 : memref<640xf32, #tpu.memory_space<vmem_shared>>) dst(%dma_wait3A_340 : memref<640xf32, #tpu.memory_space<hbm>>)
        tpu.yield
      }) : () -> ()
    } else {
    }
    %eq3A_329 = arith.constant 1 : i32
    %eq3A_330 = arith.cmpi eq, %arg0, %eq3A_329 : i32
    %convert_element_type3A_331 = arith.extui %eq3A_330 : i1 to i32
    %cond3A_332 = arith.constant 0 : i32
    %cond3A_333 = arith.cmpi ne, %convert_element_type3A_331, %cond3A_332 : i32
    scf.if %cond3A_333 {
      %mul3A_334 = arith.constant 640 : i32
      %mul3A_335 = arith.muli %arg1, %mul3A_334 : i32
      %mul3A_336 = arith.constant 640 : i32
      %mul3A_337 = arith.muli %arg1, %mul3A_336 : i32
      "tpu.region"() ({
        %run_scoped3A = tpu.sem_alloc : memref<!tpu.dma_semaphore, #tpu.memory_space<semaphore_mem>>
        %dma_start3A_338 = tpu.memref_slice %arg4[%mul3A_337] : memref<10240xf32, #tpu.memory_space<hbm>> -> memref<640xf32, #tpu.memory_space<hbm>>
        %dma_start3A_339 = tpu.memref_slice %arg9[%mul3A_335] : memref<10240xf32, #tpu.memory_space<vmem_shared>> -> memref<640xf32, #tpu.memory_space<vmem_shared>>
        tpu.enqueue_dma source(%dma_start3A_339 : memref<640xf32, #tpu.memory_space<vmem_shared>>) target(%dma_start3A_338 : memref<640xf32, #tpu.memory_space<hbm>>) target_semaphore(%run_scoped3A : memref<!tpu.dma_semaphore, #tpu.memory_space<semaphore_mem>>)
        %dma_wait3A_340 = tpu.memref_slice %arg4[%mul3A_337] : memref<10240xf32, #tpu.memory_space<hbm>> -> memref<640xf32, #tpu.memory_space<hbm>>
        %dma_wait3A_341 = tpu.memref_slice %arg9[%mul3A_335] : memref<10240xf32, #tpu.memory_space<vmem_shared>> -> memref<640xf32, #tpu.memory_space<vmem_shared>>
        tpu.wait_dma2 semaphore(%run_scoped3A : memref<!tpu.dma_semaphore, #tpu.memory_space<semaphore_mem>>) src(%dma_wait3A_341 : memref<640xf32, #tpu.memory_space<vmem_shared>>) dst(%dma_wait3A_340 : memref<640xf32, #tpu.memory_space<hbm>>)
        tpu.yield
      }) : () -> ()
    } else {
    }
    return
  }
}

#map = affine_map<(d0, d1) -> (0, 0)>
#map1 = affine_map<(d0, d1) -> (0)>
#map2 = affine_map<(d0, d1) -> (0, 0, 0)>
module attributes {stable_mosaic.version = 14 : i64} {
  func.func @agg_kernel(%arg0: i32, %arg1: i32, %arg2: memref<10000x128xf32, #tpu.memory_space<hbm>>, %arg3: memref<640000xi32, #tpu.memory_space<hbm>>, %arg4: memref<2x10240x128xf32, #tpu.memory_space<hbm>>, %arg5: memref<4x128xi32, #tpu.memory_space<vmem>>, %arg6: memref<4x128xi32, #tpu.memory_space<vmem>>, %arg7: memref<16xi32, #tpu.memory_space<vmem>>, %arg8: memref<16xi32, #tpu.memory_space<vmem>>, %arg9: memref<2x128x128xf32, #tpu.memory_space<vmem>>, %arg10: memref<10240x128xf32, #tpu.memory_space<vmem_shared>>, %arg11: memref<4x!tpu.dma_semaphore, #tpu.memory_space<semaphore_mem>>, %arg12: memref<2x!tpu.dma_semaphore, #tpu.memory_space<semaphore_mem>>, %arg13: memref<2x!tpu.dma_semaphore, #tpu.memory_space<semaphore_mem>>) attributes {dimension_semantics = [#tpu.dimension_semantics<core_parallel>, #tpu.dimension_semantics<subcore_parallel>], iteration_bounds = array<i64: 2, 16>, scalar_prefetch = 0 : i64, scratch_operands = 9 : i64, tpu.core_type = #tpu.core_type<sc_vector_subcore>, window_params = [{transform_indices = #map}, {transform_indices = #map1}, {transform_indices = #map2}]} {
    %mul3A = arith.constant 16 : i32
    %mul3A_0 = arith.muli %arg0, %mul3A : i32
    %add3A = arith.addi %mul3A_0, %arg1 : i32
    %mul3A_1 = arith.constant 10000 : i32
    %mul3A_2 = arith.muli %add3A, %mul3A_1 : i32
    %broadcast_in_dim3A = arith.constant 0.000000e+00 : f32
    %broadcast_in_dim3A_3 = vector.broadcast %broadcast_in_dim3A : f32 to vector<16xf32>
    %scan3A = arith.constant 0 : i32
    %scan3A_4 = arith.constant 0 : i32
    %scan3A_5 = arith.constant 128 : i32
    %scan3A_6 = arith.addi %scan3A_4, %scan3A_5 : i32
    %scan3A_7 = arith.constant 1 : i32
    scf.for %scan3A_789 = %scan3A_4 to %scan3A_6 step %scan3A_7  : i32 {
      %swap3A = arith.constant 0 : i32
      %swap3A_790 = arith.index_cast %swap3A : i32 to index
      %swap3A_791 = arith.index_cast %scan3A_789 : i32 to index
      %swap3A_792 = arith.constant 0 : index
      %swap3A_793 = tpu.vector_load %arg9[%swap3A_790, %swap3A_791, %swap3A_792] {strides = array<i32>} : memref<2x128x128xf32, #tpu.memory_space<vmem>>, vector<1x1x16xf32>,
      %swap3A_794 = vector.shape_cast %swap3A_793 : vector<1x1x16xf32> to vector<16xf32>
      %swap3A_795 = vector.shape_cast %broadcast_in_dim3A_3 : vector<16xf32> to vector<1x1x16xf32>
      tpu.vector_store %arg9[%swap3A_790, %swap3A_791, %swap3A_792], %swap3A_795 {strides = array<i32>} : memref<2x128x128xf32, #tpu.memory_space<vmem>>, vector<1x1x16xf32>,
      %swap3A_796 = arith.constant 0 : i32
      %swap3A_797 = arith.index_cast %swap3A_796 : i32 to index
      %swap3A_798 = arith.index_cast %scan3A_789 : i32 to index
      %swap3A_799 = arith.constant 16 : index
      %swap3A_800 = tpu.vector_load %arg9[%swap3A_797, %swap3A_798, %swap3A_799] {strides = array<i32>} : memref<2x128x128xf32, #tpu.memory_space<vmem>>, vector<1x1x16xf32>,
      %swap3A_801 = vector.shape_cast %swap3A_800 : vector<1x1x16xf32> to vector<16xf32>
      %swap3A_802 = vector.shape_cast %broadcast_in_dim3A_3 : vector<16xf32> to vector<1x1x16xf32>
      tpu.vector_store %arg9[%swap3A_797, %swap3A_798, %swap3A_799], %swap3A_802 {strides = array<i32>} : memref<2x128x128xf32, #tpu.memory_space<vmem>>, vector<1x1x16xf32>,
      %swap3A_803 = arith.constant 0 : i32
      %swap3A_804 = arith.index_cast %swap3A_803 : i32 to index
      %swap3A_805 = arith.index_cast %scan3A_789 : i32 to index
      %swap3A_806 = arith.constant 32 : index
      %swap3A_807 = tpu.vector_load %arg9[%swap3A_804, %swap3A_805, %swap3A_806] {strides = array<i32>} : memref<2x128x128xf32, #tpu.memory_space<vmem>>, vector<1x1x16xf32>,
      %swap3A_808 = vector.shape_cast %swap3A_807 : vector<1x1x16xf32> to vector<16xf32>
      %swap3A_809 = vector.shape_cast %broadcast_in_dim3A_3 : vector<16xf32> to vector<1x1x16xf32>
      tpu.vector_store %arg9[%swap3A_804, %swap3A_805, %swap3A_806], %swap3A_809 {strides = array<i32>} : memref<2x128x128xf32, #tpu.memory_space<vmem>>, vector<1x1x16xf32>,
      %swap3A_810 = arith.constant 0 : i32
      %swap3A_811 = arith.index_cast %swap3A_810 : i32 to index
      %swap3A_812 = arith.index_cast %scan3A_789 : i32 to index
      %swap3A_813 = arith.constant 48 : index
      %swap3A_814 = tpu.vector_load %arg9[%swap3A_811, %swap3A_812, %swap3A_813] {strides = array<i32>} : memref<2x128x128xf32, #tpu.memory_space<vmem>>, vector<1x1x16xf32>,
      %swap3A_815 = vector.shape_cast %swap3A_814 : vector<1x1x16xf32> to vector<16xf32>
      %swap3A_816 = vector.shape_cast %broadcast_in_dim3A_3 : vector<16xf32> to vector<1x1x16xf32>
      tpu.vector_store %arg9[%swap3A_811, %swap3A_812, %swap3A_813], %swap3A_816 {strides = array<i32>} : memref<2x128x128xf32, #tpu.memory_space<vmem>>, vector<1x1x16xf32>,
      %swap3A_817 = arith.constant 0 : i32
      %swap3A_818 = arith.index_cast %swap3A_817 : i32 to index
      %swap3A_819 = arith.index_cast %scan3A_789 : i32 to index
      %swap3A_820 = arith.constant 64 : index
      %swap3A_821 = tpu.vector_load %arg9[%swap3A_818, %swap3A_819, %swap3A_820] {strides = array<i32>} : memref<2x128x128xf32, #tpu.memory_space<vmem>>, vector<1x1x16xf32>,
      %swap3A_822 = vector.shape_cast %swap3A_821 : vector<1x1x16xf32> to vector<16xf32>
      %swap3A_823 = vector.shape_cast %broadcast_in_dim3A_3 : vector<16xf32> to vector<1x1x16xf32>
      tpu.vector_store %arg9[%swap3A_818, %swap3A_819, %swap3A_820], %swap3A_823 {strides = array<i32>} : memref<2x128x128xf32, #tpu.memory_space<vmem>>, vector<1x1x16xf32>,
      %swap3A_824 = arith.constant 0 : i32
      %swap3A_825 = arith.index_cast %swap3A_824 : i32 to index
      %swap3A_826 = arith.index_cast %scan3A_789 : i32 to index
      %swap3A_827 = arith.constant 80 : index
      %swap3A_828 = tpu.vector_load %arg9[%swap3A_825, %swap3A_826, %swap3A_827] {strides = array<i32>} : memref<2x128x128xf32, #tpu.memory_space<vmem>>, vector<1x1x16xf32>,
      %swap3A_829 = vector.shape_cast %swap3A_828 : vector<1x1x16xf32> to vector<16xf32>
      %swap3A_830 = vector.shape_cast %broadcast_in_dim3A_3 : vector<16xf32> to vector<1x1x16xf32>
      tpu.vector_store %arg9[%swap3A_825, %swap3A_826, %swap3A_827], %swap3A_830 {strides = array<i32>} : memref<2x128x128xf32, #tpu.memory_space<vmem>>, vector<1x1x16xf32>,
      %swap3A_831 = arith.constant 0 : i32
      %swap3A_832 = arith.index_cast %swap3A_831 : i32 to index
      %swap3A_833 = arith.index_cast %scan3A_789 : i32 to index
      %swap3A_834 = arith.constant 96 : index
      %swap3A_835 = tpu.vector_load %arg9[%swap3A_832, %swap3A_833, %swap3A_834] {strides = array<i32>} : memref<2x128x128xf32, #tpu.memory_space<vmem>>, vector<1x1x16xf32>,
      %swap3A_836 = vector.shape_cast %swap3A_835 : vector<1x1x16xf32> to vector<16xf32>
      %swap3A_837 = vector.shape_cast %broadcast_in_dim3A_3 : vector<16xf32> to vector<1x1x16xf32>
      tpu.vector_store %arg9[%swap3A_832, %swap3A_833, %swap3A_834], %swap3A_837 {strides = array<i32>} : memref<2x128x128xf32, #tpu.memory_space<vmem>>, vector<1x1x16xf32>,
      %swap3A_838 = arith.constant 0 : i32
      %swap3A_839 = arith.index_cast %swap3A_838 : i32 to index
      %swap3A_840 = arith.index_cast %scan3A_789 : i32 to index
      %swap3A_841 = arith.constant 112 : index
      %swap3A_842 = tpu.vector_load %arg9[%swap3A_839, %swap3A_840, %swap3A_841] {strides = array<i32>} : memref<2x128x128xf32, #tpu.memory_space<vmem>>, vector<1x1x16xf32>,
      %swap3A_843 = vector.shape_cast %swap3A_842 : vector<1x1x16xf32> to vector<16xf32>
      %swap3A_844 = vector.shape_cast %broadcast_in_dim3A_3 : vector<16xf32> to vector<1x1x16xf32>
      tpu.vector_store %arg9[%swap3A_839, %swap3A_840, %swap3A_841], %swap3A_844 {strides = array<i32>} : memref<2x128x128xf32, #tpu.memory_space<vmem>>, vector<1x1x16xf32>,
    }
    %scan3A_8 = arith.constant 128 : i32
    %mul3A_9 = arith.constant 640 : i32
    %mul3A_10 = arith.muli %arg1, %mul3A_9 : i32
    %add3A_11 = arith.constant 0 : i32
    %add3A_12 = arith.addi %mul3A_10, %add3A_11 : i32
    %run_scoped3A = arith.constant 0 : i32
    "tpu.region"() ({
      %run_scoped3A_789 = tpu.sem_alloc : memref<!tpu.dma_semaphore, #tpu.memory_space<semaphore_mem>>
      %dma_start3A_790 = arith.constant 0 : i32
      %dma_start3A_791 = arith.constant 0 : i32
      %dma_start3A_792 = tpu.memref_slice %arg9[%run_scoped3A, %dma_start3A_790, %dma_start3A_791] : memref<2x128x128xf32, #tpu.memory_space<vmem>> -> memref<1x128x128xf32, #tpu.memory_space<vmem>>
      %dma_start3A_793 = tpu.memref_squeeze %dma_start3A_792 : memref<1x128x128xf32, #tpu.memory_space<vmem>> -> memref<128x128xf32, #tpu.memory_space<vmem>>
      %dma_start3A_794 = arith.constant 0 : i32
      %dma_start3A_795 = tpu.memref_slice %arg10[%add3A_12, %dma_start3A_794] : memref<10240x128xf32, #tpu.memory_space<vmem_shared>> -> memref<128x128xf32, #tpu.memory_space<vmem_shared>>
      %dma_start3A_796 = arith.constant 0 : i32
      %dma_start3A_797 = tpu.memref_slice %arg10[%add3A_12, %dma_start3A_796] : memref<10240x128xf32, #tpu.memory_space<vmem_shared>> -> memref<128x128xf32, #tpu.memory_space<vmem_shared>>
      %dma_start3A_798 = arith.constant 0 : i32
      %dma_start3A_799 = arith.constant 0 : i32
      %dma_start3A_800 = tpu.memref_slice %arg9[%run_scoped3A, %dma_start3A_798, %dma_start3A_799] : memref<2x128x128xf32, #tpu.memory_space<vmem>> -> memref<1x128x128xf32, #tpu.memory_space<vmem>>
      %dma_start3A_801 = tpu.memref_squeeze %dma_start3A_800 : memref<1x128x128xf32, #tpu.memory_space<vmem>> -> memref<128x128xf32, #tpu.memory_space<vmem>>
      tpu.enqueue_dma source(%dma_start3A_801 : memref<128x128xf32, #tpu.memory_space<vmem>>) target(%dma_start3A_797 : memref<128x128xf32, #tpu.memory_space<vmem_shared>>) target_semaphore(%run_scoped3A_789 : memref<!tpu.dma_semaphore, #tpu.memory_space<semaphore_mem>>)
      %dma_wait3A_802 = arith.constant 0 : i32
      %dma_wait3A_803 = arith.constant 0 : i32
      %dma_wait3A_804 = tpu.memref_slice %arg9[%run_scoped3A, %dma_wait3A_802, %dma_wait3A_803] : memref<2x128x128xf32, #tpu.memory_space<vmem>> -> memref<1x128x128xf32, #tpu.memory_space<vmem>>
      %dma_wait3A_805 = tpu.memref_squeeze %dma_wait3A_804 : memref<1x128x128xf32, #tpu.memory_space<vmem>> -> memref<128x128xf32, #tpu.memory_space<vmem>>
      %dma_wait3A_806 = arith.constant 0 : i32
      %dma_wait3A_807 = tpu.memref_slice %arg10[%add3A_12, %dma_wait3A_806] : memref<10240x128xf32, #tpu.memory_space<vmem_shared>> -> memref<128x128xf32, #tpu.memory_space<vmem_shared>>
      %dma_wait3A_808 = arith.constant 0 : i32
      %dma_wait3A_809 = tpu.memref_slice %arg10[%add3A_12, %dma_wait3A_808] : memref<10240x128xf32, #tpu.memory_space<vmem_shared>> -> memref<128x128xf32, #tpu.memory_space<vmem_shared>>
      %dma_wait3A_810 = arith.constant 0 : i32
      %dma_wait3A_811 = arith.constant 0 : i32
      %dma_wait3A_812 = tpu.memref_slice %arg9[%run_scoped3A, %dma_wait3A_810, %dma_wait3A_811] : memref<2x128x128xf32, #tpu.memory_space<vmem>> -> memref<1x128x128xf32, #tpu.memory_space<vmem>>
      %dma_wait3A_813 = tpu.memref_squeeze %dma_wait3A_812 : memref<1x128x128xf32, #tpu.memory_space<vmem>> -> memref<128x128xf32, #tpu.memory_space<vmem>>
      tpu.wait_dma2 semaphore(%run_scoped3A_789 : memref<!tpu.dma_semaphore, #tpu.memory_space<semaphore_mem>>) src(%dma_wait3A_813 : memref<128x128xf32, #tpu.memory_space<vmem>>) dst(%dma_wait3A_809 : memref<128x128xf32, #tpu.memory_space<vmem_shared>>)
      tpu.yield
    }) : () -> ()
    %mul3A_13 = arith.constant 640 : i32
    %mul3A_14 = arith.muli %arg1, %mul3A_13 : i32
    %add3A_15 = arith.constant 128 : i32
    %add3A_16 = arith.addi %mul3A_14, %add3A_15 : i32
    %run_scoped3A_17 = arith.constant 0 : i32
    "tpu.region"() ({
      %run_scoped3A_789 = tpu.sem_alloc : memref<!tpu.dma_semaphore, #tpu.memory_space<semaphore_mem>>
      %dma_start3A_790 = arith.constant 0 : i32
      %dma_start3A_791 = arith.constant 0 : i32
      %dma_start3A_792 = tpu.memref_slice %arg9[%run_scoped3A_17, %dma_start3A_790, %dma_start3A_791] : memref<2x128x128xf32, #tpu.memory_space<vmem>> -> memref<1x128x128xf32, #tpu.memory_space<vmem>>
      %dma_start3A_793 = tpu.memref_squeeze %dma_start3A_792 : memref<1x128x128xf32, #tpu.memory_space<vmem>> -> memref<128x128xf32, #tpu.memory_space<vmem>>
      %dma_start3A_794 = arith.constant 0 : i32
      %dma_start3A_795 = tpu.memref_slice %arg10[%add3A_16, %dma_start3A_794] : memref<10240x128xf32, #tpu.memory_space<vmem_shared>> -> memref<128x128xf32, #tpu.memory_space<vmem_shared>>
      %dma_start3A_796 = arith.constant 0 : i32
      %dma_start3A_797 = tpu.memref_slice %arg10[%add3A_16, %dma_start3A_796] : memref<10240x128xf32, #tpu.memory_space<vmem_shared>> -> memref<128x128xf32, #tpu.memory_space<vmem_shared>>
      %dma_start3A_798 = arith.constant 0 : i32
      %dma_start3A_799 = arith.constant 0 : i32
      %dma_start3A_800 = tpu.memref_slice %arg9[%run_scoped3A_17, %dma_start3A_798, %dma_start3A_799] : memref<2x128x128xf32, #tpu.memory_space<vmem>> -> memref<1x128x128xf32, #tpu.memory_space<vmem>>
      %dma_start3A_801 = tpu.memref_squeeze %dma_start3A_800 : memref<1x128x128xf32, #tpu.memory_space<vmem>> -> memref<128x128xf32, #tpu.memory_space<vmem>>
      tpu.enqueue_dma source(%dma_start3A_801 : memref<128x128xf32, #tpu.memory_space<vmem>>) target(%dma_start3A_797 : memref<128x128xf32, #tpu.memory_space<vmem_shared>>) target_semaphore(%run_scoped3A_789 : memref<!tpu.dma_semaphore, #tpu.memory_space<semaphore_mem>>)
      %dma_wait3A_802 = arith.constant 0 : i32
      %dma_wait3A_803 = arith.constant 0 : i32
      %dma_wait3A_804 = tpu.memref_slice %arg9[%run_scoped3A_17, %dma_wait3A_802, %dma_wait3A_803] : memref<2x128x128xf32, #tpu.memory_space<vmem>> -> memref<1x128x128xf32, #tpu.memory_space<vmem>>
      %dma_wait3A_805 = tpu.memref_squeeze %dma_wait3A_804 : memref<1x128x128xf32, #tpu.memory_space<vmem>> -> memref<128x128xf32, #tpu.memory_space<vmem>>
      %dma_wait3A_806 = arith.constant 0 : i32
      %dma_wait3A_807 = tpu.memref_slice %arg10[%add3A_16, %dma_wait3A_806] : memref<10240x128xf32, #tpu.memory_space<vmem_shared>> -> memref<128x128xf32, #tpu.memory_space<vmem_shared>>
      %dma_wait3A_808 = arith.constant 0 : i32
      %dma_wait3A_809 = tpu.memref_slice %arg10[%add3A_16, %dma_wait3A_808] : memref<10240x128xf32, #tpu.memory_space<vmem_shared>> -> memref<128x128xf32, #tpu.memory_space<vmem_shared>>
      %dma_wait3A_810 = arith.constant 0 : i32
      %dma_wait3A_811 = arith.constant 0 : i32
      %dma_wait3A_812 = tpu.memref_slice %arg9[%run_scoped3A_17, %dma_wait3A_810, %dma_wait3A_811] : memref<2x128x128xf32, #tpu.memory_space<vmem>> -> memref<1x128x128xf32, #tpu.memory_space<vmem>>
      %dma_wait3A_813 = tpu.memref_squeeze %dma_wait3A_812 : memref<1x128x128xf32, #tpu.memory_space<vmem>> -> memref<128x128xf32, #tpu.memory_space<vmem>>
      tpu.wait_dma2 semaphore(%run_scoped3A_789 : memref<!tpu.dma_semaphore, #tpu.memory_space<semaphore_mem>>) src(%dma_wait3A_813 : memref<128x128xf32, #tpu.memory_space<vmem>>) dst(%dma_wait3A_809 : memref<128x128xf32, #tpu.memory_space<vmem_shared>>)
      tpu.yield
    }) : () -> ()
    %mul3A_18 = arith.constant 640 : i32
    %mul3A_19 = arith.muli %arg1, %mul3A_18 : i32
    %add3A_20 = arith.constant 256 : i32
    %add3A_21 = arith.addi %mul3A_19, %add3A_20 : i32
    %run_scoped3A_22 = arith.constant 0 : i32
    "tpu.region"() ({
      %run_scoped3A_789 = tpu.sem_alloc : memref<!tpu.dma_semaphore, #tpu.memory_space<semaphore_mem>>
      %dma_start3A_790 = arith.constant 0 : i32
      %dma_start3A_791 = arith.constant 0 : i32
      %dma_start3A_792 = tpu.memref_slice %arg9[%run_scoped3A_22, %dma_start3A_790, %dma_start3A_791] : memref<2x128x128xf32, #tpu.memory_space<vmem>> -> memref<1x128x128xf32, #tpu.memory_space<vmem>>
      %dma_start3A_793 = tpu.memref_squeeze %dma_start3A_792 : memref<1x128x128xf32, #tpu.memory_space<vmem>> -> memref<128x128xf32, #tpu.memory_space<vmem>>
      %dma_start3A_794 = arith.constant 0 : i32
      %dma_start3A_795 = tpu.memref_slice %arg10[%add3A_21, %dma_start3A_794] : memref<10240x128xf32, #tpu.memory_space<vmem_shared>> -> memref<128x128xf32, #tpu.memory_space<vmem_shared>>
      %dma_start3A_796 = arith.constant 0 : i32
      %dma_start3A_797 = tpu.memref_slice %arg10[%add3A_21, %dma_start3A_796] : memref<10240x128xf32, #tpu.memory_space<vmem_shared>> -> memref<128x128xf32, #tpu.memory_space<vmem_shared>>
      %dma_start3A_798 = arith.constant 0 : i32
      %dma_start3A_799 = arith.constant 0 : i32
      %dma_start3A_800 = tpu.memref_slice %arg9[%run_scoped3A_22, %dma_start3A_798, %dma_start3A_799] : memref<2x128x128xf32, #tpu.memory_space<vmem>> -> memref<1x128x128xf32, #tpu.memory_space<vmem>>
      %dma_start3A_801 = tpu.memref_squeeze %dma_start3A_800 : memref<1x128x128xf32, #tpu.memory_space<vmem>> -> memref<128x128xf32, #tpu.memory_space<vmem>>
      tpu.enqueue_dma source(%dma_start3A_801 : memref<128x128xf32, #tpu.memory_space<vmem>>) target(%dma_start3A_797 : memref<128x128xf32, #tpu.memory_space<vmem_shared>>) target_semaphore(%run_scoped3A_789 : memref<!tpu.dma_semaphore, #tpu.memory_space<semaphore_mem>>)
      %dma_wait3A_802 = arith.constant 0 : i32
      %dma_wait3A_803 = arith.constant 0 : i32
      %dma_wait3A_804 = tpu.memref_slice %arg9[%run_scoped3A_22, %dma_wait3A_802, %dma_wait3A_803] : memref<2x128x128xf32, #tpu.memory_space<vmem>> -> memref<1x128x128xf32, #tpu.memory_space<vmem>>
      %dma_wait3A_805 = tpu.memref_squeeze %dma_wait3A_804 : memref<1x128x128xf32, #tpu.memory_space<vmem>> -> memref<128x128xf32, #tpu.memory_space<vmem>>
      %dma_wait3A_806 = arith.constant 0 : i32
      %dma_wait3A_807 = tpu.memref_slice %arg10[%add3A_21, %dma_wait3A_806] : memref<10240x128xf32, #tpu.memory_space<vmem_shared>> -> memref<128x128xf32, #tpu.memory_space<vmem_shared>>
      %dma_wait3A_808 = arith.constant 0 : i32
      %dma_wait3A_809 = tpu.memref_slice %arg10[%add3A_21, %dma_wait3A_808] : memref<10240x128xf32, #tpu.memory_space<vmem_shared>> -> memref<128x128xf32, #tpu.memory_space<vmem_shared>>
      %dma_wait3A_810 = arith.constant 0 : i32
      %dma_wait3A_811 = arith.constant 0 : i32
      %dma_wait3A_812 = tpu.memref_slice %arg9[%run_scoped3A_22, %dma_wait3A_810, %dma_wait3A_811] : memref<2x128x128xf32, #tpu.memory_space<vmem>> -> memref<1x128x128xf32, #tpu.memory_space<vmem>>
      %dma_wait3A_813 = tpu.memref_squeeze %dma_wait3A_812 : memref<1x128x128xf32, #tpu.memory_space<vmem>> -> memref<128x128xf32, #tpu.memory_space<vmem>>
      tpu.wait_dma2 semaphore(%run_scoped3A_789 : memref<!tpu.dma_semaphore, #tpu.memory_space<semaphore_mem>>) src(%dma_wait3A_813 : memref<128x128xf32, #tpu.memory_space<vmem>>) dst(%dma_wait3A_809 : memref<128x128xf32, #tpu.memory_space<vmem_shared>>)
      tpu.yield
    }) : () -> ()
    %mul3A_23 = arith.constant 640 : i32
    %mul3A_24 = arith.muli %arg1, %mul3A_23 : i32
    %add3A_25 = arith.constant 384 : i32
    %add3A_26 = arith.addi %mul3A_24, %add3A_25 : i32
    %run_scoped3A_27 = arith.constant 0 : i32
    "tpu.region"() ({
      %run_scoped3A_789 = tpu.sem_alloc : memref<!tpu.dma_semaphore, #tpu.memory_space<semaphore_mem>>
      %dma_start3A_790 = arith.constant 0 : i32
      %dma_start3A_791 = arith.constant 0 : i32
      %dma_start3A_792 = tpu.memref_slice %arg9[%run_scoped3A_27, %dma_start3A_790, %dma_start3A_791] : memref<2x128x128xf32, #tpu.memory_space<vmem>> -> memref<1x128x128xf32, #tpu.memory_space<vmem>>
      %dma_start3A_793 = tpu.memref_squeeze %dma_start3A_792 : memref<1x128x128xf32, #tpu.memory_space<vmem>> -> memref<128x128xf32, #tpu.memory_space<vmem>>
      %dma_start3A_794 = arith.constant 0 : i32
      %dma_start3A_795 = tpu.memref_slice %arg10[%add3A_26, %dma_start3A_794] : memref<10240x128xf32, #tpu.memory_space<vmem_shared>> -> memref<128x128xf32, #tpu.memory_space<vmem_shared>>
      %dma_start3A_796 = arith.constant 0 : i32
      %dma_start3A_797 = tpu.memref_slice %arg10[%add3A_26, %dma_start3A_796] : memref<10240x128xf32, #tpu.memory_space<vmem_shared>> -> memref<128x128xf32, #tpu.memory_space<vmem_shared>>
      %dma_start3A_798 = arith.constant 0 : i32
      %dma_start3A_799 = arith.constant 0 : i32
      %dma_start3A_800 = tpu.memref_slice %arg9[%run_scoped3A_27, %dma_start3A_798, %dma_start3A_799] : memref<2x128x128xf32, #tpu.memory_space<vmem>> -> memref<1x128x128xf32, #tpu.memory_space<vmem>>
      %dma_start3A_801 = tpu.memref_squeeze %dma_start3A_800 : memref<1x128x128xf32, #tpu.memory_space<vmem>> -> memref<128x128xf32, #tpu.memory_space<vmem>>
      tpu.enqueue_dma source(%dma_start3A_801 : memref<128x128xf32, #tpu.memory_space<vmem>>) target(%dma_start3A_797 : memref<128x128xf32, #tpu.memory_space<vmem_shared>>) target_semaphore(%run_scoped3A_789 : memref<!tpu.dma_semaphore, #tpu.memory_space<semaphore_mem>>)
      %dma_wait3A_802 = arith.constant 0 : i32
      %dma_wait3A_803 = arith.constant 0 : i32
      %dma_wait3A_804 = tpu.memref_slice %arg9[%run_scoped3A_27, %dma_wait3A_802, %dma_wait3A_803] : memref<2x128x128xf32, #tpu.memory_space<vmem>> -> memref<1x128x128xf32, #tpu.memory_space<vmem>>
      %dma_wait3A_805 = tpu.memref_squeeze %dma_wait3A_804 : memref<1x128x128xf32, #tpu.memory_space<vmem>> -> memref<128x128xf32, #tpu.memory_space<vmem>>
      %dma_wait3A_806 = arith.constant 0 : i32
      %dma_wait3A_807 = tpu.memref_slice %arg10[%add3A_26, %dma_wait3A_806] : memref<10240x128xf32, #tpu.memory_space<vmem_shared>> -> memref<128x128xf32, #tpu.memory_space<vmem_shared>>
      %dma_wait3A_808 = arith.constant 0 : i32
      %dma_wait3A_809 = tpu.memref_slice %arg10[%add3A_26, %dma_wait3A_808] : memref<10240x128xf32, #tpu.memory_space<vmem_shared>> -> memref<128x128xf32, #tpu.memory_space<vmem_shared>>
      %dma_wait3A_810 = arith.constant 0 : i32
      %dma_wait3A_811 = arith.constant 0 : i32
      %dma_wait3A_812 = tpu.memref_slice %arg9[%run_scoped3A_27, %dma_wait3A_810, %dma_wait3A_811] : memref<2x128x128xf32, #tpu.memory_space<vmem>> -> memref<1x128x128xf32, #tpu.memory_space<vmem>>
      %dma_wait3A_813 = tpu.memref_squeeze %dma_wait3A_812 : memref<1x128x128xf32, #tpu.memory_space<vmem>> -> memref<128x128xf32, #tpu.memory_space<vmem>>
      tpu.wait_dma2 semaphore(%run_scoped3A_789 : memref<!tpu.dma_semaphore, #tpu.memory_space<semaphore_mem>>) src(%dma_wait3A_813 : memref<128x128xf32, #tpu.memory_space<vmem>>) dst(%dma_wait3A_809 : memref<128x128xf32, #tpu.memory_space<vmem_shared>>)
      tpu.yield
    }) : () -> ()
    %mul3A_28 = arith.constant 640 : i32
    %mul3A_29 = arith.muli %arg1, %mul3A_28 : i32
    %add3A_30 = arith.constant 512 : i32
    %add3A_31 = arith.addi %mul3A_29, %add3A_30 : i32
    %run_scoped3A_32 = arith.constant 0 : i32
    "tpu.region"() ({
      %run_scoped3A_789 = tpu.sem_alloc : memref<!tpu.dma_semaphore, #tpu.memory_space<semaphore_mem>>
      %dma_start3A_790 = arith.constant 0 : i32
      %dma_start3A_791 = arith.constant 0 : i32
      %dma_start3A_792 = tpu.memref_slice %arg9[%run_scoped3A_32, %dma_start3A_790, %dma_start3A_791] : memref<2x128x128xf32, #tpu.memory_space<vmem>> -> memref<1x128x128xf32, #tpu.memory_space<vmem>>
      %dma_start3A_793 = tpu.memref_squeeze %dma_start3A_792 : memref<1x128x128xf32, #tpu.memory_space<vmem>> -> memref<128x128xf32, #tpu.memory_space<vmem>>
      %dma_start3A_794 = arith.constant 0 : i32
      %dma_start3A_795 = tpu.memref_slice %arg10[%add3A_31, %dma_start3A_794] : memref<10240x128xf32, #tpu.memory_space<vmem_shared>> -> memref<128x128xf32, #tpu.memory_space<vmem_shared>>
      %dma_start3A_796 = arith.constant 0 : i32
      %dma_start3A_797 = tpu.memref_slice %arg10[%add3A_31, %dma_start3A_796] : memref<10240x128xf32, #tpu.memory_space<vmem_shared>> -> memref<128x128xf32, #tpu.memory_space<vmem_shared>>
      %dma_start3A_798 = arith.constant 0 : i32
      %dma_start3A_799 = arith.constant 0 : i32
      %dma_start3A_800 = tpu.memref_slice %arg9[%run_scoped3A_32, %dma_start3A_798, %dma_start3A_799] : memref<2x128x128xf32, #tpu.memory_space<vmem>> -> memref<1x128x128xf32, #tpu.memory_space<vmem>>
      %dma_start3A_801 = tpu.memref_squeeze %dma_start3A_800 : memref<1x128x128xf32, #tpu.memory_space<vmem>> -> memref<128x128xf32, #tpu.memory_space<vmem>>
      tpu.enqueue_dma source(%dma_start3A_801 : memref<128x128xf32, #tpu.memory_space<vmem>>) target(%dma_start3A_797 : memref<128x128xf32, #tpu.memory_space<vmem_shared>>) target_semaphore(%run_scoped3A_789 : memref<!tpu.dma_semaphore, #tpu.memory_space<semaphore_mem>>)
      %dma_wait3A_802 = arith.constant 0 : i32
      %dma_wait3A_803 = arith.constant 0 : i32
      %dma_wait3A_804 = tpu.memref_slice %arg9[%run_scoped3A_32, %dma_wait3A_802, %dma_wait3A_803] : memref<2x128x128xf32, #tpu.memory_space<vmem>> -> memref<1x128x128xf32, #tpu.memory_space<vmem>>
      %dma_wait3A_805 = tpu.memref_squeeze %dma_wait3A_804 : memref<1x128x128xf32, #tpu.memory_space<vmem>> -> memref<128x128xf32, #tpu.memory_space<vmem>>
      %dma_wait3A_806 = arith.constant 0 : i32
      %dma_wait3A_807 = tpu.memref_slice %arg10[%add3A_31, %dma_wait3A_806] : memref<10240x128xf32, #tpu.memory_space<vmem_shared>> -> memref<128x128xf32, #tpu.memory_space<vmem_shared>>
      %dma_wait3A_808 = arith.constant 0 : i32
      %dma_wait3A_809 = tpu.memref_slice %arg10[%add3A_31, %dma_wait3A_808] : memref<10240x128xf32, #tpu.memory_space<vmem_shared>> -> memref<128x128xf32, #tpu.memory_space<vmem_shared>>
      %dma_wait3A_810 = arith.constant 0 : i32
      %dma_wait3A_811 = arith.constant 0 : i32
      %dma_wait3A_812 = tpu.memref_slice %arg9[%run_scoped3A_32, %dma_wait3A_810, %dma_wait3A_811] : memref<2x128x128xf32, #tpu.memory_space<vmem>> -> memref<1x128x128xf32, #tpu.memory_space<vmem>>
      %dma_wait3A_813 = tpu.memref_squeeze %dma_wait3A_812 : memref<1x128x128xf32, #tpu.memory_space<vmem>> -> memref<128x128xf32, #tpu.memory_space<vmem>>
      tpu.wait_dma2 semaphore(%run_scoped3A_789 : memref<!tpu.dma_semaphore, #tpu.memory_space<semaphore_mem>>) src(%dma_wait3A_813 : memref<128x128xf32, #tpu.memory_space<vmem>>) dst(%dma_wait3A_809 : memref<128x128xf32, #tpu.memory_space<vmem_shared>>)
      tpu.yield
    }) : () -> ()
    %barrier3A = arith.constant 0 : index
    tpu.barrier barrier_id(%barrier3A)
    %add3A_33 = arith.constant 0 : i32
    %add3A_34 = arith.addi %mul3A_2, %add3A_33 : i32
    %dma_start3A = arith.constant 0 : i32
    %dma_start3A_35 = arith.constant 0 : i32
    %dma_start3A_36 = arith.constant 0 : i32
    %dma_start3A_37 = tpu.memref_slice %arg5[%dma_start3A, %dma_start3A_36] : memref<4x128xi32, #tpu.memory_space<vmem>> -> memref<1x128xi32, #tpu.memory_space<vmem>>
    %dma_start3A_38 = tpu.memref_squeeze %dma_start3A_37 : memref<1x128xi32, #tpu.memory_space<vmem>> -> memref<128xi32, #tpu.memory_space<vmem>>
    %dma_start3A_39 = tpu.memref_slice %arg3[%add3A_34] : memref<640000xi32, #tpu.memory_space<hbm>> -> memref<128xi32, #tpu.memory_space<hbm>>
    %dma_start3A_40 = tpu.memref_slice %arg11[%dma_start3A_35] : memref<4x!tpu.dma_semaphore, #tpu.memory_space<semaphore_mem>> -> memref<1x!tpu.dma_semaphore, #tpu.memory_space<semaphore_mem>>
    %dma_start3A_41 = tpu.memref_squeeze %dma_start3A_40 : memref<1x!tpu.dma_semaphore, #tpu.memory_space<semaphore_mem>> -> memref<!tpu.dma_semaphore, #tpu.memory_space<semaphore_mem>>
    %dma_start3A_42 = arith.constant 0 : i32
    %dma_start3A_43 = tpu.memref_slice %arg5[%dma_start3A, %dma_start3A_42] : memref<4x128xi32, #tpu.memory_space<vmem>> -> memref<1x128xi32, #tpu.memory_space<vmem>>
    %dma_start3A_44 = tpu.memref_squeeze %dma_start3A_43 : memref<1x128xi32, #tpu.memory_space<vmem>> -> memref<128xi32, #tpu.memory_space<vmem>>
    %dma_start3A_45 = tpu.memref_slice %arg3[%add3A_34] : memref<640000xi32, #tpu.memory_space<hbm>> -> memref<128xi32, #tpu.memory_space<hbm>>
    tpu.enqueue_dma source(%dma_start3A_45 : memref<128xi32, #tpu.memory_space<hbm>>) target(%dma_start3A_44 : memref<128xi32, #tpu.memory_space<vmem>>) target_semaphore(%dma_start3A_41 : memref<!tpu.dma_semaphore, #tpu.memory_space<semaphore_mem>>)
    %add3A_46 = arith.constant 320000 : i32
    %add3A_47 = arith.addi %add3A_46, %mul3A_2 : i32
    %add3A_48 = arith.constant 0 : i32
    %add3A_49 = arith.addi %add3A_47, %add3A_48 : i32
    %dma_start3A_50 = arith.constant 0 : i32
    %dma_start3A_51 = arith.constant 0 : i32
    %dma_start3A_52 = arith.constant 0 : i32
    %dma_start3A_53 = tpu.memref_slice %arg6[%dma_start3A_50, %dma_start3A_52] : memref<4x128xi32, #tpu.memory_space<vmem>> -> memref<1x128xi32, #tpu.memory_space<vmem>>
    %dma_start3A_54 = tpu.memref_squeeze %dma_start3A_53 : memref<1x128xi32, #tpu.memory_space<vmem>> -> memref<128xi32, #tpu.memory_space<vmem>>
    %dma_start3A_55 = tpu.memref_slice %arg3[%add3A_49] : memref<640000xi32, #tpu.memory_space<hbm>> -> memref<128xi32, #tpu.memory_space<hbm>>
    %dma_start3A_56 = tpu.memref_slice %arg11[%dma_start3A_51] : memref<4x!tpu.dma_semaphore, #tpu.memory_space<semaphore_mem>> -> memref<1x!tpu.dma_semaphore, #tpu.memory_space<semaphore_mem>>
    %dma_start3A_57 = tpu.memref_squeeze %dma_start3A_56 : memref<1x!tpu.dma_semaphore, #tpu.memory_space<semaphore_mem>> -> memref<!tpu.dma_semaphore, #tpu.memory_space<semaphore_mem>>
    %dma_start3A_58 = arith.constant 0 : i32
    %dma_start3A_59 = tpu.memref_slice %arg6[%dma_start3A_50, %dma_start3A_58] : memref<4x128xi32, #tpu.memory_space<vmem>> -> memref<1x128xi32, #tpu.memory_space<vmem>>
    %dma_start3A_60 = tpu.memref_squeeze %dma_start3A_59 : memref<1x128xi32, #tpu.memory_space<vmem>> -> memref<128xi32, #tpu.memory_space<vmem>>
    %dma_start3A_61 = tpu.memref_slice %arg3[%add3A_49] : memref<640000xi32, #tpu.memory_space<hbm>> -> memref<128xi32, #tpu.memory_space<hbm>>
    tpu.enqueue_dma source(%dma_start3A_61 : memref<128xi32, #tpu.memory_space<hbm>>) target(%dma_start3A_60 : memref<128xi32, #tpu.memory_space<vmem>>) target_semaphore(%dma_start3A_57 : memref<!tpu.dma_semaphore, #tpu.memory_space<semaphore_mem>>)
    %add3A_62 = arith.constant 128 : i32
    %add3A_63 = arith.addi %mul3A_2, %add3A_62 : i32
    %dma_start3A_64 = arith.constant 1 : i32
    %dma_start3A_65 = arith.constant 1 : i32
    %dma_start3A_66 = arith.constant 0 : i32
    %dma_start3A_67 = tpu.memref_slice %arg5[%dma_start3A_64, %dma_start3A_66] : memref<4x128xi32, #tpu.memory_space<vmem>> -> memref<1x128xi32, #tpu.memory_space<vmem>>
    %dma_start3A_68 = tpu.memref_squeeze %dma_start3A_67 : memref<1x128xi32, #tpu.memory_space<vmem>> -> memref<128xi32, #tpu.memory_space<vmem>>
    %dma_start3A_69 = tpu.memref_slice %arg3[%add3A_63] : memref<640000xi32, #tpu.memory_space<hbm>> -> memref<128xi32, #tpu.memory_space<hbm>>
    %dma_start3A_70 = tpu.memref_slice %arg11[%dma_start3A_65] : memref<4x!tpu.dma_semaphore, #tpu.memory_space<semaphore_mem>> -> memref<1x!tpu.dma_semaphore, #tpu.memory_space<semaphore_mem>>
    %dma_start3A_71 = tpu.memref_squeeze %dma_start3A_70 : memref<1x!tpu.dma_semaphore, #tpu.memory_space<semaphore_mem>> -> memref<!tpu.dma_semaphore, #tpu.memory_space<semaphore_mem>>
    %dma_start3A_72 = arith.constant 0 : i32
    %dma_start3A_73 = tpu.memref_slice %arg5[%dma_start3A_64, %dma_start3A_72] : memref<4x128xi32, #tpu.memory_space<vmem>> -> memref<1x128xi32, #tpu.memory_space<vmem>>
    %dma_start3A_74 = tpu.memref_squeeze %dma_start3A_73 : memref<1x128xi32, #tpu.memory_space<vmem>> -> memref<128xi32, #tpu.memory_space<vmem>>
    %dma_start3A_75 = tpu.memref_slice %arg3[%add3A_63] : memref<640000xi32, #tpu.memory_space<hbm>> -> memref<128xi32, #tpu.memory_space<hbm>>
    tpu.enqueue_dma source(%dma_start3A_75 : memref<128xi32, #tpu.memory_space<hbm>>) target(%dma_start3A_74 : memref<128xi32, #tpu.memory_space<vmem>>) target_semaphore(%dma_start3A_71 : memref<!tpu.dma_semaphore, #tpu.memory_space<semaphore_mem>>)
    %add3A_76 = arith.constant 320000 : i32
    %add3A_77 = arith.addi %add3A_76, %mul3A_2 : i32
    %add3A_78 = arith.constant 128 : i32
    %add3A_79 = arith.addi %add3A_77, %add3A_78 : i32
    %dma_start3A_80 = arith.constant 1 : i32
    %dma_start3A_81 = arith.constant 1 : i32
    %dma_start3A_82 = arith.constant 0 : i32
    %dma_start3A_83 = tpu.memref_slice %arg6[%dma_start3A_80, %dma_start3A_82] : memref<4x128xi32, #tpu.memory_space<vmem>> -> memref<1x128xi32, #tpu.memory_space<vmem>>
    %dma_start3A_84 = tpu.memref_squeeze %dma_start3A_83 : memref<1x128xi32, #tpu.memory_space<vmem>> -> memref<128xi32, #tpu.memory_space<vmem>>
    %dma_start3A_85 = tpu.memref_slice %arg3[%add3A_79] : memref<640000xi32, #tpu.memory_space<hbm>> -> memref<128xi32, #tpu.memory_space<hbm>>
    %dma_start3A_86 = tpu.memref_slice %arg11[%dma_start3A_81] : memref<4x!tpu.dma_semaphore, #tpu.memory_space<semaphore_mem>> -> memref<1x!tpu.dma_semaphore, #tpu.memory_space<semaphore_mem>>
    %dma_start3A_87 = tpu.memref_squeeze %dma_start3A_86 : memref<1x!tpu.dma_semaphore, #tpu.memory_space<semaphore_mem>> -> memref<!tpu.dma_semaphore, #tpu.memory_space<semaphore_mem>>
    %dma_start3A_88 = arith.constant 0 : i32
    %dma_start3A_89 = tpu.memref_slice %arg6[%dma_start3A_80, %dma_start3A_88] : memref<4x128xi32, #tpu.memory_space<vmem>> -> memref<1x128xi32, #tpu.memory_space<vmem>>
    %dma_start3A_90 = tpu.memref_squeeze %dma_start3A_89 : memref<1x128xi32, #tpu.memory_space<vmem>> -> memref<128xi32, #tpu.memory_space<vmem>>
    %dma_start3A_91 = tpu.memref_slice %arg3[%add3A_79] : memref<640000xi32, #tpu.memory_space<hbm>> -> memref<128xi32, #tpu.memory_space<hbm>>
    tpu.enqueue_dma source(%dma_start3A_91 : memref<128xi32, #tpu.memory_space<hbm>>) target(%dma_start3A_90 : memref<128xi32, #tpu.memory_space<vmem>>) target_semaphore(%dma_start3A_87 : memref<!tpu.dma_semaphore, #tpu.memory_space<semaphore_mem>>)
    %add3A_92 = arith.constant 0 : i32
    %add3A_93 = arith.addi %mul3A_2, %add3A_92 : i32
    %dma_wait3A = arith.constant 0 : i32
    %dma_wait3A_94 = arith.constant 0 : i32
    %dma_wait3A_95 = arith.constant 0 : i32
    %dma_wait3A_96 = tpu.memref_slice %arg5[%dma_wait3A, %dma_wait3A_95] : memref<4x128xi32, #tpu.memory_space<vmem>> -> memref<1x128xi32, #tpu.memory_space<vmem>>
    %dma_wait3A_97 = tpu.memref_squeeze %dma_wait3A_96 : memref<1x128xi32, #tpu.memory_space<vmem>> -> memref<128xi32, #tpu.memory_space<vmem>>
    %dma_wait3A_98 = tpu.memref_slice %arg3[%add3A_93] : memref<640000xi32, #tpu.memory_space<hbm>> -> memref<128xi32, #tpu.memory_space<hbm>>
    %dma_wait3A_99 = tpu.memref_slice %arg11[%dma_wait3A_94] : memref<4x!tpu.dma_semaphore, #tpu.memory_space<semaphore_mem>> -> memref<1x!tpu.dma_semaphore, #tpu.memory_space<semaphore_mem>>
    %dma_wait3A_100 = tpu.memref_squeeze %dma_wait3A_99 : memref<1x!tpu.dma_semaphore, #tpu.memory_space<semaphore_mem>> -> memref<!tpu.dma_semaphore, #tpu.memory_space<semaphore_mem>>
    %dma_wait3A_101 = arith.constant 0 : i32
    %dma_wait3A_102 = tpu.memref_slice %arg5[%dma_wait3A, %dma_wait3A_101] : memref<4x128xi32, #tpu.memory_space<vmem>> -> memref<1x128xi32, #tpu.memory_space<vmem>>
    %dma_wait3A_103 = tpu.memref_squeeze %dma_wait3A_102 : memref<1x128xi32, #tpu.memory_space<vmem>> -> memref<128xi32, #tpu.memory_space<vmem>>
    %dma_wait3A_104 = tpu.memref_slice %arg3[%add3A_93] : memref<640000xi32, #tpu.memory_space<hbm>> -> memref<128xi32, #tpu.memory_space<hbm>>
    tpu.wait_dma2 semaphore(%dma_wait3A_100 : memref<!tpu.dma_semaphore, #tpu.memory_space<semaphore_mem>>) src(%dma_wait3A_104 : memref<128xi32, #tpu.memory_space<hbm>>) dst(%dma_wait3A_103 : memref<128xi32, #tpu.memory_space<vmem>>)
    %add3A_105 = arith.constant 320000 : i32
    %add3A_106 = arith.addi %add3A_105, %mul3A_2 : i32
    %add3A_107 = arith.constant 0 : i32
    %add3A_108 = arith.addi %add3A_106, %add3A_107 : i32
    %dma_wait3A_109 = arith.constant 0 : i32
    %dma_wait3A_110 = arith.constant 0 : i32
    %dma_wait3A_111 = arith.constant 0 : i32
    %dma_wait3A_112 = tpu.memref_slice %arg6[%dma_wait3A_109, %dma_wait3A_111] : memref<4x128xi32, #tpu.memory_space<vmem>> -> memref<1x128xi32, #tpu.memory_space<vmem>>
    %dma_wait3A_113 = tpu.memref_squeeze %dma_wait3A_112 : memref<1x128xi32, #tpu.memory_space<vmem>> -> memref<128xi32, #tpu.memory_space<vmem>>
    %dma_wait3A_114 = tpu.memref_slice %arg3[%add3A_108] : memref<640000xi32, #tpu.memory_space<hbm>> -> memref<128xi32, #tpu.memory_space<hbm>>
    %dma_wait3A_115 = tpu.memref_slice %arg11[%dma_wait3A_110] : memref<4x!tpu.dma_semaphore, #tpu.memory_space<semaphore_mem>> -> memref<1x!tpu.dma_semaphore, #tpu.memory_space<semaphore_mem>>
    %dma_wait3A_116 = tpu.memref_squeeze %dma_wait3A_115 : memref<1x!tpu.dma_semaphore, #tpu.memory_space<semaphore_mem>> -> memref<!tpu.dma_semaphore, #tpu.memory_space<semaphore_mem>>
    %dma_wait3A_117 = arith.constant 0 : i32
    %dma_wait3A_118 = tpu.memref_slice %arg6[%dma_wait3A_109, %dma_wait3A_117] : memref<4x128xi32, #tpu.memory_space<vmem>> -> memref<1x128xi32, #tpu.memory_space<vmem>>
    %dma_wait3A_119 = tpu.memref_squeeze %dma_wait3A_118 : memref<1x128xi32, #tpu.memory_space<vmem>> -> memref<128xi32, #tpu.memory_space<vmem>>
    %dma_wait3A_120 = tpu.memref_slice %arg3[%add3A_108] : memref<640000xi32, #tpu.memory_space<hbm>> -> memref<128xi32, #tpu.memory_space<hbm>>
    tpu.wait_dma2 semaphore(%dma_wait3A_116 : memref<!tpu.dma_semaphore, #tpu.memory_space<semaphore_mem>>) src(%dma_wait3A_120 : memref<128xi32, #tpu.memory_space<hbm>>) dst(%dma_wait3A_119 : memref<128xi32, #tpu.memory_space<vmem>>)
    %dma_start3A_121 = arith.constant 0 : i32
    %dma_start3A_122 = arith.constant 0 : i32
    %dma_start3A_123 = arith.constant 0 : i32
    %dma_start3A_124 = arith.constant 0 : i32
    %dma_start3A_125 = arith.constant 0 : i32
    %dma_start3A_126 = tpu.memref_slice %arg9[%dma_start3A_122, %dma_start3A_124, %dma_start3A_125] : memref<2x128x128xf32, #tpu.memory_space<vmem>> -> memref<1x128x128xf32, #tpu.memory_space<vmem>>
    %dma_start3A_127 = tpu.memref_squeeze %dma_start3A_126 : memref<1x128x128xf32, #tpu.memory_space<vmem>> -> memref<128x128xf32, #tpu.memory_space<vmem>>
    %dma_start3A_128 = arith.constant 0 : i32
    %dma_start3A_129 = tpu.memref_slice %arg6[%dma_start3A_121, %dma_start3A_128] : memref<4x128xi32, #tpu.memory_space<vmem>> -> memref<1x128xi32, #tpu.memory_space<vmem>>
    %dma_start3A_130 = tpu.memref_squeeze %dma_start3A_129 : memref<1x128xi32, #tpu.memory_space<vmem>> -> memref<128xi32, #tpu.memory_space<vmem>>
    %dma_start3A_131 = arith.constant 0 : i32
    %dma_start3A_132 = arith.constant 0 : i32
    %dma_start3A_133 = tpu.memref_slice %arg2[%dma_start3A_131, %dma_start3A_132] : memref<10000x128xf32, #tpu.memory_space<hbm>> -> memref<10000x128xf32, #tpu.memory_space<hbm>>
    %dma_start3A_134 = tpu.memref_slice %arg12[%dma_start3A_123] : memref<2x!tpu.dma_semaphore, #tpu.memory_space<semaphore_mem>> -> memref<1x!tpu.dma_semaphore, #tpu.memory_space<semaphore_mem>>
    %dma_start3A_135 = tpu.memref_squeeze %dma_start3A_134 : memref<1x!tpu.dma_semaphore, #tpu.memory_space<semaphore_mem>> -> memref<!tpu.dma_semaphore, #tpu.memory_space<semaphore_mem>>
    tpu.enqueue_indirect_dma source(%dma_start3A_133 : memref<10000x128xf32, #tpu.memory_space<hbm>>) target(%dma_start3A_127 : memref<128x128xf32, #tpu.memory_space<vmem>>) offsets(%dma_start3A_130 : memref<128xi32, #tpu.memory_space<vmem>>) semaphore(%dma_start3A_135 : memref<!tpu.dma_semaphore, #tpu.memory_space<semaphore_mem>>)
    %dma_wait3A_136 = arith.constant 0 : i32
    %dma_wait3A_137 = arith.constant 0 : i32
    %dma_wait3A_138 = arith.constant 0 : i32
    %dma_wait3A_139 = arith.constant 0 : i32
    %dma_wait3A_140 = arith.constant 0 : i32
    %dma_wait3A_141 = tpu.memref_slice %arg9[%dma_wait3A_137, %dma_wait3A_139, %dma_wait3A_140] : memref<2x128x128xf32, #tpu.memory_space<vmem>> -> memref<1x128x128xf32, #tpu.memory_space<vmem>>
    %dma_wait3A_142 = tpu.memref_squeeze %dma_wait3A_141 : memref<1x128x128xf32, #tpu.memory_space<vmem>> -> memref<128x128xf32, #tpu.memory_space<vmem>>
    %dma_wait3A_143 = arith.constant 0 : i32
    %dma_wait3A_144 = tpu.memref_slice %arg6[%dma_wait3A_136, %dma_wait3A_143] : memref<4x128xi32, #tpu.memory_space<vmem>> -> memref<1x128xi32, #tpu.memory_space<vmem>>
    %dma_wait3A_145 = tpu.memref_squeeze %dma_wait3A_144 : memref<1x128xi32, #tpu.memory_space<vmem>> -> memref<128xi32, #tpu.memory_space<vmem>>
    %dma_wait3A_146 = arith.constant 0 : i32
    %dma_wait3A_147 = arith.constant 0 : i32
    %dma_wait3A_148 = tpu.memref_slice %arg2[%dma_wait3A_146, %dma_wait3A_147] : memref<10000x128xf32, #tpu.memory_space<hbm>> -> memref<10000x128xf32, #tpu.memory_space<hbm>>
    %dma_wait3A_149 = tpu.memref_slice %arg12[%dma_wait3A_138] : memref<2x!tpu.dma_semaphore, #tpu.memory_space<semaphore_mem>> -> memref<1x!tpu.dma_semaphore, #tpu.memory_space<semaphore_mem>>
    %dma_wait3A_150 = tpu.memref_squeeze %dma_wait3A_149 : memref<1x!tpu.dma_semaphore, #tpu.memory_space<semaphore_mem>> -> memref<!tpu.dma_semaphore, #tpu.memory_space<semaphore_mem>>
    tpu.wait_indirect_dma semaphore(%dma_wait3A_150 : memref<!tpu.dma_semaphore, #tpu.memory_space<semaphore_mem>>) src(%dma_wait3A_148 : memref<10000x128xf32, #tpu.memory_space<hbm>>) dst(%dma_wait3A_142 : memref<128x128xf32, #tpu.memory_space<vmem>>)
    %dma_start3A_151 = arith.constant 0 : i32
    %dma_start3A_152 = arith.constant 0 : i32
    %dma_start3A_153 = arith.constant 0 : i32
    %dma_start3A_154 = arith.constant 0 : i32
    %dma_start3A_155 = arith.constant 0 : i32
    %dma_start3A_156 = tpu.memref_slice %arg9[%dma_start3A_151, %dma_start3A_154, %dma_start3A_155] : memref<2x128x128xf32, #tpu.memory_space<vmem>> -> memref<1x128x128xf32, #tpu.memory_space<vmem>>
    %dma_start3A_157 = tpu.memref_squeeze %dma_start3A_156 : memref<1x128x128xf32, #tpu.memory_space<vmem>> -> memref<128x128xf32, #tpu.memory_space<vmem>>
    %dma_start3A_158 = arith.constant 0 : i32
    %dma_start3A_159 = tpu.memref_slice %arg5[%dma_start3A_152, %dma_start3A_158] : memref<4x128xi32, #tpu.memory_space<vmem>> -> memref<1x128xi32, #tpu.memory_space<vmem>>
    %dma_start3A_160 = tpu.memref_squeeze %dma_start3A_159 : memref<1x128xi32, #tpu.memory_space<vmem>> -> memref<128xi32, #tpu.memory_space<vmem>>
    %dma_start3A_161 = arith.constant 0 : i32
    %dma_start3A_162 = arith.constant 0 : i32
    %dma_start3A_163 = tpu.memref_slice %arg10[%dma_start3A_161, %dma_start3A_162] : memref<10240x128xf32, #tpu.memory_space<vmem_shared>> -> memref<10240x128xf32, #tpu.memory_space<vmem_shared>>
    %dma_start3A_164 = tpu.memref_slice %arg13[%dma_start3A_153] : memref<2x!tpu.dma_semaphore, #tpu.memory_space<semaphore_mem>> -> memref<1x!tpu.dma_semaphore, #tpu.memory_space<semaphore_mem>>
    %dma_start3A_165 = tpu.memref_squeeze %dma_start3A_164 : memref<1x!tpu.dma_semaphore, #tpu.memory_space<semaphore_mem>> -> memref<!tpu.dma_semaphore, #tpu.memory_space<semaphore_mem>>
    tpu.enqueue_indirect_dma source(%dma_start3A_157 : memref<128x128xf32, #tpu.memory_space<vmem>>) target(%dma_start3A_163 : memref<10240x128xf32, #tpu.memory_space<vmem_shared>>) offsets(%dma_start3A_160 : memref<128xi32, #tpu.memory_space<vmem>>) semaphore(%dma_start3A_165 : memref<!tpu.dma_semaphore, #tpu.memory_space<semaphore_mem>>) {add = true}
    %add3A_166 = arith.constant 256 : i32
    %add3A_167 = arith.addi %mul3A_2, %add3A_166 : i32
    %dma_start3A_168 = arith.constant 2 : i32
    %dma_start3A_169 = arith.constant 2 : i32
    %dma_start3A_170 = arith.constant 0 : i32
    %dma_start3A_171 = tpu.memref_slice %arg5[%dma_start3A_168, %dma_start3A_170] : memref<4x128xi32, #tpu.memory_space<vmem>> -> memref<1x128xi32, #tpu.memory_space<vmem>>
    %dma_start3A_172 = tpu.memref_squeeze %dma_start3A_171 : memref<1x128xi32, #tpu.memory_space<vmem>> -> memref<128xi32, #tpu.memory_space<vmem>>
    %dma_start3A_173 = tpu.memref_slice %arg3[%add3A_167] : memref<640000xi32, #tpu.memory_space<hbm>> -> memref<128xi32, #tpu.memory_space<hbm>>
    %dma_start3A_174 = tpu.memref_slice %arg11[%dma_start3A_169] : memref<4x!tpu.dma_semaphore, #tpu.memory_space<semaphore_mem>> -> memref<1x!tpu.dma_semaphore, #tpu.memory_space<semaphore_mem>>
    %dma_start3A_175 = tpu.memref_squeeze %dma_start3A_174 : memref<1x!tpu.dma_semaphore, #tpu.memory_space<semaphore_mem>> -> memref<!tpu.dma_semaphore, #tpu.memory_space<semaphore_mem>>
    %dma_start3A_176 = arith.constant 0 : i32
    %dma_start3A_177 = tpu.memref_slice %arg5[%dma_start3A_168, %dma_start3A_176] : memref<4x128xi32, #tpu.memory_space<vmem>> -> memref<1x128xi32, #tpu.memory_space<vmem>>
    %dma_start3A_178 = tpu.memref_squeeze %dma_start3A_177 : memref<1x128xi32, #tpu.memory_space<vmem>> -> memref<128xi32, #tpu.memory_space<vmem>>
    %dma_start3A_179 = tpu.memref_slice %arg3[%add3A_167] : memref<640000xi32, #tpu.memory_space<hbm>> -> memref<128xi32, #tpu.memory_space<hbm>>
    tpu.enqueue_dma source(%dma_start3A_179 : memref<128xi32, #tpu.memory_space<hbm>>) target(%dma_start3A_178 : memref<128xi32, #tpu.memory_space<vmem>>) target_semaphore(%dma_start3A_175 : memref<!tpu.dma_semaphore, #tpu.memory_space<semaphore_mem>>)
    %add3A_180 = arith.constant 320000 : i32
    %add3A_181 = arith.addi %add3A_180, %mul3A_2 : i32
    %add3A_182 = arith.constant 256 : i32
    %add3A_183 = arith.addi %add3A_181, %add3A_182 : i32
    %dma_start3A_184 = arith.constant 2 : i32
    %dma_start3A_185 = arith.constant 2 : i32
    %dma_start3A_186 = arith.constant 0 : i32
    %dma_start3A_187 = tpu.memref_slice %arg6[%dma_start3A_184, %dma_start3A_186] : memref<4x128xi32, #tpu.memory_space<vmem>> -> memref<1x128xi32, #tpu.memory_space<vmem>>
    %dma_start3A_188 = tpu.memref_squeeze %dma_start3A_187 : memref<1x128xi32, #tpu.memory_space<vmem>> -> memref<128xi32, #tpu.memory_space<vmem>>
    %dma_start3A_189 = tpu.memref_slice %arg3[%add3A_183] : memref<640000xi32, #tpu.memory_space<hbm>> -> memref<128xi32, #tpu.memory_space<hbm>>
    %dma_start3A_190 = tpu.memref_slice %arg11[%dma_start3A_185] : memref<4x!tpu.dma_semaphore, #tpu.memory_space<semaphore_mem>> -> memref<1x!tpu.dma_semaphore, #tpu.memory_space<semaphore_mem>>
    %dma_start3A_191 = tpu.memref_squeeze %dma_start3A_190 : memref<1x!tpu.dma_semaphore, #tpu.memory_space<semaphore_mem>> -> memref<!tpu.dma_semaphore, #tpu.memory_space<semaphore_mem>>
    %dma_start3A_192 = arith.constant 0 : i32
    %dma_start3A_193 = tpu.memref_slice %arg6[%dma_start3A_184, %dma_start3A_192] : memref<4x128xi32, #tpu.memory_space<vmem>> -> memref<1x128xi32, #tpu.memory_space<vmem>>
    %dma_start3A_194 = tpu.memref_squeeze %dma_start3A_193 : memref<1x128xi32, #tpu.memory_space<vmem>> -> memref<128xi32, #tpu.memory_space<vmem>>
    %dma_start3A_195 = tpu.memref_slice %arg3[%add3A_183] : memref<640000xi32, #tpu.memory_space<hbm>> -> memref<128xi32, #tpu.memory_space<hbm>>
    tpu.enqueue_dma source(%dma_start3A_195 : memref<128xi32, #tpu.memory_space<hbm>>) target(%dma_start3A_194 : memref<128xi32, #tpu.memory_space<vmem>>) target_semaphore(%dma_start3A_191 : memref<!tpu.dma_semaphore, #tpu.memory_space<semaphore_mem>>)
    %add3A_196 = arith.constant 128 : i32
    %add3A_197 = arith.addi %mul3A_2, %add3A_196 : i32
    %dma_wait3A_198 = arith.constant 1 : i32
    %dma_wait3A_199 = arith.constant 1 : i32
    %dma_wait3A_200 = arith.constant 0 : i32
    %dma_wait3A_201 = tpu.memref_slice %arg5[%dma_wait3A_198, %dma_wait3A_200] : memref<4x128xi32, #tpu.memory_space<vmem>> -> memref<1x128xi32, #tpu.memory_space<vmem>>
    %dma_wait3A_202 = tpu.memref_squeeze %dma_wait3A_201 : memref<1x128xi32, #tpu.memory_space<vmem>> -> memref<128xi32, #tpu.memory_space<vmem>>
    %dma_wait3A_203 = tpu.memref_slice %arg3[%add3A_197] : memref<640000xi32, #tpu.memory_space<hbm>> -> memref<128xi32, #tpu.memory_space<hbm>>
    %dma_wait3A_204 = tpu.memref_slice %arg11[%dma_wait3A_199] : memref<4x!tpu.dma_semaphore, #tpu.memory_space<semaphore_mem>> -> memref<1x!tpu.dma_semaphore, #tpu.memory_space<semaphore_mem>>
    %dma_wait3A_205 = tpu.memref_squeeze %dma_wait3A_204 : memref<1x!tpu.dma_semaphore, #tpu.memory_space<semaphore_mem>> -> memref<!tpu.dma_semaphore, #tpu.memory_space<semaphore_mem>>
    %dma_wait3A_206 = arith.constant 0 : i32
    %dma_wait3A_207 = tpu.memref_slice %arg5[%dma_wait3A_198, %dma_wait3A_206] : memref<4x128xi32, #tpu.memory_space<vmem>> -> memref<1x128xi32, #tpu.memory_space<vmem>>
    %dma_wait3A_208 = tpu.memref_squeeze %dma_wait3A_207 : memref<1x128xi32, #tpu.memory_space<vmem>> -> memref<128xi32, #tpu.memory_space<vmem>>
    %dma_wait3A_209 = tpu.memref_slice %arg3[%add3A_197] : memref<640000xi32, #tpu.memory_space<hbm>> -> memref<128xi32, #tpu.memory_space<hbm>>
    tpu.wait_dma2 semaphore(%dma_wait3A_205 : memref<!tpu.dma_semaphore, #tpu.memory_space<semaphore_mem>>) src(%dma_wait3A_209 : memref<128xi32, #tpu.memory_space<hbm>>) dst(%dma_wait3A_208 : memref<128xi32, #tpu.memory_space<vmem>>)
    %add3A_210 = arith.constant 320000 : i32
    %add3A_211 = arith.addi %add3A_210, %mul3A_2 : i32
    %add3A_212 = arith.constant 128 : i32
    %add3A_213 = arith.addi %add3A_211, %add3A_212 : i32
    %dma_wait3A_214 = arith.constant 1 : i32
    %dma_wait3A_215 = arith.constant 1 : i32
    %dma_wait3A_216 = arith.constant 0 : i32
    %dma_wait3A_217 = tpu.memref_slice %arg6[%dma_wait3A_214, %dma_wait3A_216] : memref<4x128xi32, #tpu.memory_space<vmem>> -> memref<1x128xi32, #tpu.memory_space<vmem>>
    %dma_wait3A_218 = tpu.memref_squeeze %dma_wait3A_217 : memref<1x128xi32, #tpu.memory_space<vmem>> -> memref<128xi32, #tpu.memory_space<vmem>>
    %dma_wait3A_219 = tpu.memref_slice %arg3[%add3A_213] : memref<640000xi32, #tpu.memory_space<hbm>> -> memref<128xi32, #tpu.memory_space<hbm>>
    %dma_wait3A_220 = tpu.memref_slice %arg11[%dma_wait3A_215] : memref<4x!tpu.dma_semaphore, #tpu.memory_space<semaphore_mem>> -> memref<1x!tpu.dma_semaphore, #tpu.memory_space<semaphore_mem>>
    %dma_wait3A_221 = tpu.memref_squeeze %dma_wait3A_220 : memref<1x!tpu.dma_semaphore, #tpu.memory_space<semaphore_mem>> -> memref<!tpu.dma_semaphore, #tpu.memory_space<semaphore_mem>>
    %dma_wait3A_222 = arith.constant 0 : i32
    %dma_wait3A_223 = tpu.memref_slice %arg6[%dma_wait3A_214, %dma_wait3A_222] : memref<4x128xi32, #tpu.memory_space<vmem>> -> memref<1x128xi32, #tpu.memory_space<vmem>>
    %dma_wait3A_224 = tpu.memref_squeeze %dma_wait3A_223 : memref<1x128xi32, #tpu.memory_space<vmem>> -> memref<128xi32, #tpu.memory_space<vmem>>
    %dma_wait3A_225 = tpu.memref_slice %arg3[%add3A_213] : memref<640000xi32, #tpu.memory_space<hbm>> -> memref<128xi32, #tpu.memory_space<hbm>>
    tpu.wait_dma2 semaphore(%dma_wait3A_221 : memref<!tpu.dma_semaphore, #tpu.memory_space<semaphore_mem>>) src(%dma_wait3A_225 : memref<128xi32, #tpu.memory_space<hbm>>) dst(%dma_wait3A_224 : memref<128xi32, #tpu.memory_space<vmem>>)
    %dma_start3A_226 = arith.constant 1 : i32
    %dma_start3A_227 = arith.constant 1 : i32
    %dma_start3A_228 = arith.constant 1 : i32
    %dma_start3A_229 = arith.constant 0 : i32
    %dma_start3A_230 = arith.constant 0 : i32
    %dma_start3A_231 = tpu.memref_slice %arg9[%dma_start3A_227, %dma_start3A_229, %dma_start3A_230] : memref<2x128x128xf32, #tpu.memory_space<vmem>> -> memref<1x128x128xf32, #tpu.memory_space<vmem>>
    %dma_start3A_232 = tpu.memref_squeeze %dma_start3A_231 : memref<1x128x128xf32, #tpu.memory_space<vmem>> -> memref<128x128xf32, #tpu.memory_space<vmem>>
    %dma_start3A_233 = arith.constant 0 : i32
    %dma_start3A_234 = tpu.memref_slice %arg6[%dma_start3A_226, %dma_start3A_233] : memref<4x128xi32, #tpu.memory_space<vmem>> -> memref<1x128xi32, #tpu.memory_space<vmem>>
    %dma_start3A_235 = tpu.memref_squeeze %dma_start3A_234 : memref<1x128xi32, #tpu.memory_space<vmem>> -> memref<128xi32, #tpu.memory_space<vmem>>
    %dma_start3A_236 = arith.constant 0 : i32
    %dma_start3A_237 = arith.constant 0 : i32
    %dma_start3A_238 = tpu.memref_slice %arg2[%dma_start3A_236, %dma_start3A_237] : memref<10000x128xf32, #tpu.memory_space<hbm>> -> memref<10000x128xf32, #tpu.memory_space<hbm>>
    %dma_start3A_239 = tpu.memref_slice %arg12[%dma_start3A_228] : memref<2x!tpu.dma_semaphore, #tpu.memory_space<semaphore_mem>> -> memref<1x!tpu.dma_semaphore, #tpu.memory_space<semaphore_mem>>
    %dma_start3A_240 = tpu.memref_squeeze %dma_start3A_239 : memref<1x!tpu.dma_semaphore, #tpu.memory_space<semaphore_mem>> -> memref<!tpu.dma_semaphore, #tpu.memory_space<semaphore_mem>>
    tpu.enqueue_indirect_dma source(%dma_start3A_238 : memref<10000x128xf32, #tpu.memory_space<hbm>>) target(%dma_start3A_232 : memref<128x128xf32, #tpu.memory_space<vmem>>) offsets(%dma_start3A_235 : memref<128xi32, #tpu.memory_space<vmem>>) semaphore(%dma_start3A_240 : memref<!tpu.dma_semaphore, #tpu.memory_space<semaphore_mem>>)
    %dma_wait3A_241 = arith.constant 1 : i32
    %dma_wait3A_242 = arith.constant 1 : i32
    %dma_wait3A_243 = arith.constant 1 : i32
    %dma_wait3A_244 = arith.constant 0 : i32
    %dma_wait3A_245 = arith.constant 0 : i32
    %dma_wait3A_246 = tpu.memref_slice %arg9[%dma_wait3A_242, %dma_wait3A_244, %dma_wait3A_245] : memref<2x128x128xf32, #tpu.memory_space<vmem>> -> memref<1x128x128xf32, #tpu.memory_space<vmem>>
    %dma_wait3A_247 = tpu.memref_squeeze %dma_wait3A_246 : memref<1x128x128xf32, #tpu.memory_space<vmem>> -> memref<128x128xf32, #tpu.memory_space<vmem>>
    %dma_wait3A_248 = arith.constant 0 : i32
    %dma_wait3A_249 = tpu.memref_slice %arg6[%dma_wait3A_241, %dma_wait3A_248] : memref<4x128xi32, #tpu.memory_space<vmem>> -> memref<1x128xi32, #tpu.memory_space<vmem>>
    %dma_wait3A_250 = tpu.memref_squeeze %dma_wait3A_249 : memref<1x128xi32, #tpu.memory_space<vmem>> -> memref<128xi32, #tpu.memory_space<vmem>>
    %dma_wait3A_251 = arith.constant 0 : i32
    %dma_wait3A_252 = arith.constant 0 : i32
    %dma_wait3A_253 = tpu.memref_slice %arg2[%dma_wait3A_251, %dma_wait3A_252] : memref<10000x128xf32, #tpu.memory_space<hbm>> -> memref<10000x128xf32, #tpu.memory_space<hbm>>
    %dma_wait3A_254 = tpu.memref_slice %arg12[%dma_wait3A_243] : memref<2x!tpu.dma_semaphore, #tpu.memory_space<semaphore_mem>> -> memref<1x!tpu.dma_semaphore, #tpu.memory_space<semaphore_mem>>
    %dma_wait3A_255 = tpu.memref_squeeze %dma_wait3A_254 : memref<1x!tpu.dma_semaphore, #tpu.memory_space<semaphore_mem>> -> memref<!tpu.dma_semaphore, #tpu.memory_space<semaphore_mem>>
    tpu.wait_indirect_dma semaphore(%dma_wait3A_255 : memref<!tpu.dma_semaphore, #tpu.memory_space<semaphore_mem>>) src(%dma_wait3A_253 : memref<10000x128xf32, #tpu.memory_space<hbm>>) dst(%dma_wait3A_247 : memref<128x128xf32, #tpu.memory_space<vmem>>)
    %dma_start3A_256 = arith.constant 1 : i32
    %dma_start3A_257 = arith.constant 1 : i32
    %dma_start3A_258 = arith.constant 1 : i32
    %dma_start3A_259 = arith.constant 0 : i32
    %dma_start3A_260 = arith.constant 0 : i32
    %dma_start3A_261 = tpu.memref_slice %arg9[%dma_start3A_256, %dma_start3A_259, %dma_start3A_260] : memref<2x128x128xf32, #tpu.memory_space<vmem>> -> memref<1x128x128xf32, #tpu.memory_space<vmem>>
    %dma_start3A_262 = tpu.memref_squeeze %dma_start3A_261 : memref<1x128x128xf32, #tpu.memory_space<vmem>> -> memref<128x128xf32, #tpu.memory_space<vmem>>
    %dma_start3A_263 = arith.constant 0 : i32
    %dma_start3A_264 = tpu.memref_slice %arg5[%dma_start3A_257, %dma_start3A_263] : memref<4x128xi32, #tpu.memory_space<vmem>> -> memref<1x128xi32, #tpu.memory_space<vmem>>
    %dma_start3A_265 = tpu.memref_squeeze %dma_start3A_264 : memref<1x128xi32, #tpu.memory_space<vmem>> -> memref<128xi32, #tpu.memory_space<vmem>>
    %dma_start3A_266 = arith.constant 0 : i32
    %dma_start3A_267 = arith.constant 0 : i32
    %dma_start3A_268 = tpu.memref_slice %arg10[%dma_start3A_266, %dma_start3A_267] : memref<10240x128xf32, #tpu.memory_space<vmem_shared>> -> memref<10240x128xf32, #tpu.memory_space<vmem_shared>>
    %dma_start3A_269 = tpu.memref_slice %arg13[%dma_start3A_258] : memref<2x!tpu.dma_semaphore, #tpu.memory_space<semaphore_mem>> -> memref<1x!tpu.dma_semaphore, #tpu.memory_space<semaphore_mem>>
    %dma_start3A_270 = tpu.memref_squeeze %dma_start3A_269 : memref<1x!tpu.dma_semaphore, #tpu.memory_space<semaphore_mem>> -> memref<!tpu.dma_semaphore, #tpu.memory_space<semaphore_mem>>
    tpu.enqueue_indirect_dma source(%dma_start3A_262 : memref<128x128xf32, #tpu.memory_space<vmem>>) target(%dma_start3A_268 : memref<10240x128xf32, #tpu.memory_space<vmem_shared>>) offsets(%dma_start3A_265 : memref<128xi32, #tpu.memory_space<vmem>>) semaphore(%dma_start3A_270 : memref<!tpu.dma_semaphore, #tpu.memory_space<semaphore_mem>>) {add = true}
    %dma_wait3A_271 = arith.constant 0 : i32
    %dma_wait3A_272 = arith.constant 0 : i32
    %dma_wait3A_273 = arith.constant 0 : i32
    %dma_wait3A_274 = arith.constant 0 : i32
    %dma_wait3A_275 = arith.constant 0 : i32
    %dma_wait3A_276 = tpu.memref_slice %arg9[%dma_wait3A_271, %dma_wait3A_274, %dma_wait3A_275] : memref<2x128x128xf32, #tpu.memory_space<vmem>> -> memref<1x128x128xf32, #tpu.memory_space<vmem>>
    %dma_wait3A_277 = tpu.memref_squeeze %dma_wait3A_276 : memref<1x128x128xf32, #tpu.memory_space<vmem>> -> memref<128x128xf32, #tpu.memory_space<vmem>>
    %dma_wait3A_278 = arith.constant 0 : i32
    %dma_wait3A_279 = tpu.memref_slice %arg5[%dma_wait3A_272, %dma_wait3A_278] : memref<4x128xi32, #tpu.memory_space<vmem>> -> memref<1x128xi32, #tpu.memory_space<vmem>>
    %dma_wait3A_280 = tpu.memref_squeeze %dma_wait3A_279 : memref<1x128xi32, #tpu.memory_space<vmem>> -> memref<128xi32, #tpu.memory_space<vmem>>
    %dma_wait3A_281 = arith.constant 0 : i32
    %dma_wait3A_282 = arith.constant 0 : i32
    %dma_wait3A_283 = tpu.memref_slice %arg10[%dma_wait3A_281, %dma_wait3A_282] : memref<10240x128xf32, #tpu.memory_space<vmem_shared>> -> memref<10240x128xf32, #tpu.memory_space<vmem_shared>>
    %dma_wait3A_284 = tpu.memref_slice %arg13[%dma_wait3A_273] : memref<2x!tpu.dma_semaphore, #tpu.memory_space<semaphore_mem>> -> memref<1x!tpu.dma_semaphore, #tpu.memory_space<semaphore_mem>>
    %dma_wait3A_285 = tpu.memref_squeeze %dma_wait3A_284 : memref<1x!tpu.dma_semaphore, #tpu.memory_space<semaphore_mem>> -> memref<!tpu.dma_semaphore, #tpu.memory_space<semaphore_mem>>
    tpu.wait_indirect_dma semaphore(%dma_wait3A_285 : memref<!tpu.dma_semaphore, #tpu.memory_space<semaphore_mem>>) src(%dma_wait3A_277 : memref<128x128xf32, #tpu.memory_space<vmem>>) dst(%dma_wait3A_283 : memref<10240x128xf32, #tpu.memory_space<vmem_shared>>)
    %add3A_286 = arith.constant 384 : i32
    %add3A_287 = arith.addi %mul3A_2, %add3A_286 : i32
    %dma_start3A_288 = arith.constant 3 : i32
    %dma_start3A_289 = arith.constant 3 : i32
    %dma_start3A_290 = arith.constant 0 : i32
    %dma_start3A_291 = tpu.memref_slice %arg5[%dma_start3A_288, %dma_start3A_290] : memref<4x128xi32, #tpu.memory_space<vmem>> -> memref<1x128xi32, #tpu.memory_space<vmem>>
    %dma_start3A_292 = tpu.memref_squeeze %dma_start3A_291 : memref<1x128xi32, #tpu.memory_space<vmem>> -> memref<128xi32, #tpu.memory_space<vmem>>
    %dma_start3A_293 = tpu.memref_slice %arg3[%add3A_287] : memref<640000xi32, #tpu.memory_space<hbm>> -> memref<128xi32, #tpu.memory_space<hbm>>
    %dma_start3A_294 = tpu.memref_slice %arg11[%dma_start3A_289] : memref<4x!tpu.dma_semaphore, #tpu.memory_space<semaphore_mem>> -> memref<1x!tpu.dma_semaphore, #tpu.memory_space<semaphore_mem>>
    %dma_start3A_295 = tpu.memref_squeeze %dma_start3A_294 : memref<1x!tpu.dma_semaphore, #tpu.memory_space<semaphore_mem>> -> memref<!tpu.dma_semaphore, #tpu.memory_space<semaphore_mem>>
    %dma_start3A_296 = arith.constant 0 : i32
    %dma_start3A_297 = tpu.memref_slice %arg5[%dma_start3A_288, %dma_start3A_296] : memref<4x128xi32, #tpu.memory_space<vmem>> -> memref<1x128xi32, #tpu.memory_space<vmem>>
    %dma_start3A_298 = tpu.memref_squeeze %dma_start3A_297 : memref<1x128xi32, #tpu.memory_space<vmem>> -> memref<128xi32, #tpu.memory_space<vmem>>
    %dma_start3A_299 = tpu.memref_slice %arg3[%add3A_287] : memref<640000xi32, #tpu.memory_space<hbm>> -> memref<128xi32, #tpu.memory_space<hbm>>
    tpu.enqueue_dma source(%dma_start3A_299 : memref<128xi32, #tpu.memory_space<hbm>>) target(%dma_start3A_298 : memref<128xi32, #tpu.memory_space<vmem>>) target_semaphore(%dma_start3A_295 : memref<!tpu.dma_semaphore, #tpu.memory_space<semaphore_mem>>)
    %add3A_300 = arith.constant 320000 : i32
    %add3A_301 = arith.addi %add3A_300, %mul3A_2 : i32
    %add3A_302 = arith.constant 384 : i32
    %add3A_303 = arith.addi %add3A_301, %add3A_302 : i32
    %dma_start3A_304 = arith.constant 3 : i32
    %dma_start3A_305 = arith.constant 3 : i32
    %dma_start3A_306 = arith.constant 0 : i32
    %dma_start3A_307 = tpu.memref_slice %arg6[%dma_start3A_304, %dma_start3A_306] : memref<4x128xi32, #tpu.memory_space<vmem>> -> memref<1x128xi32, #tpu.memory_space<vmem>>
    %dma_start3A_308 = tpu.memref_squeeze %dma_start3A_307 : memref<1x128xi32, #tpu.memory_space<vmem>> -> memref<128xi32, #tpu.memory_space<vmem>>
    %dma_start3A_309 = tpu.memref_slice %arg3[%add3A_303] : memref<640000xi32, #tpu.memory_space<hbm>> -> memref<128xi32, #tpu.memory_space<hbm>>
    %dma_start3A_310 = tpu.memref_slice %arg11[%dma_start3A_305] : memref<4x!tpu.dma_semaphore, #tpu.memory_space<semaphore_mem>> -> memref<1x!tpu.dma_semaphore, #tpu.memory_space<semaphore_mem>>
    %dma_start3A_311 = tpu.memref_squeeze %dma_start3A_310 : memref<1x!tpu.dma_semaphore, #tpu.memory_space<semaphore_mem>> -> memref<!tpu.dma_semaphore, #tpu.memory_space<semaphore_mem>>
    %dma_start3A_312 = arith.constant 0 : i32
    %dma_start3A_313 = tpu.memref_slice %arg6[%dma_start3A_304, %dma_start3A_312] : memref<4x128xi32, #tpu.memory_space<vmem>> -> memref<1x128xi32, #tpu.memory_space<vmem>>
    %dma_start3A_314 = tpu.memref_squeeze %dma_start3A_313 : memref<1x128xi32, #tpu.memory_space<vmem>> -> memref<128xi32, #tpu.memory_space<vmem>>
    %dma_start3A_315 = tpu.memref_slice %arg3[%add3A_303] : memref<640000xi32, #tpu.memory_space<hbm>> -> memref<128xi32, #tpu.memory_space<hbm>>
    tpu.enqueue_dma source(%dma_start3A_315 : memref<128xi32, #tpu.memory_space<hbm>>) target(%dma_start3A_314 : memref<128xi32, #tpu.memory_space<vmem>>) target_semaphore(%dma_start3A_311 : memref<!tpu.dma_semaphore, #tpu.memory_space<semaphore_mem>>)
    %add3A_316 = arith.constant 256 : i32
    %add3A_317 = arith.addi %mul3A_2, %add3A_316 : i32
    %dma_wait3A_318 = arith.constant 2 : i32
    %dma_wait3A_319 = arith.constant 2 : i32
    %dma_wait3A_320 = arith.constant 0 : i32
    %dma_wait3A_321 = tpu.memref_slice %arg5[%dma_wait3A_318, %dma_wait3A_320] : memref<4x128xi32, #tpu.memory_space<vmem>> -> memref<1x128xi32, #tpu.memory_space<vmem>>
    %dma_wait3A_322 = tpu.memref_squeeze %dma_wait3A_321 : memref<1x128xi32, #tpu.memory_space<vmem>> -> memref<128xi32, #tpu.memory_space<vmem>>
    %dma_wait3A_323 = tpu.memref_slice %arg3[%add3A_317] : memref<640000xi32, #tpu.memory_space<hbm>> -> memref<128xi32, #tpu.memory_space<hbm>>
    %dma_wait3A_324 = tpu.memref_slice %arg11[%dma_wait3A_319] : memref<4x!tpu.dma_semaphore, #tpu.memory_space<semaphore_mem>> -> memref<1x!tpu.dma_semaphore, #tpu.memory_space<semaphore_mem>>
    %dma_wait3A_325 = tpu.memref_squeeze %dma_wait3A_324 : memref<1x!tpu.dma_semaphore, #tpu.memory_space<semaphore_mem>> -> memref<!tpu.dma_semaphore, #tpu.memory_space<semaphore_mem>>
    %dma_wait3A_326 = arith.constant 0 : i32
    %dma_wait3A_327 = tpu.memref_slice %arg5[%dma_wait3A_318, %dma_wait3A_326] : memref<4x128xi32, #tpu.memory_space<vmem>> -> memref<1x128xi32, #tpu.memory_space<vmem>>
    %dma_wait3A_328 = tpu.memref_squeeze %dma_wait3A_327 : memref<1x128xi32, #tpu.memory_space<vmem>> -> memref<128xi32, #tpu.memory_space<vmem>>
    %dma_wait3A_329 = tpu.memref_slice %arg3[%add3A_317] : memref<640000xi32, #tpu.memory_space<hbm>> -> memref<128xi32, #tpu.memory_space<hbm>>
    tpu.wait_dma2 semaphore(%dma_wait3A_325 : memref<!tpu.dma_semaphore, #tpu.memory_space<semaphore_mem>>) src(%dma_wait3A_329 : memref<128xi32, #tpu.memory_space<hbm>>) dst(%dma_wait3A_328 : memref<128xi32, #tpu.memory_space<vmem>>)
    %add3A_330 = arith.constant 320000 : i32
    %add3A_331 = arith.addi %add3A_330, %mul3A_2 : i32
    %add3A_332 = arith.constant 256 : i32
    %add3A_333 = arith.addi %add3A_331, %add3A_332 : i32
    %dma_wait3A_334 = arith.constant 2 : i32
    %dma_wait3A_335 = arith.constant 2 : i32
    %dma_wait3A_336 = arith.constant 0 : i32
    %dma_wait3A_337 = tpu.memref_slice %arg6[%dma_wait3A_334, %dma_wait3A_336] : memref<4x128xi32, #tpu.memory_space<vmem>> -> memref<1x128xi32, #tpu.memory_space<vmem>>
    %dma_wait3A_338 = tpu.memref_squeeze %dma_wait3A_337 : memref<1x128xi32, #tpu.memory_space<vmem>> -> memref<128xi32, #tpu.memory_space<vmem>>
    %dma_wait3A_339 = tpu.memref_slice %arg3[%add3A_333] : memref<640000xi32, #tpu.memory_space<hbm>> -> memref<128xi32, #tpu.memory_space<hbm>>
    %dma_wait3A_340 = tpu.memref_slice %arg11[%dma_wait3A_335] : memref<4x!tpu.dma_semaphore, #tpu.memory_space<semaphore_mem>> -> memref<1x!tpu.dma_semaphore, #tpu.memory_space<semaphore_mem>>
    %dma_wait3A_341 = tpu.memref_squeeze %dma_wait3A_340 : memref<1x!tpu.dma_semaphore, #tpu.memory_space<semaphore_mem>> -> memref<!tpu.dma_semaphore, #tpu.memory_space<semaphore_mem>>
    %dma_wait3A_342 = arith.constant 0 : i32
    %dma_wait3A_343 = tpu.memref_slice %arg6[%dma_wait3A_334, %dma_wait3A_342] : memref<4x128xi32, #tpu.memory_space<vmem>> -> memref<1x128xi32, #tpu.memory_space<vmem>>
    %dma_wait3A_344 = tpu.memref_squeeze %dma_wait3A_343 : memref<1x128xi32, #tpu.memory_space<vmem>> -> memref<128xi32, #tpu.memory_space<vmem>>
    %dma_wait3A_345 = tpu.memref_slice %arg3[%add3A_333] : memref<640000xi32, #tpu.memory_space<hbm>> -> memref<128xi32, #tpu.memory_space<hbm>>
    tpu.wait_dma2 semaphore(%dma_wait3A_341 : memref<!tpu.dma_semaphore, #tpu.memory_space<semaphore_mem>>) src(%dma_wait3A_345 : memref<128xi32, #tpu.memory_space<hbm>>) dst(%dma_wait3A_344 : memref<128xi32, #tpu.memory_space<vmem>>)
    %dma_start3A_346 = arith.constant 2 : i32
    %dma_start3A_347 = arith.constant 0 : i32
    %dma_start3A_348 = arith.constant 0 : i32
    %dma_start3A_349 = arith.constant 0 : i32
    %dma_start3A_350 = arith.constant 0 : i32
    %dma_start3A_351 = tpu.memref_slice %arg9[%dma_start3A_347, %dma_start3A_349, %dma_start3A_350] : memref<2x128x128xf32, #tpu.memory_space<vmem>> -> memref<1x128x128xf32, #tpu.memory_space<vmem>>
    %dma_start3A_352 = tpu.memref_squeeze %dma_start3A_351 : memref<1x128x128xf32, #tpu.memory_space<vmem>> -> memref<128x128xf32, #tpu.memory_space<vmem>>
    %dma_start3A_353 = arith.constant 0 : i32
    %dma_start3A_354 = tpu.memref_slice %arg6[%dma_start3A_346, %dma_start3A_353] : memref<4x128xi32, #tpu.memory_space<vmem>> -> memref<1x128xi32, #tpu.memory_space<vmem>>
    %dma_start3A_355 = tpu.memref_squeeze %dma_start3A_354 : memref<1x128xi32, #tpu.memory_space<vmem>> -> memref<128xi32, #tpu.memory_space<vmem>>
    %dma_start3A_356 = arith.constant 0 : i32
    %dma_start3A_357 = arith.constant 0 : i32
    %dma_start3A_358 = tpu.memref_slice %arg2[%dma_start3A_356, %dma_start3A_357] : memref<10000x128xf32, #tpu.memory_space<hbm>> -> memref<10000x128xf32, #tpu.memory_space<hbm>>
    %dma_start3A_359 = tpu.memref_slice %arg12[%dma_start3A_348] : memref<2x!tpu.dma_semaphore, #tpu.memory_space<semaphore_mem>> -> memref<1x!tpu.dma_semaphore, #tpu.memory_space<semaphore_mem>>
    %dma_start3A_360 = tpu.memref_squeeze %dma_start3A_359 : memref<1x!tpu.dma_semaphore, #tpu.memory_space<semaphore_mem>> -> memref<!tpu.dma_semaphore, #tpu.memory_space<semaphore_mem>>
    tpu.enqueue_indirect_dma source(%dma_start3A_358 : memref<10000x128xf32, #tpu.memory_space<hbm>>) target(%dma_start3A_352 : memref<128x128xf32, #tpu.memory_space<vmem>>) offsets(%dma_start3A_355 : memref<128xi32, #tpu.memory_space<vmem>>) semaphore(%dma_start3A_360 : memref<!tpu.dma_semaphore, #tpu.memory_space<semaphore_mem>>)
    %dma_wait3A_361 = arith.constant 2 : i32
    %dma_wait3A_362 = arith.constant 0 : i32
    %dma_wait3A_363 = arith.constant 0 : i32
    %dma_wait3A_364 = arith.constant 0 : i32
    %dma_wait3A_365 = arith.constant 0 : i32
    %dma_wait3A_366 = tpu.memref_slice %arg9[%dma_wait3A_362, %dma_wait3A_364, %dma_wait3A_365] : memref<2x128x128xf32, #tpu.memory_space<vmem>> -> memref<1x128x128xf32, #tpu.memory_space<vmem>>
    %dma_wait3A_367 = tpu.memref_squeeze %dma_wait3A_366 : memref<1x128x128xf32, #tpu.memory_space<vmem>> -> memref<128x128xf32, #tpu.memory_space<vmem>>
    %dma_wait3A_368 = arith.constant 0 : i32
    %dma_wait3A_369 = tpu.memref_slice %arg6[%dma_wait3A_361, %dma_wait3A_368] : memref<4x128xi32, #tpu.memory_space<vmem>> -> memref<1x128xi32, #tpu.memory_space<vmem>>
    %dma_wait3A_370 = tpu.memref_squeeze %dma_wait3A_369 : memref<1x128xi32, #tpu.memory_space<vmem>> -> memref<128xi32, #tpu.memory_space<vmem>>
    %dma_wait3A_371 = arith.constant 0 : i32
    %dma_wait3A_372 = arith.constant 0 : i32
    %dma_wait3A_373 = tpu.memref_slice %arg2[%dma_wait3A_371, %dma_wait3A_372] : memref<10000x128xf32, #tpu.memory_space<hbm>> -> memref<10000x128xf32, #tpu.memory_space<hbm>>
    %dma_wait3A_374 = tpu.memref_slice %arg12[%dma_wait3A_363] : memref<2x!tpu.dma_semaphore, #tpu.memory_space<semaphore_mem>> -> memref<1x!tpu.dma_semaphore, #tpu.memory_space<semaphore_mem>>
    %dma_wait3A_375 = tpu.memref_squeeze %dma_wait3A_374 : memref<1x!tpu.dma_semaphore, #tpu.memory_space<semaphore_mem>> -> memref<!tpu.dma_semaphore, #tpu.memory_space<semaphore_mem>>
    tpu.wait_indirect_dma semaphore(%dma_wait3A_375 : memref<!tpu.dma_semaphore, #tpu.memory_space<semaphore_mem>>) src(%dma_wait3A_373 : memref<10000x128xf32, #tpu.memory_space<hbm>>) dst(%dma_wait3A_367 : memref<128x128xf32, #tpu.memory_space<vmem>>)
    %dma_start3A_376 = arith.constant 0 : i32
    %dma_start3A_377 = arith.constant 2 : i32
    %dma_start3A_378 = arith.constant 0 : i32
    %dma_start3A_379 = arith.constant 0 : i32
    %dma_start3A_380 = arith.constant 0 : i32
    %dma_start3A_381 = tpu.memref_slice %arg9[%dma_start3A_376, %dma_start3A_379, %dma_start3A_380] : memref<2x128x128xf32, #tpu.memory_space<vmem>> -> memref<1x128x128xf32, #tpu.memory_space<vmem>>
    %dma_start3A_382 = tpu.memref_squeeze %dma_start3A_381 : memref<1x128x128xf32, #tpu.memory_space<vmem>> -> memref<128x128xf32, #tpu.memory_space<vmem>>
    %dma_start3A_383 = arith.constant 0 : i32
    %dma_start3A_384 = tpu.memref_slice %arg5[%dma_start3A_377, %dma_start3A_383] : memref<4x128xi32, #tpu.memory_space<vmem>> -> memref<1x128xi32, #tpu.memory_space<vmem>>
    %dma_start3A_385 = tpu.memref_squeeze %dma_start3A_384 : memref<1x128xi32, #tpu.memory_space<vmem>> -> memref<128xi32, #tpu.memory_space<vmem>>
    %dma_start3A_386 = arith.constant 0 : i32
    %dma_start3A_387 = arith.constant 0 : i32
    %dma_start3A_388 = tpu.memref_slice %arg10[%dma_start3A_386, %dma_start3A_387] : memref<10240x128xf32, #tpu.memory_space<vmem_shared>> -> memref<10240x128xf32, #tpu.memory_space<vmem_shared>>
    %dma_start3A_389 = tpu.memref_slice %arg13[%dma_start3A_378] : memref<2x!tpu.dma_semaphore, #tpu.memory_space<semaphore_mem>> -> memref<1x!tpu.dma_semaphore, #tpu.memory_space<semaphore_mem>>
    %dma_start3A_390 = tpu.memref_squeeze %dma_start3A_389 : memref<1x!tpu.dma_semaphore, #tpu.memory_space<semaphore_mem>> -> memref<!tpu.dma_semaphore, #tpu.memory_space<semaphore_mem>>
    tpu.enqueue_indirect_dma source(%dma_start3A_382 : memref<128x128xf32, #tpu.memory_space<vmem>>) target(%dma_start3A_388 : memref<10240x128xf32, #tpu.memory_space<vmem_shared>>) offsets(%dma_start3A_385 : memref<128xi32, #tpu.memory_space<vmem>>) semaphore(%dma_start3A_390 : memref<!tpu.dma_semaphore, #tpu.memory_space<semaphore_mem>>) {add = true}
    %dma_wait3A_391 = arith.constant 1 : i32
    %dma_wait3A_392 = arith.constant 1 : i32
    %dma_wait3A_393 = arith.constant 1 : i32
    %dma_wait3A_394 = arith.constant 0 : i32
    %dma_wait3A_395 = arith.constant 0 : i32
    %dma_wait3A_396 = tpu.memref_slice %arg9[%dma_wait3A_391, %dma_wait3A_394, %dma_wait3A_395] : memref<2x128x128xf32, #tpu.memory_space<vmem>> -> memref<1x128x128xf32, #tpu.memory_space<vmem>>
    %dma_wait3A_397 = tpu.memref_squeeze %dma_wait3A_396 : memref<1x128x128xf32, #tpu.memory_space<vmem>> -> memref<128x128xf32, #tpu.memory_space<vmem>>
    %dma_wait3A_398 = arith.constant 0 : i32
    %dma_wait3A_399 = tpu.memref_slice %arg5[%dma_wait3A_392, %dma_wait3A_398] : memref<4x128xi32, #tpu.memory_space<vmem>> -> memref<1x128xi32, #tpu.memory_space<vmem>>
    %dma_wait3A_400 = tpu.memref_squeeze %dma_wait3A_399 : memref<1x128xi32, #tpu.memory_space<vmem>> -> memref<128xi32, #tpu.memory_space<vmem>>
    %dma_wait3A_401 = arith.constant 0 : i32
    %dma_wait3A_402 = arith.constant 0 : i32
    %dma_wait3A_403 = tpu.memref_slice %arg10[%dma_wait3A_401, %dma_wait3A_402] : memref<10240x128xf32, #tpu.memory_space<vmem_shared>> -> memref<10240x128xf32, #tpu.memory_space<vmem_shared>>
    %dma_wait3A_404 = tpu.memref_slice %arg13[%dma_wait3A_393] : memref<2x!tpu.dma_semaphore, #tpu.memory_space<semaphore_mem>> -> memref<1x!tpu.dma_semaphore, #tpu.memory_space<semaphore_mem>>
    %dma_wait3A_405 = tpu.memref_squeeze %dma_wait3A_404 : memref<1x!tpu.dma_semaphore, #tpu.memory_space<semaphore_mem>> -> memref<!tpu.dma_semaphore, #tpu.memory_space<semaphore_mem>>
    tpu.wait_indirect_dma semaphore(%dma_wait3A_405 : memref<!tpu.dma_semaphore, #tpu.memory_space<semaphore_mem>>) src(%dma_wait3A_397 : memref<128x128xf32, #tpu.memory_space<vmem>>) dst(%dma_wait3A_403 : memref<10240x128xf32, #tpu.memory_space<vmem_shared>>)
    %add3A_406 = arith.constant 512 : i32
    %add3A_407 = arith.addi %mul3A_2, %add3A_406 : i32
    %dma_start3A_408 = arith.constant 0 : i32
    %dma_start3A_409 = arith.constant 0 : i32
    %dma_start3A_410 = arith.constant 0 : i32
    %dma_start3A_411 = tpu.memref_slice %arg5[%dma_start3A_408, %dma_start3A_410] : memref<4x128xi32, #tpu.memory_space<vmem>> -> memref<1x128xi32, #tpu.memory_space<vmem>>
    %dma_start3A_412 = tpu.memref_squeeze %dma_start3A_411 : memref<1x128xi32, #tpu.memory_space<vmem>> -> memref<128xi32, #tpu.memory_space<vmem>>
    %dma_start3A_413 = tpu.memref_slice %arg3[%add3A_407] : memref<640000xi32, #tpu.memory_space<hbm>> -> memref<128xi32, #tpu.memory_space<hbm>>
    %dma_start3A_414 = tpu.memref_slice %arg11[%dma_start3A_409] : memref<4x!tpu.dma_semaphore, #tpu.memory_space<semaphore_mem>> -> memref<1x!tpu.dma_semaphore, #tpu.memory_space<semaphore_mem>>
    %dma_start3A_415 = tpu.memref_squeeze %dma_start3A_414 : memref<1x!tpu.dma_semaphore, #tpu.memory_space<semaphore_mem>> -> memref<!tpu.dma_semaphore, #tpu.memory_space<semaphore_mem>>
    %dma_start3A_416 = arith.constant 0 : i32
    %dma_start3A_417 = tpu.memref_slice %arg5[%dma_start3A_408, %dma_start3A_416] : memref<4x128xi32, #tpu.memory_space<vmem>> -> memref<1x128xi32, #tpu.memory_space<vmem>>
    %dma_start3A_418 = tpu.memref_squeeze %dma_start3A_417 : memref<1x128xi32, #tpu.memory_space<vmem>> -> memref<128xi32, #tpu.memory_space<vmem>>
    %dma_start3A_419 = tpu.memref_slice %arg3[%add3A_407] : memref<640000xi32, #tpu.memory_space<hbm>> -> memref<128xi32, #tpu.memory_space<hbm>>
    tpu.enqueue_dma source(%dma_start3A_419 : memref<128xi32, #tpu.memory_space<hbm>>) target(%dma_start3A_418 : memref<128xi32, #tpu.memory_space<vmem>>) target_semaphore(%dma_start3A_415 : memref<!tpu.dma_semaphore, #tpu.memory_space<semaphore_mem>>)
    %add3A_420 = arith.constant 320000 : i32
    %add3A_421 = arith.addi %add3A_420, %mul3A_2 : i32
    %add3A_422 = arith.constant 512 : i32
    %add3A_423 = arith.addi %add3A_421, %add3A_422 : i32
    %dma_start3A_424 = arith.constant 0 : i32
    %dma_start3A_425 = arith.constant 0 : i32
    %dma_start3A_426 = arith.constant 0 : i32
    %dma_start3A_427 = tpu.memref_slice %arg6[%dma_start3A_424, %dma_start3A_426] : memref<4x128xi32, #tpu.memory_space<vmem>> -> memref<1x128xi32, #tpu.memory_space<vmem>>
    %dma_start3A_428 = tpu.memref_squeeze %dma_start3A_427 : memref<1x128xi32, #tpu.memory_space<vmem>> -> memref<128xi32, #tpu.memory_space<vmem>>
    %dma_start3A_429 = tpu.memref_slice %arg3[%add3A_423] : memref<640000xi32, #tpu.memory_space<hbm>> -> memref<128xi32, #tpu.memory_space<hbm>>
    %dma_start3A_430 = tpu.memref_slice %arg11[%dma_start3A_425] : memref<4x!tpu.dma_semaphore, #tpu.memory_space<semaphore_mem>> -> memref<1x!tpu.dma_semaphore, #tpu.memory_space<semaphore_mem>>
    %dma_start3A_431 = tpu.memref_squeeze %dma_start3A_430 : memref<1x!tpu.dma_semaphore, #tpu.memory_space<semaphore_mem>> -> memref<!tpu.dma_semaphore, #tpu.memory_space<semaphore_mem>>
    %dma_start3A_432 = arith.constant 0 : i32
    %dma_start3A_433 = tpu.memref_slice %arg6[%dma_start3A_424, %dma_start3A_432] : memref<4x128xi32, #tpu.memory_space<vmem>> -> memref<1x128xi32, #tpu.memory_space<vmem>>
    %dma_start3A_434 = tpu.memref_squeeze %dma_start3A_433 : memref<1x128xi32, #tpu.memory_space<vmem>> -> memref<128xi32, #tpu.memory_space<vmem>>
    %dma_start3A_435 = tpu.memref_slice %arg3[%add3A_423] : memref<640000xi32, #tpu.memory_space<hbm>> -> memref<128xi32, #tpu.memory_space<hbm>>
    tpu.enqueue_dma source(%dma_start3A_435 : memref<128xi32, #tpu.memory_space<hbm>>) target(%dma_start3A_434 : memref<128xi32, #tpu.memory_space<vmem>>) target_semaphore(%dma_start3A_431 : memref<!tpu.dma_semaphore, #tpu.memory_space<semaphore_mem>>)
    %add3A_436 = arith.constant 384 : i32
    %add3A_437 = arith.addi %mul3A_2, %add3A_436 : i32
    %dma_wait3A_438 = arith.constant 3 : i32
    %dma_wait3A_439 = arith.constant 3 : i32
    %dma_wait3A_440 = arith.constant 0 : i32
    %dma_wait3A_441 = tpu.memref_slice %arg5[%dma_wait3A_438, %dma_wait3A_440] : memref<4x128xi32, #tpu.memory_space<vmem>> -> memref<1x128xi32, #tpu.memory_space<vmem>>
    %dma_wait3A_442 = tpu.memref_squeeze %dma_wait3A_441 : memref<1x128xi32, #tpu.memory_space<vmem>> -> memref<128xi32, #tpu.memory_space<vmem>>
    %dma_wait3A_443 = tpu.memref_slice %arg3[%add3A_437] : memref<640000xi32, #tpu.memory_space<hbm>> -> memref<128xi32, #tpu.memory_space<hbm>>
    %dma_wait3A_444 = tpu.memref_slice %arg11[%dma_wait3A_439] : memref<4x!tpu.dma_semaphore, #tpu.memory_space<semaphore_mem>> -> memref<1x!tpu.dma_semaphore, #tpu.memory_space<semaphore_mem>>
    %dma_wait3A_445 = tpu.memref_squeeze %dma_wait3A_444 : memref<1x!tpu.dma_semaphore, #tpu.memory_space<semaphore_mem>> -> memref<!tpu.dma_semaphore, #tpu.memory_space<semaphore_mem>>
    %dma_wait3A_446 = arith.constant 0 : i32
    %dma_wait3A_447 = tpu.memref_slice %arg5[%dma_wait3A_438, %dma_wait3A_446] : memref<4x128xi32, #tpu.memory_space<vmem>> -> memref<1x128xi32, #tpu.memory_space<vmem>>
    %dma_wait3A_448 = tpu.memref_squeeze %dma_wait3A_447 : memref<1x128xi32, #tpu.memory_space<vmem>> -> memref<128xi32, #tpu.memory_space<vmem>>
    %dma_wait3A_449 = tpu.memref_slice %arg3[%add3A_437] : memref<640000xi32, #tpu.memory_space<hbm>> -> memref<128xi32, #tpu.memory_space<hbm>>
    tpu.wait_dma2 semaphore(%dma_wait3A_445 : memref<!tpu.dma_semaphore, #tpu.memory_space<semaphore_mem>>) src(%dma_wait3A_449 : memref<128xi32, #tpu.memory_space<hbm>>) dst(%dma_wait3A_448 : memref<128xi32, #tpu.memory_space<vmem>>)
    %add3A_450 = arith.constant 320000 : i32
    %add3A_451 = arith.addi %add3A_450, %mul3A_2 : i32
    %add3A_452 = arith.constant 384 : i32
    %add3A_453 = arith.addi %add3A_451, %add3A_452 : i32
    %dma_wait3A_454 = arith.constant 3 : i32
    %dma_wait3A_455 = arith.constant 3 : i32
    %dma_wait3A_456 = arith.constant 0 : i32
    %dma_wait3A_457 = tpu.memref_slice %arg6[%dma_wait3A_454, %dma_wait3A_456] : memref<4x128xi32, #tpu.memory_space<vmem>> -> memref<1x128xi32, #tpu.memory_space<vmem>>
    %dma_wait3A_458 = tpu.memref_squeeze %dma_wait3A_457 : memref<1x128xi32, #tpu.memory_space<vmem>> -> memref<128xi32, #tpu.memory_space<vmem>>
    %dma_wait3A_459 = tpu.memref_slice %arg3[%add3A_453] : memref<640000xi32, #tpu.memory_space<hbm>> -> memref<128xi32, #tpu.memory_space<hbm>>
    %dma_wait3A_460 = tpu.memref_slice %arg11[%dma_wait3A_455] : memref<4x!tpu.dma_semaphore, #tpu.memory_space<semaphore_mem>> -> memref<1x!tpu.dma_semaphore, #tpu.memory_space<semaphore_mem>>
    %dma_wait3A_461 = tpu.memref_squeeze %dma_wait3A_460 : memref<1x!tpu.dma_semaphore, #tpu.memory_space<semaphore_mem>> -> memref<!tpu.dma_semaphore, #tpu.memory_space<semaphore_mem>>
    %dma_wait3A_462 = arith.constant 0 : i32
    %dma_wait3A_463 = tpu.memref_slice %arg6[%dma_wait3A_454, %dma_wait3A_462] : memref<4x128xi32, #tpu.memory_space<vmem>> -> memref<1x128xi32, #tpu.memory_space<vmem>>
    %dma_wait3A_464 = tpu.memref_squeeze %dma_wait3A_463 : memref<1x128xi32, #tpu.memory_space<vmem>> -> memref<128xi32, #tpu.memory_space<vmem>>
    %dma_wait3A_465 = tpu.memref_slice %arg3[%add3A_453] : memref<640000xi32, #tpu.memory_space<hbm>> -> memref<128xi32, #tpu.memory_space<hbm>>
    tpu.wait_dma2 semaphore(%dma_wait3A_461 : memref<!tpu.dma_semaphore, #tpu.memory_space<semaphore_mem>>) src(%dma_wait3A_465 : memref<128xi32, #tpu.memory_space<hbm>>) dst(%dma_wait3A_464 : memref<128xi32, #tpu.memory_space<vmem>>)
    %dma_start3A_466 = arith.constant 3 : i32
    %dma_start3A_467 = arith.constant 1 : i32
    %dma_start3A_468 = arith.constant 1 : i32
    %dma_start3A_469 = arith.constant 0 : i32
    %dma_start3A_470 = arith.constant 0 : i32
    %dma_start3A_471 = tpu.memref_slice %arg9[%dma_start3A_467, %dma_start3A_469, %dma_start3A_470] : memref<2x128x128xf32, #tpu.memory_space<vmem>> -> memref<1x128x128xf32, #tpu.memory_space<vmem>>
    %dma_start3A_472 = tpu.memref_squeeze %dma_start3A_471 : memref<1x128x128xf32, #tpu.memory_space<vmem>> -> memref<128x128xf32, #tpu.memory_space<vmem>>
    %dma_start3A_473 = arith.constant 0 : i32
    %dma_start3A_474 = tpu.memref_slice %arg6[%dma_start3A_466, %dma_start3A_473] : memref<4x128xi32, #tpu.memory_space<vmem>> -> memref<1x128xi32, #tpu.memory_space<vmem>>
    %dma_start3A_475 = tpu.memref_squeeze %dma_start3A_474 : memref<1x128xi32, #tpu.memory_space<vmem>> -> memref<128xi32, #tpu.memory_space<vmem>>
    %dma_start3A_476 = arith.constant 0 : i32
    %dma_start3A_477 = arith.constant 0 : i32
    %dma_start3A_478 = tpu.memref_slice %arg2[%dma_start3A_476, %dma_start3A_477] : memref<10000x128xf32, #tpu.memory_space<hbm>> -> memref<10000x128xf32, #tpu.memory_space<hbm>>
    %dma_start3A_479 = tpu.memref_slice %arg12[%dma_start3A_468] : memref<2x!tpu.dma_semaphore, #tpu.memory_space<semaphore_mem>> -> memref<1x!tpu.dma_semaphore, #tpu.memory_space<semaphore_mem>>
    %dma_start3A_480 = tpu.memref_squeeze %dma_start3A_479 : memref<1x!tpu.dma_semaphore, #tpu.memory_space<semaphore_mem>> -> memref<!tpu.dma_semaphore, #tpu.memory_space<semaphore_mem>>
    tpu.enqueue_indirect_dma source(%dma_start3A_478 : memref<10000x128xf32, #tpu.memory_space<hbm>>) target(%dma_start3A_472 : memref<128x128xf32, #tpu.memory_space<vmem>>) offsets(%dma_start3A_475 : memref<128xi32, #tpu.memory_space<vmem>>) semaphore(%dma_start3A_480 : memref<!tpu.dma_semaphore, #tpu.memory_space<semaphore_mem>>)
    %dma_wait3A_481 = arith.constant 3 : i32
    %dma_wait3A_482 = arith.constant 1 : i32
    %dma_wait3A_483 = arith.constant 1 : i32
    %dma_wait3A_484 = arith.constant 0 : i32
    %dma_wait3A_485 = arith.constant 0 : i32
    %dma_wait3A_486 = tpu.memref_slice %arg9[%dma_wait3A_482, %dma_wait3A_484, %dma_wait3A_485] : memref<2x128x128xf32, #tpu.memory_space<vmem>> -> memref<1x128x128xf32, #tpu.memory_space<vmem>>
    %dma_wait3A_487 = tpu.memref_squeeze %dma_wait3A_486 : memref<1x128x128xf32, #tpu.memory_space<vmem>> -> memref<128x128xf32, #tpu.memory_space<vmem>>
    %dma_wait3A_488 = arith.constant 0 : i32
    %dma_wait3A_489 = tpu.memref_slice %arg6[%dma_wait3A_481, %dma_wait3A_488] : memref<4x128xi32, #tpu.memory_space<vmem>> -> memref<1x128xi32, #tpu.memory_space<vmem>>
    %dma_wait3A_490 = tpu.memref_squeeze %dma_wait3A_489 : memref<1x128xi32, #tpu.memory_space<vmem>> -> memref<128xi32, #tpu.memory_space<vmem>>
    %dma_wait3A_491 = arith.constant 0 : i32
    %dma_wait3A_492 = arith.constant 0 : i32
    %dma_wait3A_493 = tpu.memref_slice %arg2[%dma_wait3A_491, %dma_wait3A_492] : memref<10000x128xf32, #tpu.memory_space<hbm>> -> memref<10000x128xf32, #tpu.memory_space<hbm>>
    %dma_wait3A_494 = tpu.memref_slice %arg12[%dma_wait3A_483] : memref<2x!tpu.dma_semaphore, #tpu.memory_space<semaphore_mem>> -> memref<1x!tpu.dma_semaphore, #tpu.memory_space<semaphore_mem>>
    %dma_wait3A_495 = tpu.memref_squeeze %dma_wait3A_494 : memref<1x!tpu.dma_semaphore, #tpu.memory_space<semaphore_mem>> -> memref<!tpu.dma_semaphore, #tpu.memory_space<semaphore_mem>>
    tpu.wait_indirect_dma semaphore(%dma_wait3A_495 : memref<!tpu.dma_semaphore, #tpu.memory_space<semaphore_mem>>) src(%dma_wait3A_493 : memref<10000x128xf32, #tpu.memory_space<hbm>>) dst(%dma_wait3A_487 : memref<128x128xf32, #tpu.memory_space<vmem>>)
    %dma_start3A_496 = arith.constant 1 : i32
    %dma_start3A_497 = arith.constant 3 : i32
    %dma_start3A_498 = arith.constant 1 : i32
    %dma_start3A_499 = arith.constant 0 : i32
    %dma_start3A_500 = arith.constant 0 : i32
    %dma_start3A_501 = tpu.memref_slice %arg9[%dma_start3A_496, %dma_start3A_499, %dma_start3A_500] : memref<2x128x128xf32, #tpu.memory_space<vmem>> -> memref<1x128x128xf32, #tpu.memory_space<vmem>>
    %dma_start3A_502 = tpu.memref_squeeze %dma_start3A_501 : memref<1x128x128xf32, #tpu.memory_space<vmem>> -> memref<128x128xf32, #tpu.memory_space<vmem>>
    %dma_start3A_503 = arith.constant 0 : i32
    %dma_start3A_504 = tpu.memref_slice %arg5[%dma_start3A_497, %dma_start3A_503] : memref<4x128xi32, #tpu.memory_space<vmem>> -> memref<1x128xi32, #tpu.memory_space<vmem>>
    %dma_start3A_505 = tpu.memref_squeeze %dma_start3A_504 : memref<1x128xi32, #tpu.memory_space<vmem>> -> memref<128xi32, #tpu.memory_space<vmem>>
    %dma_start3A_506 = arith.constant 0 : i32
    %dma_start3A_507 = arith.constant 0 : i32
    %dma_start3A_508 = tpu.memref_slice %arg10[%dma_start3A_506, %dma_start3A_507] : memref<10240x128xf32, #tpu.memory_space<vmem_shared>> -> memref<10240x128xf32, #tpu.memory_space<vmem_shared>>
    %dma_start3A_509 = tpu.memref_slice %arg13[%dma_start3A_498] : memref<2x!tpu.dma_semaphore, #tpu.memory_space<semaphore_mem>> -> memref<1x!tpu.dma_semaphore, #tpu.memory_space<semaphore_mem>>
    %dma_start3A_510 = tpu.memref_squeeze %dma_start3A_509 : memref<1x!tpu.dma_semaphore, #tpu.memory_space<semaphore_mem>> -> memref<!tpu.dma_semaphore, #tpu.memory_space<semaphore_mem>>
    tpu.enqueue_indirect_dma source(%dma_start3A_502 : memref<128x128xf32, #tpu.memory_space<vmem>>) target(%dma_start3A_508 : memref<10240x128xf32, #tpu.memory_space<vmem_shared>>) offsets(%dma_start3A_505 : memref<128xi32, #tpu.memory_space<vmem>>) semaphore(%dma_start3A_510 : memref<!tpu.dma_semaphore, #tpu.memory_space<semaphore_mem>>) {add = true}
    %dma_wait3A_511 = arith.constant 0 : i32
    %dma_wait3A_512 = arith.constant 2 : i32
    %dma_wait3A_513 = arith.constant 0 : i32
    %dma_wait3A_514 = arith.constant 0 : i32
    %dma_wait3A_515 = arith.constant 0 : i32
    %dma_wait3A_516 = tpu.memref_slice %arg9[%dma_wait3A_511, %dma_wait3A_514, %dma_wait3A_515] : memref<2x128x128xf32, #tpu.memory_space<vmem>> -> memref<1x128x128xf32, #tpu.memory_space<vmem>>
    %dma_wait3A_517 = tpu.memref_squeeze %dma_wait3A_516 : memref<1x128x128xf32, #tpu.memory_space<vmem>> -> memref<128x128xf32, #tpu.memory_space<vmem>>
    %dma_wait3A_518 = arith.constant 0 : i32
    %dma_wait3A_519 = tpu.memref_slice %arg5[%dma_wait3A_512, %dma_wait3A_518] : memref<4x128xi32, #tpu.memory_space<vmem>> -> memref<1x128xi32, #tpu.memory_space<vmem>>
    %dma_wait3A_520 = tpu.memref_squeeze %dma_wait3A_519 : memref<1x128xi32, #tpu.memory_space<vmem>> -> memref<128xi32, #tpu.memory_space<vmem>>
    %dma_wait3A_521 = arith.constant 0 : i32
    %dma_wait3A_522 = arith.constant 0 : i32
    %dma_wait3A_523 = tpu.memref_slice %arg10[%dma_wait3A_521, %dma_wait3A_522] : memref<10240x128xf32, #tpu.memory_space<vmem_shared>> -> memref<10240x128xf32, #tpu.memory_space<vmem_shared>>
    %dma_wait3A_524 = tpu.memref_slice %arg13[%dma_wait3A_513] : memref<2x!tpu.dma_semaphore, #tpu.memory_space<semaphore_mem>> -> memref<1x!tpu.dma_semaphore, #tpu.memory_space<semaphore_mem>>
    %dma_wait3A_525 = tpu.memref_squeeze %dma_wait3A_524 : memref<1x!tpu.dma_semaphore, #tpu.memory_space<semaphore_mem>> -> memref<!tpu.dma_semaphore, #tpu.memory_space<semaphore_mem>>
    tpu.wait_indirect_dma semaphore(%dma_wait3A_525 : memref<!tpu.dma_semaphore, #tpu.memory_space<semaphore_mem>>) src(%dma_wait3A_517 : memref<128x128xf32, #tpu.memory_space<vmem>>) dst(%dma_wait3A_523 : memref<10240x128xf32, #tpu.memory_space<vmem_shared>>)
    %add3A_526 = arith.constant 640 : i32
    %add3A_527 = arith.addi %mul3A_2, %add3A_526 : i32
    %dma_start3A_528 = arith.constant 1 : i32
    %dma_start3A_529 = arith.constant 1 : i32
    %dma_start3A_530 = arith.constant 0 : i32
    %dma_start3A_531 = tpu.memref_slice %arg5[%dma_start3A_528, %dma_start3A_530] : memref<4x128xi32, #tpu.memory_space<vmem>> -> memref<1x128xi32, #tpu.memory_space<vmem>>
    %dma_start3A_532 = tpu.memref_squeeze %dma_start3A_531 : memref<1x128xi32, #tpu.memory_space<vmem>> -> memref<128xi32, #tpu.memory_space<vmem>>
    %dma_start3A_533 = tpu.memref_slice %arg3[%add3A_527] : memref<640000xi32, #tpu.memory_space<hbm>> -> memref<128xi32, #tpu.memory_space<hbm>>
    %dma_start3A_534 = tpu.memref_slice %arg11[%dma_start3A_529] : memref<4x!tpu.dma_semaphore, #tpu.memory_space<semaphore_mem>> -> memref<1x!tpu.dma_semaphore, #tpu.memory_space<semaphore_mem>>
    %dma_start3A_535 = tpu.memref_squeeze %dma_start3A_534 : memref<1x!tpu.dma_semaphore, #tpu.memory_space<semaphore_mem>> -> memref<!tpu.dma_semaphore, #tpu.memory_space<semaphore_mem>>
    %dma_start3A_536 = arith.constant 0 : i32
    %dma_start3A_537 = tpu.memref_slice %arg5[%dma_start3A_528, %dma_start3A_536] : memref<4x128xi32, #tpu.memory_space<vmem>> -> memref<1x128xi32, #tpu.memory_space<vmem>>
    %dma_start3A_538 = tpu.memref_squeeze %dma_start3A_537 : memref<1x128xi32, #tpu.memory_space<vmem>> -> memref<128xi32, #tpu.memory_space<vmem>>
    %dma_start3A_539 = tpu.memref_slice %arg3[%add3A_527] : memref<640000xi32, #tpu.memory_space<hbm>> -> memref<128xi32, #tpu.memory_space<hbm>>
    tpu.enqueue_dma source(%dma_start3A_539 : memref<128xi32, #tpu.memory_space<hbm>>) target(%dma_start3A_538 : memref<128xi32, #tpu.memory_space<vmem>>) target_semaphore(%dma_start3A_535 : memref<!tpu.dma_semaphore, #tpu.memory_space<semaphore_mem>>)
    %add3A_540 = arith.constant 320000 : i32
    %add3A_541 = arith.addi %add3A_540, %mul3A_2 : i32
    %add3A_542 = arith.constant 640 : i32
    %add3A_543 = arith.addi %add3A_541, %add3A_542 : i32
    %dma_start3A_544 = arith.constant 1 : i32
    %dma_start3A_545 = arith.constant 1 : i32
    %dma_start3A_546 = arith.constant 0 : i32
    %dma_start3A_547 = tpu.memref_slice %arg6[%dma_start3A_544, %dma_start3A_546] : memref<4x128xi32, #tpu.memory_space<vmem>> -> memref<1x128xi32, #tpu.memory_space<vmem>>
    %dma_start3A_548 = tpu.memref_squeeze %dma_start3A_547 : memref<1x128xi32, #tpu.memory_space<vmem>> -> memref<128xi32, #tpu.memory_space<vmem>>
    %dma_start3A_549 = tpu.memref_slice %arg3[%add3A_543] : memref<640000xi32, #tpu.memory_space<hbm>> -> memref<128xi32, #tpu.memory_space<hbm>>
    %dma_start3A_550 = tpu.memref_slice %arg11[%dma_start3A_545] : memref<4x!tpu.dma_semaphore, #tpu.memory_space<semaphore_mem>> -> memref<1x!tpu.dma_semaphore, #tpu.memory_space<semaphore_mem>>
    %dma_start3A_551 = tpu.memref_squeeze %dma_start3A_550 : memref<1x!tpu.dma_semaphore, #tpu.memory_space<semaphore_mem>> -> memref<!tpu.dma_semaphore, #tpu.memory_space<semaphore_mem>>
    %dma_start3A_552 = arith.constant 0 : i32
    %dma_start3A_553 = tpu.memref_slice %arg6[%dma_start3A_544, %dma_start3A_552] : memref<4x128xi32, #tpu.memory_space<vmem>> -> memref<1x128xi32, #tpu.memory_space<vmem>>
    %dma_start3A_554 = tpu.memref_squeeze %dma_start3A_553 : memref<1x128xi32, #tpu.memory_space<vmem>> -> memref<128xi32, #tpu.memory_space<vmem>>
    %dma_start3A_555 = tpu.memref_slice %arg3[%add3A_543] : memref<640000xi32, #tpu.memory_space<hbm>> -> memref<128xi32, #tpu.memory_space<hbm>>
    tpu.enqueue_dma source(%dma_start3A_555 : memref<128xi32, #tpu.memory_space<hbm>>) target(%dma_start3A_554 : memref<128xi32, #tpu.memory_space<vmem>>) target_semaphore(%dma_start3A_551 : memref<!tpu.dma_semaphore, #tpu.memory_space<semaphore_mem>>)
    %add3A_556 = arith.constant 512 : i32
    %add3A_557 = arith.addi %mul3A_2, %add3A_556 : i32
    %dma_wait3A_558 = arith.constant 0 : i32
    %dma_wait3A_559 = arith.constant 0 : i32
    %dma_wait3A_560 = arith.constant 0 : i32
    %dma_wait3A_561 = tpu.memref_slice %arg5[%dma_wait3A_558, %dma_wait3A_560] : memref<4x128xi32, #tpu.memory_space<vmem>> -> memref<1x128xi32, #tpu.memory_space<vmem>>
    %dma_wait3A_562 = tpu.memref_squeeze %dma_wait3A_561 : memref<1x128xi32, #tpu.memory_space<vmem>> -> memref<128xi32, #tpu.memory_space<vmem>>
    %dma_wait3A_563 = tpu.memref_slice %arg3[%add3A_557] : memref<640000xi32, #tpu.memory_space<hbm>> -> memref<128xi32, #tpu.memory_space<hbm>>
    %dma_wait3A_564 = tpu.memref_slice %arg11[%dma_wait3A_559] : memref<4x!tpu.dma_semaphore, #tpu.memory_space<semaphore_mem>> -> memref<1x!tpu.dma_semaphore, #tpu.memory_space<semaphore_mem>>
    %dma_wait3A_565 = tpu.memref_squeeze %dma_wait3A_564 : memref<1x!tpu.dma_semaphore, #tpu.memory_space<semaphore_mem>> -> memref<!tpu.dma_semaphore, #tpu.memory_space<semaphore_mem>>
    %dma_wait3A_566 = arith.constant 0 : i32
    %dma_wait3A_567 = tpu.memref_slice %arg5[%dma_wait3A_558, %dma_wait3A_566] : memref<4x128xi32, #tpu.memory_space<vmem>> -> memref<1x128xi32, #tpu.memory_space<vmem>>
    %dma_wait3A_568 = tpu.memref_squeeze %dma_wait3A_567 : memref<1x128xi32, #tpu.memory_space<vmem>> -> memref<128xi32, #tpu.memory_space<vmem>>
    %dma_wait3A_569 = tpu.memref_slice %arg3[%add3A_557] : memref<640000xi32, #tpu.memory_space<hbm>> -> memref<128xi32, #tpu.memory_space<hbm>>
    tpu.wait_dma2 semaphore(%dma_wait3A_565 : memref<!tpu.dma_semaphore, #tpu.memory_space<semaphore_mem>>) src(%dma_wait3A_569 : memref<128xi32, #tpu.memory_space<hbm>>) dst(%dma_wait3A_568 : memref<128xi32, #tpu.memory_space<vmem>>)
    %add3A_570 = arith.constant 320000 : i32
    %add3A_571 = arith.addi %add3A_570, %mul3A_2 : i32
    %add3A_572 = arith.constant 512 : i32
    %add3A_573 = arith.addi %add3A_571, %add3A_572 : i32
    %dma_wait3A_574 = arith.constant 0 : i32
    %dma_wait3A_575 = arith.constant 0 : i32
    %dma_wait3A_576 = arith.constant 0 : i32
    %dma_wait3A_577 = tpu.memref_slice %arg6[%dma_wait3A_574, %dma_wait3A_576] : memref<4x128xi32, #tpu.memory_space<vmem>> -> memref<1x128xi32, #tpu.memory_space<vmem>>
    %dma_wait3A_578 = tpu.memref_squeeze %dma_wait3A_577 : memref<1x128xi32, #tpu.memory_space<vmem>> -> memref<128xi32, #tpu.memory_space<vmem>>
    %dma_wait3A_579 = tpu.memref_slice %arg3[%add3A_573] : memref<640000xi32, #tpu.memory_space<hbm>> -> memref<128xi32, #tpu.memory_space<hbm>>
    %dma_wait3A_580 = tpu.memref_slice %arg11[%dma_wait3A_575] : memref<4x!tpu.dma_semaphore, #tpu.memory_space<semaphore_mem>> -> memref<1x!tpu.dma_semaphore, #tpu.memory_space<semaphore_mem>>
    %dma_wait3A_581 = tpu.memref_squeeze %dma_wait3A_580 : memref<1x!tpu.dma_semaphore, #tpu.memory_space<semaphore_mem>> -> memref<!tpu.dma_semaphore, #tpu.memory_space<semaphore_mem>>
    %dma_wait3A_582 = arith.constant 0 : i32
    %dma_wait3A_583 = tpu.memref_slice %arg6[%dma_wait3A_574, %dma_wait3A_582] : memref<4x128xi32, #tpu.memory_space<vmem>> -> memref<1x128xi32, #tpu.memory_space<vmem>>
    %dma_wait3A_584 = tpu.memref_squeeze %dma_wait3A_583 : memref<1x128xi32, #tpu.memory_space<vmem>> -> memref<128xi32, #tpu.memory_space<vmem>>
    %dma_wait3A_585 = tpu.memref_slice %arg3[%add3A_573] : memref<640000xi32, #tpu.memory_space<hbm>> -> memref<128xi32, #tpu.memory_space<hbm>>
    tpu.wait_dma2 semaphore(%dma_wait3A_581 : memref<!tpu.dma_semaphore, #tpu.memory_space<semaphore_mem>>) src(%dma_wait3A_585 : memref<128xi32, #tpu.memory_space<hbm>>) dst(%dma_wait3A_584 : memref<128xi32, #tpu.memory_space<vmem>>)
    %dma_start3A_586 = arith.constant 0 : i32
    %dma_start3A_587 = arith.constant 0 : i32
    %dma_start3A_588 = arith.constant 0 : i32
    %dma_start3A_589 = arith.constant 0 : i32
    %dma_start3A_590 = arith.constant 0 : i32
    %dma_start3A_591 = tpu.memref_slice %arg9[%dma_start3A_587, %dma_start3A_589, %dma_start3A_590] : memref<2x128x128xf32, #tpu.memory_space<vmem>> -> memref<1x128x128xf32, #tpu.memory_space<vmem>>
    %dma_start3A_592 = tpu.memref_squeeze %dma_start3A_591 : memref<1x128x128xf32, #tpu.memory_space<vmem>> -> memref<128x128xf32, #tpu.memory_space<vmem>>
    %dma_start3A_593 = arith.constant 0 : i32
    %dma_start3A_594 = tpu.memref_slice %arg6[%dma_start3A_586, %dma_start3A_593] : memref<4x128xi32, #tpu.memory_space<vmem>> -> memref<1x128xi32, #tpu.memory_space<vmem>>
    %dma_start3A_595 = tpu.memref_squeeze %dma_start3A_594 : memref<1x128xi32, #tpu.memory_space<vmem>> -> memref<128xi32, #tpu.memory_space<vmem>>
    %dma_start3A_596 = arith.constant 0 : i32
    %dma_start3A_597 = arith.constant 0 : i32
    %dma_start3A_598 = tpu.memref_slice %arg2[%dma_start3A_596, %dma_start3A_597] : memref<10000x128xf32, #tpu.memory_space<hbm>> -> memref<10000x128xf32, #tpu.memory_space<hbm>>
    %dma_start3A_599 = tpu.memref_slice %arg12[%dma_start3A_588] : memref<2x!tpu.dma_semaphore, #tpu.memory_space<semaphore_mem>> -> memref<1x!tpu.dma_semaphore, #tpu.memory_space<semaphore_mem>>
    %dma_start3A_600 = tpu.memref_squeeze %dma_start3A_599 : memref<1x!tpu.dma_semaphore, #tpu.memory_space<semaphore_mem>> -> memref<!tpu.dma_semaphore, #tpu.memory_space<semaphore_mem>>
    tpu.enqueue_indirect_dma source(%dma_start3A_598 : memref<10000x128xf32, #tpu.memory_space<hbm>>) target(%dma_start3A_592 : memref<128x128xf32, #tpu.memory_space<vmem>>) offsets(%dma_start3A_595 : memref<128xi32, #tpu.memory_space<vmem>>) semaphore(%dma_start3A_600 : memref<!tpu.dma_semaphore, #tpu.memory_space<semaphore_mem>>)
    %scan3A_601 = arith.constant 0 : i32
    %scan3A_602 = arith.constant 1 : i32
    %scan3A_603 = arith.constant 18 : i32
    %scan3A_604 = arith.addi %scan3A_602, %scan3A_603 : i32
    %scan3A_605 = arith.constant 1 : i32
    scf.for %scan3A_789 = %scan3A_602 to %scan3A_604 step %scan3A_605  : i32 {
      %mul3A_790 = arith.constant 4 : i32
      %mul3A_791 = arith.muli %scan3A_789, %mul3A_790 : i32
      %add3A_792 = arith.constant 0 : i32
      %add3A_793 = arith.addi %mul3A_791, %add3A_792 : i32
      %dma_wait3A_794 = arith.constant 0 : i32
      %dma_wait3A_795 = arith.constant 0 : i32
      %dma_wait3A_796 = arith.constant 0 : i32
      %dma_wait3A_797 = arith.constant 0 : i32
      %dma_wait3A_798 = arith.constant 0 : i32
      %dma_wait3A_799 = tpu.memref_slice %arg9[%dma_wait3A_795, %dma_wait3A_797, %dma_wait3A_798] : memref<2x128x128xf32, #tpu.memory_space<vmem>> -> memref<1x128x128xf32, #tpu.memory_space<vmem>>
      %dma_wait3A_800 = tpu.memref_squeeze %dma_wait3A_799 : memref<1x128x128xf32, #tpu.memory_space<vmem>> -> memref<128x128xf32, #tpu.memory_space<vmem>>
      %dma_wait3A_801 = arith.constant 0 : i32
      %dma_wait3A_802 = tpu.memref_slice %arg6[%dma_wait3A_794, %dma_wait3A_801] : memref<4x128xi32, #tpu.memory_space<vmem>> -> memref<1x128xi32, #tpu.memory_space<vmem>>
      %dma_wait3A_803 = tpu.memref_squeeze %dma_wait3A_802 : memref<1x128xi32, #tpu.memory_space<vmem>> -> memref<128xi32, #tpu.memory_space<vmem>>
      %dma_wait3A_804 = arith.constant 0 : i32
      %dma_wait3A_805 = arith.constant 0 : i32
      %dma_wait3A_806 = tpu.memref_slice %arg2[%dma_wait3A_804, %dma_wait3A_805] : memref<10000x128xf32, #tpu.memory_space<hbm>> -> memref<10000x128xf32, #tpu.memory_space<hbm>>
      %dma_wait3A_807 = tpu.memref_slice %arg12[%dma_wait3A_796] : memref<2x!tpu.dma_semaphore, #tpu.memory_space<semaphore_mem>> -> memref<1x!tpu.dma_semaphore, #tpu.memory_space<semaphore_mem>>
      %dma_wait3A_808 = tpu.memref_squeeze %dma_wait3A_807 : memref<1x!tpu.dma_semaphore, #tpu.memory_space<semaphore_mem>> -> memref<!tpu.dma_semaphore, #tpu.memory_space<semaphore_mem>>
      tpu.wait_indirect_dma semaphore(%dma_wait3A_808 : memref<!tpu.dma_semaphore, #tpu.memory_space<semaphore_mem>>) src(%dma_wait3A_806 : memref<10000x128xf32, #tpu.memory_space<hbm>>) dst(%dma_wait3A_800 : memref<128x128xf32, #tpu.memory_space<vmem>>)
      %dma_start3A_809 = arith.constant 0 : i32
      %dma_start3A_810 = arith.constant 0 : i32
      %dma_start3A_811 = arith.constant 0 : i32
      %dma_start3A_812 = arith.constant 0 : i32
      %dma_start3A_813 = arith.constant 0 : i32
      %dma_start3A_814 = tpu.memref_slice %arg9[%dma_start3A_809, %dma_start3A_812, %dma_start3A_813] : memref<2x128x128xf32, #tpu.memory_space<vmem>> -> memref<1x128x128xf32, #tpu.memory_space<vmem>>
      %dma_start3A_815 = tpu.memref_squeeze %dma_start3A_814 : memref<1x128x128xf32, #tpu.memory_space<vmem>> -> memref<128x128xf32, #tpu.memory_space<vmem>>
      %dma_start3A_816 = arith.constant 0 : i32
      %dma_start3A_817 = tpu.memref_slice %arg5[%dma_start3A_810, %dma_start3A_816] : memref<4x128xi32, #tpu.memory_space<vmem>> -> memref<1x128xi32, #tpu.memory_space<vmem>>
      %dma_start3A_818 = tpu.memref_squeeze %dma_start3A_817 : memref<1x128xi32, #tpu.memory_space<vmem>> -> memref<128xi32, #tpu.memory_space<vmem>>
      %dma_start3A_819 = arith.constant 0 : i32
      %dma_start3A_820 = arith.constant 0 : i32
      %dma_start3A_821 = tpu.memref_slice %arg10[%dma_start3A_819, %dma_start3A_820] : memref<10240x128xf32, #tpu.memory_space<vmem_shared>> -> memref<10240x128xf32, #tpu.memory_space<vmem_shared>>
      %dma_start3A_822 = tpu.memref_slice %arg13[%dma_start3A_811] : memref<2x!tpu.dma_semaphore, #tpu.memory_space<semaphore_mem>> -> memref<1x!tpu.dma_semaphore, #tpu.memory_space<semaphore_mem>>
      %dma_start3A_823 = tpu.memref_squeeze %dma_start3A_822 : memref<1x!tpu.dma_semaphore, #tpu.memory_space<semaphore_mem>> -> memref<!tpu.dma_semaphore, #tpu.memory_space<semaphore_mem>>
      tpu.enqueue_indirect_dma source(%dma_start3A_815 : memref<128x128xf32, #tpu.memory_space<vmem>>) target(%dma_start3A_821 : memref<10240x128xf32, #tpu.memory_space<vmem_shared>>) offsets(%dma_start3A_818 : memref<128xi32, #tpu.memory_space<vmem>>) semaphore(%dma_start3A_823 : memref<!tpu.dma_semaphore, #tpu.memory_space<semaphore_mem>>) {add = true}
      %dma_wait3A_824 = arith.constant 1 : i32
      %dma_wait3A_825 = arith.constant 3 : i32
      %dma_wait3A_826 = arith.constant 1 : i32
      %dma_wait3A_827 = arith.constant 0 : i32
      %dma_wait3A_828 = arith.constant 0 : i32
      %dma_wait3A_829 = tpu.memref_slice %arg9[%dma_wait3A_824, %dma_wait3A_827, %dma_wait3A_828] : memref<2x128x128xf32, #tpu.memory_space<vmem>> -> memref<1x128x128xf32, #tpu.memory_space<vmem>>
      %dma_wait3A_830 = tpu.memref_squeeze %dma_wait3A_829 : memref<1x128x128xf32, #tpu.memory_space<vmem>> -> memref<128x128xf32, #tpu.memory_space<vmem>>
      %dma_wait3A_831 = arith.constant 0 : i32
      %dma_wait3A_832 = tpu.memref_slice %arg5[%dma_wait3A_825, %dma_wait3A_831] : memref<4x128xi32, #tpu.memory_space<vmem>> -> memref<1x128xi32, #tpu.memory_space<vmem>>
      %dma_wait3A_833 = tpu.memref_squeeze %dma_wait3A_832 : memref<1x128xi32, #tpu.memory_space<vmem>> -> memref<128xi32, #tpu.memory_space<vmem>>
      %dma_wait3A_834 = arith.constant 0 : i32
      %dma_wait3A_835 = arith.constant 0 : i32
      %dma_wait3A_836 = tpu.memref_slice %arg10[%dma_wait3A_834, %dma_wait3A_835] : memref<10240x128xf32, #tpu.memory_space<vmem_shared>> -> memref<10240x128xf32, #tpu.memory_space<vmem_shared>>
      %dma_wait3A_837 = tpu.memref_slice %arg13[%dma_wait3A_826] : memref<2x!tpu.dma_semaphore, #tpu.memory_space<semaphore_mem>> -> memref<1x!tpu.dma_semaphore, #tpu.memory_space<semaphore_mem>>
      %dma_wait3A_838 = tpu.memref_squeeze %dma_wait3A_837 : memref<1x!tpu.dma_semaphore, #tpu.memory_space<semaphore_mem>> -> memref<!tpu.dma_semaphore, #tpu.memory_space<semaphore_mem>>
      tpu.wait_indirect_dma semaphore(%dma_wait3A_838 : memref<!tpu.dma_semaphore, #tpu.memory_space<semaphore_mem>>) src(%dma_wait3A_830 : memref<128x128xf32, #tpu.memory_space<vmem>>) dst(%dma_wait3A_836 : memref<10240x128xf32, #tpu.memory_space<vmem_shared>>)
      %add3A_839 = arith.constant 2 : i32
      %add3A_840 = arith.addi %add3A_793, %add3A_839 : i32
      %mul3A_841 = arith.constant 128 : i32
      %mul3A_842 = arith.muli %add3A_840, %mul3A_841 : i32
      %add3A_843 = arith.addi %mul3A_2, %mul3A_842 : i32
      %dma_start3A_844 = arith.constant 2 : i32
      %dma_start3A_845 = arith.constant 2 : i32
      %dma_start3A_846 = arith.constant 0 : i32
      %dma_start3A_847 = tpu.memref_slice %arg5[%dma_start3A_844, %dma_start3A_846] : memref<4x128xi32, #tpu.memory_space<vmem>> -> memref<1x128xi32, #tpu.memory_space<vmem>>
      %dma_start3A_848 = tpu.memref_squeeze %dma_start3A_847 : memref<1x128xi32, #tpu.memory_space<vmem>> -> memref<128xi32, #tpu.memory_space<vmem>>
      %dma_start3A_849 = tpu.memref_slice %arg3[%add3A_843] : memref<640000xi32, #tpu.memory_space<hbm>> -> memref<128xi32, #tpu.memory_space<hbm>>
      %dma_start3A_850 = tpu.memref_slice %arg11[%dma_start3A_845] : memref<4x!tpu.dma_semaphore, #tpu.memory_space<semaphore_mem>> -> memref<1x!tpu.dma_semaphore, #tpu.memory_space<semaphore_mem>>
      %dma_start3A_851 = tpu.memref_squeeze %dma_start3A_850 : memref<1x!tpu.dma_semaphore, #tpu.memory_space<semaphore_mem>> -> memref<!tpu.dma_semaphore, #tpu.memory_space<semaphore_mem>>
      %dma_start3A_852 = arith.constant 0 : i32
      %dma_start3A_853 = tpu.memref_slice %arg5[%dma_start3A_844, %dma_start3A_852] : memref<4x128xi32, #tpu.memory_space<vmem>> -> memref<1x128xi32, #tpu.memory_space<vmem>>
      %dma_start3A_854 = tpu.memref_squeeze %dma_start3A_853 : memref<1x128xi32, #tpu.memory_space<vmem>> -> memref<128xi32, #tpu.memory_space<vmem>>
      %dma_start3A_855 = tpu.memref_slice %arg3[%add3A_843] : memref<640000xi32, #tpu.memory_space<hbm>> -> memref<128xi32, #tpu.memory_space<hbm>>
      tpu.enqueue_dma source(%dma_start3A_855 : memref<128xi32, #tpu.memory_space<hbm>>) target(%dma_start3A_854 : memref<128xi32, #tpu.memory_space<vmem>>) target_semaphore(%dma_start3A_851 : memref<!tpu.dma_semaphore, #tpu.memory_space<semaphore_mem>>)
      %add3A_856 = arith.constant 320000 : i32
      %add3A_857 = arith.addi %add3A_856, %mul3A_2 : i32
      %mul3A_858 = arith.constant 128 : i32
      %mul3A_859 = arith.muli %add3A_840, %mul3A_858 : i32
      %add3A_860 = arith.addi %add3A_857, %mul3A_859 : i32
      %dma_start3A_861 = arith.constant 2 : i32
      %dma_start3A_862 = arith.constant 2 : i32
      %dma_start3A_863 = arith.constant 0 : i32
      %dma_start3A_864 = tpu.memref_slice %arg6[%dma_start3A_861, %dma_start3A_863] : memref<4x128xi32, #tpu.memory_space<vmem>> -> memref<1x128xi32, #tpu.memory_space<vmem>>
      %dma_start3A_865 = tpu.memref_squeeze %dma_start3A_864 : memref<1x128xi32, #tpu.memory_space<vmem>> -> memref<128xi32, #tpu.memory_space<vmem>>
      %dma_start3A_866 = tpu.memref_slice %arg3[%add3A_860] : memref<640000xi32, #tpu.memory_space<hbm>> -> memref<128xi32, #tpu.memory_space<hbm>>
      %dma_start3A_867 = tpu.memref_slice %arg11[%dma_start3A_862] : memref<4x!tpu.dma_semaphore, #tpu.memory_space<semaphore_mem>> -> memref<1x!tpu.dma_semaphore, #tpu.memory_space<semaphore_mem>>
      %dma_start3A_868 = tpu.memref_squeeze %dma_start3A_867 : memref<1x!tpu.dma_semaphore, #tpu.memory_space<semaphore_mem>> -> memref<!tpu.dma_semaphore, #tpu.memory_space<semaphore_mem>>
      %dma_start3A_869 = arith.constant 0 : i32
      %dma_start3A_870 = tpu.memref_slice %arg6[%dma_start3A_861, %dma_start3A_869] : memref<4x128xi32, #tpu.memory_space<vmem>> -> memref<1x128xi32, #tpu.memory_space<vmem>>
      %dma_start3A_871 = tpu.memref_squeeze %dma_start3A_870 : memref<1x128xi32, #tpu.memory_space<vmem>> -> memref<128xi32, #tpu.memory_space<vmem>>
      %dma_start3A_872 = tpu.memref_slice %arg3[%add3A_860] : memref<640000xi32, #tpu.memory_space<hbm>> -> memref<128xi32, #tpu.memory_space<hbm>>
      tpu.enqueue_dma source(%dma_start3A_872 : memref<128xi32, #tpu.memory_space<hbm>>) target(%dma_start3A_871 : memref<128xi32, #tpu.memory_space<vmem>>) target_semaphore(%dma_start3A_868 : memref<!tpu.dma_semaphore, #tpu.memory_space<semaphore_mem>>)
      %add3A_873 = arith.constant 1 : i32
      %add3A_874 = arith.addi %add3A_793, %add3A_873 : i32
      %mul3A_875 = arith.constant 128 : i32
      %mul3A_876 = arith.muli %add3A_874, %mul3A_875 : i32
      %add3A_877 = arith.addi %mul3A_2, %mul3A_876 : i32
      %dma_wait3A_878 = arith.constant 1 : i32
      %dma_wait3A_879 = arith.constant 1 : i32
      %dma_wait3A_880 = arith.constant 0 : i32
      %dma_wait3A_881 = tpu.memref_slice %arg5[%dma_wait3A_878, %dma_wait3A_880] : memref<4x128xi32, #tpu.memory_space<vmem>> -> memref<1x128xi32, #tpu.memory_space<vmem>>
      %dma_wait3A_882 = tpu.memref_squeeze %dma_wait3A_881 : memref<1x128xi32, #tpu.memory_space<vmem>> -> memref<128xi32, #tpu.memory_space<vmem>>
      %dma_wait3A_883 = tpu.memref_slice %arg3[%add3A_877] : memref<640000xi32, #tpu.memory_space<hbm>> -> memref<128xi32, #tpu.memory_space<hbm>>
      %dma_wait3A_884 = tpu.memref_slice %arg11[%dma_wait3A_879] : memref<4x!tpu.dma_semaphore, #tpu.memory_space<semaphore_mem>> -> memref<1x!tpu.dma_semaphore, #tpu.memory_space<semaphore_mem>>
      %dma_wait3A_885 = tpu.memref_squeeze %dma_wait3A_884 : memref<1x!tpu.dma_semaphore, #tpu.memory_space<semaphore_mem>> -> memref<!tpu.dma_semaphore, #tpu.memory_space<semaphore_mem>>
      %dma_wait3A_886 = arith.constant 0 : i32
      %dma_wait3A_887 = tpu.memref_slice %arg5[%dma_wait3A_878, %dma_wait3A_886] : memref<4x128xi32, #tpu.memory_space<vmem>> -> memref<1x128xi32, #tpu.memory_space<vmem>>
      %dma_wait3A_888 = tpu.memref_squeeze %dma_wait3A_887 : memref<1x128xi32, #tpu.memory_space<vmem>> -> memref<128xi32, #tpu.memory_space<vmem>>
      %dma_wait3A_889 = tpu.memref_slice %arg3[%add3A_877] : memref<640000xi32, #tpu.memory_space<hbm>> -> memref<128xi32, #tpu.memory_space<hbm>>
      tpu.wait_dma2 semaphore(%dma_wait3A_885 : memref<!tpu.dma_semaphore, #tpu.memory_space<semaphore_mem>>) src(%dma_wait3A_889 : memref<128xi32, #tpu.memory_space<hbm>>) dst(%dma_wait3A_888 : memref<128xi32, #tpu.memory_space<vmem>>)
      %add3A_890 = arith.constant 320000 : i32
      %add3A_891 = arith.addi %add3A_890, %mul3A_2 : i32
      %mul3A_892 = arith.constant 128 : i32
      %mul3A_893 = arith.muli %add3A_874, %mul3A_892 : i32
      %add3A_894 = arith.addi %add3A_891, %mul3A_893 : i32
      %dma_wait3A_895 = arith.constant 1 : i32
      %dma_wait3A_896 = arith.constant 1 : i32
      %dma_wait3A_897 = arith.constant 0 : i32
      %dma_wait3A_898 = tpu.memref_slice %arg6[%dma_wait3A_895, %dma_wait3A_897] : memref<4x128xi32, #tpu.memory_space<vmem>> -> memref<1x128xi32, #tpu.memory_space<vmem>>
      %dma_wait3A_899 = tpu.memref_squeeze %dma_wait3A_898 : memref<1x128xi32, #tpu.memory_space<vmem>> -> memref<128xi32, #tpu.memory_space<vmem>>
      %dma_wait3A_900 = tpu.memref_slice %arg3[%add3A_894] : memref<640000xi32, #tpu.memory_space<hbm>> -> memref<128xi32, #tpu.memory_space<hbm>>
      %dma_wait3A_901 = tpu.memref_slice %arg11[%dma_wait3A_896] : memref<4x!tpu.dma_semaphore, #tpu.memory_space<semaphore_mem>> -> memref<1x!tpu.dma_semaphore, #tpu.memory_space<semaphore_mem>>
      %dma_wait3A_902 = tpu.memref_squeeze %dma_wait3A_901 : memref<1x!tpu.dma_semaphore, #tpu.memory_space<semaphore_mem>> -> memref<!tpu.dma_semaphore, #tpu.memory_space<semaphore_mem>>
      %dma_wait3A_903 = arith.constant 0 : i32
      %dma_wait3A_904 = tpu.memref_slice %arg6[%dma_wait3A_895, %dma_wait3A_903] : memref<4x128xi32, #tpu.memory_space<vmem>> -> memref<1x128xi32, #tpu.memory_space<vmem>>
      %dma_wait3A_905 = tpu.memref_squeeze %dma_wait3A_904 : memref<1x128xi32, #tpu.memory_space<vmem>> -> memref<128xi32, #tpu.memory_space<vmem>>
      %dma_wait3A_906 = tpu.memref_slice %arg3[%add3A_894] : memref<640000xi32, #tpu.memory_space<hbm>> -> memref<128xi32, #tpu.memory_space<hbm>>
      tpu.wait_dma2 semaphore(%dma_wait3A_902 : memref<!tpu.dma_semaphore, #tpu.memory_space<semaphore_mem>>) src(%dma_wait3A_906 : memref<128xi32, #tpu.memory_space<hbm>>) dst(%dma_wait3A_905 : memref<128xi32, #tpu.memory_space<vmem>>)
      %dma_start3A_907 = arith.constant 1 : i32
      %dma_start3A_908 = arith.constant 1 : i32
      %dma_start3A_909 = arith.constant 1 : i32
      %dma_start3A_910 = arith.constant 0 : i32
      %dma_start3A_911 = arith.constant 0 : i32
      %dma_start3A_912 = tpu.memref_slice %arg9[%dma_start3A_908, %dma_start3A_910, %dma_start3A_911] : memref<2x128x128xf32, #tpu.memory_space<vmem>> -> memref<1x128x128xf32, #tpu.memory_space<vmem>>
      %dma_start3A_913 = tpu.memref_squeeze %dma_start3A_912 : memref<1x128x128xf32, #tpu.memory_space<vmem>> -> memref<128x128xf32, #tpu.memory_space<vmem>>
      %dma_start3A_914 = arith.constant 0 : i32
      %dma_start3A_915 = tpu.memref_slice %arg6[%dma_start3A_907, %dma_start3A_914] : memref<4x128xi32, #tpu.memory_space<vmem>> -> memref<1x128xi32, #tpu.memory_space<vmem>>
      %dma_start3A_916 = tpu.memref_squeeze %dma_start3A_915 : memref<1x128xi32, #tpu.memory_space<vmem>> -> memref<128xi32, #tpu.memory_space<vmem>>
      %dma_start3A_917 = arith.constant 0 : i32
      %dma_start3A_918 = arith.constant 0 : i32
      %dma_start3A_919 = tpu.memref_slice %arg2[%dma_start3A_917, %dma_start3A_918] : memref<10000x128xf32, #tpu.memory_space<hbm>> -> memref<10000x128xf32, #tpu.memory_space<hbm>>
      %dma_start3A_920 = tpu.memref_slice %arg12[%dma_start3A_909] : memref<2x!tpu.dma_semaphore, #tpu.memory_space<semaphore_mem>> -> memref<1x!tpu.dma_semaphore, #tpu.memory_space<semaphore_mem>>
      %dma_start3A_921 = tpu.memref_squeeze %dma_start3A_920 : memref<1x!tpu.dma_semaphore, #tpu.memory_space<semaphore_mem>> -> memref<!tpu.dma_semaphore, #tpu.memory_space<semaphore_mem>>
      tpu.enqueue_indirect_dma source(%dma_start3A_919 : memref<10000x128xf32, #tpu.memory_space<hbm>>) target(%dma_start3A_913 : memref<128x128xf32, #tpu.memory_space<vmem>>) offsets(%dma_start3A_916 : memref<128xi32, #tpu.memory_space<vmem>>) semaphore(%dma_start3A_921 : memref<!tpu.dma_semaphore, #tpu.memory_space<semaphore_mem>>)
      %add3A_922 = arith.constant 1 : i32
      %add3A_923 = arith.addi %mul3A_791, %add3A_922 : i32
      %dma_wait3A_924 = arith.constant 1 : i32
      %dma_wait3A_925 = arith.constant 1 : i32
      %dma_wait3A_926 = arith.constant 1 : i32
      %dma_wait3A_927 = arith.constant 0 : i32
      %dma_wait3A_928 = arith.constant 0 : i32
      %dma_wait3A_929 = tpu.memref_slice %arg9[%dma_wait3A_925, %dma_wait3A_927, %dma_wait3A_928] : memref<2x128x128xf32, #tpu.memory_space<vmem>> -> memref<1x128x128xf32, #tpu.memory_space<vmem>>
      %dma_wait3A_930 = tpu.memref_squeeze %dma_wait3A_929 : memref<1x128x128xf32, #tpu.memory_space<vmem>> -> memref<128x128xf32, #tpu.memory_space<vmem>>
      %dma_wait3A_931 = arith.constant 0 : i32
      %dma_wait3A_932 = tpu.memref_slice %arg6[%dma_wait3A_924, %dma_wait3A_931] : memref<4x128xi32, #tpu.memory_space<vmem>> -> memref<1x128xi32, #tpu.memory_space<vmem>>
      %dma_wait3A_933 = tpu.memref_squeeze %dma_wait3A_932 : memref<1x128xi32, #tpu.memory_space<vmem>> -> memref<128xi32, #tpu.memory_space<vmem>>
      %dma_wait3A_934 = arith.constant 0 : i32
      %dma_wait3A_935 = arith.constant 0 : i32
      %dma_wait3A_936 = tpu.memref_slice %arg2[%dma_wait3A_934, %dma_wait3A_935] : memref<10000x128xf32, #tpu.memory_space<hbm>> -> memref<10000x128xf32, #tpu.memory_space<hbm>>
      %dma_wait3A_937 = tpu.memref_slice %arg12[%dma_wait3A_926] : memref<2x!tpu.dma_semaphore, #tpu.memory_space<semaphore_mem>> -> memref<1x!tpu.dma_semaphore, #tpu.memory_space<semaphore_mem>>
      %dma_wait3A_938 = tpu.memref_squeeze %dma_wait3A_937 : memref<1x!tpu.dma_semaphore, #tpu.memory_space<semaphore_mem>> -> memref<!tpu.dma_semaphore, #tpu.memory_space<semaphore_mem>>
      tpu.wait_indirect_dma semaphore(%dma_wait3A_938 : memref<!tpu.dma_semaphore, #tpu.memory_space<semaphore_mem>>) src(%dma_wait3A_936 : memref<10000x128xf32, #tpu.memory_space<hbm>>) dst(%dma_wait3A_930 : memref<128x128xf32, #tpu.memory_space<vmem>>)
      %dma_start3A_939 = arith.constant 1 : i32
      %dma_start3A_940 = arith.constant 1 : i32
      %dma_start3A_941 = arith.constant 1 : i32
      %dma_start3A_942 = arith.constant 0 : i32
      %dma_start3A_943 = arith.constant 0 : i32
      %dma_start3A_944 = tpu.memref_slice %arg9[%dma_start3A_939, %dma_start3A_942, %dma_start3A_943] : memref<2x128x128xf32, #tpu.memory_space<vmem>> -> memref<1x128x128xf32, #tpu.memory_space<vmem>>
      %dma_start3A_945 = tpu.memref_squeeze %dma_start3A_944 : memref<1x128x128xf32, #tpu.memory_space<vmem>> -> memref<128x128xf32, #tpu.memory_space<vmem>>
      %dma_start3A_946 = arith.constant 0 : i32
      %dma_start3A_947 = tpu.memref_slice %arg5[%dma_start3A_940, %dma_start3A_946] : memref<4x128xi32, #tpu.memory_space<vmem>> -> memref<1x128xi32, #tpu.memory_space<vmem>>
      %dma_start3A_948 = tpu.memref_squeeze %dma_start3A_947 : memref<1x128xi32, #tpu.memory_space<vmem>> -> memref<128xi32, #tpu.memory_space<vmem>>
      %dma_start3A_949 = arith.constant 0 : i32
      %dma_start3A_950 = arith.constant 0 : i32
      %dma_start3A_951 = tpu.memref_slice %arg10[%dma_start3A_949, %dma_start3A_950] : memref<10240x128xf32, #tpu.memory_space<vmem_shared>> -> memref<10240x128xf32, #tpu.memory_space<vmem_shared>>
      %dma_start3A_952 = tpu.memref_slice %arg13[%dma_start3A_941] : memref<2x!tpu.dma_semaphore, #tpu.memory_space<semaphore_mem>> -> memref<1x!tpu.dma_semaphore, #tpu.memory_space<semaphore_mem>>
      %dma_start3A_953 = tpu.memref_squeeze %dma_start3A_952 : memref<1x!tpu.dma_semaphore, #tpu.memory_space<semaphore_mem>> -> memref<!tpu.dma_semaphore, #tpu.memory_space<semaphore_mem>>
      tpu.enqueue_indirect_dma source(%dma_start3A_945 : memref<128x128xf32, #tpu.memory_space<vmem>>) target(%dma_start3A_951 : memref<10240x128xf32, #tpu.memory_space<vmem_shared>>) offsets(%dma_start3A_948 : memref<128xi32, #tpu.memory_space<vmem>>) semaphore(%dma_start3A_953 : memref<!tpu.dma_semaphore, #tpu.memory_space<semaphore_mem>>) {add = true}
      %dma_wait3A_954 = arith.constant 0 : i32
      %dma_wait3A_955 = arith.constant 0 : i32
      %dma_wait3A_956 = arith.constant 0 : i32
      %dma_wait3A_957 = arith.constant 0 : i32
      %dma_wait3A_958 = arith.constant 0 : i32
      %dma_wait3A_959 = tpu.memref_slice %arg9[%dma_wait3A_954, %dma_wait3A_957, %dma_wait3A_958] : memref<2x128x128xf32, #tpu.memory_space<vmem>> -> memref<1x128x128xf32, #tpu.memory_space<vmem>>
      %dma_wait3A_960 = tpu.memref_squeeze %dma_wait3A_959 : memref<1x128x128xf32, #tpu.memory_space<vmem>> -> memref<128x128xf32, #tpu.memory_space<vmem>>
      %dma_wait3A_961 = arith.constant 0 : i32
      %dma_wait3A_962 = tpu.memref_slice %arg5[%dma_wait3A_955, %dma_wait3A_961] : memref<4x128xi32, #tpu.memory_space<vmem>> -> memref<1x128xi32, #tpu.memory_space<vmem>>
      %dma_wait3A_963 = tpu.memref_squeeze %dma_wait3A_962 : memref<1x128xi32, #tpu.memory_space<vmem>> -> memref<128xi32, #tpu.memory_space<vmem>>
      %dma_wait3A_964 = arith.constant 0 : i32
      %dma_wait3A_965 = arith.constant 0 : i32
      %dma_wait3A_966 = tpu.memref_slice %arg10[%dma_wait3A_964, %dma_wait3A_965] : memref<10240x128xf32, #tpu.memory_space<vmem_shared>> -> memref<10240x128xf32, #tpu.memory_space<vmem_shared>>
      %dma_wait3A_967 = tpu.memref_slice %arg13[%dma_wait3A_956] : memref<2x!tpu.dma_semaphore, #tpu.memory_space<semaphore_mem>> -> memref<1x!tpu.dma_semaphore, #tpu.memory_space<semaphore_mem>>
      %dma_wait3A_968 = tpu.memref_squeeze %dma_wait3A_967 : memref<1x!tpu.dma_semaphore, #tpu.memory_space<semaphore_mem>> -> memref<!tpu.dma_semaphore, #tpu.memory_space<semaphore_mem>>
      tpu.wait_indirect_dma semaphore(%dma_wait3A_968 : memref<!tpu.dma_semaphore, #tpu.memory_space<semaphore_mem>>) src(%dma_wait3A_960 : memref<128x128xf32, #tpu.memory_space<vmem>>) dst(%dma_wait3A_966 : memref<10240x128xf32, #tpu.memory_space<vmem_shared>>)
      %add3A_969 = arith.constant 2 : i32
      %add3A_970 = arith.addi %add3A_923, %add3A_969 : i32
      %mul3A_971 = arith.constant 128 : i32
      %mul3A_972 = arith.muli %add3A_970, %mul3A_971 : i32
      %add3A_973 = arith.addi %mul3A_2, %mul3A_972 : i32
      %dma_start3A_974 = arith.constant 3 : i32
      %dma_start3A_975 = arith.constant 3 : i32
      %dma_start3A_976 = arith.constant 0 : i32
      %dma_start3A_977 = tpu.memref_slice %arg5[%dma_start3A_974, %dma_start3A_976] : memref<4x128xi32, #tpu.memory_space<vmem>> -> memref<1x128xi32, #tpu.memory_space<vmem>>
      %dma_start3A_978 = tpu.memref_squeeze %dma_start3A_977 : memref<1x128xi32, #tpu.memory_space<vmem>> -> memref<128xi32, #tpu.memory_space<vmem>>
      %dma_start3A_979 = tpu.memref_slice %arg3[%add3A_973] : memref<640000xi32, #tpu.memory_space<hbm>> -> memref<128xi32, #tpu.memory_space<hbm>>
      %dma_start3A_980 = tpu.memref_slice %arg11[%dma_start3A_975] : memref<4x!tpu.dma_semaphore, #tpu.memory_space<semaphore_mem>> -> memref<1x!tpu.dma_semaphore, #tpu.memory_space<semaphore_mem>>
      %dma_start3A_981 = tpu.memref_squeeze %dma_start3A_980 : memref<1x!tpu.dma_semaphore, #tpu.memory_space<semaphore_mem>> -> memref<!tpu.dma_semaphore, #tpu.memory_space<semaphore_mem>>
      %dma_start3A_982 = arith.constant 0 : i32
      %dma_start3A_983 = tpu.memref_slice %arg5[%dma_start3A_974, %dma_start3A_982] : memref<4x128xi32, #tpu.memory_space<vmem>> -> memref<1x128xi32, #tpu.memory_space<vmem>>
      %dma_start3A_984 = tpu.memref_squeeze %dma_start3A_983 : memref<1x128xi32, #tpu.memory_space<vmem>> -> memref<128xi32, #tpu.memory_space<vmem>>
      %dma_start3A_985 = tpu.memref_slice %arg3[%add3A_973] : memref<640000xi32, #tpu.memory_space<hbm>> -> memref<128xi32, #tpu.memory_space<hbm>>
      tpu.enqueue_dma source(%dma_start3A_985 : memref<128xi32, #tpu.memory_space<hbm>>) target(%dma_start3A_984 : memref<128xi32, #tpu.memory_space<vmem>>) target_semaphore(%dma_start3A_981 : memref<!tpu.dma_semaphore, #tpu.memory_space<semaphore_mem>>)
      %add3A_986 = arith.constant 320000 : i32
      %add3A_987 = arith.addi %add3A_986, %mul3A_2 : i32
      %mul3A_988 = arith.constant 128 : i32
      %mul3A_989 = arith.muli %add3A_970, %mul3A_988 : i32
      %add3A_990 = arith.addi %add3A_987, %mul3A_989 : i32
      %dma_start3A_991 = arith.constant 3 : i32
      %dma_start3A_992 = arith.constant 3 : i32
      %dma_start3A_993 = arith.constant 0 : i32
      %dma_start3A_994 = tpu.memref_slice %arg6[%dma_start3A_991, %dma_start3A_993] : memref<4x128xi32, #tpu.memory_space<vmem>> -> memref<1x128xi32, #tpu.memory_space<vmem>>
      %dma_start3A_995 = tpu.memref_squeeze %dma_start3A_994 : memref<1x128xi32, #tpu.memory_space<vmem>> -> memref<128xi32, #tpu.memory_space<vmem>>
      %dma_start3A_996 = tpu.memref_slice %arg3[%add3A_990] : memref<640000xi32, #tpu.memory_space<hbm>> -> memref<128xi32, #tpu.memory_space<hbm>>
      %dma_start3A_997 = tpu.memref_slice %arg11[%dma_start3A_992] : memref<4x!tpu.dma_semaphore, #tpu.memory_space<semaphore_mem>> -> memref<1x!tpu.dma_semaphore, #tpu.memory_space<semaphore_mem>>
      %dma_start3A_998 = tpu.memref_squeeze %dma_start3A_997 : memref<1x!tpu.dma_semaphore, #tpu.memory_space<semaphore_mem>> -> memref<!tpu.dma_semaphore, #tpu.memory_space<semaphore_mem>>
      %dma_start3A_999 = arith.constant 0 : i32
      %dma_start3A_1000 = tpu.memref_slice %arg6[%dma_start3A_991, %dma_start3A_999] : memref<4x128xi32, #tpu.memory_space<vmem>> -> memref<1x128xi32, #tpu.memory_space<vmem>>
      %dma_start3A_1001 = tpu.memref_squeeze %dma_start3A_1000 : memref<1x128xi32, #tpu.memory_space<vmem>> -> memref<128xi32, #tpu.memory_space<vmem>>
      %dma_start3A_1002 = tpu.memref_slice %arg3[%add3A_990] : memref<640000xi32, #tpu.memory_space<hbm>> -> memref<128xi32, #tpu.memory_space<hbm>>
      tpu.enqueue_dma source(%dma_start3A_1002 : memref<128xi32, #tpu.memory_space<hbm>>) target(%dma_start3A_1001 : memref<128xi32, #tpu.memory_space<vmem>>) target_semaphore(%dma_start3A_998 : memref<!tpu.dma_semaphore, #tpu.memory_space<semaphore_mem>>)
      %add3A_1003 = arith.constant 1 : i32
      %add3A_1004 = arith.addi %add3A_923, %add3A_1003 : i32
      %mul3A_1005 = arith.constant 128 : i32
      %mul3A_1006 = arith.muli %add3A_1004, %mul3A_1005 : i32
      %add3A_1007 = arith.addi %mul3A_2, %mul3A_1006 : i32
      %dma_wait3A_1008 = arith.constant 2 : i32
      %dma_wait3A_1009 = arith.constant 2 : i32
      %dma_wait3A_1010 = arith.constant 0 : i32
      %dma_wait3A_1011 = tpu.memref_slice %arg5[%dma_wait3A_1008, %dma_wait3A_1010] : memref<4x128xi32, #tpu.memory_space<vmem>> -> memref<1x128xi32, #tpu.memory_space<vmem>>
      %dma_wait3A_1012 = tpu.memref_squeeze %dma_wait3A_1011 : memref<1x128xi32, #tpu.memory_space<vmem>> -> memref<128xi32, #tpu.memory_space<vmem>>
      %dma_wait3A_1013 = tpu.memref_slice %arg3[%add3A_1007] : memref<640000xi32, #tpu.memory_space<hbm>> -> memref<128xi32, #tpu.memory_space<hbm>>
      %dma_wait3A_1014 = tpu.memref_slice %arg11[%dma_wait3A_1009] : memref<4x!tpu.dma_semaphore, #tpu.memory_space<semaphore_mem>> -> memref<1x!tpu.dma_semaphore, #tpu.memory_space<semaphore_mem>>
      %dma_wait3A_1015 = tpu.memref_squeeze %dma_wait3A_1014 : memref<1x!tpu.dma_semaphore, #tpu.memory_space<semaphore_mem>> -> memref<!tpu.dma_semaphore, #tpu.memory_space<semaphore_mem>>
      %dma_wait3A_1016 = arith.constant 0 : i32
      %dma_wait3A_1017 = tpu.memref_slice %arg5[%dma_wait3A_1008, %dma_wait3A_1016] : memref<4x128xi32, #tpu.memory_space<vmem>> -> memref<1x128xi32, #tpu.memory_space<vmem>>
      %dma_wait3A_1018 = tpu.memref_squeeze %dma_wait3A_1017 : memref<1x128xi32, #tpu.memory_space<vmem>> -> memref<128xi32, #tpu.memory_space<vmem>>
      %dma_wait3A_1019 = tpu.memref_slice %arg3[%add3A_1007] : memref<640000xi32, #tpu.memory_space<hbm>> -> memref<128xi32, #tpu.memory_space<hbm>>
      tpu.wait_dma2 semaphore(%dma_wait3A_1015 : memref<!tpu.dma_semaphore, #tpu.memory_space<semaphore_mem>>) src(%dma_wait3A_1019 : memref<128xi32, #tpu.memory_space<hbm>>) dst(%dma_wait3A_1018 : memref<128xi32, #tpu.memory_space<vmem>>)
      %add3A_1020 = arith.constant 320000 : i32
      %add3A_1021 = arith.addi %add3A_1020, %mul3A_2 : i32
      %mul3A_1022 = arith.constant 128 : i32
      %mul3A_1023 = arith.muli %add3A_1004, %mul3A_1022 : i32
      %add3A_1024 = arith.addi %add3A_1021, %mul3A_1023 : i32
      %dma_wait3A_1025 = arith.constant 2 : i32
      %dma_wait3A_1026 = arith.constant 2 : i32
      %dma_wait3A_1027 = arith.constant 0 : i32
      %dma_wait3A_1028 = tpu.memref_slice %arg6[%dma_wait3A_1025, %dma_wait3A_1027] : memref<4x128xi32, #tpu.memory_space<vmem>> -> memref<1x128xi32, #tpu.memory_space<vmem>>
      %dma_wait3A_1029 = tpu.memref_squeeze %dma_wait3A_1028 : memref<1x128xi32, #tpu.memory_space<vmem>> -> memref<128xi32, #tpu.memory_space<vmem>>
      %dma_wait3A_1030 = tpu.memref_slice %arg3[%add3A_1024] : memref<640000xi32, #tpu.memory_space<hbm>> -> memref<128xi32, #tpu.memory_space<hbm>>
      %dma_wait3A_1031 = tpu.memref_slice %arg11[%dma_wait3A_1026] : memref<4x!tpu.dma_semaphore, #tpu.memory_space<semaphore_mem>> -> memref<1x!tpu.dma_semaphore, #tpu.memory_space<semaphore_mem>>
      %dma_wait3A_1032 = tpu.memref_squeeze %dma_wait3A_1031 : memref<1x!tpu.dma_semaphore, #tpu.memory_space<semaphore_mem>> -> memref<!tpu.dma_semaphore, #tpu.memory_space<semaphore_mem>>
      %dma_wait3A_1033 = arith.constant 0 : i32
      %dma_wait3A_1034 = tpu.memref_slice %arg6[%dma_wait3A_1025, %dma_wait3A_1033] : memref<4x128xi32, #tpu.memory_space<vmem>> -> memref<1x128xi32, #tpu.memory_space<vmem>>
      %dma_wait3A_1035 = tpu.memref_squeeze %dma_wait3A_1034 : memref<1x128xi32, #tpu.memory_space<vmem>> -> memref<128xi32, #tpu.memory_space<vmem>>
      %dma_wait3A_1036 = tpu.memref_slice %arg3[%add3A_1024] : memref<640000xi32, #tpu.memory_space<hbm>> -> memref<128xi32, #tpu.memory_space<hbm>>
      tpu.wait_dma2 semaphore(%dma_wait3A_1032 : memref<!tpu.dma_semaphore, #tpu.memory_space<semaphore_mem>>) src(%dma_wait3A_1036 : memref<128xi32, #tpu.memory_space<hbm>>) dst(%dma_wait3A_1035 : memref<128xi32, #tpu.memory_space<vmem>>)
      %dma_start3A_1037 = arith.constant 2 : i32
      %dma_start3A_1038 = arith.constant 0 : i32
      %dma_start3A_1039 = arith.constant 0 : i32
      %dma_start3A_1040 = arith.constant 0 : i32
      %dma_start3A_1041 = arith.constant 0 : i32
      %dma_start3A_1042 = tpu.memref_slice %arg9[%dma_start3A_1038, %dma_start3A_1040, %dma_start3A_1041] : memref<2x128x128xf32, #tpu.memory_space<vmem>> -> memref<1x128x128xf32, #tpu.memory_space<vmem>>
      %dma_start3A_1043 = tpu.memref_squeeze %dma_start3A_1042 : memref<1x128x128xf32, #tpu.memory_space<vmem>> -> memref<128x128xf32, #tpu.memory_space<vmem>>
      %dma_start3A_1044 = arith.constant 0 : i32
      %dma_start3A_1045 = tpu.memref_slice %arg6[%dma_start3A_1037, %dma_start3A_1044] : memref<4x128xi32, #tpu.memory_space<vmem>> -> memref<1x128xi32, #tpu.memory_space<vmem>>
      %dma_start3A_1046 = tpu.memref_squeeze %dma_start3A_1045 : memref<1x128xi32, #tpu.memory_space<vmem>> -> memref<128xi32, #tpu.memory_space<vmem>>
      %dma_start3A_1047 = arith.constant 0 : i32
      %dma_start3A_1048 = arith.constant 0 : i32
      %dma_start3A_1049 = tpu.memref_slice %arg2[%dma_start3A_1047, %dma_start3A_1048] : memref<10000x128xf32, #tpu.memory_space<hbm>> -> memref<10000x128xf32, #tpu.memory_space<hbm>>
      %dma_start3A_1050 = tpu.memref_slice %arg12[%dma_start3A_1039] : memref<2x!tpu.dma_semaphore, #tpu.memory_space<semaphore_mem>> -> memref<1x!tpu.dma_semaphore, #tpu.memory_space<semaphore_mem>>
      %dma_start3A_1051 = tpu.memref_squeeze %dma_start3A_1050 : memref<1x!tpu.dma_semaphore, #tpu.memory_space<semaphore_mem>> -> memref<!tpu.dma_semaphore, #tpu.memory_space<semaphore_mem>>
      tpu.enqueue_indirect_dma source(%dma_start3A_1049 : memref<10000x128xf32, #tpu.memory_space<hbm>>) target(%dma_start3A_1043 : memref<128x128xf32, #tpu.memory_space<vmem>>) offsets(%dma_start3A_1046 : memref<128xi32, #tpu.memory_space<vmem>>) semaphore(%dma_start3A_1051 : memref<!tpu.dma_semaphore, #tpu.memory_space<semaphore_mem>>)
      %add3A_1052 = arith.constant 2 : i32
      %add3A_1053 = arith.addi %mul3A_791, %add3A_1052 : i32
      %dma_wait3A_1054 = arith.constant 2 : i32
      %dma_wait3A_1055 = arith.constant 0 : i32
      %dma_wait3A_1056 = arith.constant 0 : i32
      %dma_wait3A_1057 = arith.constant 0 : i32
      %dma_wait3A_1058 = arith.constant 0 : i32
      %dma_wait3A_1059 = tpu.memref_slice %arg9[%dma_wait3A_1055, %dma_wait3A_1057, %dma_wait3A_1058] : memref<2x128x128xf32, #tpu.memory_space<vmem>> -> memref<1x128x128xf32, #tpu.memory_space<vmem>>
      %dma_wait3A_1060 = tpu.memref_squeeze %dma_wait3A_1059 : memref<1x128x128xf32, #tpu.memory_space<vmem>> -> memref<128x128xf32, #tpu.memory_space<vmem>>
      %dma_wait3A_1061 = arith.constant 0 : i32
      %dma_wait3A_1062 = tpu.memref_slice %arg6[%dma_wait3A_1054, %dma_wait3A_1061] : memref<4x128xi32, #tpu.memory_space<vmem>> -> memref<1x128xi32, #tpu.memory_space<vmem>>
      %dma_wait3A_1063 = tpu.memref_squeeze %dma_wait3A_1062 : memref<1x128xi32, #tpu.memory_space<vmem>> -> memref<128xi32, #tpu.memory_space<vmem>>
      %dma_wait3A_1064 = arith.constant 0 : i32
      %dma_wait3A_1065 = arith.constant 0 : i32
      %dma_wait3A_1066 = tpu.memref_slice %arg2[%dma_wait3A_1064, %dma_wait3A_1065] : memref<10000x128xf32, #tpu.memory_space<hbm>> -> memref<10000x128xf32, #tpu.memory_space<hbm>>
      %dma_wait3A_1067 = tpu.memref_slice %arg12[%dma_wait3A_1056] : memref<2x!tpu.dma_semaphore, #tpu.memory_space<semaphore_mem>> -> memref<1x!tpu.dma_semaphore, #tpu.memory_space<semaphore_mem>>
      %dma_wait3A_1068 = tpu.memref_squeeze %dma_wait3A_1067 : memref<1x!tpu.dma_semaphore, #tpu.memory_space<semaphore_mem>> -> memref<!tpu.dma_semaphore, #tpu.memory_space<semaphore_mem>>
      tpu.wait_indirect_dma semaphore(%dma_wait3A_1068 : memref<!tpu.dma_semaphore, #tpu.memory_space<semaphore_mem>>) src(%dma_wait3A_1066 : memref<10000x128xf32, #tpu.memory_space<hbm>>) dst(%dma_wait3A_1060 : memref<128x128xf32, #tpu.memory_space<vmem>>)
      %dma_start3A_1069 = arith.constant 0 : i32
      %dma_start3A_1070 = arith.constant 2 : i32
      %dma_start3A_1071 = arith.constant 0 : i32
      %dma_start3A_1072 = arith.constant 0 : i32
      %dma_start3A_1073 = arith.constant 0 : i32
      %dma_start3A_1074 = tpu.memref_slice %arg9[%dma_start3A_1069, %dma_start3A_1072, %dma_start3A_1073] : memref<2x128x128xf32, #tpu.memory_space<vmem>> -> memref<1x128x128xf32, #tpu.memory_space<vmem>>
      %dma_start3A_1075 = tpu.memref_squeeze %dma_start3A_1074 : memref<1x128x128xf32, #tpu.memory_space<vmem>> -> memref<128x128xf32, #tpu.memory_space<vmem>>
      %dma_start3A_1076 = arith.constant 0 : i32
      %dma_start3A_1077 = tpu.memref_slice %arg5[%dma_start3A_1070, %dma_start3A_1076] : memref<4x128xi32, #tpu.memory_space<vmem>> -> memref<1x128xi32, #tpu.memory_space<vmem>>
      %dma_start3A_1078 = tpu.memref_squeeze %dma_start3A_1077 : memref<1x128xi32, #tpu.memory_space<vmem>> -> memref<128xi32, #tpu.memory_space<vmem>>
      %dma_start3A_1079 = arith.constant 0 : i32
      %dma_start3A_1080 = arith.constant 0 : i32
      %dma_start3A_1081 = tpu.memref_slice %arg10[%dma_start3A_1079, %dma_start3A_1080] : memref<10240x128xf32, #tpu.memory_space<vmem_shared>> -> memref<10240x128xf32, #tpu.memory_space<vmem_shared>>
      %dma_start3A_1082 = tpu.memref_slice %arg13[%dma_start3A_1071] : memref<2x!tpu.dma_semaphore, #tpu.memory_space<semaphore_mem>> -> memref<1x!tpu.dma_semaphore, #tpu.memory_space<semaphore_mem>>
      %dma_start3A_1083 = tpu.memref_squeeze %dma_start3A_1082 : memref<1x!tpu.dma_semaphore, #tpu.memory_space<semaphore_mem>> -> memref<!tpu.dma_semaphore, #tpu.memory_space<semaphore_mem>>
      tpu.enqueue_indirect_dma source(%dma_start3A_1075 : memref<128x128xf32, #tpu.memory_space<vmem>>) target(%dma_start3A_1081 : memref<10240x128xf32, #tpu.memory_space<vmem_shared>>) offsets(%dma_start3A_1078 : memref<128xi32, #tpu.memory_space<vmem>>) semaphore(%dma_start3A_1083 : memref<!tpu.dma_semaphore, #tpu.memory_space<semaphore_mem>>) {add = true}
      %dma_wait3A_1084 = arith.constant 1 : i32
      %dma_wait3A_1085 = arith.constant 1 : i32
      %dma_wait3A_1086 = arith.constant 1 : i32
      %dma_wait3A_1087 = arith.constant 0 : i32
      %dma_wait3A_1088 = arith.constant 0 : i32
      %dma_wait3A_1089 = tpu.memref_slice %arg9[%dma_wait3A_1084, %dma_wait3A_1087, %dma_wait3A_1088] : memref<2x128x128xf32, #tpu.memory_space<vmem>> -> memref<1x128x128xf32, #tpu.memory_space<vmem>>
      %dma_wait3A_1090 = tpu.memref_squeeze %dma_wait3A_1089 : memref<1x128x128xf32, #tpu.memory_space<vmem>> -> memref<128x128xf32, #tpu.memory_space<vmem>>
      %dma_wait3A_1091 = arith.constant 0 : i32
      %dma_wait3A_1092 = tpu.memref_slice %arg5[%dma_wait3A_1085, %dma_wait3A_1091] : memref<4x128xi32, #tpu.memory_space<vmem>> -> memref<1x128xi32, #tpu.memory_space<vmem>>
      %dma_wait3A_1093 = tpu.memref_squeeze %dma_wait3A_1092 : memref<1x128xi32, #tpu.memory_space<vmem>> -> memref<128xi32, #tpu.memory_space<vmem>>
      %dma_wait3A_1094 = arith.constant 0 : i32
      %dma_wait3A_1095 = arith.constant 0 : i32
      %dma_wait3A_1096 = tpu.memref_slice %arg10[%dma_wait3A_1094, %dma_wait3A_1095] : memref<10240x128xf32, #tpu.memory_space<vmem_shared>> -> memref<10240x128xf32, #tpu.memory_space<vmem_shared>>
      %dma_wait3A_1097 = tpu.memref_slice %arg13[%dma_wait3A_1086] : memref<2x!tpu.dma_semaphore, #tpu.memory_space<semaphore_mem>> -> memref<1x!tpu.dma_semaphore, #tpu.memory_space<semaphore_mem>>
      %dma_wait3A_1098 = tpu.memref_squeeze %dma_wait3A_1097 : memref<1x!tpu.dma_semaphore, #tpu.memory_space<semaphore_mem>> -> memref<!tpu.dma_semaphore, #tpu.memory_space<semaphore_mem>>
      tpu.wait_indirect_dma semaphore(%dma_wait3A_1098 : memref<!tpu.dma_semaphore, #tpu.memory_space<semaphore_mem>>) src(%dma_wait3A_1090 : memref<128x128xf32, #tpu.memory_space<vmem>>) dst(%dma_wait3A_1096 : memref<10240x128xf32, #tpu.memory_space<vmem_shared>>)
      %add3A_1099 = arith.constant 2 : i32
      %add3A_1100 = arith.addi %add3A_1053, %add3A_1099 : i32
      %mul3A_1101 = arith.constant 128 : i32
      %mul3A_1102 = arith.muli %add3A_1100, %mul3A_1101 : i32
      %add3A_1103 = arith.addi %mul3A_2, %mul3A_1102 : i32
      %dma_start3A_1104 = arith.constant 0 : i32
      %dma_start3A_1105 = arith.constant 0 : i32
      %dma_start3A_1106 = arith.constant 0 : i32
      %dma_start3A_1107 = tpu.memref_slice %arg5[%dma_start3A_1104, %dma_start3A_1106] : memref<4x128xi32, #tpu.memory_space<vmem>> -> memref<1x128xi32, #tpu.memory_space<vmem>>
      %dma_start3A_1108 = tpu.memref_squeeze %dma_start3A_1107 : memref<1x128xi32, #tpu.memory_space<vmem>> -> memref<128xi32, #tpu.memory_space<vmem>>
      %dma_start3A_1109 = tpu.memref_slice %arg3[%add3A_1103] : memref<640000xi32, #tpu.memory_space<hbm>> -> memref<128xi32, #tpu.memory_space<hbm>>
      %dma_start3A_1110 = tpu.memref_slice %arg11[%dma_start3A_1105] : memref<4x!tpu.dma_semaphore, #tpu.memory_space<semaphore_mem>> -> memref<1x!tpu.dma_semaphore, #tpu.memory_space<semaphore_mem>>
      %dma_start3A_1111 = tpu.memref_squeeze %dma_start3A_1110 : memref<1x!tpu.dma_semaphore, #tpu.memory_space<semaphore_mem>> -> memref<!tpu.dma_semaphore, #tpu.memory_space<semaphore_mem>>
      %dma_start3A_1112 = arith.constant 0 : i32
      %dma_start3A_1113 = tpu.memref_slice %arg5[%dma_start3A_1104, %dma_start3A_1112] : memref<4x128xi32, #tpu.memory_space<vmem>> -> memref<1x128xi32, #tpu.memory_space<vmem>>
      %dma_start3A_1114 = tpu.memref_squeeze %dma_start3A_1113 : memref<1x128xi32, #tpu.memory_space<vmem>> -> memref<128xi32, #tpu.memory_space<vmem>>
      %dma_start3A_1115 = tpu.memref_slice %arg3[%add3A_1103] : memref<640000xi32, #tpu.memory_space<hbm>> -> memref<128xi32, #tpu.memory_space<hbm>>
      tpu.enqueue_dma source(%dma_start3A_1115 : memref<128xi32, #tpu.memory_space<hbm>>) target(%dma_start3A_1114 : memref<128xi32, #tpu.memory_space<vmem>>) target_semaphore(%dma_start3A_1111 : memref<!tpu.dma_semaphore, #tpu.memory_space<semaphore_mem>>)
      %add3A_1116 = arith.constant 320000 : i32
      %add3A_1117 = arith.addi %add3A_1116, %mul3A_2 : i32
      %mul3A_1118 = arith.constant 128 : i32
      %mul3A_1119 = arith.muli %add3A_1100, %mul3A_1118 : i32
      %add3A_1120 = arith.addi %add3A_1117, %mul3A_1119 : i32
      %dma_start3A_1121 = arith.constant 0 : i32
      %dma_start3A_1122 = arith.constant 0 : i32
      %dma_start3A_1123 = arith.constant 0 : i32
      %dma_start3A_1124 = tpu.memref_slice %arg6[%dma_start3A_1121, %dma_start3A_1123] : memref<4x128xi32, #tpu.memory_space<vmem>> -> memref<1x128xi32, #tpu.memory_space<vmem>>
      %dma_start3A_1125 = tpu.memref_squeeze %dma_start3A_1124 : memref<1x128xi32, #tpu.memory_space<vmem>> -> memref<128xi32, #tpu.memory_space<vmem>>
      %dma_start3A_1126 = tpu.memref_slice %arg3[%add3A_1120] : memref<640000xi32, #tpu.memory_space<hbm>> -> memref<128xi32, #tpu.memory_space<hbm>>
      %dma_start3A_1127 = tpu.memref_slice %arg11[%dma_start3A_1122] : memref<4x!tpu.dma_semaphore, #tpu.memory_space<semaphore_mem>> -> memref<1x!tpu.dma_semaphore, #tpu.memory_space<semaphore_mem>>
      %dma_start3A_1128 = tpu.memref_squeeze %dma_start3A_1127 : memref<1x!tpu.dma_semaphore, #tpu.memory_space<semaphore_mem>> -> memref<!tpu.dma_semaphore, #tpu.memory_space<semaphore_mem>>
      %dma_start3A_1129 = arith.constant 0 : i32
      %dma_start3A_1130 = tpu.memref_slice %arg6[%dma_start3A_1121, %dma_start3A_1129] : memref<4x128xi32, #tpu.memory_space<vmem>> -> memref<1x128xi32, #tpu.memory_space<vmem>>
      %dma_start3A_1131 = tpu.memref_squeeze %dma_start3A_1130 : memref<1x128xi32, #tpu.memory_space<vmem>> -> memref<128xi32, #tpu.memory_space<vmem>>
      %dma_start3A_1132 = tpu.memref_slice %arg3[%add3A_1120] : memref<640000xi32, #tpu.memory_space<hbm>> -> memref<128xi32, #tpu.memory_space<hbm>>
      tpu.enqueue_dma source(%dma_start3A_1132 : memref<128xi32, #tpu.memory_space<hbm>>) target(%dma_start3A_1131 : memref<128xi32, #tpu.memory_space<vmem>>) target_semaphore(%dma_start3A_1128 : memref<!tpu.dma_semaphore, #tpu.memory_space<semaphore_mem>>)
      %add3A_1133 = arith.constant 1 : i32
      %add3A_1134 = arith.addi %add3A_1053, %add3A_1133 : i32
      %mul3A_1135 = arith.constant 128 : i32
      %mul3A_1136 = arith.muli %add3A_1134, %mul3A_1135 : i32
      %add3A_1137 = arith.addi %mul3A_2, %mul3A_1136 : i32
      %dma_wait3A_1138 = arith.constant 3 : i32
      %dma_wait3A_1139 = arith.constant 3 : i32
      %dma_wait3A_1140 = arith.constant 0 : i32
      %dma_wait3A_1141 = tpu.memref_slice %arg5[%dma_wait3A_1138, %dma_wait3A_1140] : memref<4x128xi32, #tpu.memory_space<vmem>> -> memref<1x128xi32, #tpu.memory_space<vmem>>
      %dma_wait3A_1142 = tpu.memref_squeeze %dma_wait3A_1141 : memref<1x128xi32, #tpu.memory_space<vmem>> -> memref<128xi32, #tpu.memory_space<vmem>>
      %dma_wait3A_1143 = tpu.memref_slice %arg3[%add3A_1137] : memref<640000xi32, #tpu.memory_space<hbm>> -> memref<128xi32, #tpu.memory_space<hbm>>
      %dma_wait3A_1144 = tpu.memref_slice %arg11[%dma_wait3A_1139] : memref<4x!tpu.dma_semaphore, #tpu.memory_space<semaphore_mem>> -> memref<1x!tpu.dma_semaphore, #tpu.memory_space<semaphore_mem>>
      %dma_wait3A_1145 = tpu.memref_squeeze %dma_wait3A_1144 : memref<1x!tpu.dma_semaphore, #tpu.memory_space<semaphore_mem>> -> memref<!tpu.dma_semaphore, #tpu.memory_space<semaphore_mem>>
      %dma_wait3A_1146 = arith.constant 0 : i32
      %dma_wait3A_1147 = tpu.memref_slice %arg5[%dma_wait3A_1138, %dma_wait3A_1146] : memref<4x128xi32, #tpu.memory_space<vmem>> -> memref<1x128xi32, #tpu.memory_space<vmem>>
      %dma_wait3A_1148 = tpu.memref_squeeze %dma_wait3A_1147 : memref<1x128xi32, #tpu.memory_space<vmem>> -> memref<128xi32, #tpu.memory_space<vmem>>
      %dma_wait3A_1149 = tpu.memref_slice %arg3[%add3A_1137] : memref<640000xi32, #tpu.memory_space<hbm>> -> memref<128xi32, #tpu.memory_space<hbm>>
      tpu.wait_dma2 semaphore(%dma_wait3A_1145 : memref<!tpu.dma_semaphore, #tpu.memory_space<semaphore_mem>>) src(%dma_wait3A_1149 : memref<128xi32, #tpu.memory_space<hbm>>) dst(%dma_wait3A_1148 : memref<128xi32, #tpu.memory_space<vmem>>)
      %add3A_1150 = arith.constant 320000 : i32
      %add3A_1151 = arith.addi %add3A_1150, %mul3A_2 : i32
      %mul3A_1152 = arith.constant 128 : i32
      %mul3A_1153 = arith.muli %add3A_1134, %mul3A_1152 : i32
      %add3A_1154 = arith.addi %add3A_1151, %mul3A_1153 : i32
      %dma_wait3A_1155 = arith.constant 3 : i32
      %dma_wait3A_1156 = arith.constant 3 : i32
      %dma_wait3A_1157 = arith.constant 0 : i32
      %dma_wait3A_1158 = tpu.memref_slice %arg6[%dma_wait3A_1155, %dma_wait3A_1157] : memref<4x128xi32, #tpu.memory_space<vmem>> -> memref<1x128xi32, #tpu.memory_space<vmem>>
      %dma_wait3A_1159 = tpu.memref_squeeze %dma_wait3A_1158 : memref<1x128xi32, #tpu.memory_space<vmem>> -> memref<128xi32, #tpu.memory_space<vmem>>
      %dma_wait3A_1160 = tpu.memref_slice %arg3[%add3A_1154] : memref<640000xi32, #tpu.memory_space<hbm>> -> memref<128xi32, #tpu.memory_space<hbm>>
      %dma_wait3A_1161 = tpu.memref_slice %arg11[%dma_wait3A_1156] : memref<4x!tpu.dma_semaphore, #tpu.memory_space<semaphore_mem>> -> memref<1x!tpu.dma_semaphore, #tpu.memory_space<semaphore_mem>>
      %dma_wait3A_1162 = tpu.memref_squeeze %dma_wait3A_1161 : memref<1x!tpu.dma_semaphore, #tpu.memory_space<semaphore_mem>> -> memref<!tpu.dma_semaphore, #tpu.memory_space<semaphore_mem>>
      %dma_wait3A_1163 = arith.constant 0 : i32
      %dma_wait3A_1164 = tpu.memref_slice %arg6[%dma_wait3A_1155, %dma_wait3A_1163] : memref<4x128xi32, #tpu.memory_space<vmem>> -> memref<1x128xi32, #tpu.memory_space<vmem>>
      %dma_wait3A_1165 = tpu.memref_squeeze %dma_wait3A_1164 : memref<1x128xi32, #tpu.memory_space<vmem>> -> memref<128xi32, #tpu.memory_space<vmem>>
      %dma_wait3A_1166 = tpu.memref_slice %arg3[%add3A_1154] : memref<640000xi32, #tpu.memory_space<hbm>> -> memref<128xi32, #tpu.memory_space<hbm>>
      tpu.wait_dma2 semaphore(%dma_wait3A_1162 : memref<!tpu.dma_semaphore, #tpu.memory_space<semaphore_mem>>) src(%dma_wait3A_1166 : memref<128xi32, #tpu.memory_space<hbm>>) dst(%dma_wait3A_1165 : memref<128xi32, #tpu.memory_space<vmem>>)
      %dma_start3A_1167 = arith.constant 3 : i32
      %dma_start3A_1168 = arith.constant 1 : i32
      %dma_start3A_1169 = arith.constant 1 : i32
      %dma_start3A_1170 = arith.constant 0 : i32
      %dma_start3A_1171 = arith.constant 0 : i32
      %dma_start3A_1172 = tpu.memref_slice %arg9[%dma_start3A_1168, %dma_start3A_1170, %dma_start3A_1171] : memref<2x128x128xf32, #tpu.memory_space<vmem>> -> memref<1x128x128xf32, #tpu.memory_space<vmem>>
      %dma_start3A_1173 = tpu.memref_squeeze %dma_start3A_1172 : memref<1x128x128xf32, #tpu.memory_space<vmem>> -> memref<128x128xf32, #tpu.memory_space<vmem>>
      %dma_start3A_1174 = arith.constant 0 : i32
      %dma_start3A_1175 = tpu.memref_slice %arg6[%dma_start3A_1167, %dma_start3A_1174] : memref<4x128xi32, #tpu.memory_space<vmem>> -> memref<1x128xi32, #tpu.memory_space<vmem>>
      %dma_start3A_1176 = tpu.memref_squeeze %dma_start3A_1175 : memref<1x128xi32, #tpu.memory_space<vmem>> -> memref<128xi32, #tpu.memory_space<vmem>>
      %dma_start3A_1177 = arith.constant 0 : i32
      %dma_start3A_1178 = arith.constant 0 : i32
      %dma_start3A_1179 = tpu.memref_slice %arg2[%dma_start3A_1177, %dma_start3A_1178] : memref<10000x128xf32, #tpu.memory_space<hbm>> -> memref<10000x128xf32, #tpu.memory_space<hbm>>
      %dma_start3A_1180 = tpu.memref_slice %arg12[%dma_start3A_1169] : memref<2x!tpu.dma_semaphore, #tpu.memory_space<semaphore_mem>> -> memref<1x!tpu.dma_semaphore, #tpu.memory_space<semaphore_mem>>
      %dma_start3A_1181 = tpu.memref_squeeze %dma_start3A_1180 : memref<1x!tpu.dma_semaphore, #tpu.memory_space<semaphore_mem>> -> memref<!tpu.dma_semaphore, #tpu.memory_space<semaphore_mem>>
      tpu.enqueue_indirect_dma source(%dma_start3A_1179 : memref<10000x128xf32, #tpu.memory_space<hbm>>) target(%dma_start3A_1173 : memref<128x128xf32, #tpu.memory_space<vmem>>) offsets(%dma_start3A_1176 : memref<128xi32, #tpu.memory_space<vmem>>) semaphore(%dma_start3A_1181 : memref<!tpu.dma_semaphore, #tpu.memory_space<semaphore_mem>>)
      %add3A_1182 = arith.constant 3 : i32
      %add3A_1183 = arith.addi %mul3A_791, %add3A_1182 : i32
      %dma_wait3A_1184 = arith.constant 3 : i32
      %dma_wait3A_1185 = arith.constant 1 : i32
      %dma_wait3A_1186 = arith.constant 1 : i32
      %dma_wait3A_1187 = arith.constant 0 : i32
      %dma_wait3A_1188 = arith.constant 0 : i32
      %dma_wait3A_1189 = tpu.memref_slice %arg9[%dma_wait3A_1185, %dma_wait3A_1187, %dma_wait3A_1188] : memref<2x128x128xf32, #tpu.memory_space<vmem>> -> memref<1x128x128xf32, #tpu.memory_space<vmem>>
      %dma_wait3A_1190 = tpu.memref_squeeze %dma_wait3A_1189 : memref<1x128x128xf32, #tpu.memory_space<vmem>> -> memref<128x128xf32, #tpu.memory_space<vmem>>
      %dma_wait3A_1191 = arith.constant 0 : i32
      %dma_wait3A_1192 = tpu.memref_slice %arg6[%dma_wait3A_1184, %dma_wait3A_1191] : memref<4x128xi32, #tpu.memory_space<vmem>> -> memref<1x128xi32, #tpu.memory_space<vmem>>
      %dma_wait3A_1193 = tpu.memref_squeeze %dma_wait3A_1192 : memref<1x128xi32, #tpu.memory_space<vmem>> -> memref<128xi32, #tpu.memory_space<vmem>>
      %dma_wait3A_1194 = arith.constant 0 : i32
      %dma_wait3A_1195 = arith.constant 0 : i32
      %dma_wait3A_1196 = tpu.memref_slice %arg2[%dma_wait3A_1194, %dma_wait3A_1195] : memref<10000x128xf32, #tpu.memory_space<hbm>> -> memref<10000x128xf32, #tpu.memory_space<hbm>>
      %dma_wait3A_1197 = tpu.memref_slice %arg12[%dma_wait3A_1186] : memref<2x!tpu.dma_semaphore, #tpu.memory_space<semaphore_mem>> -> memref<1x!tpu.dma_semaphore, #tpu.memory_space<semaphore_mem>>
      %dma_wait3A_1198 = tpu.memref_squeeze %dma_wait3A_1197 : memref<1x!tpu.dma_semaphore, #tpu.memory_space<semaphore_mem>> -> memref<!tpu.dma_semaphore, #tpu.memory_space<semaphore_mem>>
      tpu.wait_indirect_dma semaphore(%dma_wait3A_1198 : memref<!tpu.dma_semaphore, #tpu.memory_space<semaphore_mem>>) src(%dma_wait3A_1196 : memref<10000x128xf32, #tpu.memory_space<hbm>>) dst(%dma_wait3A_1190 : memref<128x128xf32, #tpu.memory_space<vmem>>)
      %dma_start3A_1199 = arith.constant 1 : i32
      %dma_start3A_1200 = arith.constant 3 : i32
      %dma_start3A_1201 = arith.constant 1 : i32
      %dma_start3A_1202 = arith.constant 0 : i32
      %dma_start3A_1203 = arith.constant 0 : i32
      %dma_start3A_1204 = tpu.memref_slice %arg9[%dma_start3A_1199, %dma_start3A_1202, %dma_start3A_1203] : memref<2x128x128xf32, #tpu.memory_space<vmem>> -> memref<1x128x128xf32, #tpu.memory_space<vmem>>
      %dma_start3A_1205 = tpu.memref_squeeze %dma_start3A_1204 : memref<1x128x128xf32, #tpu.memory_space<vmem>> -> memref<128x128xf32, #tpu.memory_space<vmem>>
      %dma_start3A_1206 = arith.constant 0 : i32
      %dma_start3A_1207 = tpu.memref_slice %arg5[%dma_start3A_1200, %dma_start3A_1206] : memref<4x128xi32, #tpu.memory_space<vmem>> -> memref<1x128xi32, #tpu.memory_space<vmem>>
      %dma_start3A_1208 = tpu.memref_squeeze %dma_start3A_1207 : memref<1x128xi32, #tpu.memory_space<vmem>> -> memref<128xi32, #tpu.memory_space<vmem>>
      %dma_start3A_1209 = arith.constant 0 : i32
      %dma_start3A_1210 = arith.constant 0 : i32
      %dma_start3A_1211 = tpu.memref_slice %arg10[%dma_start3A_1209, %dma_start3A_1210] : memref<10240x128xf32, #tpu.memory_space<vmem_shared>> -> memref<10240x128xf32, #tpu.memory_space<vmem_shared>>
      %dma_start3A_1212 = tpu.memref_slice %arg13[%dma_start3A_1201] : memref<2x!tpu.dma_semaphore, #tpu.memory_space<semaphore_mem>> -> memref<1x!tpu.dma_semaphore, #tpu.memory_space<semaphore_mem>>
      %dma_start3A_1213 = tpu.memref_squeeze %dma_start3A_1212 : memref<1x!tpu.dma_semaphore, #tpu.memory_space<semaphore_mem>> -> memref<!tpu.dma_semaphore, #tpu.memory_space<semaphore_mem>>
      tpu.enqueue_indirect_dma source(%dma_start3A_1205 : memref<128x128xf32, #tpu.memory_space<vmem>>) target(%dma_start3A_1211 : memref<10240x128xf32, #tpu.memory_space<vmem_shared>>) offsets(%dma_start3A_1208 : memref<128xi32, #tpu.memory_space<vmem>>) semaphore(%dma_start3A_1213 : memref<!tpu.dma_semaphore, #tpu.memory_space<semaphore_mem>>) {add = true}
      %dma_wait3A_1214 = arith.constant 0 : i32
      %dma_wait3A_1215 = arith.constant 2 : i32
      %dma_wait3A_1216 = arith.constant 0 : i32
      %dma_wait3A_1217 = arith.constant 0 : i32
      %dma_wait3A_1218 = arith.constant 0 : i32
      %dma_wait3A_1219 = tpu.memref_slice %arg9[%dma_wait3A_1214, %dma_wait3A_1217, %dma_wait3A_1218] : memref<2x128x128xf32, #tpu.memory_space<vmem>> -> memref<1x128x128xf32, #tpu.memory_space<vmem>>
      %dma_wait3A_1220 = tpu.memref_squeeze %dma_wait3A_1219 : memref<1x128x128xf32, #tpu.memory_space<vmem>> -> memref<128x128xf32, #tpu.memory_space<vmem>>
      %dma_wait3A_1221 = arith.constant 0 : i32
      %dma_wait3A_1222 = tpu.memref_slice %arg5[%dma_wait3A_1215, %dma_wait3A_1221] : memref<4x128xi32, #tpu.memory_space<vmem>> -> memref<1x128xi32, #tpu.memory_space<vmem>>
      %dma_wait3A_1223 = tpu.memref_squeeze %dma_wait3A_1222 : memref<1x128xi32, #tpu.memory_space<vmem>> -> memref<128xi32, #tpu.memory_space<vmem>>
      %dma_wait3A_1224 = arith.constant 0 : i32
      %dma_wait3A_1225 = arith.constant 0 : i32
      %dma_wait3A_1226 = tpu.memref_slice %arg10[%dma_wait3A_1224, %dma_wait3A_1225] : memref<10240x128xf32, #tpu.memory_space<vmem_shared>> -> memref<10240x128xf32, #tpu.memory_space<vmem_shared>>
      %dma_wait3A_1227 = tpu.memref_slice %arg13[%dma_wait3A_1216] : memref<2x!tpu.dma_semaphore, #tpu.memory_space<semaphore_mem>> -> memref<1x!tpu.dma_semaphore, #tpu.memory_space<semaphore_mem>>
      %dma_wait3A_1228 = tpu.memref_squeeze %dma_wait3A_1227 : memref<1x!tpu.dma_semaphore, #tpu.memory_space<semaphore_mem>> -> memref<!tpu.dma_semaphore, #tpu.memory_space<semaphore_mem>>
      tpu.wait_indirect_dma semaphore(%dma_wait3A_1228 : memref<!tpu.dma_semaphore, #tpu.memory_space<semaphore_mem>>) src(%dma_wait3A_1220 : memref<128x128xf32, #tpu.memory_space<vmem>>) dst(%dma_wait3A_1226 : memref<10240x128xf32, #tpu.memory_space<vmem_shared>>)
      %add3A_1229 = arith.constant 2 : i32
      %add3A_1230 = arith.addi %add3A_1183, %add3A_1229 : i32
      %mul3A_1231 = arith.constant 128 : i32
      %mul3A_1232 = arith.muli %add3A_1230, %mul3A_1231 : i32
      %add3A_1233 = arith.addi %mul3A_2, %mul3A_1232 : i32
      %dma_start3A_1234 = arith.constant 1 : i32
      %dma_start3A_1235 = arith.constant 1 : i32
      %dma_start3A_1236 = arith.constant 0 : i32
      %dma_start3A_1237 = tpu.memref_slice %arg5[%dma_start3A_1234, %dma_start3A_1236] : memref<4x128xi32, #tpu.memory_space<vmem>> -> memref<1x128xi32, #tpu.memory_space<vmem>>
      %dma_start3A_1238 = tpu.memref_squeeze %dma_start3A_1237 : memref<1x128xi32, #tpu.memory_space<vmem>> -> memref<128xi32, #tpu.memory_space<vmem>>
      %dma_start3A_1239 = tpu.memref_slice %arg3[%add3A_1233] : memref<640000xi32, #tpu.memory_space<hbm>> -> memref<128xi32, #tpu.memory_space<hbm>>
      %dma_start3A_1240 = tpu.memref_slice %arg11[%dma_start3A_1235] : memref<4x!tpu.dma_semaphore, #tpu.memory_space<semaphore_mem>> -> memref<1x!tpu.dma_semaphore, #tpu.memory_space<semaphore_mem>>
      %dma_start3A_1241 = tpu.memref_squeeze %dma_start3A_1240 : memref<1x!tpu.dma_semaphore, #tpu.memory_space<semaphore_mem>> -> memref<!tpu.dma_semaphore, #tpu.memory_space<semaphore_mem>>
      %dma_start3A_1242 = arith.constant 0 : i32
      %dma_start3A_1243 = tpu.memref_slice %arg5[%dma_start3A_1234, %dma_start3A_1242] : memref<4x128xi32, #tpu.memory_space<vmem>> -> memref<1x128xi32, #tpu.memory_space<vmem>>
      %dma_start3A_1244 = tpu.memref_squeeze %dma_start3A_1243 : memref<1x128xi32, #tpu.memory_space<vmem>> -> memref<128xi32, #tpu.memory_space<vmem>>
      %dma_start3A_1245 = tpu.memref_slice %arg3[%add3A_1233] : memref<640000xi32, #tpu.memory_space<hbm>> -> memref<128xi32, #tpu.memory_space<hbm>>
      tpu.enqueue_dma source(%dma_start3A_1245 : memref<128xi32, #tpu.memory_space<hbm>>) target(%dma_start3A_1244 : memref<128xi32, #tpu.memory_space<vmem>>) target_semaphore(%dma_start3A_1241 : memref<!tpu.dma_semaphore, #tpu.memory_space<semaphore_mem>>)
      %add3A_1246 = arith.constant 320000 : i32
      %add3A_1247 = arith.addi %add3A_1246, %mul3A_2 : i32
      %mul3A_1248 = arith.constant 128 : i32
      %mul3A_1249 = arith.muli %add3A_1230, %mul3A_1248 : i32
      %add3A_1250 = arith.addi %add3A_1247, %mul3A_1249 : i32
      %dma_start3A_1251 = arith.constant 1 : i32
      %dma_start3A_1252 = arith.constant 1 : i32
      %dma_start3A_1253 = arith.constant 0 : i32
      %dma_start3A_1254 = tpu.memref_slice %arg6[%dma_start3A_1251, %dma_start3A_1253] : memref<4x128xi32, #tpu.memory_space<vmem>> -> memref<1x128xi32, #tpu.memory_space<vmem>>
      %dma_start3A_1255 = tpu.memref_squeeze %dma_start3A_1254 : memref<1x128xi32, #tpu.memory_space<vmem>> -> memref<128xi32, #tpu.memory_space<vmem>>
      %dma_start3A_1256 = tpu.memref_slice %arg3[%add3A_1250] : memref<640000xi32, #tpu.memory_space<hbm>> -> memref<128xi32, #tpu.memory_space<hbm>>
      %dma_start3A_1257 = tpu.memref_slice %arg11[%dma_start3A_1252] : memref<4x!tpu.dma_semaphore, #tpu.memory_space<semaphore_mem>> -> memref<1x!tpu.dma_semaphore, #tpu.memory_space<semaphore_mem>>
      %dma_start3A_1258 = tpu.memref_squeeze %dma_start3A_1257 : memref<1x!tpu.dma_semaphore, #tpu.memory_space<semaphore_mem>> -> memref<!tpu.dma_semaphore, #tpu.memory_space<semaphore_mem>>
      %dma_start3A_1259 = arith.constant 0 : i32
      %dma_start3A_1260 = tpu.memref_slice %arg6[%dma_start3A_1251, %dma_start3A_1259] : memref<4x128xi32, #tpu.memory_space<vmem>> -> memref<1x128xi32, #tpu.memory_space<vmem>>
      %dma_start3A_1261 = tpu.memref_squeeze %dma_start3A_1260 : memref<1x128xi32, #tpu.memory_space<vmem>> -> memref<128xi32, #tpu.memory_space<vmem>>
      %dma_start3A_1262 = tpu.memref_slice %arg3[%add3A_1250] : memref<640000xi32, #tpu.memory_space<hbm>> -> memref<128xi32, #tpu.memory_space<hbm>>
      tpu.enqueue_dma source(%dma_start3A_1262 : memref<128xi32, #tpu.memory_space<hbm>>) target(%dma_start3A_1261 : memref<128xi32, #tpu.memory_space<vmem>>) target_semaphore(%dma_start3A_1258 : memref<!tpu.dma_semaphore, #tpu.memory_space<semaphore_mem>>)
      %add3A_1263 = arith.constant 1 : i32
      %add3A_1264 = arith.addi %add3A_1183, %add3A_1263 : i32
      %mul3A_1265 = arith.constant 128 : i32
      %mul3A_1266 = arith.muli %add3A_1264, %mul3A_1265 : i32
      %add3A_1267 = arith.addi %mul3A_2, %mul3A_1266 : i32
      %dma_wait3A_1268 = arith.constant 0 : i32
      %dma_wait3A_1269 = arith.constant 0 : i32
      %dma_wait3A_1270 = arith.constant 0 : i32
      %dma_wait3A_1271 = tpu.memref_slice %arg5[%dma_wait3A_1268, %dma_wait3A_1270] : memref<4x128xi32, #tpu.memory_space<vmem>> -> memref<1x128xi32, #tpu.memory_space<vmem>>
      %dma_wait3A_1272 = tpu.memref_squeeze %dma_wait3A_1271 : memref<1x128xi32, #tpu.memory_space<vmem>> -> memref<128xi32, #tpu.memory_space<vmem>>
      %dma_wait3A_1273 = tpu.memref_slice %arg3[%add3A_1267] : memref<640000xi32, #tpu.memory_space<hbm>> -> memref<128xi32, #tpu.memory_space<hbm>>
      %dma_wait3A_1274 = tpu.memref_slice %arg11[%dma_wait3A_1269] : memref<4x!tpu.dma_semaphore, #tpu.memory_space<semaphore_mem>> -> memref<1x!tpu.dma_semaphore, #tpu.memory_space<semaphore_mem>>
      %dma_wait3A_1275 = tpu.memref_squeeze %dma_wait3A_1274 : memref<1x!tpu.dma_semaphore, #tpu.memory_space<semaphore_mem>> -> memref<!tpu.dma_semaphore, #tpu.memory_space<semaphore_mem>>
      %dma_wait3A_1276 = arith.constant 0 : i32
      %dma_wait3A_1277 = tpu.memref_slice %arg5[%dma_wait3A_1268, %dma_wait3A_1276] : memref<4x128xi32, #tpu.memory_space<vmem>> -> memref<1x128xi32, #tpu.memory_space<vmem>>
      %dma_wait3A_1278 = tpu.memref_squeeze %dma_wait3A_1277 : memref<1x128xi32, #tpu.memory_space<vmem>> -> memref<128xi32, #tpu.memory_space<vmem>>
      %dma_wait3A_1279 = tpu.memref_slice %arg3[%add3A_1267] : memref<640000xi32, #tpu.memory_space<hbm>> -> memref<128xi32, #tpu.memory_space<hbm>>
      tpu.wait_dma2 semaphore(%dma_wait3A_1275 : memref<!tpu.dma_semaphore, #tpu.memory_space<semaphore_mem>>) src(%dma_wait3A_1279 : memref<128xi32, #tpu.memory_space<hbm>>) dst(%dma_wait3A_1278 : memref<128xi32, #tpu.memory_space<vmem>>)
      %add3A_1280 = arith.constant 320000 : i32
      %add3A_1281 = arith.addi %add3A_1280, %mul3A_2 : i32
      %mul3A_1282 = arith.constant 128 : i32
      %mul3A_1283 = arith.muli %add3A_1264, %mul3A_1282 : i32
      %add3A_1284 = arith.addi %add3A_1281, %mul3A_1283 : i32
      %dma_wait3A_1285 = arith.constant 0 : i32
      %dma_wait3A_1286 = arith.constant 0 : i32
      %dma_wait3A_1287 = arith.constant 0 : i32
      %dma_wait3A_1288 = tpu.memref_slice %arg6[%dma_wait3A_1285, %dma_wait3A_1287] : memref<4x128xi32, #tpu.memory_space<vmem>> -> memref<1x128xi32, #tpu.memory_space<vmem>>
      %dma_wait3A_1289 = tpu.memref_squeeze %dma_wait3A_1288 : memref<1x128xi32, #tpu.memory_space<vmem>> -> memref<128xi32, #tpu.memory_space<vmem>>
      %dma_wait3A_1290 = tpu.memref_slice %arg3[%add3A_1284] : memref<640000xi32, #tpu.memory_space<hbm>> -> memref<128xi32, #tpu.memory_space<hbm>>
      %dma_wait3A_1291 = tpu.memref_slice %arg11[%dma_wait3A_1286] : memref<4x!tpu.dma_semaphore, #tpu.memory_space<semaphore_mem>> -> memref<1x!tpu.dma_semaphore, #tpu.memory_space<semaphore_mem>>
      %dma_wait3A_1292 = tpu.memref_squeeze %dma_wait3A_1291 : memref<1x!tpu.dma_semaphore, #tpu.memory_space<semaphore_mem>> -> memref<!tpu.dma_semaphore, #tpu.memory_space<semaphore_mem>>
      %dma_wait3A_1293 = arith.constant 0 : i32
      %dma_wait3A_1294 = tpu.memref_slice %arg6[%dma_wait3A_1285, %dma_wait3A_1293] : memref<4x128xi32, #tpu.memory_space<vmem>> -> memref<1x128xi32, #tpu.memory_space<vmem>>
      %dma_wait3A_1295 = tpu.memref_squeeze %dma_wait3A_1294 : memref<1x128xi32, #tpu.memory_space<vmem>> -> memref<128xi32, #tpu.memory_space<vmem>>
      %dma_wait3A_1296 = tpu.memref_slice %arg3[%add3A_1284] : memref<640000xi32, #tpu.memory_space<hbm>> -> memref<128xi32, #tpu.memory_space<hbm>>
      tpu.wait_dma2 semaphore(%dma_wait3A_1292 : memref<!tpu.dma_semaphore, #tpu.memory_space<semaphore_mem>>) src(%dma_wait3A_1296 : memref<128xi32, #tpu.memory_space<hbm>>) dst(%dma_wait3A_1295 : memref<128xi32, #tpu.memory_space<vmem>>)
      %dma_start3A_1297 = arith.constant 0 : i32
      %dma_start3A_1298 = arith.constant 0 : i32
      %dma_start3A_1299 = arith.constant 0 : i32
      %dma_start3A_1300 = arith.constant 0 : i32
      %dma_start3A_1301 = arith.constant 0 : i32
      %dma_start3A_1302 = tpu.memref_slice %arg9[%dma_start3A_1298, %dma_start3A_1300, %dma_start3A_1301] : memref<2x128x128xf32, #tpu.memory_space<vmem>> -> memref<1x128x128xf32, #tpu.memory_space<vmem>>
      %dma_start3A_1303 = tpu.memref_squeeze %dma_start3A_1302 : memref<1x128x128xf32, #tpu.memory_space<vmem>> -> memref<128x128xf32, #tpu.memory_space<vmem>>
      %dma_start3A_1304 = arith.constant 0 : i32
      %dma_start3A_1305 = tpu.memref_slice %arg6[%dma_start3A_1297, %dma_start3A_1304] : memref<4x128xi32, #tpu.memory_space<vmem>> -> memref<1x128xi32, #tpu.memory_space<vmem>>
      %dma_start3A_1306 = tpu.memref_squeeze %dma_start3A_1305 : memref<1x128xi32, #tpu.memory_space<vmem>> -> memref<128xi32, #tpu.memory_space<vmem>>
      %dma_start3A_1307 = arith.constant 0 : i32
      %dma_start3A_1308 = arith.constant 0 : i32
      %dma_start3A_1309 = tpu.memref_slice %arg2[%dma_start3A_1307, %dma_start3A_1308] : memref<10000x128xf32, #tpu.memory_space<hbm>> -> memref<10000x128xf32, #tpu.memory_space<hbm>>
      %dma_start3A_1310 = tpu.memref_slice %arg12[%dma_start3A_1299] : memref<2x!tpu.dma_semaphore, #tpu.memory_space<semaphore_mem>> -> memref<1x!tpu.dma_semaphore, #tpu.memory_space<semaphore_mem>>
      %dma_start3A_1311 = tpu.memref_squeeze %dma_start3A_1310 : memref<1x!tpu.dma_semaphore, #tpu.memory_space<semaphore_mem>> -> memref<!tpu.dma_semaphore, #tpu.memory_space<semaphore_mem>>
      tpu.enqueue_indirect_dma source(%dma_start3A_1309 : memref<10000x128xf32, #tpu.memory_space<hbm>>) target(%dma_start3A_1303 : memref<128x128xf32, #tpu.memory_space<vmem>>) offsets(%dma_start3A_1306 : memref<128xi32, #tpu.memory_space<vmem>>) semaphore(%dma_start3A_1311 : memref<!tpu.dma_semaphore, #tpu.memory_space<semaphore_mem>>)
    }
    %scan3A_606 = arith.constant 18 : i32
    %dma_wait3A_607 = arith.constant 0 : i32
    %dma_wait3A_608 = arith.constant 0 : i32
    %dma_wait3A_609 = arith.constant 0 : i32
    %dma_wait3A_610 = arith.constant 0 : i32
    %dma_wait3A_611 = arith.constant 0 : i32
    %dma_wait3A_612 = tpu.memref_slice %arg9[%dma_wait3A_608, %dma_wait3A_610, %dma_wait3A_611] : memref<2x128x128xf32, #tpu.memory_space<vmem>> -> memref<1x128x128xf32, #tpu.memory_space<vmem>>
    %dma_wait3A_613 = tpu.memref_squeeze %dma_wait3A_612 : memref<1x128x128xf32, #tpu.memory_space<vmem>> -> memref<128x128xf32, #tpu.memory_space<vmem>>
    %dma_wait3A_614 = arith.constant 0 : i32
    %dma_wait3A_615 = tpu.memref_slice %arg6[%dma_wait3A_607, %dma_wait3A_614] : memref<4x128xi32, #tpu.memory_space<vmem>> -> memref<1x128xi32, #tpu.memory_space<vmem>>
    %dma_wait3A_616 = tpu.memref_squeeze %dma_wait3A_615 : memref<1x128xi32, #tpu.memory_space<vmem>> -> memref<128xi32, #tpu.memory_space<vmem>>
    %dma_wait3A_617 = arith.constant 0 : i32
    %dma_wait3A_618 = arith.constant 0 : i32
    %dma_wait3A_619 = tpu.memref_slice %arg2[%dma_wait3A_617, %dma_wait3A_618] : memref<10000x128xf32, #tpu.memory_space<hbm>> -> memref<10000x128xf32, #tpu.memory_space<hbm>>
    %dma_wait3A_620 = tpu.memref_slice %arg12[%dma_wait3A_609] : memref<2x!tpu.dma_semaphore, #tpu.memory_space<semaphore_mem>> -> memref<1x!tpu.dma_semaphore, #tpu.memory_space<semaphore_mem>>
    %dma_wait3A_621 = tpu.memref_squeeze %dma_wait3A_620 : memref<1x!tpu.dma_semaphore, #tpu.memory_space<semaphore_mem>> -> memref<!tpu.dma_semaphore, #tpu.memory_space<semaphore_mem>>
    tpu.wait_indirect_dma semaphore(%dma_wait3A_621 : memref<!tpu.dma_semaphore, #tpu.memory_space<semaphore_mem>>) src(%dma_wait3A_619 : memref<10000x128xf32, #tpu.memory_space<hbm>>) dst(%dma_wait3A_613 : memref<128x128xf32, #tpu.memory_space<vmem>>)
    %dma_start3A_622 = arith.constant 0 : i32
    %dma_start3A_623 = arith.constant 0 : i32
    %dma_start3A_624 = arith.constant 0 : i32
    %dma_start3A_625 = arith.constant 0 : i32
    %dma_start3A_626 = arith.constant 0 : i32
    %dma_start3A_627 = tpu.memref_slice %arg9[%dma_start3A_622, %dma_start3A_625, %dma_start3A_626] : memref<2x128x128xf32, #tpu.memory_space<vmem>> -> memref<1x128x128xf32, #tpu.memory_space<vmem>>
    %dma_start3A_628 = tpu.memref_squeeze %dma_start3A_627 : memref<1x128x128xf32, #tpu.memory_space<vmem>> -> memref<128x128xf32, #tpu.memory_space<vmem>>
    %dma_start3A_629 = arith.constant 0 : i32
    %dma_start3A_630 = tpu.memref_slice %arg5[%dma_start3A_623, %dma_start3A_629] : memref<4x128xi32, #tpu.memory_space<vmem>> -> memref<1x128xi32, #tpu.memory_space<vmem>>
    %dma_start3A_631 = tpu.memref_squeeze %dma_start3A_630 : memref<1x128xi32, #tpu.memory_space<vmem>> -> memref<128xi32, #tpu.memory_space<vmem>>
    %dma_start3A_632 = arith.constant 0 : i32
    %dma_start3A_633 = arith.constant 0 : i32
    %dma_start3A_634 = tpu.memref_slice %arg10[%dma_start3A_632, %dma_start3A_633] : memref<10240x128xf32, #tpu.memory_space<vmem_shared>> -> memref<10240x128xf32, #tpu.memory_space<vmem_shared>>
    %dma_start3A_635 = tpu.memref_slice %arg13[%dma_start3A_624] : memref<2x!tpu.dma_semaphore, #tpu.memory_space<semaphore_mem>> -> memref<1x!tpu.dma_semaphore, #tpu.memory_space<semaphore_mem>>
    %dma_start3A_636 = tpu.memref_squeeze %dma_start3A_635 : memref<1x!tpu.dma_semaphore, #tpu.memory_space<semaphore_mem>> -> memref<!tpu.dma_semaphore, #tpu.memory_space<semaphore_mem>>
    tpu.enqueue_indirect_dma source(%dma_start3A_628 : memref<128x128xf32, #tpu.memory_space<vmem>>) target(%dma_start3A_634 : memref<10240x128xf32, #tpu.memory_space<vmem_shared>>) offsets(%dma_start3A_631 : memref<128xi32, #tpu.memory_space<vmem>>) semaphore(%dma_start3A_636 : memref<!tpu.dma_semaphore, #tpu.memory_space<semaphore_mem>>) {add = true}
    %dma_wait3A_637 = arith.constant 1 : i32
    %dma_wait3A_638 = arith.constant 3 : i32
    %dma_wait3A_639 = arith.constant 1 : i32
    %dma_wait3A_640 = arith.constant 0 : i32
    %dma_wait3A_641 = arith.constant 0 : i32
    %dma_wait3A_642 = tpu.memref_slice %arg9[%dma_wait3A_637, %dma_wait3A_640, %dma_wait3A_641] : memref<2x128x128xf32, #tpu.memory_space<vmem>> -> memref<1x128x128xf32, #tpu.memory_space<vmem>>
    %dma_wait3A_643 = tpu.memref_squeeze %dma_wait3A_642 : memref<1x128x128xf32, #tpu.memory_space<vmem>> -> memref<128x128xf32, #tpu.memory_space<vmem>>
    %dma_wait3A_644 = arith.constant 0 : i32
    %dma_wait3A_645 = tpu.memref_slice %arg5[%dma_wait3A_638, %dma_wait3A_644] : memref<4x128xi32, #tpu.memory_space<vmem>> -> memref<1x128xi32, #tpu.memory_space<vmem>>
    %dma_wait3A_646 = tpu.memref_squeeze %dma_wait3A_645 : memref<1x128xi32, #tpu.memory_space<vmem>> -> memref<128xi32, #tpu.memory_space<vmem>>
    %dma_wait3A_647 = arith.constant 0 : i32
    %dma_wait3A_648 = arith.constant 0 : i32
    %dma_wait3A_649 = tpu.memref_slice %arg10[%dma_wait3A_647, %dma_wait3A_648] : memref<10240x128xf32, #tpu.memory_space<vmem_shared>> -> memref<10240x128xf32, #tpu.memory_space<vmem_shared>>
    %dma_wait3A_650 = tpu.memref_slice %arg13[%dma_wait3A_639] : memref<2x!tpu.dma_semaphore, #tpu.memory_space<semaphore_mem>> -> memref<1x!tpu.dma_semaphore, #tpu.memory_space<semaphore_mem>>
    %dma_wait3A_651 = tpu.memref_squeeze %dma_wait3A_650 : memref<1x!tpu.dma_semaphore, #tpu.memory_space<semaphore_mem>> -> memref<!tpu.dma_semaphore, #tpu.memory_space<semaphore_mem>>
    tpu.wait_indirect_dma semaphore(%dma_wait3A_651 : memref<!tpu.dma_semaphore, #tpu.memory_space<semaphore_mem>>) src(%dma_wait3A_643 : memref<128x128xf32, #tpu.memory_space<vmem>>) dst(%dma_wait3A_649 : memref<10240x128xf32, #tpu.memory_space<vmem_shared>>)
    %add3A_652 = arith.constant 9856 : i32
    %add3A_653 = arith.addi %mul3A_2, %add3A_652 : i32
    %dma_wait3A_654 = arith.constant 1 : i32
    %dma_wait3A_655 = arith.constant 1 : i32
    %dma_wait3A_656 = arith.constant 0 : i32
    %dma_wait3A_657 = tpu.memref_slice %arg5[%dma_wait3A_654, %dma_wait3A_656] : memref<4x128xi32, #tpu.memory_space<vmem>> -> memref<1x128xi32, #tpu.memory_space<vmem>>
    %dma_wait3A_658 = tpu.memref_squeeze %dma_wait3A_657 : memref<1x128xi32, #tpu.memory_space<vmem>> -> memref<128xi32, #tpu.memory_space<vmem>>
    %dma_wait3A_659 = tpu.memref_slice %arg3[%add3A_653] : memref<640000xi32, #tpu.memory_space<hbm>> -> memref<128xi32, #tpu.memory_space<hbm>>
    %dma_wait3A_660 = tpu.memref_slice %arg11[%dma_wait3A_655] : memref<4x!tpu.dma_semaphore, #tpu.memory_space<semaphore_mem>> -> memref<1x!tpu.dma_semaphore, #tpu.memory_space<semaphore_mem>>
    %dma_wait3A_661 = tpu.memref_squeeze %dma_wait3A_660 : memref<1x!tpu.dma_semaphore, #tpu.memory_space<semaphore_mem>> -> memref<!tpu.dma_semaphore, #tpu.memory_space<semaphore_mem>>
    %dma_wait3A_662 = arith.constant 0 : i32
    %dma_wait3A_663 = tpu.memref_slice %arg5[%dma_wait3A_654, %dma_wait3A_662] : memref<4x128xi32, #tpu.memory_space<vmem>> -> memref<1x128xi32, #tpu.memory_space<vmem>>
    %dma_wait3A_664 = tpu.memref_squeeze %dma_wait3A_663 : memref<1x128xi32, #tpu.memory_space<vmem>> -> memref<128xi32, #tpu.memory_space<vmem>>
    %dma_wait3A_665 = tpu.memref_slice %arg3[%add3A_653] : memref<640000xi32, #tpu.memory_space<hbm>> -> memref<128xi32, #tpu.memory_space<hbm>>
    tpu.wait_dma2 semaphore(%dma_wait3A_661 : memref<!tpu.dma_semaphore, #tpu.memory_space<semaphore_mem>>) src(%dma_wait3A_665 : memref<128xi32, #tpu.memory_space<hbm>>) dst(%dma_wait3A_664 : memref<128xi32, #tpu.memory_space<vmem>>)
    %add3A_666 = arith.constant 320000 : i32
    %add3A_667 = arith.addi %add3A_666, %mul3A_2 : i32
    %add3A_668 = arith.constant 9856 : i32
    %add3A_669 = arith.addi %add3A_667, %add3A_668 : i32
    %dma_wait3A_670 = arith.constant 1 : i32
    %dma_wait3A_671 = arith.constant 1 : i32
    %dma_wait3A_672 = arith.constant 0 : i32
    %dma_wait3A_673 = tpu.memref_slice %arg6[%dma_wait3A_670, %dma_wait3A_672] : memref<4x128xi32, #tpu.memory_space<vmem>> -> memref<1x128xi32, #tpu.memory_space<vmem>>
    %dma_wait3A_674 = tpu.memref_squeeze %dma_wait3A_673 : memref<1x128xi32, #tpu.memory_space<vmem>> -> memref<128xi32, #tpu.memory_space<vmem>>
    %dma_wait3A_675 = tpu.memref_slice %arg3[%add3A_669] : memref<640000xi32, #tpu.memory_space<hbm>> -> memref<128xi32, #tpu.memory_space<hbm>>
    %dma_wait3A_676 = tpu.memref_slice %arg11[%dma_wait3A_671] : memref<4x!tpu.dma_semaphore, #tpu.memory_space<semaphore_mem>> -> memref<1x!tpu.dma_semaphore, #tpu.memory_space<semaphore_mem>>
    %dma_wait3A_677 = tpu.memref_squeeze %dma_wait3A_676 : memref<1x!tpu.dma_semaphore, #tpu.memory_space<semaphore_mem>> -> memref<!tpu.dma_semaphore, #tpu.memory_space<semaphore_mem>>
    %dma_wait3A_678 = arith.constant 0 : i32
    %dma_wait3A_679 = tpu.memref_slice %arg6[%dma_wait3A_670, %dma_wait3A_678] : memref<4x128xi32, #tpu.memory_space<vmem>> -> memref<1x128xi32, #tpu.memory_space<vmem>>
    %dma_wait3A_680 = tpu.memref_squeeze %dma_wait3A_679 : memref<1x128xi32, #tpu.memory_space<vmem>> -> memref<128xi32, #tpu.memory_space<vmem>>
    %dma_wait3A_681 = tpu.memref_slice %arg3[%add3A_669] : memref<640000xi32, #tpu.memory_space<hbm>> -> memref<128xi32, #tpu.memory_space<hbm>>
    tpu.wait_dma2 semaphore(%dma_wait3A_677 : memref<!tpu.dma_semaphore, #tpu.memory_space<semaphore_mem>>) src(%dma_wait3A_681 : memref<128xi32, #tpu.memory_space<hbm>>) dst(%dma_wait3A_680 : memref<128xi32, #tpu.memory_space<vmem>>)
    %dma_start3A_682 = arith.constant 1 : i32
    %dma_start3A_683 = arith.constant 1 : i32
    %dma_start3A_684 = arith.constant 1 : i32
    %dma_start3A_685 = arith.constant 0 : i32
    %dma_start3A_686 = arith.constant 0 : i32
    %dma_start3A_687 = tpu.memref_slice %arg9[%dma_start3A_683, %dma_start3A_685, %dma_start3A_686] : memref<2x128x128xf32, #tpu.memory_space<vmem>> -> memref<1x128x128xf32, #tpu.memory_space<vmem>>
    %dma_start3A_688 = tpu.memref_squeeze %dma_start3A_687 : memref<1x128x128xf32, #tpu.memory_space<vmem>> -> memref<128x128xf32, #tpu.memory_space<vmem>>
    %dma_start3A_689 = arith.constant 0 : i32
    %dma_start3A_690 = tpu.memref_slice %arg6[%dma_start3A_682, %dma_start3A_689] : memref<4x128xi32, #tpu.memory_space<vmem>> -> memref<1x128xi32, #tpu.memory_space<vmem>>
    %dma_start3A_691 = tpu.memref_squeeze %dma_start3A_690 : memref<1x128xi32, #tpu.memory_space<vmem>> -> memref<128xi32, #tpu.memory_space<vmem>>
    %dma_start3A_692 = arith.constant 0 : i32
    %dma_start3A_693 = arith.constant 0 : i32
    %dma_start3A_694 = tpu.memref_slice %arg2[%dma_start3A_692, %dma_start3A_693] : memref<10000x128xf32, #tpu.memory_space<hbm>> -> memref<10000x128xf32, #tpu.memory_space<hbm>>
    %dma_start3A_695 = tpu.memref_slice %arg12[%dma_start3A_684] : memref<2x!tpu.dma_semaphore, #tpu.memory_space<semaphore_mem>> -> memref<1x!tpu.dma_semaphore, #tpu.memory_space<semaphore_mem>>
    %dma_start3A_696 = tpu.memref_squeeze %dma_start3A_695 : memref<1x!tpu.dma_semaphore, #tpu.memory_space<semaphore_mem>> -> memref<!tpu.dma_semaphore, #tpu.memory_space<semaphore_mem>>
    tpu.enqueue_indirect_dma source(%dma_start3A_694 : memref<10000x128xf32, #tpu.memory_space<hbm>>) target(%dma_start3A_688 : memref<128x128xf32, #tpu.memory_space<vmem>>) offsets(%dma_start3A_691 : memref<128xi32, #tpu.memory_space<vmem>>) semaphore(%dma_start3A_696 : memref<!tpu.dma_semaphore, #tpu.memory_space<semaphore_mem>>)
    %dma_wait3A_697 = arith.constant 1 : i32
    %dma_wait3A_698 = arith.constant 1 : i32
    %dma_wait3A_699 = arith.constant 1 : i32
    %dma_wait3A_700 = arith.constant 0 : i32
    %dma_wait3A_701 = arith.constant 0 : i32
    %dma_wait3A_702 = tpu.memref_slice %arg9[%dma_wait3A_698, %dma_wait3A_700, %dma_wait3A_701] : memref<2x128x128xf32, #tpu.memory_space<vmem>> -> memref<1x128x128xf32, #tpu.memory_space<vmem>>
    %dma_wait3A_703 = tpu.memref_squeeze %dma_wait3A_702 : memref<1x128x128xf32, #tpu.memory_space<vmem>> -> memref<128x128xf32, #tpu.memory_space<vmem>>
    %dma_wait3A_704 = arith.constant 0 : i32
    %dma_wait3A_705 = tpu.memref_slice %arg6[%dma_wait3A_697, %dma_wait3A_704] : memref<4x128xi32, #tpu.memory_space<vmem>> -> memref<1x128xi32, #tpu.memory_space<vmem>>
    %dma_wait3A_706 = tpu.memref_squeeze %dma_wait3A_705 : memref<1x128xi32, #tpu.memory_space<vmem>> -> memref<128xi32, #tpu.memory_space<vmem>>
    %dma_wait3A_707 = arith.constant 0 : i32
    %dma_wait3A_708 = arith.constant 0 : i32
    %dma_wait3A_709 = tpu.memref_slice %arg2[%dma_wait3A_707, %dma_wait3A_708] : memref<10000x128xf32, #tpu.memory_space<hbm>> -> memref<10000x128xf32, #tpu.memory_space<hbm>>
    %dma_wait3A_710 = tpu.memref_slice %arg12[%dma_wait3A_699] : memref<2x!tpu.dma_semaphore, #tpu.memory_space<semaphore_mem>> -> memref<1x!tpu.dma_semaphore, #tpu.memory_space<semaphore_mem>>
    %dma_wait3A_711 = tpu.memref_squeeze %dma_wait3A_710 : memref<1x!tpu.dma_semaphore, #tpu.memory_space<semaphore_mem>> -> memref<!tpu.dma_semaphore, #tpu.memory_space<semaphore_mem>>
    tpu.wait_indirect_dma semaphore(%dma_wait3A_711 : memref<!tpu.dma_semaphore, #tpu.memory_space<semaphore_mem>>) src(%dma_wait3A_709 : memref<10000x128xf32, #tpu.memory_space<hbm>>) dst(%dma_wait3A_703 : memref<128x128xf32, #tpu.memory_space<vmem>>)
    %dma_start3A_712 = arith.constant 1 : i32
    %dma_start3A_713 = arith.constant 1 : i32
    %dma_start3A_714 = arith.constant 1 : i32
    %dma_start3A_715 = arith.constant 0 : i32
    %dma_start3A_716 = arith.constant 0 : i32
    %dma_start3A_717 = tpu.memref_slice %arg9[%dma_start3A_712, %dma_start3A_715, %dma_start3A_716] : memref<2x128x128xf32, #tpu.memory_space<vmem>> -> memref<1x128x128xf32, #tpu.memory_space<vmem>>
    %dma_start3A_718 = tpu.memref_squeeze %dma_start3A_717 : memref<1x128x128xf32, #tpu.memory_space<vmem>> -> memref<128x128xf32, #tpu.memory_space<vmem>>
    %dma_start3A_719 = arith.constant 0 : i32
    %dma_start3A_720 = tpu.memref_slice %arg5[%dma_start3A_713, %dma_start3A_719] : memref<4x128xi32, #tpu.memory_space<vmem>> -> memref<1x128xi32, #tpu.memory_space<vmem>>
    %dma_start3A_721 = tpu.memref_squeeze %dma_start3A_720 : memref<1x128xi32, #tpu.memory_space<vmem>> -> memref<128xi32, #tpu.memory_space<vmem>>
    %dma_start3A_722 = arith.constant 0 : i32
    %dma_start3A_723 = arith.constant 0 : i32
    %dma_start3A_724 = tpu.memref_slice %arg10[%dma_start3A_722, %dma_start3A_723] : memref<10240x128xf32, #tpu.memory_space<vmem_shared>> -> memref<10240x128xf32, #tpu.memory_space<vmem_shared>>
    %dma_start3A_725 = tpu.memref_slice %arg13[%dma_start3A_714] : memref<2x!tpu.dma_semaphore, #tpu.memory_space<semaphore_mem>> -> memref<1x!tpu.dma_semaphore, #tpu.memory_space<semaphore_mem>>
    %dma_start3A_726 = tpu.memref_squeeze %dma_start3A_725 : memref<1x!tpu.dma_semaphore, #tpu.memory_space<semaphore_mem>> -> memref<!tpu.dma_semaphore, #tpu.memory_space<semaphore_mem>>
    tpu.enqueue_indirect_dma source(%dma_start3A_718 : memref<128x128xf32, #tpu.memory_space<vmem>>) target(%dma_start3A_724 : memref<10240x128xf32, #tpu.memory_space<vmem_shared>>) offsets(%dma_start3A_721 : memref<128xi32, #tpu.memory_space<vmem>>) semaphore(%dma_start3A_726 : memref<!tpu.dma_semaphore, #tpu.memory_space<semaphore_mem>>) {add = true}
    %dma_wait3A_727 = arith.constant 0 : i32
    %dma_wait3A_728 = arith.constant 0 : i32
    %dma_wait3A_729 = arith.constant 0 : i32
    %dma_wait3A_730 = arith.constant 0 : i32
    %dma_wait3A_731 = arith.constant 0 : i32
    %dma_wait3A_732 = tpu.memref_slice %arg9[%dma_wait3A_727, %dma_wait3A_730, %dma_wait3A_731] : memref<2x128x128xf32, #tpu.memory_space<vmem>> -> memref<1x128x128xf32, #tpu.memory_space<vmem>>
    %dma_wait3A_733 = tpu.memref_squeeze %dma_wait3A_732 : memref<1x128x128xf32, #tpu.memory_space<vmem>> -> memref<128x128xf32, #tpu.memory_space<vmem>>
    %dma_wait3A_734 = arith.constant 0 : i32
    %dma_wait3A_735 = tpu.memref_slice %arg5[%dma_wait3A_728, %dma_wait3A_734] : memref<4x128xi32, #tpu.memory_space<vmem>> -> memref<1x128xi32, #tpu.memory_space<vmem>>
    %dma_wait3A_736 = tpu.memref_squeeze %dma_wait3A_735 : memref<1x128xi32, #tpu.memory_space<vmem>> -> memref<128xi32, #tpu.memory_space<vmem>>
    %dma_wait3A_737 = arith.constant 0 : i32
    %dma_wait3A_738 = arith.constant 0 : i32
    %dma_wait3A_739 = tpu.memref_slice %arg10[%dma_wait3A_737, %dma_wait3A_738] : memref<10240x128xf32, #tpu.memory_space<vmem_shared>> -> memref<10240x128xf32, #tpu.memory_space<vmem_shared>>
    %dma_wait3A_740 = tpu.memref_slice %arg13[%dma_wait3A_729] : memref<2x!tpu.dma_semaphore, #tpu.memory_space<semaphore_mem>> -> memref<1x!tpu.dma_semaphore, #tpu.memory_space<semaphore_mem>>
    %dma_wait3A_741 = tpu.memref_squeeze %dma_wait3A_740 : memref<1x!tpu.dma_semaphore, #tpu.memory_space<semaphore_mem>> -> memref<!tpu.dma_semaphore, #tpu.memory_space<semaphore_mem>>
    tpu.wait_indirect_dma semaphore(%dma_wait3A_741 : memref<!tpu.dma_semaphore, #tpu.memory_space<semaphore_mem>>) src(%dma_wait3A_733 : memref<128x128xf32, #tpu.memory_space<vmem>>) dst(%dma_wait3A_739 : memref<10240x128xf32, #tpu.memory_space<vmem_shared>>)
    %dma_wait3A_742 = arith.constant 1 : i32
    %dma_wait3A_743 = arith.constant 1 : i32
    %dma_wait3A_744 = arith.constant 1 : i32
    %dma_wait3A_745 = arith.constant 0 : i32
    %dma_wait3A_746 = arith.constant 0 : i32
    %dma_wait3A_747 = tpu.memref_slice %arg9[%dma_wait3A_742, %dma_wait3A_745, %dma_wait3A_746] : memref<2x128x128xf32, #tpu.memory_space<vmem>> -> memref<1x128x128xf32, #tpu.memory_space<vmem>>
    %dma_wait3A_748 = tpu.memref_squeeze %dma_wait3A_747 : memref<1x128x128xf32, #tpu.memory_space<vmem>> -> memref<128x128xf32, #tpu.memory_space<vmem>>
    %dma_wait3A_749 = arith.constant 0 : i32
    %dma_wait3A_750 = tpu.memref_slice %arg5[%dma_wait3A_743, %dma_wait3A_749] : memref<4x128xi32, #tpu.memory_space<vmem>> -> memref<1x128xi32, #tpu.memory_space<vmem>>
    %dma_wait3A_751 = tpu.memref_squeeze %dma_wait3A_750 : memref<1x128xi32, #tpu.memory_space<vmem>> -> memref<128xi32, #tpu.memory_space<vmem>>
    %dma_wait3A_752 = arith.constant 0 : i32
    %dma_wait3A_753 = arith.constant 0 : i32
    %dma_wait3A_754 = tpu.memref_slice %arg10[%dma_wait3A_752, %dma_wait3A_753] : memref<10240x128xf32, #tpu.memory_space<vmem_shared>> -> memref<10240x128xf32, #tpu.memory_space<vmem_shared>>
    %dma_wait3A_755 = tpu.memref_slice %arg13[%dma_wait3A_744] : memref<2x!tpu.dma_semaphore, #tpu.memory_space<semaphore_mem>> -> memref<1x!tpu.dma_semaphore, #tpu.memory_space<semaphore_mem>>
    %dma_wait3A_756 = tpu.memref_squeeze %dma_wait3A_755 : memref<1x!tpu.dma_semaphore, #tpu.memory_space<semaphore_mem>> -> memref<!tpu.dma_semaphore, #tpu.memory_space<semaphore_mem>>
    tpu.wait_indirect_dma semaphore(%dma_wait3A_756 : memref<!tpu.dma_semaphore, #tpu.memory_space<semaphore_mem>>) src(%dma_wait3A_748 : memref<128x128xf32, #tpu.memory_space<vmem>>) dst(%dma_wait3A_754 : memref<10240x128xf32, #tpu.memory_space<vmem_shared>>)
    %add3A_757 = arith.constant 9984 : i32
    %add3A_758 = arith.addi %mul3A_2, %add3A_757 : i32
    "tpu.region"() ({
      %run_scoped3A_789 = tpu.sem_alloc : memref<!tpu.dma_semaphore, #tpu.memory_space<semaphore_mem>>
      %dma_start3A_790 = tpu.memref_slice %arg3[%add3A_758] : memref<640000xi32, #tpu.memory_space<hbm>> -> memref<16xi32, #tpu.memory_space<hbm>>
      %dma_start3A_791 = tpu.memref_slice %arg3[%add3A_758] : memref<640000xi32, #tpu.memory_space<hbm>> -> memref<16xi32, #tpu.memory_space<hbm>>
      tpu.enqueue_dma source(%dma_start3A_791 : memref<16xi32, #tpu.memory_space<hbm>>) target(%arg7 : memref<16xi32, #tpu.memory_space<vmem>>) target_semaphore(%run_scoped3A_789 : memref<!tpu.dma_semaphore, #tpu.memory_space<semaphore_mem>>)
      %dma_wait3A_792 = tpu.memref_slice %arg3[%add3A_758] : memref<640000xi32, #tpu.memory_space<hbm>> -> memref<16xi32, #tpu.memory_space<hbm>>
      %dma_wait3A_793 = tpu.memref_slice %arg3[%add3A_758] : memref<640000xi32, #tpu.memory_space<hbm>> -> memref<16xi32, #tpu.memory_space<hbm>>
      tpu.wait_dma2 semaphore(%run_scoped3A_789 : memref<!tpu.dma_semaphore, #tpu.memory_space<semaphore_mem>>) src(%dma_wait3A_793 : memref<16xi32, #tpu.memory_space<hbm>>) dst(%arg7 : memref<16xi32, #tpu.memory_space<vmem>>)
      tpu.yield
    }) : () -> ()
    %add3A_759 = arith.constant 320000 : i32
    %add3A_760 = arith.addi %add3A_759, %add3A_758 : i32
    "tpu.region"() ({
      %run_scoped3A_789 = tpu.sem_alloc : memref<!tpu.dma_semaphore, #tpu.memory_space<semaphore_mem>>
      %dma_start3A_790 = tpu.memref_slice %arg3[%add3A_760] : memref<640000xi32, #tpu.memory_space<hbm>> -> memref<16xi32, #tpu.memory_space<hbm>>
      %dma_start3A_791 = tpu.memref_slice %arg3[%add3A_760] : memref<640000xi32, #tpu.memory_space<hbm>> -> memref<16xi32, #tpu.memory_space<hbm>>
      tpu.enqueue_dma source(%dma_start3A_791 : memref<16xi32, #tpu.memory_space<hbm>>) target(%arg8 : memref<16xi32, #tpu.memory_space<vmem>>) target_semaphore(%run_scoped3A_789 : memref<!tpu.dma_semaphore, #tpu.memory_space<semaphore_mem>>)
      %dma_wait3A_792 = tpu.memref_slice %arg3[%add3A_760] : memref<640000xi32, #tpu.memory_space<hbm>> -> memref<16xi32, #tpu.memory_space<hbm>>
      %dma_wait3A_793 = tpu.memref_slice %arg3[%add3A_760] : memref<640000xi32, #tpu.memory_space<hbm>> -> memref<16xi32, #tpu.memory_space<hbm>>
      tpu.wait_dma2 semaphore(%run_scoped3A_789 : memref<!tpu.dma_semaphore, #tpu.memory_space<semaphore_mem>>) src(%dma_wait3A_793 : memref<16xi32, #tpu.memory_space<hbm>>) dst(%arg8 : memref<16xi32, #tpu.memory_space<vmem>>)
      tpu.yield
    }) : () -> ()
    %dma_start3A_761 = arith.constant 0 : i32
    %dma_start3A_762 = arith.constant 0 : i32
    %dma_start3A_763 = arith.constant 0 : i32
    %dma_start3A_764 = arith.constant 0 : i32
    %dma_start3A_765 = tpu.memref_slice %arg9[%dma_start3A_761, %dma_start3A_763, %dma_start3A_764] : memref<2x128x128xf32, #tpu.memory_space<vmem>> -> memref<1x16x128xf32, #tpu.memory_space<vmem>>
    %dma_start3A_766 = tpu.memref_squeeze %dma_start3A_765 : memref<1x16x128xf32, #tpu.memory_space<vmem>> -> memref<16x128xf32, #tpu.memory_space<vmem>>
    %dma_start3A_767 = arith.constant 0 : i32
    %dma_start3A_768 = arith.constant 0 : i32
    %dma_start3A_769 = tpu.memref_slice %arg2[%dma_start3A_767, %dma_start3A_768] : memref<10000x128xf32, #tpu.memory_space<hbm>> -> memref<10000x128xf32, #tpu.memory_space<hbm>>
    %dma_start3A_770 = tpu.memref_slice %arg12[%dma_start3A_762] : memref<2x!tpu.dma_semaphore, #tpu.memory_space<semaphore_mem>> -> memref<1x!tpu.dma_semaphore, #tpu.memory_space<semaphore_mem>>
    %dma_start3A_771 = tpu.memref_squeeze %dma_start3A_770 : memref<1x!tpu.dma_semaphore, #tpu.memory_space<semaphore_mem>> -> memref<!tpu.dma_semaphore, #tpu.memory_space<semaphore_mem>>
    tpu.enqueue_indirect_dma source(%dma_start3A_769 : memref<10000x128xf32, #tpu.memory_space<hbm>>) target(%dma_start3A_766 : memref<16x128xf32, #tpu.memory_space<vmem>>) offsets(%arg8 : memref<16xi32, #tpu.memory_space<vmem>>) semaphore(%dma_start3A_771 : memref<!tpu.dma_semaphore, #tpu.memory_space<semaphore_mem>>)
    %dma_wait3A_772 = arith.constant 0 : i32
    %dma_wait3A_773 = arith.constant 0 : i32
    %dma_wait3A_774 = arith.constant 0 : i32
    %dma_wait3A_775 = arith.constant 0 : i32
    %dma_wait3A_776 = tpu.memref_slice %arg9[%dma_wait3A_772, %dma_wait3A_774, %dma_wait3A_775] : memref<2x128x128xf32, #tpu.memory_space<vmem>> -> memref<1x16x128xf32, #tpu.memory_space<vmem>>
    %dma_wait3A_777 = tpu.memref_squeeze %dma_wait3A_776 : memref<1x16x128xf32, #tpu.memory_space<vmem>> -> memref<16x128xf32, #tpu.memory_space<vmem>>
    %dma_wait3A_778 = arith.constant 0 : i32
    %dma_wait3A_779 = arith.constant 0 : i32
    %dma_wait3A_780 = tpu.memref_slice %arg2[%dma_wait3A_778, %dma_wait3A_779] : memref<10000x128xf32, #tpu.memory_space<hbm>> -> memref<10000x128xf32, #tpu.memory_space<hbm>>
    %dma_wait3A_781 = tpu.memref_slice %arg12[%dma_wait3A_773] : memref<2x!tpu.dma_semaphore, #tpu.memory_space<semaphore_mem>> -> memref<1x!tpu.dma_semaphore, #tpu.memory_space<semaphore_mem>>
    %dma_wait3A_782 = tpu.memref_squeeze %dma_wait3A_781 : memref<1x!tpu.dma_semaphore, #tpu.memory_space<semaphore_mem>> -> memref<!tpu.dma_semaphore, #tpu.memory_space<semaphore_mem>>
    tpu.wait_indirect_dma semaphore(%dma_wait3A_782 : memref<!tpu.dma_semaphore, #tpu.memory_space<semaphore_mem>>) src(%dma_wait3A_780 : memref<10000x128xf32, #tpu.memory_space<hbm>>) dst(%dma_wait3A_777 : memref<16x128xf32, #tpu.memory_space<vmem>>)
    %run_scoped3A_783 = arith.constant 0 : i32
    "tpu.region"() ({
      %run_scoped3A_789 = tpu.sem_alloc : memref<!tpu.dma_semaphore, #tpu.memory_space<semaphore_mem>>
      %dma_start3A_790 = arith.constant 0 : i32
      %dma_start3A_791 = arith.constant 0 : i32
      %dma_start3A_792 = tpu.memref_slice %arg9[%run_scoped3A_783, %dma_start3A_790, %dma_start3A_791] : memref<2x128x128xf32, #tpu.memory_space<vmem>> -> memref<1x16x128xf32, #tpu.memory_space<vmem>>
      %dma_start3A_793 = tpu.memref_squeeze %dma_start3A_792 : memref<1x16x128xf32, #tpu.memory_space<vmem>> -> memref<16x128xf32, #tpu.memory_space<vmem>>
      %dma_start3A_794 = arith.constant 0 : i32
      %dma_start3A_795 = arith.constant 0 : i32
      %dma_start3A_796 = tpu.memref_slice %arg10[%dma_start3A_794, %dma_start3A_795] : memref<10240x128xf32, #tpu.memory_space<vmem_shared>> -> memref<10240x128xf32, #tpu.memory_space<vmem_shared>>
      tpu.enqueue_indirect_dma source(%dma_start3A_793 : memref<16x128xf32, #tpu.memory_space<vmem>>) target(%dma_start3A_796 : memref<10240x128xf32, #tpu.memory_space<vmem_shared>>) offsets(%arg7 : memref<16xi32, #tpu.memory_space<vmem>>) semaphore(%run_scoped3A_789 : memref<!tpu.dma_semaphore, #tpu.memory_space<semaphore_mem>>) {add = true}
      %dma_wait3A_797 = arith.constant 0 : i32
      %dma_wait3A_798 = arith.constant 0 : i32
      %dma_wait3A_799 = tpu.memref_slice %arg9[%run_scoped3A_783, %dma_wait3A_797, %dma_wait3A_798] : memref<2x128x128xf32, #tpu.memory_space<vmem>> -> memref<1x16x128xf32, #tpu.memory_space<vmem>>
      %dma_wait3A_800 = tpu.memref_squeeze %dma_wait3A_799 : memref<1x16x128xf32, #tpu.memory_space<vmem>> -> memref<16x128xf32, #tpu.memory_space<vmem>>
      %dma_wait3A_801 = arith.constant 0 : i32
      %dma_wait3A_802 = arith.constant 0 : i32
      %dma_wait3A_803 = tpu.memref_slice %arg10[%dma_wait3A_801, %dma_wait3A_802] : memref<10240x128xf32, #tpu.memory_space<vmem_shared>> -> memref<10240x128xf32, #tpu.memory_space<vmem_shared>>
      tpu.wait_indirect_dma semaphore(%run_scoped3A_789 : memref<!tpu.dma_semaphore, #tpu.memory_space<semaphore_mem>>) src(%dma_wait3A_800 : memref<16x128xf32, #tpu.memory_space<vmem>>) dst(%dma_wait3A_803 : memref<10240x128xf32, #tpu.memory_space<vmem_shared>>)
      tpu.yield
    }) : () -> ()
    %barrier3A_784 = arith.constant 0 : index
    tpu.barrier barrier_id(%barrier3A_784)
    %mul3A_785 = arith.constant 640 : i32
    %mul3A_786 = arith.muli %arg1, %mul3A_785 : i32
    %mul3A_787 = arith.constant 640 : i32
    %mul3A_788 = arith.muli %arg1, %mul3A_787 : i32
    "tpu.region"() ({
      %run_scoped3A_789 = tpu.sem_alloc : memref<!tpu.dma_semaphore, #tpu.memory_space<semaphore_mem>>
      %dma_start3A_790 = arith.constant 0 : i32
      %dma_start3A_791 = tpu.memref_slice %arg4[%arg0, %mul3A_788, %dma_start3A_790] : memref<2x10240x128xf32, #tpu.memory_space<hbm>> -> memref<1x640x128xf32, #tpu.memory_space<hbm>>
      %dma_start3A_792 = tpu.memref_squeeze %dma_start3A_791 : memref<1x640x128xf32, #tpu.memory_space<hbm>> -> memref<640x128xf32, #tpu.memory_space<hbm>>
      %dma_start3A_793 = arith.constant 0 : i32
      %dma_start3A_794 = tpu.memref_slice %arg10[%mul3A_786, %dma_start3A_793] : memref<10240x128xf32, #tpu.memory_space<vmem_shared>> -> memref<640x128xf32, #tpu.memory_space<vmem_shared>>
      tpu.enqueue_dma source(%dma_start3A_794 : memref<640x128xf32, #tpu.memory_space<vmem_shared>>) target(%dma_start3A_792 : memref<640x128xf32, #tpu.memory_space<hbm>>) target_semaphore(%run_scoped3A_789 : memref<!tpu.dma_semaphore, #tpu.memory_space<semaphore_mem>>)
      %dma_wait3A_795 = arith.constant 0 : i32
      %dma_wait3A_796 = tpu.memref_slice %arg4[%arg0, %mul3A_788, %dma_wait3A_795] : memref<2x10240x128xf32, #tpu.memory_space<hbm>> -> memref<1x640x128xf32, #tpu.memory_space<hbm>>
      %dma_wait3A_797 = tpu.memref_squeeze %dma_wait3A_796 : memref<1x640x128xf32, #tpu.memory_space<hbm>> -> memref<640x128xf32, #tpu.memory_space<hbm>>
      %dma_wait3A_798 = arith.constant 0 : i32
      %dma_wait3A_799 = tpu.memref_slice %arg10[%mul3A_786, %dma_wait3A_798] : memref<10240x128xf32, #tpu.memory_space<vmem_shared>> -> memref<640x128xf32, #tpu.memory_space<vmem_shared>>
      tpu.wait_dma2 semaphore(%run_scoped3A_789 : memref<!tpu.dma_semaphore, #tpu.memory_space<semaphore_mem>>) src(%dma_wait3A_799 : memref<640x128xf32, #tpu.memory_space<vmem_shared>>) dst(%dma_wait3A_797 : memref<640x128xf32, #tpu.memory_space<hbm>>)
      tpu.yield
    }) : () -> ()
    return
  }
}

module attributes {stable_mosaic.version = 14 : i64} {
  func.func @_prep_body(%arg0: memref<10000x2xf32, #tpu.memory_space<vmem>>, %arg1: memref<10000x128xf32, #tpu.memory_space<vmem>>, %arg2: memref<10000x128xf32, #tpu.memory_space<vmem>>) attributes {dimension_semantics = [], scalar_prefetch = 0 : i64, scratch_operands = 0 : i64, tpu.core_type = #tpu.core_type<tc>} {
    %get3A = arith.constant 0 : index
    %get3A_0 = arith.constant 0 : index
    %get3A_1 = vector.load %arg0[%get3A, %get3A_0] : memref<10000x2xf32, #tpu.memory_space<vmem>>, vector<10000x1xf32>
    %get3A_2 = arith.constant 0 : index
    %get3A_3 = arith.constant 1 : index
    %get3A_4 = vector.load %arg0[%get3A_2, %get3A_3] : memref<10000x2xf32, #tpu.memory_space<vmem>>, vector<10000x1xf32>
    %add3A = arith.addf %get3A_1, %get3A_4 : vector<10000x1xf32>
    %gt3A = arith.constant 0.000000e+00 : f32
    %gt3A_5 = vector.broadcast %gt3A : f32 to vector<10000x1xf32>
    %gt3A_6 = arith.cmpf ogt, %add3A, %gt3A_5 : vector<10000x1xf32>
    %rsqrt3A = math.rsqrt %add3A : vector<10000x1xf32>
    %jit3A = arith.constant 0.000000e+00 : f32
    %broadcast_in_dim3A = vector.broadcast %jit3A : f32 to vector<10000x1xf32>
    %select_n3A = arith.select %gt3A_6, %rsqrt3A, %broadcast_in_dim3A : vector<10000x1xi1>, vector<10000x1xf32>
    %get3A_7 = arith.constant 0 : index
    %get3A_8 = arith.constant 0 : index
    %get3A_9 = vector.load %arg1[%get3A_7, %get3A_8] : memref<10000x128xf32, #tpu.memory_space<vmem>>, vector<10000x128xf32>
    %mul3A = vector.broadcast %select_n3A : vector<10000x1xf32> to vector<10000x128xf32>
    %mul3A_10 = arith.mulf %get3A_9, %mul3A : vector<10000x128xf32>
    %swap3A = arith.constant 0 : index
    %swap3A_11 = arith.constant 0 : index
    %swap3A_12 = vector.load %arg2[%swap3A, %swap3A_11] : memref<10000x128xf32, #tpu.memory_space<vmem>>, vector<10000x128xf32>
    tpu.vector_store %arg2[%swap3A, %swap3A_11], %mul3A_10 {strides = array<i32>} : memref<10000x128xf32, #tpu.memory_space<vmem>>, vector<10000x128xf32>,
    return
  }
}

module attributes {stable_mosaic.version = 14 : i64} {
  func.func @fin_body(%arg0: memref<2x10240x128xf32, #tpu.memory_space<vmem>>, %arg1: memref<10000x2xf32, #tpu.memory_space<vmem>>, %arg2: memref<10000x128xf32, #tpu.memory_space<vmem>>) attributes {dimension_semantics = [], scalar_prefetch = 0 : i64, scratch_operands = 0 : i64, tpu.core_type = #tpu.core_type<tc>} {
    %get3A = arith.constant 0 : index
    %get3A_0 = arith.constant 0 : index
    %get3A_1 = vector.load %arg1[%get3A, %get3A_0] : memref<10000x2xf32, #tpu.memory_space<vmem>>, vector<10000x1xf32>
    %get3A_2 = arith.constant 0 : index
    %get3A_3 = arith.constant 1 : index
    %get3A_4 = vector.load %arg1[%get3A_2, %get3A_3] : memref<10000x2xf32, #tpu.memory_space<vmem>>, vector<10000x1xf32>
    %add3A = arith.addf %get3A_1, %get3A_4 : vector<10000x1xf32>
    %gt3A = arith.constant 0.000000e+00 : f32
    %gt3A_5 = vector.broadcast %gt3A : f32 to vector<10000x1xf32>
    %gt3A_6 = arith.cmpf ogt, %add3A, %gt3A_5 : vector<10000x1xf32>
    %rsqrt3A = math.rsqrt %add3A : vector<10000x1xf32>
    %jit3A = arith.constant 0.000000e+00 : f32
    %broadcast_in_dim3A = vector.broadcast %jit3A : f32 to vector<10000x1xf32>
    %select_n3A = arith.select %gt3A_6, %rsqrt3A, %broadcast_in_dim3A : vector<10000x1xi1>, vector<10000x1xf32>
    %get3A_7 = arith.constant 0 : index
    %get3A_8 = arith.constant 0 : index
    %get3A_9 = arith.constant 0 : index
    %get3A_10 = vector.load %arg0[%get3A_7, %get3A_8, %get3A_9] : memref<2x10240x128xf32, #tpu.memory_space<vmem>>, vector<1x10000x128xf32>
    %get3A_11 = vector.shape_cast %get3A_10 : vector<1x10000x128xf32> to vector<10000x128xf32>
    %get3A_12 = arith.constant 1 : index
    %get3A_13 = arith.constant 0 : index
    %get3A_14 = arith.constant 0 : index
    %get3A_15 = vector.load %arg0[%get3A_12, %get3A_13, %get3A_14] : memref<2x10240x128xf32, #tpu.memory_space<vmem>>, vector<1x10000x128xf32>
    %get3A_16 = vector.shape_cast %get3A_15 : vector<1x10000x128xf32> to vector<10000x128xf32>
    %add3A_17 = arith.addf %get3A_11, %get3A_16 : vector<10000x128xf32>
    %mul3A = vector.broadcast %select_n3A : vector<10000x1xf32> to vector<10000x128xf32>
    %mul3A_18 = arith.mulf %add3A_17, %mul3A : vector<10000x128xf32>
    %mul3A_19 = arith.mulf %mul3A_18, %mul3A_18 : vector<10000x128xf32>
    %reduce_sum3A = arith.constant dense<0.000000e+00> : vector<10000xf32>
    %reduce_sum3A_20 = vector.multi_reduction <add>, %mul3A_19, %reduce_sum3A [1] : vector<10000x128xf32> to vector<10000xf32>
    %broadcast_in_dim3A_21 = vector.shape_cast %reduce_sum3A_20 : vector<10000xf32> to vector<10000x1xf32>
    %slice3A = vector.extract_strided_slice %mul3A_18 {offsets = [0, 0], sizes = [10000, 1], strides = [1, 1]} : vector<10000x128xf32> to vector<10000x1xf32>
    %mul3A_22 = arith.constant 2.000000e+00 : f32
    %mul3A_23 = vector.broadcast %mul3A_22 : f32 to vector<10000x1xf32>
    %mul3A_24 = arith.mulf %mul3A_23, %slice3A : vector<10000x1xf32>
    %mul3A_25 = arith.mulf %mul3A_24, %slice3A : vector<10000x1xf32>
    %sub3A = arith.subf %broadcast_in_dim3A_21, %mul3A_25 : vector<10000x1xf32>
    %abs3A = math.absf %sub3A : vector<10000x1xf32>
    %jit3A_26 = arith.constant 9.99999993E-9 : f32
    %max3A = vector.broadcast %jit3A_26 : f32 to vector<10000x1xf32>
    %max3A_27 = arith.maximumf %max3A, %abs3A : vector<10000x1xf32>
    %sqrt3A = math.sqrt %max3A_27 : vector<10000x1xf32>
    %sqrt3A_28 = arith.constant 1.000000e+00 : f32
    %sqrt3A_29 = math.sqrt %sqrt3A_28 : f32
    %div3A = arith.constant 1.000000e+00 : f32
    %div3A_30 = arith.divf %div3A, %sqrt3A_29 : f32
    %div3A_31 = vector.broadcast %div3A_30 : f32 to vector<10000x1xf32>
    %div3A_32 = arith.divf %div3A_31, %sqrt3A : vector<10000x1xf32>
    %mul3A_33 = vector.broadcast %div3A_32 : vector<10000x1xf32> to vector<10000x128xf32>
    %mul3A_34 = arith.mulf %mul3A_18, %mul3A_33 : vector<10000x128xf32>
    %swap3A = arith.constant 0 : index
    %swap3A_35 = arith.constant 0 : index
    %swap3A_36 = vector.load %arg2[%swap3A, %swap3A_35] : memref<10000x128xf32, #tpu.memory_space<vmem>>, vector<10000x128xf32>
    tpu.vector_store %arg2[%swap3A, %swap3A_35], %mul3A_34 {strides = array<i32>} : memref<10000x128xf32, #tpu.memory_space<vmem>>, vector<10000x128xf32>,
    return
  }
}

</mosaic_0001>

<sc_bundles>
// kernel: kernel.6.cloned.1.call-start
scs
__scs_entry_jumppad:
0x0: {  	(pc) =	sbr.rel $0x88, $3  }
0x1: {  	(tag) =	ssettag $0x0;
	lr =	simm.s32 $0x1  }
0x2: {  	[smem:$0x3F9F] =	sst lr;
	_ =	strace $0xD0000000  }
0x3: {  	_ = 	snop  }
0x4: {  	_ = 	snop  }
0x5: {  	_ = 	snop  }
0x6: {  	_ = 	snop  }
0x7: {  	_ = 	snop  }
__scs_overlays_trampoline_lowered:
0x8: {  	[smem:$0x3FAE] =	sst s0  }
0x9: {  	[smem:$0x3FAF] =	sst s1  }
0xa: {  	[smem:$0x3FB0] =	sst s2  }
0xb: {  	[smem:$0x3FB1] =	sst s3  }
0xc: {  	[smem:$0x3FB2] =	sst s4  }
0xd: {  	[smem:$0x3FB3] =	sst s5  }
0xe: {  	[smem:$0x3FB4] =	sst s6  }
0xf: {  	[smem:$0x3FB5] =	sst s7  }
0x10: {  	[smem:$0x3FB6] =	sst s8  }
0x11: {  	[smem:$0x3FB7] =	sst s9;
	s0 =	simm.s32 @!p0 $0x0  }
0x12: {  	s1 =	sld [smem:$0x3F9D];
	s0 =	simm.s32 @p0 $0x1  }
0x13: {  	[smem:$0x3FB8] =	sst s0;
	s0 =	simm.s32 @!p1 $0x0  }
0x14: {  	s2 =	sld [smem:$0x3F9C];
	s0 =	simm.s32 @p1 $0x1  }
0x15: {  	[smem:$0x3FB9] =	sst s0;
	s0 =	simm.s32 @!p2 $0x0  }
0x16: {  	s3 =	sld [smem:$0x3FDB];
	s0 =	simm.s32 @p2 $0x1  }
0x17: {  	s4 =	simm.s32 $0x1BF5;
	[smem:$0x3FBB] =	sst s0  }
0x18: {  	s0 =	sld [smem:$0x3F9E];
	_ =	swait.ge [sflag:s4], $0x0  }
0x19: {  	s7 =	sld [smem:$0x3F9F]  }
0x1a: {  	s8 =	sadd.s32 $0xFFFFE003, lr  }
0x1b: {  	s9 =	sadd.s32 $0xFFFFFEF7, lr;
	s5 =	simm.s32 $0xFFFFFFFF;
	p2 =	slt.u32 s8, $0xFFFFF086  }
0x1c: {  	p1 =	slt.u32 s9, $0xF7A;
	s5 =	simm.s32 @!p2 $0x0  }
0x1d: {  	s5 =	simm.s32 @p1 $0x1;
	p0 =	seq.s32 s7, s2  }
0x1e: {  	s7 =	smul.u32 @!p0 $0xF7A, s2;
	p2 =	seq.s32 @!p0 s5, $0x0  }
0x1f: {  	s9 =	smul.u32 $0xF7A, s1;
	s8 =	simm.s32 @!p0 $0x1BF5;
	p2 =	por !p2, p0  }
0x20: {  	[sflag:s8] =	ssyncset.s32 @!p0 $0xFFFFF086;
	s6 =	sadd.s32 @!p0 s3, s7;
	s7 =	simm.s32 @!p0 $0x108  }
0x21: {  	s3 =	sadd.s32 s3, s9;
	s6 =	sadd.s32 @!p0 $0x88, s6;
	s7 =	simm.s32 @p2 $0x1082  }
0x22: {  	[simem:s7], [sflag:s8] =	dma.local @!p0 [hbm:s6], $0xF7A  }
0x23: {  	s9 =	sor.u32 $0xD0000000, s2;
	s6 =	simm.s32 $0x108;
	_ =	swait.ge @!p0 [sflag:s8], $0x0  }
0x24: {  	s3 =	sadd.s32 $0x88, s3;
	s6 =	simm.s32 @!p1 $0x1082;
	[sflag:s4] =	ssyncset.s32 $0xFFFFF086  }
0x25: {  	[simem:s6], [sflag:s4] =	dma.local [hbm:s3], $0xF7A  }
0x26: {  	[smem:$0x3F9F] =	sst s1;
	(tag) =	ssettag s2;
	_ =	strace s9  }
0x27: {  	s1 =	sld [smem:$0x3FAF]  }
0x28: {  	s2 =	sld [smem:$0x3FB0]  }
0x29: {  	s4 =	sld [smem:$0x3FB2]  }
0x2a: {  	p0 =	seq.s32 s5, $0x0;
	s5 =	sld [smem:$0x3FB3]  }
0x2b: {  	s6 =	sld [smem:$0x3FB4]  }
0x2c: {  	s7 =	sld [smem:$0x3FB5]  }
0x2d: {  	s3 =	simm.s32 $0x108;
	s8 =	sld [smem:$0x3FB6]  }
0x2e: {  	s3 =	simm.s32 @!p0 $0x1082;
	s9 =	sld [smem:$0x3FB7]  }
0x2f: {  	lr =	sadd.s32 s0, s3;
	s0 =	sld [smem:$0x3FAE]  }
0x30: {  	s3 =	sld [smem:$0x3FB1]  }
0x31: {  	[smem:$0x3FBA] =	sst s10  }
0x32: {  	s10 =	sld [smem:$0x3FB8];
	_ =	sdelay $0x3  }
0x33: {  	p0 =	seq.s32 s10, $0x1;
	s10 =	sld [smem:$0x3FBA];
	_ =	sdelay $0x3  }
0x34: {  	[smem:$0x3FBA] =	sst s10  }
0x35: {  	s10 =	sld [smem:$0x3FB9];
	_ =	sdelay $0x3  }
0x36: {  	p1 =	seq.s32 s10, $0x1;
	s10 =	sld [smem:$0x3FBA];
	_ =	sdelay $0x3  }
0x37: {  	[smem:$0x3FBA] =	sst s10  }
0x38: {  	s10 =	sld [smem:$0x3FBB]  }
0x39: {  	_ = 	snop;
	(pc) =	sbr.ind lr, $3  }
0x3a: {  	_ = 	snop  }
0x3b: {  	_ = 	snop  }
0x3c: {  	p2 =	seq.s32 s10, $0x1;
	s10 =	sld [smem:$0x3FBA]  }
0x3d: {  	_ =	shalt  }
0x3e: {  	_ =	shalt  }
0x3f: {  	_ =	shalt  }
0x40: {  	_ =	shalt  }
0x41: {  	_ =	shalt  }
0x42: {  	_ =	shalt  }
0x43: {  	_ =	shalt  }
0x44: {  	_ =	shalt  }
0x45: {  	_ =	shalt  }
0x46: {  	_ =	shalt  }
0x47: {  	_ =	shalt  }
0x48: {  	_ =	shalt  }
0x49: {  	_ =	shalt  }
0x4a: {  	_ =	shalt  }
0x4b: {  	_ =	shalt  }
0x4c: {  	_ =	shalt  }
0x4d: {  	_ =	shalt  }
0x4e: {  	_ =	shalt  }
0x4f: {  	_ =	shalt  }
0x50: {  	_ =	shalt  }
0x51: {  	_ =	shalt  }
0x52: {  	_ =	shalt  }
0x53: {  	_ =	shalt  }
0x54: {  	_ =	shalt  }
0x55: {  	_ =	shalt  }
0x56: {  	_ =	shalt  }
0x57: {  	_ =	shalt  }
0x58: {  	_ =	shalt  }
0x59: {  	_ =	shalt  }
0x5a: {  	_ =	shalt  }
0x5b: {  	_ =	shalt  }
0x5c: {  	_ =	shalt  }
0x5d: {  	_ =	shalt  }
0x5e: {  	_ =	shalt  }
0x5f: {  	_ =	shalt  }
0x60: {  	_ =	shalt  }
0x61: {  	_ =	shalt  }
0x62: {  	_ =	shalt  }
0x63: {  	_ =	shalt  }
0x64: {  	_ =	shalt  }
0x65: {  	_ =	shalt  }
0x66: {  	_ =	shalt  }
0x67: {  	_ =	shalt  }
0x68: {  	_ =	shalt  }
0x69: {  	_ =	shalt  }
0x6a: {  	_ =	shalt  }
0x6b: {  	_ =	shalt  }
0x6c: {  	_ =	shalt  }
0x6d: {  	_ =	shalt  }
0x6e: {  	_ =	shalt  }
0x6f: {  	_ =	shalt  }
0x70: {  	_ =	shalt  }
0x71: {  	_ =	shalt  }
0x72: {  	_ =	shalt  }
0x73: {  	_ =	shalt  }
0x74: {  	_ =	shalt  }
0x75: {  	_ =	shalt  }
0x76: {  	_ =	shalt  }
0x77: {  	_ =	shalt  }
0x78: {  	_ =	shalt  }
0x79: {  	_ =	shalt  }
0x7a: {  	_ =	shalt  }
0x7b: {  	_ =	shalt  }
0x7c: {  	_ =	shalt  }
0x7d: {  	_ =	shalt  }
0x7e: {  	_ =	shalt  }
0x7f: {  	_ =	shalt  }
0x80: {  	_ =	shalt  }
0x81: {  	_ =	shalt  }
0x82: {  	_ =	shalt  }
0x83: {  	_ =	shalt  }
0x84: {  	_ =	shalt  }
0x85: {  	_ =	shalt  }
0x86: {  	_ =	shalt  }
0x87: {  	_ =	shalt  }
.Lfunc_end0:
.L_simem_size_0:
called_computation_lowered:
.L_overlay_start_0:
0x88: {  	s2 =	sld [smem:$0x3FD9]  }
0x89: {  	s3 =	sld [smem:$0x3FFE];
	_ =	sdelay $0x1  }
0x8a: {  	s1 =	srdreg.scid  }
0x8b: {  	s0 =	sand.u32 $0x1, s1  }
0x8c: {  	s17 =	sshll.u32 s0, $0xA;
	s2 =	sadd.s32 s3, s2  }
0x8d: {  	s2 =	sadd.s32 s2, s17  }
0x8e: {  	[smem:$0x3FC6] =	sst s2  }
0x8f: {  	_ = 	snop  }
0x90: {  	s2 =	sld [smem:$0x3FD0];
	(tm) =	ssettm $0x1  }
0x91: {  	s18 =	sld [smem:$0x3FFB];
	_ =	sdelay $0x3  }
0x92: {  	_ =	strace s18  }
0x93: {  	s3 =	sld [smem:$0x3FFC];
	_ =	sdelay $0x3  }
0x94: {  	_ =	strace s3  }
0x95: {  	s3 =	sld [smem:$0x3FFD];
	_ =	sdelay $0x3  }
0x96: {  	_ =	strace s3  }
0x97: {  	_ =	strace $0x8FFFFFFF  }
0x98: {  	s19 =	sld [smem:$0x3FDB];
	_ =	sdelay $0x1  }
0x99: {  	s4 =	simm.s32 $_scs_section_size  }
0x9a: {  	s5 =	simm.s32 $_size__tile_overlayer_lowered;
	s6 =	simm.s32 $_tile_overlayer_lowered  }
0x9b: {  	s22 =	simm.s32 $0x1BFF;
	s21 =	sshll.u32 s6, $0x1;
	s3 =	sadd.s32 s4, s19  }
0x9c: {  	s7 =	simm.s32 $0x0;
	s20 =	sshll.u32 s5, $0x1;
	s5 =	sadd.s32 s21, s3  }
0x9d: {  	[timem:s7], [sflag:s22] =	dma.local [hbm:s5], s20  }
0x9e: {  	_ =	swait.ge [sflag:s22], s20  }
0x9f: {  	s4 =	ssub.s32 $0x0, s20;
	[sflag:s22] =	ssyncset.done $0x0  }
0xa0: {  	[sflag:s22] =	ssyncadd.s32 s4;
	_ =	sdelay $0x1  }
0xa1: {  	s23 =	simm.s32 $0x1B8B  }
0xa2: {  	_ =	swait.ge [sflag:s23], $0x1  }
0xa3: {  	[sflag:s23] =	ssyncset.done $0x0  }
0xa4: {  	s25 =	simm.s32 $0x1B8E;
	s24 =	sld [smem:$0x3FFE];
	[sflag:s23] =	ssyncadd.s32 $0xFFFFFFFF  }
0xa5: {  	s26 =	simm.s32 $execute0_lowered;
	[smem:$0x3FD2] =	sst s25  }
0xa6: {  	s5 =	sshll.u32 s26, $0x1;
	_ =	strace $0x80000046;
	[dreg:$0x1] =	wrdreg $0xFFFFFFFF  }
0xa7: {  	s28 =	simm.s32 $_size_execute0_lowered;
	s3 =	sadd.s32 s3, s5;
	[dreg:$0x0] =	wrdreg $0x0  }
0xa8: {  	s5 =	sshll.u32 s28, $0x1;
	[dreg:$0x2] =	wrdreg s3  }
0xa9: {  	[dreg:$0x3] =	wrdreg s5  }
0xaa: {  	[dreg:$0x4] =	wrdreg $0xC0  }
0xab: {  	_ =	task [dreg:s7], $0x5FFFF  }
0xac: {  	[dreg:$0x1] =	wrdreg $0xFFFFFFFF  }
0xad: {  	[dreg:$0x0] =	wrdreg $0x60  }
0xae: {  	[dreg:$0x2] =	wrdreg s24  }
0xaf: {  	[dreg:$0x3] =	wrdreg s2  }
0xb0: {  	[dreg:$0x4] =	wrdreg $0x5800  }
0xb1: {  	[dreg:$0x5] =	wrdreg $0x9  }
0xb2: {  	_ =	task.clear_ibuf [dreg:s7], $0x6FFFF;
	_ =	strace $0x90000046  }
0xb3: {  	s29 =	simm.s32 $0x9;
	_ =	strace $0x80000048  }
0xb4: {  	_ =	swait.ge [sflag:s29], $0x1  }
0xb5: {  	[sflag:s29] =	ssyncadd.s32 $0xFFFFFFFF  }
0xb6: {  	_ =	strace $0x90000048  }
0xb7: {  	_ =	sfence  }
0xb8: {  	s30 =	sld [smem:$0x0];
	_ =	sdelay $0x2  }
0xb9: {  	s31 =	sshll.u32 s1, $0xD;
	s1 =	sshrl.u32 s1, $0x2  }
0xba: {  	s3 =	sand.u32 $0x4000, s31;
	s1 =	sadd.s32 s1, s30  }
0xbb: {  	s0 =	sor.u32 s3, s0;
	s1 =	sshll.u32 s1, $0x11  }
0xbc: {  	s0 =	sor.u32 s1, s0  }
0xbd: {  	s0 =	sadd.s32 $0x8F2B, s0  }
0xbe: {  	[sflag:s0] =	ssyncadd.remote.s32 $0x1  }
0xbf: {  	_ =	sfence.sel $0xFFFF  }
0xc0: {  	[dreg:$0x0] =	wrdreg $0xFFFFFFFF;
	(pc) =	sbr.abs _section_cstart, $3  }
0xc1: {  	[dreg:$0x1] =	wrdreg $0xFFFFFFFF  }
0xc2: {  	_ =	task.clear_ibuf [dreg:s7], $0x2FFFF;
	_ =	strace $0x9FFFFFFF  }
0xc3: {  	(tm) =	ssettm $0x7FFFFFFF  }
tec
execute0_lowered:
.L_overlay_start_1:
0x0: {  	(tag) =	ssettag $0x1  }
0x1: {  	s0 =	rddreg [dreg:$0x0]  }
0x2: {  	s2 =	rddreg [dreg:$0x1]  }
0x3: {  	s1 =	rddreg [dreg:$0x2]  }
0x4: {  	s3 =	srdreg.scid;
	s9 =	stileid.u32  }
0x5: {  	s28 =	simm.s32 $0x5;
	s29 =	simm.s32 $0x4;
	s30 =	simm.s32 $0x6  }
0x6: {  	s31 =	simm.s32 $0x7;
	s6 =	sand.u32 $0x1, s3;
	s3 =	simm.s32 $0x0  }
0x7: {  	s7 =	sadd.s32 $0x1800, s0;
	s12 =	smul.u32 $0x280, s9;
	s0 =	sadd.s32 $0x15200, s0  }
0x8: {  	s15 =	smul.u32 $0x2710, s9;
	s4 =	sshll.u32 s6, $0x4;
	[smem:$0x7FF] =	sst s3  }
0x9: {  	s5 =	ssub.s32 $0x2, s6;
	s14 =	smul.u32 $0x27100, s6;
	p0 =	seq.s32 s6, $0x1  }
0xa: {  	s4 =	sor.u32 s9, s4;
	_ =	strace $0x80000047;
	s8 =	sshrl.u32 s5, $0x1  }
0xb: {  	s22 =	sshrl.u32 s12, $0x3;
	s2 =	smov.u32 @p0 s0;
	s21 =	sadd.s32 s15, s14  }
0xc: {  	s4 =	smul.u32 $0x2710, s4;
	s13 =	ssub.s32 s5, s8;
	s23 =	sadd.s32 $0x480, s21  }
0xd: {  	s24 =	sadd.s32 $0x400, s21;
	s25 =	sadd.s32 $0x380, s21;
	s6 =	sadd.s32 $0x300, s21  }
0xe: {  	s21 =	simm.s32 $0x1;
	s17 =	sshrl.u32 s4, $0x3;
	s4 =	sadd.s32 s12, s1  }
0xf: {  	s12 =	smax.u32 s13, $0x1;
	s13 =	sadd.s32 s2, s22;
	s0 =	sshrl.u32 s23, $0x3  }
0x10: {  	s2 =	sshrl.u32 s25, $0x3;
	s26 =	sshrl.u32 s6, $0x3;
	s22 =	simm.s32 $0x100  }
0x11: {  	s23 =	simm.s32 $0x280;
	s25 =	simm.s32 $0x180;
	s5 =	sadd.s32 s7, s17  }
0x12: {  	s14 =	sadd.s32 s0, s7;
	s0 =	sshrl.u32 s24, $0x3;
	s16 =	sadd.s32 s2, s7  }
0x13: {  	s17 =	sadd.s32 s26, s7;
	s24 =	simm.s32 $0x2;
	s26 =	simm.s32 $0x3  }
0x14: {  	s2 =	simm.s32 $0x200;
	s18 =	sadd.s32 $0x10, s5;
	s19 =	sadd.s32 $0x20, s5  }
0x15: {  	s20 =	sadd.s32 $0x30, s5;
	s9 =	sadd.s32 $0x40, s5;
	[dreg:$0x4] =	wrdreg s18  }
0x16: {  	s10 =	sadd.s32 $0x50, s5;
	s11 =	sadd.s32 $0x4E0, s5;
	[dreg:$0x5] =	wrdreg s19  }
0x17: {  	s15 =	sadd.s32 s0, s7;
	s0 =	simm.s32 $0x8;
	[dreg:$0x6] =	wrdreg s20  }
0x18: {  	v0 =	vimm.f32 $0.0e+00;
	v1 =	vimm.f32 $1.000000000e+00;
	s19 =	simm.s32 $0x9;
	s20 =	simm.s32 $0x80;
	s18 =	simm.s32 $0x0  }
.LBB2_1:
0x19: {  	[tilespmem:$0x300] =	vst v0  }
0x1a: {  	[tilespmem:$0x310] =	vst v0  }
0x1b: {  	[tilespmem:$0x320] =	vst v0  }
0x1c: {  	[tilespmem:$0x330] =	vst v0  }
0x1d: {  	[tilespmem:$0x340] =	vst v0  }
0x1e: {  	[tilespmem:$0x350] =	vst v0  }
0x1f: {  	[tilespmem:$0x360] =	vst v0  }
0x20: {  	[tilespmem:$0x370] =	vst v0  }
0x21: {  	[tilespmem:$0x380] =	vst v0  }
0x22: {  	[tilespmem:$0x390] =	vst v0  }
0x23: {  	[tilespmem:$0x3A0] =	vst v0  }
0x24: {  	[tilespmem:$0x3B0] =	vst v0  }
0x25: {  	[tilespmem:$0x3C0] =	vst v0  }
0x26: {  	[tilespmem:$0x3D0] =	vst v0  }
0x27: {  	[tilespmem:$0x3E0] =	vst v0  }
0x28: {  	[tilespmem:$0x3F0] =	vst v0  }
0x29: {  	[tilespmem:$0x400] =	vst v0  }
0x2a: {  	[tilespmem:$0x410] =	vst v0  }
0x2b: {  	[tilespmem:$0x420] =	vst v0  }
0x2c: {  	[tilespmem:$0x430] =	vst v0  }
0x2d: {  	[tilespmem:$0x440] =	vst v0  }
0x2e: {  	[tilespmem:$0x450] =	vst v0  }
0x2f: {  	[tilespmem:$0x460] =	vst v0  }
0x30: {  	[tilespmem:$0x470] =	vst v0  }
0x31: {  	[tilespmem:$0x480] =	vst v0  }
0x32: {  	[tilespmem:$0x490] =	vst v0  }
0x33: {  	[tilespmem:$0x4A0] =	vst v0  }
0x34: {  	[tilespmem:$0x4B0] =	vst v0  }
0x35: {  	[tilespmem:$0x4C0] =	vst v0  }
0x36: {  	[tilespmem:$0x4D0] =	vst v0  }
0x37: {  	[tilespmem:$0x4E0] =	vst v0  }
0x38: {  	[tilespmem:$0x4F0] =	vst v0  }
0x39: {  	[tilespmem:$0x500] =	vst v0  }
0x3a: {  	[tilespmem:$0x510] =	vst v0  }
0x3b: {  	[tilespmem:$0x520] =	vst v0  }
0x3c: {  	[tilespmem:$0x530] =	vst v0  }
0x3d: {  	[tilespmem:$0x540] =	vst v0  }
0x3e: {  	[tilespmem:$0x550] =	vst v0  }
0x3f: {  	[tilespmem:$0x560] =	vst v0  }
0x40: {  	[tilespmem:$0x570] =	vst v0  }
0x41: {  	[tilespmem:$0x280] =	vst v1  }
0x42: {  	[tilespmem:$0x290] =	vst v1  }
0x43: {  	[tilespmem:$0x2A0] =	vst v1  }
0x44: {  	[tilespmem:$0x2B0] =	vst v1  }
0x45: {  	[tilespmem:$0x2C0] =	vst v1  }
0x46: {  	[tilespmem:$0x2D0] =	vst v1  }
0x47: {  	[tilespmem:$0x2E0] =	vst v1  }
0x48: {  	[tilespmem:$0x2F0] =	vst v1;
	s6 =	simm.s32 $0x300  }
0x49: {  	[spmem:s4] =	stream.linear.scatter [tilespmem:s6], [sflag:$0x9], $0x280, $0x38;
	[tilespmem:$0x800] =	vst v63  }
0x4a: {  	_ =	swait.ge [sflag:s19], $0x280  }
0x4b: {  	[sflag:s19] =	ssyncset.done $0x0  }
0x4c: {  	[sflag:s19] =	ssyncadd.s32 $0xFFFFFD80  }
0x4d: {  	[bflag:$0x0] =	sbarrier.arrive $0xFFFF  }
0x4e: {  	[tilespmem:s3], [sflag:$0x1] =	stream.linear.gather [hbm4b:s5+s3], $0x80, $0x38;
	[tilespmem:$0x800] =	vst v63  }
0x4f: {  	s8 =	rddreg [dreg:$0x4]  }
0x50: {  	[tilespmem:s20], [sflag:$0x2] =	stream.linear.gather [hbm4b:s8+s3], $0x80, $0x38;
	[tilespmem:$0x800] =	vst v63  }
0x51: {  	_ =	swait.ge [sflag:s21], $0x80  }
0x52: {  	[sflag:s21] =	ssyncset.done $0x0  }
0x53: {  	s7 =	rddreg [dreg:$0x5];
	[sflag:s21] =	ssyncadd.s32 $0xFFFFFF80  }
0x54: {  	[tilespmem:s22], [sflag:$0x3] =	stream.linear.gather [hbm4b:s7+s3], $0x80, $0x38;
	[tilespmem:$0x800] =	vst v63  }
0x55: {  	_ = 	snop  }
0x56: {  	[spmem:s1] =	stream.indirect.scatter.add.f32 [tilespmem:s23], [sflag:$0x5], $0x1, s3, s20, $0xb8;
	[tilespmem:$0x800] =	vst v63  }
0x57: {  	_ =	swait.ge [sflag:s24], $0x80  }
0x58: {  	[sflag:s24] =	ssyncset.done $0x0  }
0x59: {  	s8 =	rddreg [dreg:$0x6];
	[sflag:s24] =	ssyncadd.s32 $0xFFFFFF80  }
0x5a: {  	[tilespmem:s25], [sflag:$0x4] =	stream.linear.gather [hbm4b:s8+s3], $0x80, $0x38;
	[tilespmem:$0x800] =	vst v63  }
0x5b: {  	_ = 	snop  }
0x5c: {  	[spmem:s1] =	stream.indirect.scatter.add.f32 [tilespmem:s23], [sflag:$0x6], $0x1, s20, s20, $0xb8;
	[tilespmem:$0x800] =	vst v63  }
0x5d: {  	_ =	swait.ge [sflag:s26], $0x80  }
0x5e: {  	[sflag:s26] =	ssyncset.done $0x0  }
0x5f: {  	[sflag:s26] =	ssyncadd.s32 $0xFFFFFF80  }
0x60: {  	_ =	swait.ge [sflag:s28], $0x80  }
0x61: {  	[sflag:s28] =	ssyncset.done $0x0  }
0x62: {  	[sflag:s28] =	ssyncadd.s32 $0xFFFFFF80  }
0x63: {  	[tilespmem:s3], [sflag:$0x1] =	stream.linear.gather [hbm4b:s9+s3], $0x80, $0x38;
	[tilespmem:$0x800] =	vst v63  }
0x64: {  	_ = 	snop  }
0x65: {  	[spmem:s1] =	stream.indirect.scatter.add.f32 [tilespmem:s23], [sflag:$0x7], $0x1, s22, s20, $0xb8;
	[tilespmem:$0x800] =	vst v63  }
0x66: {  	_ =	swait.ge [sflag:s29], $0x80  }
0x67: {  	[sflag:s29] =	ssyncset.done $0x0  }
0x68: {  	[sflag:s29] =	ssyncadd.s32 $0xFFFFFF80  }
0x69: {  	_ =	swait.ge [sflag:s30], $0x80  }
0x6a: {  	[sflag:s30] =	ssyncset.done $0x0  }
0x6b: {  	[sflag:s30] =	ssyncadd.s32 $0xFFFFFF80  }
0x6c: {  	[tilespmem:s20], [sflag:$0x2] =	stream.linear.gather [hbm4b:s10+s3], $0x80, $0x38;
	[tilespmem:$0x800] =	vst v63  }
0x6d: {  	_ = 	snop  }
0x6e: {  	[spmem:s1] =	stream.indirect.scatter.add.f32 [tilespmem:s23], [sflag:$0x8], $0x1, s25, s20, $0xb8;
	[tilespmem:$0x800] =	vst v63  }
0x6f: {  	_ =	swait.ge [sflag:s21], $0x80  }
0x70: {  	[sflag:s21] =	ssyncset.done $0x0  }
0x71: {  	[sflag:s21] =	ssyncadd.s32 $0xFFFFFF80  }
0x72: {  	_ =	swait.ge [sflag:s31], $0x80  }
0x73: {  	[sflag:s31] =	ssyncset.done $0x0  }
0x74: {  	s7 =	sadd.s32 $0x0, s17;
	[sflag:s31] =	ssyncadd.s32 $0xFFFFFF80  }
0x75: {  	[tilespmem:s22], [sflag:$0x3] =	stream.linear.gather [hbm4b:s7+s3], $0x80, $0x38;
	[tilespmem:$0x800] =	vst v63  }
0x76: {  	_ = 	snop  }
0x77: {  	[spmem:s1] =	stream.indirect.scatter.add.f32 [tilespmem:s23], [sflag:$0x5], $0x1, s3, s20, $0xb8;
	[tilespmem:$0x800] =	vst v63  }
0x78: {  	_ =	swait.ge [sflag:s24], $0x80  }
0x79: {  	[sflag:s24] =	ssyncset.done $0x0  }
0x7a: {  	[sflag:s24] =	ssyncadd.s32 $0xFFFFFF80  }
0x7b: {  	_ =	swait.ge [sflag:s0], $0x80  }
0x7c: {  	[sflag:s0] =	ssyncset.done $0x0  }
0x7d: {  	s8 =	sadd.s32 $0x0, s16;
	[sflag:s0] =	ssyncadd.s32 $0xFFFFFF80  }
0x7e: {  	[tilespmem:s25], [sflag:$0x4] =	stream.linear.gather [hbm4b:s8+s3], $0x80, $0x38;
	[tilespmem:$0x800] =	vst v63  }
0x7f: {  	_ = 	snop  }
0x80: {  	[spmem:s1] =	stream.indirect.scatter.add.f32 [tilespmem:s23], [sflag:$0x6], $0x1, s20, s20, $0xb8;
	[tilespmem:$0x800] =	vst v63  }
0x81: {  	_ =	swait.ge [sflag:s26], $0x80  }
0x82: {  	[sflag:s26] =	ssyncset.done $0x0  }
0x83: {  	[sflag:s26] =	ssyncadd.s32 $0xFFFFFF80  }
0x84: {  	_ =	swait.ge [sflag:s28], $0x80  }
0x85: {  	[sflag:s28] =	ssyncset.done $0x0  }
0x86: {  	s7 =	sadd.s32 $0x0, s15;
	[sflag:s28] =	ssyncadd.s32 $0xFFFFFF80  }
0x87: {  	[tilespmem:s3], [sflag:$0x1] =	stream.linear.gather [hbm4b:s7+s3], $0x80, $0x38;
	[tilespmem:$0x800] =	vst v63  }
0x88: {  	_ = 	snop  }
0x89: {  	[spmem:s1] =	stream.indirect.scatter.add.f32 [tilespmem:s23], [sflag:$0x7], $0x1, s22, s20, $0xb8;
	[tilespmem:$0x800] =	vst v63  }
0x8a: {  	_ =	swait.ge [sflag:s29], $0x80  }
0x8b: {  	[sflag:s29] =	ssyncset.done $0x0  }
0x8c: {  	[sflag:s29] =	ssyncadd.s32 $0xFFFFFF80  }
0x8d: {  	_ =	swait.ge [sflag:s30], $0x80  }
0x8e: {  	[sflag:s30] =	ssyncset.done $0x0  }
0x8f: {  	s6 =	simm.s32 $0x40;
	s8 =	sadd.s32 $0x0, s14;
	[sflag:s30] =	ssyncadd.s32 $0xFFFFFF80  }
0x90: {  	[tilespmem:s20], [sflag:$0x2] =	stream.linear.gather [hbm4b:s8+s3], $0x80, $0x38;
	[tilespmem:$0x800] =	vst v63  }
.LBB2_2:
0x91: {  	[spmem:s1] =	stream.indirect.scatter.add.f32 [tilespmem:s23], [sflag:$0x8], $0x1, s25, s20, $0xb8;
	[tilespmem:$0x800] =	vst v63  }
0x92: {  	s7 =	smov.u32 s6  }
0x93: {  	p0 =	sne.s32 s6, $0x440;
	s6 =	sadd.s32 $0x40, s6;
	_ =	swait.ge [sflag:s21], $0x80  }
0x94: {  	[sflag:s21] =	ssyncset.done $0x0  }
0x95: {  	[sflag:s21] =	ssyncadd.s32 $0xFFFFFF80  }
0x96: {  	_ =	swait.ge [sflag:s31], $0x80  }
0x97: {  	[sflag:s31] =	ssyncset.done $0x0  }
0x98: {  	s8 =	sadd.s32 s7, s17;
	[sflag:s31] =	ssyncadd.s32 $0xFFFFFF80  }
0x99: {  	[tilespmem:s22], [sflag:$0x3] =	stream.linear.gather [hbm4b:s8+s3], $0x80, $0x38;
	[tilespmem:$0x800] =	vst v63  }
0x9a: {  	_ = 	snop  }
0x9b: {  	[spmem:s1] =	stream.indirect.scatter.add.f32 [tilespmem:s23], [sflag:$0x5], $0x1, s3, s20, $0xb8;
	[tilespmem:$0x800] =	vst v63  }
0x9c: {  	_ =	swait.ge [sflag:s24], $0x80  }
0x9d: {  	[sflag:s24] =	ssyncset.done $0x0  }
0x9e: {  	[sflag:s24] =	ssyncadd.s32 $0xFFFFFF80  }
0x9f: {  	_ =	swait.ge [sflag:s0], $0x80  }
0xa0: {  	[sflag:s0] =	ssyncset.done $0x0  }
0xa1: {  	s8 =	sadd.s32 s7, s16;
	[sflag:s0] =	ssyncadd.s32 $0xFFFFFF80  }
0xa2: {  	[tilespmem:s25], [sflag:$0x4] =	stream.linear.gather [hbm4b:s8+s3], $0x80, $0x38;
	[tilespmem:$0x800] =	vst v63  }
0xa3: {  	_ = 	snop  }
0xa4: {  	[spmem:s1] =	stream.indirect.scatter.add.f32 [tilespmem:s23], [sflag:$0x6], $0x1, s20, s20, $0xb8;
	[tilespmem:$0x800] =	vst v63  }
0xa5: {  	_ =	swait.ge [sflag:s26], $0x80  }
0xa6: {  	[sflag:s26] =	ssyncset.done $0x0  }
0xa7: {  	[sflag:s26] =	ssyncadd.s32 $0xFFFFFF80  }
0xa8: {  	_ =	swait.ge [sflag:s28], $0x80  }
0xa9: {  	[sflag:s28] =	ssyncset.done $0x0  }
0xaa: {  	s8 =	sadd.s32 s7, s15;
	[sflag:s28] =	ssyncadd.s32 $0xFFFFFF80  }
0xab: {  	[tilespmem:s3], [sflag:$0x1] =	stream.linear.gather [hbm4b:s8+s3], $0x80, $0x38;
	[tilespmem:$0x800] =	vst v63  }
0xac: {  	_ = 	snop  }
0xad: {  	[spmem:s1] =	stream.indirect.scatter.add.f32 [tilespmem:s23], [sflag:$0x7], $0x1, s22, s20, $0xb8;
	[tilespmem:$0x800] =	vst v63  }
0xae: {  	_ =	swait.ge [sflag:s29], $0x80  }
0xaf: {  	[sflag:s29] =	ssyncset.done $0x0  }
.Ltmp0:
0xb0: {  	[sflag:s29] =	ssyncadd.s32 $0xFFFFFF80;
	(pc) =	sbr.rel @p0 .LBB2_2-.Ltmp0, $4  }
0xb1: {  	_ =	swait.ge [sflag:s30], $0x80  }
0xb2: {  	[sflag:s30] =	ssyncset.done $0x0  }
0xb3: {  	s7 =	sadd.s32 s7, s14;
	[sflag:s30] =	ssyncadd.s32 $0xFFFFFF80  }
0xb4: {  	[tilespmem:s20], [sflag:$0x2] =	stream.linear.gather [hbm4b:s7+s3], $0x80, $0x38;
	[tilespmem:$0x800] =	vst v63  }
0xb5: {  	[spmem:s1] =	stream.indirect.scatter.add.f32 [tilespmem:s23], [sflag:$0x8], $0x1, s25, s20, $0xb8;
	[tilespmem:$0x800] =	vst v63  }
0xb6: {  	_ =	swait.ge [sflag:s21], $0x80  }
0xb7: {  	[sflag:s21] =	ssyncset.done $0x0  }
0xb8: {  	[sflag:s21] =	ssyncadd.s32 $0xFFFFFF80  }
0xb9: {  	_ =	swait.ge [sflag:s31], $0x80  }
0xba: {  	[sflag:s31] =	ssyncset.done $0x0  }
0xbb: {  	[sflag:s31] =	ssyncadd.s32 $0xFFFFFF80  }
0xbc: {  	[spmem:s1] =	stream.indirect.scatter.add.f32 [tilespmem:s23], [sflag:$0x5], $0x1, s3, s20, $0xb8;
	[tilespmem:$0x800] =	vst v63  }
0xbd: {  	_ =	swait.ge [sflag:s24], $0x80  }
0xbe: {  	[sflag:s24] =	ssyncset.done $0x0  }
0xbf: {  	[sflag:s24] =	ssyncadd.s32 $0xFFFFFF80  }
0xc0: {  	_ =	swait.ge [sflag:s0], $0x80  }
0xc1: {  	[sflag:s0] =	ssyncset.done $0x0  }
0xc2: {  	[sflag:s0] =	ssyncadd.s32 $0xFFFFFF80  }
0xc3: {  	[spmem:s1] =	stream.indirect.scatter.add.f32 [tilespmem:s23], [sflag:$0x6], $0x1, s20, s20, $0xb8;
	[tilespmem:$0x800] =	vst v63  }
0xc4: {  	_ =	swait.ge [sflag:s28], $0x80  }
0xc5: {  	[sflag:s28] =	ssyncset.done $0x0  }
0xc6: {  	[sflag:s28] =	ssyncadd.s32 $0xFFFFFF80  }
0xc7: {  	_ =	swait.ge [sflag:s30], $0x80  }
0xc8: {  	[sflag:s30] =	ssyncset.done $0x0  }
0xc9: {  	[sflag:s30] =	ssyncadd.s32 $0xFFFFFF80  }
0xca: {  	[tilespmem:s2], [sflag:$0x9] =	stream.linear.gather [hbm4b:s11+s3], $0x10, $0x38;
	[tilespmem:$0x800] =	vst v63  }
0xcb: {  	_ =	swait.ge [sflag:s19], $0x10  }
0xcc: {  	[sflag:s19] =	ssyncset.done $0x0  }
0xcd: {  	s6 =	simm.s32 $0x10;
	[sflag:s19] =	ssyncadd.s32 $0xFFFFFFF0  }
0xce: {  	[spmem:s1] =	stream.indirect.scatter.add.f32 [tilespmem:s23], [sflag:$0x9], $0x1, s2, s6, $0xb8;
	[tilespmem:$0x800] =	vst v63  }
0xcf: {  	s8 =	stileid.u32;
	_ =	swait.ge [sflag:s19], $0x10  }
0xd0: {  	s7 =	sshrl.u32 s4, $0x3;
	s18 =	sadd.s32 $0x1, s18;
	[sflag:s19] =	ssyncset.done $0x0  }
0xd1: {  	p0 =	sne.s32 s18, s12;
	s6 =	sshll.u32 s8, $0x6;
	[sflag:s19] =	ssyncadd.s32 $0xFFFFFFF0  }
.Ltmp1:
0xd2: {  	s6 =	sor.u32 $0x1C09, s6;
	[bflag:$0x0] =	sbarrier.arrive $0xFFFF;
	(pc) =	sbr.rel @p0 .LBB2_1-.Ltmp1, $4  }
0xd3: {  	[hbm:s13], [sflag:s6] =	dma.local [spmem:s7], $0x50  }
0xd4: {  	_ =	swait.ge [sflag:s19], $0x50  }
0xd5: {  	[sflag:s19] =	ssyncset.done $0x0  }
0xd6: {  	[sflag:s19] =	ssyncadd.s32 $0xFFFFFFB0  }
0xd7: {  	_ =	sfence.sel $0x180000  }
0xd8: {  	[bflag:$0x0] =	sbarrier.arrive $0xFFFF  }
0xd9: {  	_ =	strace $0x90000047  }
0xda: {  	s0 =	stileid.u32;
	[bflag:$0x2] =	sbarrier.arrive $0xFFFF  }
0xdb: {  	p0 =	sne.s32 s0, $0x0;
	s0 =	rddreg [dreg:$0x3]  }
0xdc: {  	s0 =	sadd.s32 @!p0 $0x100000, s0  }
0xdd: {  	[sflag:s0] =	ssyncadd.tile.s32 @!p0 $0x1;
	_ =	shalt  }
.Lfunc_end2:
_tile_overlayer_lowered:
.L_overlay_start_2:
0xde: {  	(tag) =	ssettag $0x2  }
0xdf: {  	s0 =	rddreg [dreg:$0x0];
	s2 =	stileid.u32  }
0xe0: {  	s1 =	rddreg [dreg:$0x1];
	p0 =	sne.s32 s2, $0x0  }
0xe1: {  	s3 =	rddreg [dreg:$0x2];
	[bflag:$0x3] =	sbarrier.arrive $0xFFFF;
	s2 =	simm.s32 @!p0 $0x1C09  }
0xe2: {  	[timem:s3], [sflag:s2] =	dma.local @!p0 [hbm:s0], s1  }
0xe3: {  	s0 =	simm.s32 @!p0 $0x9  }
0xe4: {  	_ =	swait.ge @!p0 [sflag:s0], s1  }
0xe5: {  	s1 =	ssub.s32 @!p0 $0x0, s1;
	[sflag:s0] =	ssyncset.done @!p0 $0x0  }
0xe6: {  	[sflag:s0] =	ssyncadd.s32 @!p0 s1  }
0xe7: {  	[bflag:$0x3] =	sbarrier.arrive $0xFFFF  }
0xe8: {  	_ =	shalt  }

// kernel: kernel.9.cloned.1.call-start
scs
__scs_entry_jumppad:
0x0: {  	(pc) =	sbr.rel $0x88, $3  }
0x1: {  	(tag) =	ssettag $0x0;
	lr =	simm.s32 $0x1  }
0x2: {  	[smem:$0x3F9F] =	sst lr;
	_ =	strace $0xD0000000  }
0x3: {  	_ = 	snop  }
0x4: {  	_ = 	snop  }
0x5: {  	_ = 	snop  }
0x6: {  	_ = 	snop  }
0x7: {  	_ = 	snop  }
__scs_overlays_trampoline_lowered:
0x8: {  	[smem:$0x3FAE] =	sst s0  }
0x9: {  	[smem:$0x3FAF] =	sst s1  }
0xa: {  	[smem:$0x3FB0] =	sst s2  }
0xb: {  	[smem:$0x3FB1] =	sst s3  }
0xc: {  	[smem:$0x3FB2] =	sst s4  }
0xd: {  	[smem:$0x3FB3] =	sst s5  }
0xe: {  	[smem:$0x3FB4] =	sst s6  }
0xf: {  	[smem:$0x3FB5] =	sst s7  }
0x10: {  	[smem:$0x3FB6] =	sst s8  }
0x11: {  	[smem:$0x3FB7] =	sst s9;
	s0 =	simm.s32 @!p0 $0x0  }
0x12: {  	s1 =	sld [smem:$0x3F9D];
	s0 =	simm.s32 @p0 $0x1  }
0x13: {  	[smem:$0x3FB8] =	sst s0;
	s0 =	simm.s32 @!p1 $0x0  }
0x14: {  	s2 =	sld [smem:$0x3F9C];
	s0 =	simm.s32 @p1 $0x1  }
0x15: {  	[smem:$0x3FB9] =	sst s0;
	s0 =	simm.s32 @!p2 $0x0  }
0x16: {  	s3 =	sld [smem:$0x3FDB];
	s0 =	simm.s32 @p2 $0x1  }
0x17: {  	s4 =	simm.s32 $0x1BF5;
	[smem:$0x3FBB] =	sst s0  }
0x18: {  	s0 =	sld [smem:$0x3F9E];
	_ =	swait.ge [sflag:s4], $0x0  }
0x19: {  	s7 =	sld [smem:$0x3F9F]  }
0x1a: {  	s8 =	sadd.s32 $0xFFFFE003, lr  }
0x1b: {  	s9 =	sadd.s32 $0xFFFFFEF7, lr;
	s5 =	simm.s32 $0xFFFFFFFF;
	p2 =	slt.u32 s8, $0xFFFFF086  }
0x1c: {  	p1 =	slt.u32 s9, $0xF7A;
	s5 =	simm.s32 @!p2 $0x0  }
0x1d: {  	s5 =	simm.s32 @p1 $0x1;
	p0 =	seq.s32 s7, s2  }
0x1e: {  	s7 =	smul.u32 @!p0 $0xF7A, s2;
	p2 =	seq.s32 @!p0 s5, $0x0  }
0x1f: {  	s9 =	smul.u32 $0xF7A, s1;
	s8 =	simm.s32 @!p0 $0x1BF5;
	p2 =	por !p2, p0  }
0x20: {  	[sflag:s8] =	ssyncset.s32 @!p0 $0xFFFFF086;
	s6 =	sadd.s32 @!p0 s3, s7;
	s7 =	simm.s32 @!p0 $0x108  }
0x21: {  	s3 =	sadd.s32 s3, s9;
	s6 =	sadd.s32 @!p0 $0x88, s6;
	s7 =	simm.s32 @p2 $0x1082  }
0x22: {  	[simem:s7], [sflag:s8] =	dma.local @!p0 [hbm:s6], $0xF7A  }
0x23: {  	s9 =	sor.u32 $0xD0000000, s2;
	s6 =	simm.s32 $0x108;
	_ =	swait.ge @!p0 [sflag:s8], $0x0  }
0x24: {  	s3 =	sadd.s32 $0x88, s3;
	s6 =	simm.s32 @!p1 $0x1082;
	[sflag:s4] =	ssyncset.s32 $0xFFFFF086  }
0x25: {  	[simem:s6], [sflag:s4] =	dma.local [hbm:s3], $0xF7A  }
0x26: {  	[smem:$0x3F9F] =	sst s1;
	(tag) =	ssettag s2;
	_ =	strace s9  }
0x27: {  	s1 =	sld [smem:$0x3FAF]  }
0x28: {  	s2 =	sld [smem:$0x3FB0]  }
0x29: {  	s4 =	sld [smem:$0x3FB2]  }
0x2a: {  	p0 =	seq.s32 s5, $0x0;
	s5 =	sld [smem:$0x3FB3]  }
0x2b: {  	s6 =	sld [smem:$0x3FB4]  }
0x2c: {  	s7 =	sld [smem:$0x3FB5]  }
0x2d: {  	s3 =	simm.s32 $0x108;
	s8 =	sld [smem:$0x3FB6]  }
0x2e: {  	s3 =	simm.s32 @!p0 $0x1082;
	s9 =	sld [smem:$0x3FB7]  }
0x2f: {  	lr =	sadd.s32 s0, s3;
	s0 =	sld [smem:$0x3FAE]  }
0x30: {  	s3 =	sld [smem:$0x3FB1]  }
0x31: {  	[smem:$0x3FBA] =	sst s10  }
0x32: {  	s10 =	sld [smem:$0x3FB8];
	_ =	sdelay $0x3  }
0x33: {  	p0 =	seq.s32 s10, $0x1;
	s10 =	sld [smem:$0x3FBA];
	_ =	sdelay $0x3  }
0x34: {  	[smem:$0x3FBA] =	sst s10  }
0x35: {  	s10 =	sld [smem:$0x3FB9];
	_ =	sdelay $0x3  }
0x36: {  	p1 =	seq.s32 s10, $0x1;
	s10 =	sld [smem:$0x3FBA];
	_ =	sdelay $0x3  }
0x37: {  	[smem:$0x3FBA] =	sst s10  }
0x38: {  	s10 =	sld [smem:$0x3FBB]  }
0x39: {  	_ = 	snop;
	(pc) =	sbr.ind lr, $3  }
0x3a: {  	_ = 	snop  }
0x3b: {  	_ = 	snop  }
0x3c: {  	p2 =	seq.s32 s10, $0x1;
	s10 =	sld [smem:$0x3FBA]  }
0x3d: {  	_ =	shalt  }
0x3e: {  	_ =	shalt  }
0x3f: {  	_ =	shalt  }
0x40: {  	_ =	shalt  }
0x41: {  	_ =	shalt  }
0x42: {  	_ =	shalt  }
0x43: {  	_ =	shalt  }
0x44: {  	_ =	shalt  }
0x45: {  	_ =	shalt  }
0x46: {  	_ =	shalt  }
0x47: {  	_ =	shalt  }
0x48: {  	_ =	shalt  }
0x49: {  	_ =	shalt  }
0x4a: {  	_ =	shalt  }
0x4b: {  	_ =	shalt  }
0x4c: {  	_ =	shalt  }
0x4d: {  	_ =	shalt  }
0x4e: {  	_ =	shalt  }
0x4f: {  	_ =	shalt  }
0x50: {  	_ =	shalt  }
0x51: {  	_ =	shalt  }
0x52: {  	_ =	shalt  }
0x53: {  	_ =	shalt  }
0x54: {  	_ =	shalt  }
0x55: {  	_ =	shalt  }
0x56: {  	_ =	shalt  }
0x57: {  	_ =	shalt  }
0x58: {  	_ =	shalt  }
0x59: {  	_ =	shalt  }
0x5a: {  	_ =	shalt  }
0x5b: {  	_ =	shalt  }
0x5c: {  	_ =	shalt  }
0x5d: {  	_ =	shalt  }
0x5e: {  	_ =	shalt  }
0x5f: {  	_ =	shalt  }
0x60: {  	_ =	shalt  }
0x61: {  	_ =	shalt  }
0x62: {  	_ =	shalt  }
0x63: {  	_ =	shalt  }
0x64: {  	_ =	shalt  }
0x65: {  	_ =	shalt  }
0x66: {  	_ =	shalt  }
0x67: {  	_ =	shalt  }
0x68: {  	_ =	shalt  }
0x69: {  	_ =	shalt  }
0x6a: {  	_ =	shalt  }
0x6b: {  	_ =	shalt  }
0x6c: {  	_ =	shalt  }
0x6d: {  	_ =	shalt  }
0x6e: {  	_ =	shalt  }
0x6f: {  	_ =	shalt  }
0x70: {  	_ =	shalt  }
0x71: {  	_ =	shalt  }
0x72: {  	_ =	shalt  }
0x73: {  	_ =	shalt  }
0x74: {  	_ =	shalt  }
0x75: {  	_ =	shalt  }
0x76: {  	_ =	shalt  }
0x77: {  	_ =	shalt  }
0x78: {  	_ =	shalt  }
0x79: {  	_ =	shalt  }
0x7a: {  	_ =	shalt  }
0x7b: {  	_ =	shalt  }
0x7c: {  	_ =	shalt  }
0x7d: {  	_ =	shalt  }
0x7e: {  	_ =	shalt  }
0x7f: {  	_ =	shalt  }
0x80: {  	_ =	shalt  }
0x81: {  	_ =	shalt  }
0x82: {  	_ =	shalt  }
0x83: {  	_ =	shalt  }
0x84: {  	_ =	shalt  }
0x85: {  	_ =	shalt  }
0x86: {  	_ =	shalt  }
0x87: {  	_ =	shalt  }
.Lfunc_end0:
.L_simem_size_0:
called_computation.1_lowered:
.L_overlay_start_0:
0x88: {  	s2 =	sld [smem:$0x3FD9]  }
0x89: {  	s3 =	sld [smem:$0x3FFE];
	_ =	sdelay $0x1  }
0x8a: {  	s1 =	srdreg.scid  }
0x8b: {  	s0 =	sand.u32 $0x1, s1  }
0x8c: {  	s17 =	sshll.u32 s0, $0xA;
	s2 =	sadd.s32 s3, s2  }
0x8d: {  	s2 =	sadd.s32 s2, s17  }
0x8e: {  	[smem:$0x3FC6] =	sst s2  }
0x8f: {  	_ = 	snop  }
0x90: {  	s2 =	sld [smem:$0x3FD0];
	(tm) =	ssettm $0x1  }
0x91: {  	s18 =	sld [smem:$0x3FFB];
	_ =	sdelay $0x3  }
0x92: {  	_ =	strace s18  }
0x93: {  	s3 =	sld [smem:$0x3FFC];
	_ =	sdelay $0x3  }
0x94: {  	_ =	strace s3  }
0x95: {  	s3 =	sld [smem:$0x3FFD];
	_ =	sdelay $0x3  }
0x96: {  	_ =	strace s3  }
0x97: {  	_ =	strace $0x8FFFFFFF  }
0x98: {  	s19 =	sld [smem:$0x3FDB];
	_ =	sdelay $0x1  }
0x99: {  	s4 =	simm.s32 $_scs_section_size  }
0x9a: {  	s5 =	simm.s32 $_size__tile_overlayer_lowered;
	s6 =	simm.s32 $_tile_overlayer_lowered  }
0x9b: {  	s22 =	simm.s32 $0x1BFF;
	s21 =	sshll.u32 s6, $0x1;
	s3 =	sadd.s32 s4, s19  }
0x9c: {  	s7 =	simm.s32 $0x0;
	s20 =	sshll.u32 s5, $0x1;
	s5 =	sadd.s32 s21, s3  }
0x9d: {  	[timem:s7], [sflag:s22] =	dma.local [hbm:s5], s20  }
0x9e: {  	_ =	swait.ge [sflag:s22], s20  }
0x9f: {  	s4 =	ssub.s32 $0x0, s20;
	[sflag:s22] =	ssyncset.done $0x0  }
0xa0: {  	[sflag:s22] =	ssyncadd.s32 s4;
	_ =	sdelay $0x1  }
0xa1: {  	s23 =	simm.s32 $0x1B8B  }
0xa2: {  	_ =	swait.ge [sflag:s23], $0x1  }
0xa3: {  	[sflag:s23] =	ssyncset.done $0x0  }
0xa4: {  	s25 =	simm.s32 $0x1B8E;
	s24 =	sld [smem:$0x3FFE];
	[sflag:s23] =	ssyncadd.s32 $0xFFFFFFFF  }
0xa5: {  	s26 =	simm.s32 $execute0_lowered;
	[smem:$0x3FD2] =	sst s25  }
0xa6: {  	s5 =	sshll.u32 s26, $0x1;
	_ =	strace $0x80000049;
	[dreg:$0x1] =	wrdreg $0xFFFFFFFF  }
0xa7: {  	s28 =	simm.s32 $_size_execute0_lowered;
	s3 =	sadd.s32 s3, s5;
	[dreg:$0x0] =	wrdreg $0x0  }
0xa8: {  	s5 =	sshll.u32 s28, $0x1;
	[dreg:$0x2] =	wrdreg s3  }
0xa9: {  	[dreg:$0x3] =	wrdreg s5  }
0xaa: {  	[dreg:$0x4] =	wrdreg $0xC0  }
0xab: {  	_ =	task [dreg:s7], $0x5FFFF  }
0xac: {  	[dreg:$0x1] =	wrdreg $0xFFFFFFFF  }
0xad: {  	[dreg:$0x0] =	wrdreg $0x60  }
0xae: {  	[dreg:$0x2] =	wrdreg s2  }
0xaf: {  	[dreg:$0x3] =	wrdreg s24  }
0xb0: {  	[dreg:$0x4] =	wrdreg $0x85000  }
0xb1: {  	[dreg:$0x5] =	wrdreg $0x9  }
0xb2: {  	_ =	task.clear_ibuf [dreg:s7], $0x6FFFF;
	_ =	strace $0x90000049  }
0xb3: {  	s29 =	simm.s32 $0x9;
	_ =	strace $0x8000004B  }
0xb4: {  	_ =	swait.ge [sflag:s29], $0x1  }
0xb5: {  	[sflag:s29] =	ssyncadd.s32 $0xFFFFFFFF  }
0xb6: {  	_ =	strace $0x9000004B  }
0xb7: {  	_ =	sfence  }
0xb8: {  	s30 =	sld [smem:$0x0];
	_ =	sdelay $0x2  }
0xb9: {  	s31 =	sshll.u32 s1, $0xD;
	s1 =	sshrl.u32 s1, $0x2  }
0xba: {  	s3 =	sand.u32 $0x4000, s31;
	s1 =	sadd.s32 s1, s30  }
0xbb: {  	s0 =	sor.u32 s3, s0;
	s1 =	sshll.u32 s1, $0x11  }
0xbc: {  	s0 =	sor.u32 s1, s0  }
0xbd: {  	s0 =	sadd.s32 $0x8F2B, s0  }
0xbe: {  	[sflag:s0] =	ssyncadd.remote.s32 $0x1  }
0xbf: {  	_ =	sfence.sel $0xFFFF  }
0xc0: {  	[dreg:$0x0] =	wrdreg $0xFFFFFFFF;
	(pc) =	sbr.abs _section_cstart, $3  }
0xc1: {  	[dreg:$0x1] =	wrdreg $0xFFFFFFFF  }
0xc2: {  	_ =	task.clear_ibuf [dreg:s7], $0x2FFFF;
	_ =	strace $0x9FFFFFFF  }
0xc3: {  	(tm) =	ssettm $0x7FFFFFFF  }
tec
execute0_lowered:
.L_overlay_start_1:
0x0: {  	(tag) =	ssettag $0x1  }
0x1: {  	s0 =	rddreg [dreg:$0x0]  }
0x2: {  	s1 =	rddreg [dreg:$0x1]  }
0x3: {  	s2 =	srdreg.scid;
	s12 =	stileid.u32  }
0x4: {  	s3 =	rddreg [dreg:$0x2];
	s6 =	smul.u32 $0x14000, s12  }
0x5: {  	s4 =	simm.s32 $0x0;
	s29 =	simm.s32 $0x500;
	s26 =	smul.u32 $0x50000, s12  }
0x6: {  	s30 =	simm.s32 $0x9;
	s2 =	sand.u32 $0x1, s2;
	s16 =	smul.u32 $0x2710, s12  }
0x7: {  	s31 =	simm.s32 $0x200;
	[smem:$0x7FF] =	sst s4;
	s5 =	smul.u32 $0x140000, s2  }
0x8: {  	s28 =	sshll.u32 s2, $0x4;
	s9 =	ssub.s32 $0x2, s2;
	s2 =	smul.u32 $0x27100, s2  }
0x9: {  	s7 =	sadd.s32 $0x1800, s1;
	_ =	strace $0x8000004A;
	s10 =	sshrl.u32 s9, $0x1  }
0xa: {  	s5 =	sadd.s32 s6, s5;
	s6 =	sshrl.u32 s26, $0x2;
	s2 =	sadd.s32 s16, s2  }
0xb: {  	s8 =	sshrl.u32 s5, $0x3;
	s5 =	sor.u32 s12, s28;
	s24 =	sadd.s32 $0x4E600, s2  }
0xc: {  	s26 =	sadd.s32 $0x400, s2;
	s11 =	smul.u32 $0x2710, s5;
	s5 =	sadd.s32 s6, s3  }
0xd: {  	s1 =	sadd.s32 s8, s1;
	s6 =	ssub.s32 s9, s10;
	s10 =	sadd.s32 $0x4000, s5  }
0xe: {  	s8 =	sshrl.u32 s24, $0x3;
	s13 =	sadd.s32 $0x8000, s5;
	[dreg:$0xa] =	wrdreg s10  }
0xf: {  	s15 =	sadd.s32 $0xC000, s5;
	s17 =	sadd.s32 $0x10000, s5;
	[dreg:$0xb] =	wrdreg s13  }
0x10: {  	s8 =	sadd.s32 s8, s7;
	s1 =	sadd.s32 $0x15200, s1;
	[dreg:$0xc] =	wrdreg s15  }
0x11: {  	s14 =	sshrl.u32 s11, $0x3;
	[dreg:$0xd] =	wrdreg s17;
	s10 =	sshrl.u32 s26, $0x3  }
0x12: {  	[dreg:$0x4] =	wrdreg s8;
	s11 =	sadd.s32 $0x4E580, s2;
	s13 =	sadd.s32 $0x380, s2  }
0x13: {  	[dreg:$0x19] =	wrdreg s1;
	s9 =	sadd.s32 s7, s14;
	s10 =	sadd.s32 s10, s7  }
0x14: {  	s1 =	simm.s32 $0x80;
	s18 =	sadd.s32 $0x9C40, s9;
	[dreg:$0x5] =	wrdreg s10  }
0x15: {  	s12 =	sshrl.u32 s11, $0x3;
	s19 =	sadd.s32 $0x10, s9;
	[dreg:$0xe] =	wrdreg s18  }
0x16: {  	s14 =	sadd.s32 $0x4E500, s2;
	s20 =	sadd.s32 $0x9C50, s9;
	[dreg:$0xf] =	wrdreg s19  }
0x17: {  	s11 =	simm.s32 $0x2;
	s21 =	sadd.s32 $0x20, s9;
	[dreg:$0x10] =	wrdreg s20  }
0x18: {  	s22 =	sadd.s32 $0x9C60, s9;
	s23 =	sadd.s32 $0x30, s9;
	[dreg:$0x11] =	wrdreg s21  }
0x19: {  	s25 =	sadd.s32 $0x9C70, s9;
	s28 =	sadd.s32 $0x40, s9;
	[dreg:$0x12] =	wrdreg s22  }
0x1a: {  	s8 =	sadd.s32 s12, s7;
	s10 =	sshrl.u32 s13, $0x3;
	[dreg:$0x13] =	wrdreg s23  }
0x1b: {  	s16 =	sshrl.u32 s14, $0x3;
	s24 =	sadd.s32 $0x9C90, s9;
	[dreg:$0x14] =	wrdreg s25  }
0x1c: {  	s26 =	sadd.s32 $0x4E0, s9;
	s12 =	simm.s32 $0x4500;
	[dreg:$0x15] =	wrdreg s28  }
0x1d: {  	s13 =	simm.s32 $0x6;
	s14 =	simm.s32 $0x7;
	[dreg:$0x6] =	wrdreg s8  }
0x1e: {  	s15 =	sadd.s32 s10, s7;
	s17 =	sadd.s32 s16, s7;
	[dreg:$0x18] =	wrdreg s24  }
0x1f: {  	s18 =	sadd.s32 $0x300, s2;
	s19 =	sadd.s32 $0x9C80, s9;
	[dreg:$0x1b] =	wrdreg s26  }
0x20: {  	s21 =	sadd.s32 $0x4E680, s2;
	s2 =	sadd.s32 $0x480, s2;
	[dreg:$0x7] =	wrdreg s15  }
0x21: {  	s23 =	sadd.s32 $0x50, s9;
	s25 =	smax.u32 s6, $0x1;
	[dreg:$0x16] =	wrdreg s19  }
0x22: {  	s28 =	sadd.s32 $0xA120, s9;
	s6 =	simm.s32 $0x1;
	[dreg:$0x8] =	wrdreg s17  }
0x23: {  	s10 =	simm.s32 $0x300;
	s16 =	simm.s32 $0x380;
	[dreg:$0x17] =	wrdreg s23  }
0x24: {  	s24 =	simm.s32 $0x10;
	s20 =	sshrl.u32 s18, $0x3;
	[dreg:$0x1a] =	wrdreg s25  }
0x25: {  	s22 =	sshrl.u32 s21, $0x3;
	s2 =	sshrl.u32 s2, $0x3;
	[dreg:$0x1c] =	wrdreg s28  }
0x26: {  	s15 =	simm.s32 $0x180;
	s17 =	simm.s32 $0x3;
	s18 =	simm.s32 $0x8  }
0x27: {  	s19 =	simm.s32 $0x4;
	s25 =	simm.s32 $0x0;
	s8 =	sadd.s32 s20, s7  }
0x28: {  	s21 =	sadd.s32 s22, s7;
	s22 =	sadd.s32 s2, s7;
	s2 =	simm.s32 $0x280  }
0x29: {  	v0 =	vimm.f32 $0.0e+00;
	s7 =	simm.s32 $0x5;
	[dreg:$0x9] =	wrdreg s8;
	s8 =	simm.s32 $0x100  }
.LBB2_1:
0x2a: {  	s26 =	simm.s32 $0x0;
	s28 =	simm.s32 $0x200  }
.LBB2_2:
0x2b: {  	p0 =	sne.s32 s28, $0xFE00;
	[tilespmem:s26+$0x570] =	vst v0  }
0x2c: {  	[tilespmem:s26+$0x500] =	vst v0  }
0x2d: {  	[tilespmem:s26+$0x510] =	vst v0  }
.Ltmp0:
0x2e: {  	[tilespmem:s26+$0x520] =	vst v0;
	(pc) =	sbr.rel @p0 .LBB2_2-.Ltmp0, $4  }
0x2f: {  	[tilespmem:s26+$0x530] =	vst v0  }
0x30: {  	[tilespmem:s26+$0x540] =	vst v0  }
0x31: {  	[tilespmem:s26+$0x550] =	vst v0  }
0x32: {  	[tilespmem:s26+$0x560] =	vst v0;
	s26 =	sshra.s32 s28, $0x2;
	s28 =	sadd.s32 $0x200, s28  }
0x33: {  	[tilespmem:s26+$0x570] =	vst v0  }
0x34: {  	[tilespmem:s26+$0x500] =	vst v0  }
0x35: {  	[tilespmem:s26+$0x510] =	vst v0  }
0x36: {  	[tilespmem:s26+$0x520] =	vst v0  }
0x37: {  	[tilespmem:s26+$0x530] =	vst v0  }
0x38: {  	[tilespmem:s26+$0x540] =	vst v0  }
0x39: {  	[tilespmem:s26+$0x550] =	vst v0  }
0x3a: {  	[tilespmem:s26+$0x560] =	vst v0  }
0x3b: {  	[spmem:s5] =	stream.linear.scatter [tilespmem:s29], [sflag:$0x9], $0x4000, $0x38;
	[tilespmem:$0x1C500] =	vst v63  }
0x3c: {  	_ =	swait.ge [sflag:s30], $0x4000  }
0x3d: {  	[sflag:s30] =	ssyncset.done $0x0  }
0x3e: {  	s20 =	rddreg [dreg:$0xa];
	[sflag:s30] =	ssyncadd.s32 $0xFFFFC000  }
0x3f: {  	[spmem:s20] =	stream.linear.scatter [tilespmem:s29], [sflag:$0x9], $0x4000, $0x38;
	[tilespmem:$0x1C500] =	vst v63  }
0x40: {  	_ =	swait.ge [sflag:s30], $0x4000  }
0x41: {  	[sflag:s30] =	ssyncset.done $0x0  }
0x42: {  	s28 =	rddreg [dreg:$0xb];
	[sflag:s30] =	ssyncadd.s32 $0xFFFFC000  }
0x43: {  	[spmem:s28] =	stream.linear.scatter [tilespmem:s29], [sflag:$0x9], $0x4000, $0x38;
	[tilespmem:$0x1C500] =	vst v63  }
0x44: {  	_ =	swait.ge [sflag:s30], $0x4000  }
0x45: {  	[sflag:s30] =	ssyncset.done $0x0  }
0x46: {  	s23 =	rddreg [dreg:$0xc];
	[sflag:s30] =	ssyncadd.s32 $0xFFFFC000  }
0x47: {  	[spmem:s23] =	stream.linear.scatter [tilespmem:s29], [sflag:$0x9], $0x4000, $0x38;
	[tilespmem:$0x1C500] =	vst v63  }
0x48: {  	_ =	swait.ge [sflag:s30], $0x4000  }
0x49: {  	[sflag:s30] =	ssyncset.done $0x0  }
0x4a: {  	s26 =	rddreg [dreg:$0xd];
	[sflag:s30] =	ssyncadd.s32 $0xFFFFC000  }
0x4b: {  	[spmem:s26] =	stream.linear.scatter [tilespmem:s29], [sflag:$0x9], $0x4000, $0x38;
	[tilespmem:$0x1C500] =	vst v63  }
0x4c: {  	_ =	swait.ge [sflag:s30], $0x4000  }
0x4d: {  	[sflag:s30] =	ssyncset.done $0x0  }
0x4e: {  	[sflag:s30] =	ssyncadd.s32 $0xFFFFC000  }
0x4f: {  	s26 =	simm.s32 $0x0;
	[bflag:$0x0] =	sbarrier.arrive $0xFFFF  }
0x50: {  	[tilespmem:s26], [sflag:$0x1] =	stream.linear.gather [hbm4b:s9+s26], $0x80, $0x38;
	[tilespmem:$0x1C500] =	vst v63  }
0x51: {  	s28 =	rddreg [dreg:$0xe]  }
0x52: {  	[tilespmem:s31], [sflag:$0x1] =	stream.linear.gather [hbm4b:s28+s26], $0x80, $0x38;
	[tilespmem:$0x1C500] =	vst v63  }
0x53: {  	s23 =	rddreg [dreg:$0xf]  }
0x54: {  	[tilespmem:s1], [sflag:$0x2] =	stream.linear.gather [hbm4b:s23+s26], $0x80, $0x38;
	[tilespmem:$0x1C500] =	vst v63  }
0x55: {  	s28 =	rddreg [dreg:$0x10]  }
0x56: {  	[tilespmem:s2], [sflag:$0x2] =	stream.linear.gather [hbm4b:s28+s26], $0x80, $0x38;
	[tilespmem:$0x1C500] =	vst v63  }
0x57: {  	_ =	swait.ge [sflag:s6], $0x80  }
0x58: {  	[sflag:s6] =	ssyncset.done $0x0  }
0x59: {  	[sflag:s6] =	ssyncadd.s32 $0xFFFFFF80  }
0x5a: {  	_ =	swait.ge [sflag:s6], $0x80  }
0x5b: {  	[sflag:s6] =	ssyncset.done $0x0  }
0x5c: {  	[sflag:s6] =	ssyncadd.s32 $0xFFFFFF80  }
0x5d: {  	[tilespmem:s29], [sflag:$0x5] =	stream.indirect.gather [hbm4b:s0+s1], $0x80, s31, s1, $0xb8;
	[tilespmem:$0x1C500] =	vst v63  }
0x5e: {  	_ =	swait.ge [sflag:s7], $0x4000  }
0x5f: {  	[sflag:s7] =	ssyncset.done $0x0  }
0x60: {  	[sflag:s7] =	ssyncadd.s32 $0xFFFFC000  }
0x61: {  	[spmem:s3] =	stream.indirect.scatter.add.f32 [tilespmem:s29], [sflag:$0x7], $0x80, s26, s1, $0xb8;
	[tilespmem:$0x1C500] =	vst v63  }
0x62: {  	s23 =	rddreg [dreg:$0x11]  }
0x63: {  	[tilespmem:s8], [sflag:$0x3] =	stream.linear.gather [hbm4b:s23+s26], $0x80, $0x38;
	[tilespmem:$0x1C500] =	vst v63  }
0x64: {  	s28 =	rddreg [dreg:$0x12]  }
0x65: {  	[tilespmem:s10], [sflag:$0x3] =	stream.linear.gather [hbm4b:s28+s26], $0x80, $0x38;
	[tilespmem:$0x1C500] =	vst v63  }
0x66: {  	_ =	swait.ge [sflag:s11], $0x80  }
0x67: {  	[sflag:s11] =	ssyncset.done $0x0  }
0x68: {  	[sflag:s11] =	ssyncadd.s32 $0xFFFFFF80  }
0x69: {  	_ =	swait.ge [sflag:s11], $0x80  }
0x6a: {  	[sflag:s11] =	ssyncset.done $0x0  }
0x6b: {  	[sflag:s11] =	ssyncadd.s32 $0xFFFFFF80  }
0x6c: {  	[tilespmem:s12], [sflag:$0x6] =	stream.indirect.gather [hbm4b:s0+s1], $0x80, s2, s1, $0xb8;
	[tilespmem:$0x1C500] =	vst v63  }
0x6d: {  	_ =	swait.ge [sflag:s13], $0x4000  }
0x6e: {  	[sflag:s13] =	ssyncset.done $0x0  }
0x6f: {  	[sflag:s13] =	ssyncadd.s32 $0xFFFFC000  }
0x70: {  	[spmem:s3] =	stream.indirect.scatter.add.f32 [tilespmem:s12], [sflag:$0x8], $0x80, s1, s1, $0xb8;
	[tilespmem:$0x1C500] =	vst v63  }
0x71: {  	_ =	swait.ge [sflag:s14], $0x4000  }
0x72: {  	[sflag:s14] =	ssyncset.done $0x0  }
0x73: {  	s23 =	rddreg [dreg:$0x13];
	[sflag:s14] =	ssyncadd.s32 $0xFFFFC000  }
0x74: {  	[tilespmem:s15], [sflag:$0x4] =	stream.linear.gather [hbm4b:s23+s26], $0x80, $0x38;
	[tilespmem:$0x1C500] =	vst v63  }
0x75: {  	s28 =	rddreg [dreg:$0x14]  }
0x76: {  	[tilespmem:s16], [sflag:$0x4] =	stream.linear.gather [hbm4b:s28+s26], $0x80, $0x38;
	[tilespmem:$0x1C500] =	vst v63  }
0x77: {  	_ =	swait.ge [sflag:s17], $0x80  }
0x78: {  	[sflag:s17] =	ssyncset.done $0x0  }
0x79: {  	[sflag:s17] =	ssyncadd.s32 $0xFFFFFF80  }
0x7a: {  	_ =	swait.ge [sflag:s17], $0x80  }
0x7b: {  	[sflag:s17] =	ssyncset.done $0x0  }
0x7c: {  	[sflag:s17] =	ssyncadd.s32 $0xFFFFFF80  }
0x7d: {  	[tilespmem:s29], [sflag:$0x5] =	stream.indirect.gather [hbm4b:s0+s1], $0x80, s10, s1, $0xb8;
	[tilespmem:$0x1C500] =	vst v63  }
0x7e: {  	_ =	swait.ge [sflag:s7], $0x4000  }
0x7f: {  	[sflag:s7] =	ssyncset.done $0x0  }
0x80: {  	[sflag:s7] =	ssyncadd.s32 $0xFFFFC000  }
0x81: {  	[spmem:s3] =	stream.indirect.scatter.add.f32 [tilespmem:s29], [sflag:$0x7], $0x80, s8, s1, $0xb8;
	[tilespmem:$0x1C500] =	vst v63  }
0x82: {  	_ =	swait.ge [sflag:s18], $0x4000  }
0x83: {  	[sflag:s18] =	ssyncset.done $0x0  }
0x84: {  	s23 =	rddreg [dreg:$0x15];
	[sflag:s18] =	ssyncadd.s32 $0xFFFFC000  }
0x85: {  	[tilespmem:s26], [sflag:$0x1] =	stream.linear.gather [hbm4b:s23+s26], $0x80, $0x38;
	[tilespmem:$0x1C500] =	vst v63  }
0x86: {  	s28 =	rddreg [dreg:$0x16]  }
0x87: {  	[tilespmem:s31], [sflag:$0x1] =	stream.linear.gather [hbm4b:s28+s26], $0x80, $0x38;
	[tilespmem:$0x1C500] =	vst v63  }
0x88: {  	_ =	swait.ge [sflag:s19], $0x80  }
0x89: {  	[sflag:s19] =	ssyncset.done $0x0  }
0x8a: {  	[sflag:s19] =	ssyncadd.s32 $0xFFFFFF80  }
0x8b: {  	_ =	swait.ge [sflag:s19], $0x80  }
0x8c: {  	[sflag:s19] =	ssyncset.done $0x0  }
0x8d: {  	[sflag:s19] =	ssyncadd.s32 $0xFFFFFF80  }
0x8e: {  	[tilespmem:s12], [sflag:$0x6] =	stream.indirect.gather [hbm4b:s0+s1], $0x80, s16, s1, $0xb8;
	[tilespmem:$0x1C500] =	vst v63  }
0x8f: {  	_ =	swait.ge [sflag:s13], $0x4000  }
0x90: {  	[sflag:s13] =	ssyncset.done $0x0  }
0x91: {  	[sflag:s13] =	ssyncadd.s32 $0xFFFFC000  }
0x92: {  	[spmem:s3] =	stream.indirect.scatter.add.f32 [tilespmem:s12], [sflag:$0x8], $0x80, s15, s1, $0xb8;
	[tilespmem:$0x1C500] =	vst v63  }
0x93: {  	_ =	swait.ge [sflag:s14], $0x4000  }
0x94: {  	[sflag:s14] =	ssyncset.done $0x0  }
0x95: {  	s23 =	rddreg [dreg:$0x17];
	[sflag:s14] =	ssyncadd.s32 $0xFFFFC000  }
0x96: {  	[tilespmem:s1], [sflag:$0x2] =	stream.linear.gather [hbm4b:s23+s26], $0x80, $0x38;
	[tilespmem:$0x1C500] =	vst v63  }
0x97: {  	s28 =	rddreg [dreg:$0x18]  }
0x98: {  	[tilespmem:s2], [sflag:$0x2] =	stream.linear.gather [hbm4b:s28+s26], $0x80, $0x38;
	[tilespmem:$0x1C500] =	vst v63  }
0x99: {  	_ =	swait.ge [sflag:s6], $0x80  }
0x9a: {  	[sflag:s6] =	ssyncset.done $0x0  }
0x9b: {  	[sflag:s6] =	ssyncadd.s32 $0xFFFFFF80  }
0x9c: {  	_ =	swait.ge [sflag:s6], $0x80  }
0x9d: {  	[sflag:s6] =	ssyncset.done $0x0  }
0x9e: {  	[sflag:s6] =	ssyncadd.s32 $0xFFFFFF80  }
0x9f: {  	[tilespmem:s29], [sflag:$0x5] =	stream.indirect.gather [hbm4b:s0+s1], $0x80, s31, s1, $0xb8;
	[tilespmem:$0x1C500] =	vst v63  }
0xa0: {  	_ =	swait.ge [sflag:s7], $0x4000  }
0xa1: {  	[sflag:s7] =	ssyncset.done $0x0  }
0xa2: {  	[sflag:s7] =	ssyncadd.s32 $0xFFFFC000  }
0xa3: {  	[spmem:s3] =	stream.indirect.scatter.add.f32 [tilespmem:s29], [sflag:$0x7], $0x80, s4, s1, $0xb8;
	[tilespmem:$0x1C500] =	vst v63  }
0xa4: {  	_ =	swait.ge [sflag:s18], $0x4000  }
0xa5: {  	s23 =	rddreg [dreg:$0x9];
	[sflag:s18] =	ssyncset.done $0x0  }
0xa6: {  	s28 =	rddreg [dreg:$0x8];
	[sflag:s18] =	ssyncadd.s32 $0xFFFFC000;
	s26 =	sadd.s32 $0x0, s23  }
0xa7: {  	[tilespmem:s8], [sflag:$0x3] =	stream.linear.gather [hbm4b:s26+s4], $0x80, $0x38;
	[tilespmem:$0x1C500] =	vst v63  }
0xa8: {  	s28 =	sadd.s32 $0x0, s28  }
0xa9: {  	[tilespmem:s10], [sflag:$0x3] =	stream.linear.gather [hbm4b:s28+s4], $0x80, $0x38;
	[tilespmem:$0x1C500] =	vst v63  }
0xaa: {  	_ =	swait.ge [sflag:s11], $0x80  }
0xab: {  	[sflag:s11] =	ssyncset.done $0x0  }
0xac: {  	[sflag:s11] =	ssyncadd.s32 $0xFFFFFF80  }
0xad: {  	_ =	swait.ge [sflag:s11], $0x80  }
0xae: {  	[sflag:s11] =	ssyncset.done $0x0  }
0xaf: {  	[sflag:s11] =	ssyncadd.s32 $0xFFFFFF80  }
0xb0: {  	[tilespmem:s12], [sflag:$0x6] =	stream.indirect.gather [hbm4b:s0+s1], $0x80, s2, s1, $0xb8;
	[tilespmem:$0x1C500] =	vst v63  }
0xb1: {  	_ =	swait.ge [sflag:s13], $0x4000  }
0xb2: {  	[sflag:s13] =	ssyncset.done $0x0  }
0xb3: {  	[sflag:s13] =	ssyncadd.s32 $0xFFFFC000  }
0xb4: {  	[spmem:s3] =	stream.indirect.scatter.add.f32 [tilespmem:s12], [sflag:$0x8], $0x80, s1, s1, $0xb8;
	[tilespmem:$0x1C500] =	vst v63  }
0xb5: {  	_ =	swait.ge [sflag:s14], $0x4000  }
0xb6: {  	s20 =	rddreg [dreg:$0x7];
	[sflag:s14] =	ssyncset.done $0x0  }
0xb7: {  	s23 =	rddreg [dreg:$0x6];
	[sflag:s14] =	ssyncadd.s32 $0xFFFFC000;
	s26 =	sadd.s32 $0x0, s20  }
0xb8: {  	[tilespmem:s15], [sflag:$0x4] =	stream.linear.gather [hbm4b:s26+s4], $0x80, $0x38;
	[tilespmem:$0x1C500] =	vst v63  }
0xb9: {  	s28 =	sadd.s32 $0x0, s23  }
0xba: {  	[tilespmem:s16], [sflag:$0x4] =	stream.linear.gather [hbm4b:s28+s4], $0x80, $0x38;
	[tilespmem:$0x1C500] =	vst v63  }
0xbb: {  	_ =	swait.ge [sflag:s17], $0x80  }
0xbc: {  	[sflag:s17] =	ssyncset.done $0x0  }
0xbd: {  	[sflag:s17] =	ssyncadd.s32 $0xFFFFFF80  }
0xbe: {  	_ =	swait.ge [sflag:s17], $0x80  }
0xbf: {  	[sflag:s17] =	ssyncset.done $0x0  }
0xc0: {  	[sflag:s17] =	ssyncadd.s32 $0xFFFFFF80  }
0xc1: {  	[tilespmem:s29], [sflag:$0x5] =	stream.indirect.gather [hbm4b:s0+s1], $0x80, s10, s1, $0xb8;
	[tilespmem:$0x1C500] =	vst v63  }
0xc2: {  	_ =	swait.ge [sflag:s7], $0x4000  }
0xc3: {  	[sflag:s7] =	ssyncset.done $0x0  }
0xc4: {  	[sflag:s7] =	ssyncadd.s32 $0xFFFFC000  }
0xc5: {  	[spmem:s3] =	stream.indirect.scatter.add.f32 [tilespmem:s29], [sflag:$0x7], $0x80, s8, s1, $0xb8;
	[tilespmem:$0x1C500] =	vst v63  }
0xc6: {  	_ =	swait.ge [sflag:s18], $0x4000  }
0xc7: {  	s20 =	rddreg [dreg:$0x5];
	[sflag:s18] =	ssyncset.done $0x0  }
0xc8: {  	s23 =	rddreg [dreg:$0x4];
	[sflag:s18] =	ssyncadd.s32 $0xFFFFC000;
	s26 =	sadd.s32 $0x0, s20  }
0xc9: {  	[tilespmem:s4], [sflag:$0x1] =	stream.linear.gather [hbm4b:s26+s4], $0x80, $0x38;
	[tilespmem:$0x1C500] =	vst v63  }
0xca: {  	s20 =	sadd.s32 $0x0, s23  }
0xcb: {  	[tilespmem:s31], [sflag:$0x1] =	stream.linear.gather [hbm4b:s20+s4], $0x80, $0x38;
	[tilespmem:$0x1C500] =	vst v63  }
0xcc: {  	_ =	swait.ge [sflag:s19], $0x80  }
0xcd: {  	[sflag:s19] =	ssyncset.done $0x0  }
0xce: {  	[sflag:s19] =	ssyncadd.s32 $0xFFFFFF80  }
0xcf: {  	_ =	swait.ge [sflag:s19], $0x80  }
0xd0: {  	[sflag:s19] =	ssyncset.done $0x0  }
0xd1: {  	[sflag:s19] =	ssyncadd.s32 $0xFFFFFF80  }
0xd2: {  	[tilespmem:s12], [sflag:$0x6] =	stream.indirect.gather [hbm4b:s0+s1], $0x80, s16, s1, $0xb8;
	[tilespmem:$0x1C500] =	vst v63  }
0xd3: {  	_ =	swait.ge [sflag:s13], $0x4000  }
0xd4: {  	[sflag:s13] =	ssyncset.done $0x0  }
0xd5: {  	[sflag:s13] =	ssyncadd.s32 $0xFFFFC000  }
0xd6: {  	[spmem:s3] =	stream.indirect.scatter.add.f32 [tilespmem:s12], [sflag:$0x8], $0x80, s15, s1, $0xb8;
	[tilespmem:$0x1C500] =	vst v63  }
0xd7: {  	_ =	swait.ge [sflag:s14], $0x4000  }
0xd8: {  	[sflag:s14] =	ssyncset.done $0x0  }
0xd9: {  	s23 =	sadd.s32 $0x0, s22;
	[sflag:s14] =	ssyncadd.s32 $0xFFFFC000  }
0xda: {  	[tilespmem:s1], [sflag:$0x2] =	stream.linear.gather [hbm4b:s23+s4], $0x80, $0x38;
	[tilespmem:$0x1C500] =	vst v63  }
0xdb: {  	s28 =	sadd.s32 $0x0, s21  }
0xdc: {  	[tilespmem:s2], [sflag:$0x2] =	stream.linear.gather [hbm4b:s28+s4], $0x80, $0x38;
	[tilespmem:$0x1C500] =	vst v63  }
0xdd: {  	_ =	swait.ge [sflag:s6], $0x80  }
0xde: {  	[sflag:s6] =	ssyncset.done $0x0  }
0xdf: {  	[sflag:s6] =	ssyncadd.s32 $0xFFFFFF80  }
0xe0: {  	_ =	swait.ge [sflag:s6], $0x80  }
0xe1: {  	[sflag:s6] =	ssyncset.done $0x0  }
0xe2: {  	s26 =	simm.s32 $0x40;
	[sflag:s6] =	ssyncadd.s32 $0xFFFFFF80  }
.LBB2_4:
0xe3: {  	[tilespmem:s29], [sflag:$0x5] =	stream.indirect.gather [hbm4b:s0+s1], $0x80, s31, s1, $0xb8;
	[tilespmem:$0x1C500] =	vst v63  }
0xe4: {  	_ =	swait.ge [sflag:s7], $0x4000  }
0xe5: {  	[sflag:s7] =	ssyncset.done $0x0  }
0xe6: {  	[sflag:s7] =	ssyncadd.s32 $0xFFFFC000  }
0xe7: {  	[spmem:s3] =	stream.indirect.scatter.add.f32 [tilespmem:s29], [sflag:$0x7], $0x80, s4, s1, $0xb8;
	[tilespmem:$0x1C500] =	vst v63  }
0xe8: {  	_ =	swait.ge [sflag:s18], $0x4000  }
0xe9: {  	s28 =	smov.u32 s26;
	s20 =	rddreg [dreg:$0x9];
	[sflag:s18] =	ssyncset.done $0x0  }
0xea: {  	s23 =	rddreg [dreg:$0x8];
	[sflag:s18] =	ssyncadd.s32 $0xFFFFC000;
	s20 =	sadd.s32 s28, s20  }
0xeb: {  	[tilespmem:s8], [sflag:$0x3] =	stream.linear.gather [hbm4b:s20+s4], $0x80, $0x38;
	[tilespmem:$0x1C500] =	vst v63  }
0xec: {  	s23 =	sadd.s32 s28, s23  }
0xed: {  	[tilespmem:s10], [sflag:$0x3] =	stream.linear.gather [hbm4b:s23+s4], $0x80, $0x38;
	[tilespmem:$0x1C500] =	vst v63  }
0xee: {  	_ =	swait.ge [sflag:s11], $0x80  }
0xef: {  	[sflag:s11] =	ssyncset.done $0x0  }
0xf0: {  	[sflag:s11] =	ssyncadd.s32 $0xFFFFFF80  }
0xf1: {  	_ =	swait.ge [sflag:s11], $0x80  }
0xf2: {  	[sflag:s11] =	ssyncset.done $0x0  }
0xf3: {  	[sflag:s11] =	ssyncadd.s32 $0xFFFFFF80  }
0xf4: {  	[tilespmem:s12], [sflag:$0x6] =	stream.indirect.gather [hbm4b:s0+s1], $0x80, s2, s1, $0xb8;
	[tilespmem:$0x1C500] =	vst v63  }
0xf5: {  	_ =	swait.ge [sflag:s13], $0x4000  }
0xf6: {  	[sflag:s13] =	ssyncset.done $0x0  }
0xf7: {  	[sflag:s13] =	ssyncadd.s32 $0xFFFFC000  }
0xf8: {  	[spmem:s3] =	stream.indirect.scatter.add.f32 [tilespmem:s12], [sflag:$0x8], $0x80, s1, s1, $0xb8;
	[tilespmem:$0x1C500] =	vst v63  }
0xf9: {  	_ =	swait.ge [sflag:s14], $0x4000  }
0xfa: {  	s20 =	rddreg [dreg:$0x7];
	[sflag:s14] =	ssyncset.done $0x0  }
0xfb: {  	s23 =	rddreg [dreg:$0x6];
	[sflag:s14] =	ssyncadd.s32 $0xFFFFC000;
	s20 =	sadd.s32 s28, s20  }
0xfc: {  	[tilespmem:s15], [sflag:$0x4] =	stream.linear.gather [hbm4b:s20+s4], $0x80, $0x38;
	[tilespmem:$0x1C500] =	vst v63  }
0xfd: {  	s23 =	sadd.s32 s28, s23  }
0xfe: {  	[tilespmem:s16], [sflag:$0x4] =	stream.linear.gather [hbm4b:s23+s4], $0x80, $0x38;
	[tilespmem:$0x1C500] =	vst v63  }
0xff: {  	_ =	swait.ge [sflag:s17], $0x80  }
0x100: {  	[sflag:s17] =	ssyncset.done $0x0  }
0x101: {  	[sflag:s17] =	ssyncadd.s32 $0xFFFFFF80  }
0x102: {  	_ =	swait.ge [sflag:s17], $0x80  }
0x103: {  	[sflag:s17] =	ssyncset.done $0x0  }
0x104: {  	[sflag:s17] =	ssyncadd.s32 $0xFFFFFF80  }
0x105: {  	[tilespmem:s29], [sflag:$0x5] =	stream.indirect.gather [hbm4b:s0+s1], $0x80, s10, s1, $0xb8;
	[tilespmem:$0x1C500] =	vst v63  }
0x106: {  	_ =	swait.ge [sflag:s7], $0x4000  }
0x107: {  	[sflag:s7] =	ssyncset.done $0x0  }
0x108: {  	[sflag:s7] =	ssyncadd.s32 $0xFFFFC000  }
0x109: {  	[spmem:s3] =	stream.indirect.scatter.add.f32 [tilespmem:s29], [sflag:$0x7], $0x80, s8, s1, $0xb8;
	[tilespmem:$0x1C500] =	vst v63  }
0x10a: {  	_ =	swait.ge [sflag:s18], $0x4000  }
0x10b: {  	s20 =	rddreg [dreg:$0x5];
	[sflag:s18] =	ssyncset.done $0x0  }
0x10c: {  	s23 =	rddreg [dreg:$0x4];
	[sflag:s18] =	ssyncadd.s32 $0xFFFFC000;
	s20 =	sadd.s32 s28, s20  }
0x10d: {  	[tilespmem:s4], [sflag:$0x1] =	stream.linear.gather [hbm4b:s20+s4], $0x80, $0x38;
	[tilespmem:$0x1C500] =	vst v63  }
0x10e: {  	s23 =	sadd.s32 s28, s23  }
0x10f: {  	[tilespmem:s31], [sflag:$0x1] =	stream.linear.gather [hbm4b:s23+s4], $0x80, $0x38;
	[tilespmem:$0x1C500] =	vst v63  }
0x110: {  	_ =	swait.ge [sflag:s19], $0x80  }
0x111: {  	[sflag:s19] =	ssyncset.done $0x0  }
0x112: {  	[sflag:s19] =	ssyncadd.s32 $0xFFFFFF80  }
0x113: {  	_ =	swait.ge [sflag:s19], $0x80  }
0x114: {  	[sflag:s19] =	ssyncset.done $0x0  }
0x115: {  	[sflag:s19] =	ssyncadd.s32 $0xFFFFFF80  }
0x116: {  	[tilespmem:s12], [sflag:$0x6] =	stream.indirect.gather [hbm4b:s0+s1], $0x80, s16, s1, $0xb8;
	[tilespmem:$0x1C500] =	vst v63  }
0x117: {  	_ =	swait.ge [sflag:s13], $0x4000  }
0x118: {  	[sflag:s13] =	ssyncset.done $0x0  }
0x119: {  	[sflag:s13] =	ssyncadd.s32 $0xFFFFC000  }
0x11a: {  	[spmem:s3] =	stream.indirect.scatter.add.f32 [tilespmem:s12], [sflag:$0x8], $0x80, s15, s1, $0xb8;
	[tilespmem:$0x1C500] =	vst v63  }
0x11b: {  	_ =	swait.ge [sflag:s14], $0x4000  }
0x11c: {  	[sflag:s14] =	ssyncset.done $0x0  }
0x11d: {  	s23 =	sadd.s32 s28, s22;
	[sflag:s14] =	ssyncadd.s32 $0xFFFFC000  }
0x11e: {  	[tilespmem:s1], [sflag:$0x2] =	stream.linear.gather [hbm4b:s23+s4], $0x80, $0x38;
	[tilespmem:$0x1C500] =	vst v63  }
0x11f: {  	s28 =	sadd.s32 s28, s21  }
0x120: {  	[tilespmem:s2], [sflag:$0x2] =	stream.linear.gather [hbm4b:s28+s4], $0x80, $0x38;
	[tilespmem:$0x1C500] =	vst v63  }
0x121: {  	p0 =	sne.s32 s26, $0x440;
	_ =	swait.ge [sflag:s6], $0x80  }
.Ltmp1:
0x122: {  	[sflag:s6] =	ssyncset.done $0x0;
	(pc) =	sbr.rel @p0 .LBB2_4-.Ltmp1, $4  }
0x123: {  	[sflag:s6] =	ssyncadd.s32 $0xFFFFFF80  }
0x124: {  	_ =	swait.ge [sflag:s6], $0x80  }
0x125: {  	[sflag:s6] =	ssyncset.done $0x0  }
0x126: {  	s26 =	sadd.s32 $0x40, s26;
	[sflag:s6] =	ssyncadd.s32 $0xFFFFFF80  }
0x127: {  	[tilespmem:s29], [sflag:$0x5] =	stream.indirect.gather [hbm4b:s0+s1], $0x80, s31, s1, $0xb8;
	[tilespmem:$0x1C500] =	vst v63  }
0x128: {  	_ =	swait.ge [sflag:s7], $0x4000  }
0x129: {  	[sflag:s7] =	ssyncset.done $0x0  }
0x12a: {  	[sflag:s7] =	ssyncadd.s32 $0xFFFFC000  }
0x12b: {  	[spmem:s3] =	stream.indirect.scatter.add.f32 [tilespmem:s29], [sflag:$0x7], $0x80, s4, s1, $0xb8;
	[tilespmem:$0x1C500] =	vst v63  }
0x12c: {  	_ =	swait.ge [sflag:s18], $0x4000  }
0x12d: {  	[sflag:s18] =	ssyncset.done $0x0  }
0x12e: {  	[sflag:s18] =	ssyncadd.s32 $0xFFFFC000  }
0x12f: {  	_ =	swait.ge [sflag:s11], $0x80  }
0x130: {  	[sflag:s11] =	ssyncset.done $0x0  }
0x131: {  	[sflag:s11] =	ssyncadd.s32 $0xFFFFFF80  }
0x132: {  	_ =	swait.ge [sflag:s11], $0x80  }
0x133: {  	[sflag:s11] =	ssyncset.done $0x0  }
0x134: {  	[sflag:s11] =	ssyncadd.s32 $0xFFFFFF80  }
0x135: {  	[tilespmem:s12], [sflag:$0x6] =	stream.indirect.gather [hbm4b:s0+s1], $0x80, s2, s1, $0xb8;
	[tilespmem:$0x1C500] =	vst v63  }
0x136: {  	_ =	swait.ge [sflag:s13], $0x4000  }
0x137: {  	[sflag:s13] =	ssyncset.done $0x0  }
0x138: {  	[sflag:s13] =	ssyncadd.s32 $0xFFFFC000  }
0x139: {  	[spmem:s3] =	stream.indirect.scatter.add.f32 [tilespmem:s12], [sflag:$0x8], $0x80, s1, s1, $0xb8;
	[tilespmem:$0x1C500] =	vst v63  }
0x13a: {  	_ =	swait.ge [sflag:s14], $0x4000  }
0x13b: {  	[sflag:s14] =	ssyncset.done $0x0  }
0x13c: {  	[sflag:s14] =	ssyncadd.s32 $0xFFFFC000  }
0x13d: {  	_ =	swait.ge [sflag:s18], $0x4000  }
0x13e: {  	[sflag:s18] =	ssyncset.done $0x0  }
0x13f: {  	s23 =	simm.s32 $0x400;
	s20 =	rddreg [dreg:$0x1b];
	[sflag:s18] =	ssyncadd.s32 $0xFFFFC000  }
0x140: {  	[tilespmem:s23], [sflag:$0x9] =	stream.linear.gather [hbm4b:s20+s4], $0x10, $0x38;
	[tilespmem:$0x1C500] =	vst v63  }
0x141: {  	_ =	swait.ge [sflag:s30], $0x10  }
0x142: {  	[sflag:s30] =	ssyncset.done $0x0  }
0x143: {  	s26 =	simm.s32 $0x480;
	s28 =	rddreg [dreg:$0x1c];
	[sflag:s30] =	ssyncadd.s32 $0xFFFFFFF0  }
0x144: {  	[tilespmem:s26], [sflag:$0x9] =	stream.linear.gather [hbm4b:s28+s4], $0x10, $0x38;
	[tilespmem:$0x1C500] =	vst v63  }
0x145: {  	_ =	swait.ge [sflag:s30], $0x10  }
0x146: {  	[sflag:s30] =	ssyncset.done $0x0  }
0x147: {  	[sflag:s30] =	ssyncadd.s32 $0xFFFFFFF0  }
0x148: {  	[tilespmem:s29], [sflag:$0x5] =	stream.indirect.gather [hbm4b:s0+s24], $0x80, s26, s24, $0xb8;
	[tilespmem:$0x1C500] =	vst v63  }
0x149: {  	_ =	swait.ge [sflag:s7], $0x800  }
0x14a: {  	[sflag:s7] =	ssyncset.done $0x0  }
0x14b: {  	[sflag:s7] =	ssyncadd.s32 $0xFFFFF800  }
0x14c: {  	[spmem:s3] =	stream.indirect.scatter.add.f32 [tilespmem:s29], [sflag:$0x9], $0x80, s23, s24, $0xb8;
	[tilespmem:$0x1C500] =	vst v63  }
0x14d: {  	_ =	swait.ge [sflag:s30], $0x800  }
0x14e: {  	[sflag:s30] =	ssyncset.done $0x0  }
0x14f: {  	s23 =	stileid.u32;
	[sflag:s30] =	ssyncadd.s32 $0xFFFFF800  }
0x150: {  	s20 =	sshll.u32 s23, $0x6;
	[bflag:$0x0] =	sbarrier.arrive $0xFFFF  }
0x151: {  	s26 =	sshrl.u32 s5, $0x3;
	s20 =	sor.u32 $0x1C09, s20;
	s28 =	rddreg [dreg:$0x19]  }
0x152: {  	[hbm:s28], [sflag:s20] =	dma.local [spmem:s26], $0x2800  }
0x153: {  	_ =	swait.ge [sflag:s30], $0x2800  }
0x154: {  	s25 =	sadd.s32 $0x1, s25;
	s28 =	rddreg [dreg:$0x1a]  }
0x155: {  	p0 =	sne.s32 s25, s28  }
.Ltmp2:
0x156: {  	_ = 	snop;
	(pc) =	sbr.rel @p0 .LBB2_1-.Ltmp2, $3  }
0x157: {  	_ =	sdelay $0x1  }
0x158: {  	[sflag:s30] =	ssyncset.done $0x0  }
0x159: {  	[sflag:s30] =	ssyncadd.s32 $0xFFFFD800  }
0x15a: {  	_ =	sfence.sel $0x180000  }
0x15b: {  	[bflag:$0x0] =	sbarrier.arrive $0xFFFF  }
0x15c: {  	_ =	strace $0x9000004A  }
0x15d: {  	s0 =	stileid.u32;
	[bflag:$0x2] =	sbarrier.arrive $0xFFFF  }
0x15e: {  	p0 =	sne.s32 s0, $0x0;
	s0 =	rddreg [dreg:$0x3]  }
0x15f: {  	s0 =	sadd.s32 @!p0 $0x100000, s0  }
0x160: {  	[sflag:s0] =	ssyncadd.tile.s32 @!p0 $0x1;
	_ =	shalt  }
.Lfunc_end2:
_tile_overlayer_lowered:
.L_overlay_start_2:
0x161: {  	(tag) =	ssettag $0x2  }
0x162: {  	s0 =	rddreg [dreg:$0x0];
	s2 =	stileid.u32  }
0x163: {  	s1 =	rddreg [dreg:$0x1];
	p0 =	sne.s32 s2, $0x0  }
0x164: {  	s3 =	rddreg [dreg:$0x2];
	[bflag:$0x3] =	sbarrier.arrive $0xFFFF;
	s2 =	simm.s32 @!p0 $0x1C09  }
0x165: {  	[timem:s3], [sflag:s2] =	dma.local @!p0 [hbm:s0], s1  }
0x166: {  	s0 =	simm.s32 @!p0 $0x9  }
0x167: {  	_ =	swait.ge @!p0 [sflag:s0], s1  }
0x168: {  	s1 =	ssub.s32 @!p0 $0x0, s1;
	[sflag:s0] =	ssyncset.done @!p0 $0x0  }
0x169: {  	[sflag:s0] =	ssyncadd.s32 @!p0 s1  }
0x16a: {  	[bflag:$0x3] =	sbarrier.arrive $0xFFFF  }
0x16b: {  	_ =	shalt  }

</sc_bundles>
